<compile_context>
chip_gen: v7x
topology: tpu7x:2x2x1
jax: 0.10.2.dev20260603
libtpu: 0.0.44.dev20260713+nightly
codegen_flags: <defaults>
</compile_context>

<pallas_src>
import functools

import jax
import jax.numpy as jnp
from jax import lax
from jax.experimental import pallas as pl
from jax.experimental.pallas import tpu as pltpu
from jax.experimental.pallas import tpu_sc as plsc

B = 1250
T = 8
NN = 8
D = 3
ND = 24
E = 160000
EP = 163840
N = 10000
NP = 10016
KER_IN = 16
KW = 32
BPAD = 1280

NWORK = 32
EDGES_PER_W = EP // NWORK
CH = 2560
NCH = EDGES_PER_W // CH
RPC = CH // 128
IDXROWS = EP // 128
ACC_STRIPE = NP // 16

_f32 = jnp.float32
_bf16 = jnp.bfloat16


def _lstm_body(x_ref, fc0w_ref, fc0b_ref, wg_ref, ug_ref, bg_ref, out_ref):
    fc0w = fc0w_ref[...]
    fc0b = fc0b_ref[...]
    wg = wg_ref[...]
    ug = ug_ref[...]
    bg = bg_ref[...]

    def step(t, carry):
        h, c = carry
        xt = x_ref[t]
        xf = jnp.dot(xt, fc0w, preferred_element_type=_f32) + fc0b
        g = (jnp.dot(xf, wg, preferred_element_type=_f32)
             + jnp.dot(h, ug, preferred_element_type=_f32) + bg)
        i = jax.nn.sigmoid(g[:, 0:ND])
        f = jax.nn.sigmoid(g[:, 128:128 + ND])
        gg = jnp.tanh(g[:, 256:256 + ND])
        o = jax.nn.sigmoid(g[:, 384:384 + ND])
        c2 = f * c + i * gg
        h2 = o * jnp.tanh(c2)
        out_ref[t] = h2
        return (h2, c2)

    z = jnp.zeros((BPAD, ND), _f32)
    lax.fori_loop(0, T, step, (z, z))


_lstm_call = pl.pallas_call(
    _lstm_body,
    out_shape=jax.ShapeDtypeStruct((T, BPAD, ND), _f32),
)


EB = 2048
RB = EB // 4
EROWS = EP // 4


HB = 6400
HR = HB // 4


def _hmlp_body(ea_ref, kw1_ref, kb1_ref, kw2_ref, kb2_ref, out_ref):
    ea = ea_ref[...]
    h1 = jnp.maximum(jnp.dot(ea.astype(_bf16), kw1_ref[...],
                             preferred_element_type=_f32) + kb1_ref[...], 0.0)
    h2 = jnp.maximum(jnp.dot(h1.astype(_bf16), kw2_ref[...],
                             preferred_element_type=_f32) + kb2_ref[...], 0.0)
    h2 = h2.astype(_bf16)
    out_ref[...] = jnp.concatenate(
        [h2[g * HR:(g + 1) * HR] for g in range(4)], axis=1)


_hmlp_call = pl.pallas_call(
    _hmlp_body,
    grid=(E // HB,),
    in_specs=[
        pl.BlockSpec((HB, KER_IN), lambda i: (i, 0)),
        pl.BlockSpec((KER_IN, KW), lambda i: (0, 0)),
        pl.BlockSpec((1, KW), lambda i: (0, 0)),
        pl.BlockSpec((KW, KW), lambda i: (0, 0)),
        pl.BlockSpec((1, KW), lambda i: (0, 0)),
    ],
    out_specs=pl.BlockSpec((HR, 128), lambda i: (i, 0)),
    out_shape=jax.ShapeDtypeStruct((E // 4, 128), _bf16),
)


def _msg_body(h2_ref, xj_ref, kw3_ref, b3_ref, qx_ref, r2_ref, be_ref, out_ref):
    xj = xj_ref[...]
    h2 = h2_ref[...]
    w = (jnp.dot(h2, kw3_ref[...], preferred_element_type=_f32)
         + b3_ref[...]).astype(_bf16)
    xe = jnp.dot(xj, qx_ref[...], preferred_element_type=_f32).astype(_bf16)
    m = jnp.dot(w * xe, r2_ref[...], preferred_element_type=_f32)
    out_ref[...] = m + be_ref[...]


_msg_call = pl.pallas_call(
    _msg_body,
    grid=(EP // EB,),
    in_specs=[
        pl.BlockSpec((RB, 128), lambda i: (i, 0)),
        pl.BlockSpec((RB, 128), lambda i: (i, 0)),
        pl.BlockSpec((128, 4 * 576), lambda i: (0, 0)),
        pl.BlockSpec((1, 4 * 576), lambda i: (0, 0)),
        pl.BlockSpec((128, 4 * 576), lambda i: (0, 0)),
        pl.BlockSpec((4 * 576, 128), lambda i: (0, 0)),
        pl.BlockSpec((1, 128), lambda i: (0, 0)),
    ],
    out_specs=pl.BlockSpec((RB, 128), lambda i: (i, 0)),
    out_shape=jax.ShapeDtypeStruct((EROWS, 128), _f32),
)


def _node_core(acc_ref, x_ref, root_ref, b_ref, mask_ref):
    s = acc_ref[0] + acc_ref[1]
    inv = 1.0 / jnp.maximum(s[:, ND:ND + 1], 1.0)
    aggr = s * inv
    y = aggr + jnp.dot(x_ref[...], root_ref[...], preferred_element_type=_f32)
    return jnp.maximum(y + b_ref[...], 0.0) * mask_ref[...]


def _node_body(acc_ref, x_ref, root_ref, b_ref, mask_ref, out_ref):
    out_ref[...] = _node_core(acc_ref, x_ref, root_ref, b_ref, mask_ref)


def _node_final_body(acc_ref, x_ref, root_ref, b_ref, mask_ref,
                     fc3w_ref, fc3b_ref, out_ref):
    x3 = _node_core(acc_ref, x_ref, root_ref, b_ref, mask_ref)
    out_ref[...] = (jnp.dot(x3, fc3w_ref[...], preferred_element_type=_f32)
                    + fc3b_ref[...])


_node_call = pl.pallas_call(
    _node_body,
    out_shape=jax.ShapeDtypeStruct((NP, 32), _f32),
)

_node_final_call = pl.pallas_call(
    _node_final_body,
    out_shape=jax.ShapeDtypeStruct((NP, 32), _f32),
)


def _gather_body(x_hbm, src_hbm, out_hbm, idx_v, rows_v, sem):
    c = lax.axis_index("c")
    s = lax.axis_index("s")
    wid = s * 2 + c

    def chunk(j, carry):
        ebase = wid * EDGES_PER_W + j * CH
        rbase = wid * (EDGES_PER_W // 128) + j * RPC
        pltpu.sync_copy(src_hbm.at[pl.ds(rbase, RPC)], idx_v)
        cps = [pltpu.async_copy(x_hbm.at[idx_v.at[k]],
                                rows_v.at[pl.ds(k * 128, 128)], sem)
               for k in range(RPC)]
        for cp in cps:
            cp.wait()
        pltpu.sync_copy(rows_v, out_hbm.at[pl.ds(ebase, CH)])
        return carry

    lax.fori_loop(0, NCH, chunk, 0)


def _scatter_body(msg_hbm, dst_hbm, zeros_hbm, out_hbm,
                  idx_v, rows_v, stripe_v, acc_sh, sem):
    c = lax.axis_index("c")
    s = lax.axis_index("s")
    wid = s * 2 + c

    pltpu.sync_copy(zeros_hbm, stripe_v)
    pltpu.sync_copy(stripe_v, acc_sh.at[pl.ds(s * ACC_STRIPE, ACC_STRIPE)])
    plsc.subcore_barrier()

    def chunk(j, carry):
        ebase = wid * EDGES_PER_W + j * CH
        rbase = wid * (EDGES_PER_W // 128) + j * RPC
        pltpu.sync_copy(dst_hbm.at[pl.ds(rbase, RPC)], idx_v)
        pltpu.sync_copy(msg_hbm.at[pl.ds(ebase, CH)], rows_v)
        cps = [pltpu.async_copy(rows_v.at[pl.ds(k * 128, 128)],
                                acc_sh.at[idx_v.at[k]], sem, add=True)
               for k in range(RPC)]
        for cp in cps:
            cp.wait()
        return carry

    lax.fori_loop(0, NCH, chunk, 0)
    plsc.subcore_barrier()

    pltpu.sync_copy(acc_sh.at[pl.ds(s * ACC_STRIPE, ACC_STRIPE)], stripe_v)
    pltpu.sync_copy(stripe_v, out_hbm.at[c, pl.ds(s * ACC_STRIPE, ACC_STRIPE)])


@functools.lru_cache(maxsize=None)
def _sc_calls():
    mesh = plsc.VectorSubcoreMesh(core_axis_name="c", subcore_axis_name="s")
    params = pltpu.CompilerParams(use_tc_tiling_on_sc=False)
    gather = pl.kernel(
        _gather_body,
        out_type=jax.ShapeDtypeStruct((EP, 32), _bf16),
        mesh=mesh,
        compiler_params=params,
        scratch_types=[
            pltpu.VMEM((RPC, 128), jnp.int32),
            pltpu.VMEM((CH, 32), _bf16),
            pltpu.SemaphoreType.DMA,
        ],
    )
    scatter = pl.kernel(
        _scatter_body,
        out_type=jax.ShapeDtypeStruct((2, NP, 32), _f32),
        mesh=mesh,
        compiler_params=params,
        scratch_types=[
            pltpu.VMEM((RPC, 128), jnp.int32),
            pltpu.VMEM((CH, 32), _f32),
            pltpu.VMEM((ACC_STRIPE, 32), _f32),
            pltpu.VMEM_SHARED((NP, 32), _f32),
            pltpu.SemaphoreType.DMA,
        ],
    )
    return gather, scatter


def _gate_pad(wt):
    w = jnp.zeros((ND, 512), _f32)
    for gi in range(4):
        w = w.at[:, gi * 128:gi * 128 + ND].set(wt[:, gi * ND:(gi + 1) * ND])
    return w


def kernel(x_position, edge_index, edge_attr, fc0_w, fc0_b, Wih, Whh, bih, bhh,
           kw1, kb1, kw2, kb2, kw3, kb3, root1, bias1, root2, bias2,
           fc3_w, fc3_b):
    xseq = x_position.reshape(B, T, ND).swapaxes(0, 1)
    xseq = jnp.pad(xseq, ((0, 0), (0, BPAD - B), (0, 0)))
    wg = _gate_pad(Wih.T)
    ug = _gate_pad(Whh.T)
    bsum = bih + bhh
    bg = jnp.zeros((1, 512), _f32)
    for gi in range(4):
        bg = bg.at[0, gi * 128:gi * 128 + ND].set(bsum[gi * ND:(gi + 1) * ND])

    ys = _lstm_call(xseq, fc0_w, fc0_b.reshape(1, ND), wg, ug, bg)
    x1 = (ys[:, :B, :].reshape(T, B, NN, D)
          .transpose(1, 2, 0, 3).reshape(N, ND))
    x1p = jnp.pad(x1, ((0, NP - N), (0, 32 - ND)))

    def eperm(v, padval):
        vp = v.reshape(E // HB, 4, HR).transpose(0, 2, 1).reshape(E)
        return jnp.concatenate(
            [vp, jnp.full((EP - E,), padval, jnp.int32)]).reshape(IDXROWS, 128)

    src = eperm(edge_index[0], 0)
    dst = eperm(edge_index[1], N)
    zrows = jnp.zeros((ACC_STRIPE, 32), _f32)

    def bd4(m):
        a, b = m.shape
        z = jnp.zeros((4, a, 4, b), m.dtype)
        for i in range(4):
            z = z.at[i, :, i, :].set(m)
        return z.reshape(4 * a, 4 * b)

    kw3bd = bd4(kw3).astype(_bf16)
    b3t = jnp.tile(kb3.reshape(1, ND * ND), (1, 4))
    qx = (jnp.eye(KW, ND, dtype=_f32)[:, :, None]
          * jnp.ones((1, 1, ND), _f32)).reshape(KW, ND * ND)
    qx = bd4(qx).astype(_bf16)
    r2 = jnp.pad(jnp.tile(jnp.eye(ND, dtype=_f32), (ND, 1)), ((0, 0), (0, 8)))
    r2 = bd4(r2).astype(_bf16)
    be = jnp.tile(jnp.zeros((1, 32), _f32).at[0, ND].set(1.0), (1, 4))
    mask = jnp.zeros((1, 32), _f32).at[0, :ND].set(1.0)
    root1p = jnp.pad(root1, ((0, 8), (0, 8)))
    b1p = jnp.pad(bias1.reshape(1, ND), ((0, 0), (0, 8)))
    root2p = jnp.pad(root2, ((0, 8), (0, 8)))
    b2p = jnp.pad(bias2.reshape(1, ND), ((0, 0), (0, 8)))
    fc3p = jnp.pad(fc3_w, ((0, 8), (0, 8)))
    fc3bp = jnp.pad(fc3_b.reshape(1, ND), ((0, 0), (0, 8)))
    kb1r = kb1.reshape(1, KW)
    kb2r = kb2.reshape(1, KW)
    kw1b = kw1.astype(_bf16)
    kw2b = kw2.astype(_bf16)

    _gather_call, _scatter_call = _sc_calls()

    h2p = jnp.pad(_hmlp_call(edge_attr, kw1b, kb1r, kw2b, kb2r),
                  ((0, EROWS - E // 4), (0, 0)))

    xj1 = _gather_call(x1p.astype(_bf16), src).reshape(EROWS, 128)
    msg1 = _msg_call(h2p, xj1, kw3bd, b3t, qx, r2, be)
    acc1 = _scatter_call(msg1.reshape(EP, 32), dst, zrows)
    x2p = _node_call(acc1, x1p, root1p, b1p, mask)

    xj2 = _gather_call(x2p.astype(_bf16), src).reshape(EROWS, 128)
    msg2 = _msg_call(h2p, xj2, kw3bd, b3t, qx, r2, be)
    acc2 = _scatter_call(msg2.reshape(EP, 32), dst, zrows)
    y = _node_final_call(acc2, x2p, root2p, b2p, mask, fc3p, fc3bp)

    return y[:N, :ND].reshape(-1, D)

# --- scband reference (transcript-rebuilt; emitter-appended) ---
"""Pipeline reference for scband-kernel-nnfixed-37297495998594 (READ-ONLY COPY).

The authoritative reference and input builder live on the scoring server;
editing this copy changes nothing except your own understanding.
"""

import jax, jax.numpy as jnp
import numpy as np

B = 1250
T = 8      # window_size
NN = 8     # num_nodes per graph
D = 3      # x_position_dim
ND = NN * D  # 24 = lstm/fc feature size = width
WIDTH = 24
E = 160000
KER_IN = 16
KW = 32
N_TOTAL = B * NN  # 10000
DEPTH = 1


def setup_inputs(seed: int = 0) -> dict:
    key = jax.random.key(seed)
    ks = jax.random.split(key, 25)
    s = 0.1
    inp = {}
    inp['x_position'] = jax.random.normal(ks[0], (B, T, NN, D), dtype=jnp.float32)
    inp['edge_index'] = jax.random.randint(ks[1], (2, E), 0, N_TOTAL, dtype=jnp.int32)
    inp['edge_attr'] = jax.random.uniform(ks[2], (E, KER_IN), dtype=jnp.float32)
    inp['fc0_w'] = s * jax.random.normal(ks[3], (ND, ND), dtype=jnp.float32)
    inp['fc0_b'] = s * jax.random.normal(ks[4], (ND,), dtype=jnp.float32)
    inp['Wih'] = s * jax.random.normal(ks[5], (4 * ND, ND), dtype=jnp.float32)
    inp['Whh'] = s * jax.random.normal(ks[6], (4 * ND, ND), dtype=jnp.float32)
    inp['bih'] = s * jax.random.normal(ks[7], (4 * ND,), dtype=jnp.float32)
    inp['bhh'] = s * jax.random.normal(ks[8], (4 * ND,), dtype=jnp.float32)
    inp['kw1'] = s * jax.random.normal(ks[9], (KER_IN, KW), dtype=jnp.float32)
    inp['kb1'] = s * jax.random.normal(ks[10], (KW,), dtype=jnp.float32)
    inp['kw2'] = s * jax.random.normal(ks[11], (KW, KW), dtype=jnp.float32)
    inp['kb2'] = s * jax.random.normal(ks[12], (KW,), dtype=jnp.float32)
    inp['kw3'] = s * jax.random.normal(ks[13], (KW, WIDTH * WIDTH), dtype=jnp.float32)
    inp['kb3'] = s * jax.random.normal(ks[14], (WIDTH * WIDTH,), dtype=jnp.float32)
    inp['root1'] = s * jax.random.normal(ks[15], (WIDTH, WIDTH), dtype=jnp.float32)
    inp['bias1'] = s * jax.random.normal(ks[16], (WIDTH,), dtype=jnp.float32)
    inp['root2'] = s * jax.random.normal(ks[17], (WIDTH, WIDTH), dtype=jnp.float32)
    inp['bias2'] = s * jax.random.normal(ks[18], (WIDTH,), dtype=jnp.float32)
    inp['fc3_w'] = s * jax.random.normal(ks[19], (ND, ND), dtype=jnp.float32)
    inp['fc3_b'] = s * jax.random.normal(ks[20], (ND,), dtype=jnp.float32)
    return inp


def _kernel_net(e, kw1, kb1, kw2, kb2, kw3, kb3):
    h = jax.nn.relu(e @ kw1 + kb1)
    h = jax.nn.relu(h @ kw2 + kb2)
    return h @ kw3 + kb3


def _lstm(x, Wih, Whh, bih, bhh):
    # x: [T, B, ND], zero-initialized hidden state (as in torch forward)
    Bb = x.shape[1]
    h0 = jnp.zeros((Bb, ND), x.dtype)
    c0 = jnp.zeros((Bb, ND), x.dtype)

    def step(carry, xt):
        h, c = carry
        g = xt @ Wih.T + bih + h @ Whh.T + bhh
        i = jax.nn.sigmoid(g[:, :ND])
        f = jax.nn.sigmoid(g[:, ND:2 * ND])
        gg = jnp.tanh(g[:, 2 * ND:3 * ND])
        o = jax.nn.sigmoid(g[:, 3 * ND:])
        c2 = f * c + i * gg
        h2 = o * jnp.tanh(c2)
        return (h2, c2), h2

    _, ys = jax.lax.scan(step, (h0, c0), x)
    return ys


def _nnconv(x, edge_index, edge_attr, kparams, root, bias):
    # NNConv_old with aggr='mean': per-edge weight from kernel MLP, gather src,
    # batched matvec, segment-mean at dst, plus root transform + bias.
    w = _kernel_net(edge_attr, *kparams).reshape(-1, WIDTH, WIDTH)
    src = edge_index[0]
    dst = edge_index[1]
    x_j = x[src]
    msg = jnp.einsum('ei,eio->eo', x_j, w)
    s = jax.ops.segment_sum(msg, dst, num_segments=x.shape[0])
    cnt = jax.ops.segment_sum(jnp.ones((msg.shape[0],), msg.dtype), dst, num_segments=x.shape[0])
    aggr = s / jnp.maximum(cnt, 1.0)[:, None]
    return aggr + x @ root + bias


def reference(x_position, edge_index, edge_attr, fc0_w, fc0_b, Wih, Whh, bih, bhh,
              kw1, kb1, kw2, kb2, kw3, kb3, root1, bias1, root2, bias2, fc3_w, fc3_b):
    x = x_position.reshape(-1, T, NN * D)          # [B, T, ND]
    x = jnp.swapaxes(x, 0, 1)                       # [T, B, ND]
    x = x @ fc0_w + fc0_b                           # fc0
    x = _lstm(x, Wih, Whh, bih, bhh)                # [T, B, ND]
    x = jnp.swapaxes(x, 0, 1)                       # [B, T, ND]
    x = x.reshape(x.shape[0], x.shape[1], -1, D)    # [B, T, NN, D]
    x = jnp.swapaxes(x, 1, 2)                       # [B, NN, T, D]
    x = x.reshape(-1, D * T)                        # [B*NN, width]
    kp = (kw1, kb1, kw2, kb2, kw3, kb3)
    for _ in range(DEPTH):
        x = jax.nn.relu(_nnconv(x, edge_index, edge_attr, kp, root1, bias1))
    for _ in range(DEPTH):
        x = jax.nn.relu(_nnconv(x, edge_index, edge_attr, kp, root2, bias2))
    x = x @ fc3_w + fc3_b
    return x.reshape(-1, D)

if __name__ == "__main__":
    import jax
    _d = setup_inputs()
    print(jax.jit(kernel)(*tuple(_d.values())))

</pallas_src>

<mosaic_0001>
#map = affine_map<(d0, d1) -> (0, 0)>
module attributes {stable_mosaic.version = 14 : i64} {
  func.func @_gather_body(%arg0: i32, %arg1: i32, %arg2: memref<10016x32xbf16, #tpu.memory_space<hbm>>, %arg3: memref<1280x128xi32, #tpu.memory_space<hbm>>, %arg4: memref<163840x32xbf16, #tpu.memory_space<hbm>>, %arg5: memref<20x128xi32, #tpu.memory_space<vmem>>, %arg6: memref<2560x32xbf16, #tpu.memory_space<vmem>>, %arg7: memref<!tpu.dma_semaphore, #tpu.memory_space<semaphore_mem>>) attributes {dimension_semantics = [#tpu.dimension_semantics<core_parallel>, #tpu.dimension_semantics<subcore_parallel>], iteration_bounds = array<i64: 2, 16>, scalar_prefetch = 0 : i64, scratch_operands = 3 : i64, tpu.core_type = #tpu.core_type<sc_vector_subcore>, window_params = [{transform_indices = #map}, {transform_indices = #map}, {transform_indices = #map}]} {
    %mul3A = arith.constant 2 : i32
    %mul3A_0 = arith.muli %arg1, %mul3A : i32
    %add3A = arith.addi %mul3A_0, %arg0 : i32
    %scan3A = arith.constant 0 : i32
    %scan3A_1 = arith.constant 0 : i32
    %scan3A_2 = arith.constant 2 : i32
    %scan3A_3 = arith.addi %scan3A_1, %scan3A_2 : i32
    %scan3A_4 = arith.constant 1 : i32
    scf.for %scan3A_6 = %scan3A_1 to %scan3A_3 step %scan3A_4  : i32 {
      %mul3A_7 = arith.constant 5120 : i32
      %mul3A_8 = arith.muli %add3A, %mul3A_7 : i32
      %mul3A_9 = arith.constant 2560 : i32
      %mul3A_10 = arith.muli %scan3A_6, %mul3A_9 : i32
      %add3A_11 = arith.addi %mul3A_8, %mul3A_10 : i32
      %mul3A_12 = arith.constant 40 : i32
      %mul3A_13 = arith.muli %add3A, %mul3A_12 : i32
      %mul3A_14 = arith.constant 20 : i32
      %mul3A_15 = arith.muli %scan3A_6, %mul3A_14 : i32
      %add3A_16 = arith.addi %mul3A_13, %mul3A_15 : i32
      "tpu.region"() ({
        %run_scoped3A = tpu.sem_alloc : memref<!tpu.dma_semaphore, #tpu.memory_space<semaphore_mem>>
        %dma_start3A_415 = arith.constant 0 : i32
        %dma_start3A_416 = tpu.memref_slice %arg3[%add3A_16, %dma_start3A_415] : memref<1280x128xi32, #tpu.memory_space<hbm>> -> memref<20x128xi32, #tpu.memory_space<hbm>>
        %dma_start3A_417 = arith.constant 0 : i32
        %dma_start3A_418 = tpu.memref_slice %arg3[%add3A_16, %dma_start3A_417] : memref<1280x128xi32, #tpu.memory_space<hbm>> -> memref<20x128xi32, #tpu.memory_space<hbm>>
        tpu.enqueue_dma source(%dma_start3A_418 : memref<20x128xi32, #tpu.memory_space<hbm>>) target(%arg5 : memref<20x128xi32, #tpu.memory_space<vmem>>) target_semaphore(%run_scoped3A : memref<!tpu.dma_semaphore, #tpu.memory_space<semaphore_mem>>)
        %dma_wait3A_419 = arith.constant 0 : i32
        %dma_wait3A_420 = tpu.memref_slice %arg3[%add3A_16, %dma_wait3A_419] : memref<1280x128xi32, #tpu.memory_space<hbm>> -> memref<20x128xi32, #tpu.memory_space<hbm>>
        %dma_wait3A_421 = arith.constant 0 : i32
        %dma_wait3A_422 = tpu.memref_slice %arg3[%add3A_16, %dma_wait3A_421] : memref<1280x128xi32, #tpu.memory_space<hbm>> -> memref<20x128xi32, #tpu.memory_space<hbm>>
        tpu.wait_dma2 semaphore(%run_scoped3A : memref<!tpu.dma_semaphore, #tpu.memory_space<semaphore_mem>>) src(%dma_wait3A_422 : memref<20x128xi32, #tpu.memory_space<hbm>>) dst(%arg5 : memref<20x128xi32, #tpu.memory_space<vmem>>)
        tpu.yield
      }) : () -> ()
      %dma_start3A = arith.constant 0 : i32
      %dma_start3A_17 = arith.constant 0 : i32
      %dma_start3A_18 = arith.constant 0 : i32
      %dma_start3A_19 = tpu.memref_slice %arg6[%dma_start3A_17, %dma_start3A_18] : memref<2560x32xbf16, #tpu.memory_space<vmem>> -> memref<128x32xbf16, #tpu.memory_space<vmem>>
      %dma_start3A_20 = arith.constant 0 : i32
      %dma_start3A_21 = tpu.memref_slice %arg5[%dma_start3A, %dma_start3A_20] : memref<20x128xi32, #tpu.memory_space<vmem>> -> memref<1x128xi32, #tpu.memory_space<vmem>>
      %dma_start3A_22 = tpu.memref_squeeze %dma_start3A_21 : memref<1x128xi32, #tpu.memory_space<vmem>> -> memref<128xi32, #tpu.memory_space<vmem>>
      %dma_start3A_23 = arith.constant 0 : i32
      %dma_start3A_24 = arith.constant 0 : i32
      %dma_start3A_25 = tpu.memref_slice %arg2[%dma_start3A_23, %dma_start3A_24] : memref<10016x32xbf16, #tpu.memory_space<hbm>> -> memref<10016x32xbf16, #tpu.memory_space<hbm>>
      tpu.enqueue_indirect_dma source(%dma_start3A_25 : memref<10016x32xbf16, #tpu.memory_space<hbm>>) target(%dma_start3A_19 : memref<128x32xbf16, #tpu.memory_space<vmem>>) offsets(%dma_start3A_22 : memref<128xi32, #tpu.memory_space<vmem>>) semaphore(%arg7 : memref<!tpu.dma_semaphore, #tpu.memory_space<semaphore_mem>>)
      %dma_start3A_26 = arith.constant 1 : i32
      %dma_start3A_27 = arith.constant 128 : i32
      %dma_start3A_28 = arith.constant 0 : i32
      %dma_start3A_29 = tpu.memref_slice %arg6[%dma_start3A_27, %dma_start3A_28] : memref<2560x32xbf16, #tpu.memory_space<vmem>> -> memref<128x32xbf16, #tpu.memory_space<vmem>>
      %dma_start3A_30 = arith.constant 0 : i32
      %dma_start3A_31 = tpu.memref_slice %arg5[%dma_start3A_26, %dma_start3A_30] : memref<20x128xi32, #tpu.memory_space<vmem>> -> memref<1x128xi32, #tpu.memory_space<vmem>>
      %dma_start3A_32 = tpu.memref_squeeze %dma_start3A_31 : memref<1x128xi32, #tpu.memory_space<vmem>> -> memref<128xi32, #tpu.memory_space<vmem>>
      %dma_start3A_33 = arith.constant 0 : i32
      %dma_start3A_34 = arith.constant 0 : i32
      %dma_start3A_35 = tpu.memref_slice %arg2[%dma_start3A_33, %dma_start3A_34] : memref<10016x32xbf16, #tpu.memory_space<hbm>> -> memref<10016x32xbf16, #tpu.memory_space<hbm>>
      tpu.enqueue_indirect_dma source(%dma_start3A_35 : memref<10016x32xbf16, #tpu.memory_space<hbm>>) target(%dma_start3A_29 : memref<128x32xbf16, #tpu.memory_space<vmem>>) offsets(%dma_start3A_32 : memref<128xi32, #tpu.memory_space<vmem>>) semaphore(%arg7 : memref<!tpu.dma_semaphore, #tpu.memory_space<semaphore_mem>>)
      %dma_start3A_36 = arith.constant 2 : i32
      %dma_start3A_37 = arith.constant 256 : i32
      %dma_start3A_38 = arith.constant 0 : i32
      %dma_start3A_39 = tpu.memref_slice %arg6[%dma_start3A_37, %dma_start3A_38] : memref<2560x32xbf16, #tpu.memory_space<vmem>> -> memref<128x32xbf16, #tpu.memory_space<vmem>>
      %dma_start3A_40 = arith.constant 0 : i32
      %dma_start3A_41 = tpu.memref_slice %arg5[%dma_start3A_36, %dma_start3A_40] : memref<20x128xi32, #tpu.memory_space<vmem>> -> memref<1x128xi32, #tpu.memory_space<vmem>>
      %dma_start3A_42 = tpu.memref_squeeze %dma_start3A_41 : memref<1x128xi32, #tpu.memory_space<vmem>> -> memref<128xi32, #tpu.memory_space<vmem>>
      %dma_start3A_43 = arith.constant 0 : i32
      %dma_start3A_44 = arith.constant 0 : i32
      %dma_start3A_45 = tpu.memref_slice %arg2[%dma_start3A_43, %dma_start3A_44] : memref<10016x32xbf16, #tpu.memory_space<hbm>> -> memref<10016x32xbf16, #tpu.memory_space<hbm>>
      tpu.enqueue_indirect_dma source(%dma_start3A_45 : memref<10016x32xbf16, #tpu.memory_space<hbm>>) target(%dma_start3A_39 : memref<128x32xbf16, #tpu.memory_space<vmem>>) offsets(%dma_start3A_42 : memref<128xi32, #tpu.memory_space<vmem>>) semaphore(%arg7 : memref<!tpu.dma_semaphore, #tpu.memory_space<semaphore_mem>>)
      %dma_start3A_46 = arith.constant 3 : i32
      %dma_start3A_47 = arith.constant 384 : i32
      %dma_start3A_48 = arith.constant 0 : i32
      %dma_start3A_49 = tpu.memref_slice %arg6[%dma_start3A_47, %dma_start3A_48] : memref<2560x32xbf16, #tpu.memory_space<vmem>> -> memref<128x32xbf16, #tpu.memory_space<vmem>>
      %dma_start3A_50 = arith.constant 0 : i32
      %dma_start3A_51 = tpu.memref_slice %arg5[%dma_start3A_46, %dma_start3A_50] : memref<20x128xi32, #tpu.memory_space<vmem>> -> memref<1x128xi32, #tpu.memory_space<vmem>>
      %dma_start3A_52 = tpu.memref_squeeze %dma_start3A_51 : memref<1x128xi32, #tpu.memory_space<vmem>> -> memref<128xi32, #tpu.memory_space<vmem>>
      %dma_start3A_53 = arith.constant 0 : i32
      %dma_start3A_54 = arith.constant 0 : i32
      %dma_start3A_55 = tpu.memref_slice %arg2[%dma_start3A_53, %dma_start3A_54] : memref<10016x32xbf16, #tpu.memory_space<hbm>> -> memref<10016x32xbf16, #tpu.memory_space<hbm>>
      tpu.enqueue_indirect_dma source(%dma_start3A_55 : memref<10016x32xbf16, #tpu.memory_space<hbm>>) target(%dma_start3A_49 : memref<128x32xbf16, #tpu.memory_space<vmem>>) offsets(%dma_start3A_52 : memref<128xi32, #tpu.memory_space<vmem>>) semaphore(%arg7 : memref<!tpu.dma_semaphore, #tpu.memory_space<semaphore_mem>>)
      %dma_start3A_56 = arith.constant 4 : i32
      %dma_start3A_57 = arith.constant 512 : i32
      %dma_start3A_58 = arith.constant 0 : i32
      %dma_start3A_59 = tpu.memref_slice %arg6[%dma_start3A_57, %dma_start3A_58] : memref<2560x32xbf16, #tpu.memory_space<vmem>> -> memref<128x32xbf16, #tpu.memory_space<vmem>>
      %dma_start3A_60 = arith.constant 0 : i32
      %dma_start3A_61 = tpu.memref_slice %arg5[%dma_start3A_56, %dma_start3A_60] : memref<20x128xi32, #tpu.memory_space<vmem>> -> memref<1x128xi32, #tpu.memory_space<vmem>>
      %dma_start3A_62 = tpu.memref_squeeze %dma_start3A_61 : memref<1x128xi32, #tpu.memory_space<vmem>> -> memref<128xi32, #tpu.memory_space<vmem>>
      %dma_start3A_63 = arith.constant 0 : i32
      %dma_start3A_64 = arith.constant 0 : i32
      %dma_start3A_65 = tpu.memref_slice %arg2[%dma_start3A_63, %dma_start3A_64] : memref<10016x32xbf16, #tpu.memory_space<hbm>> -> memref<10016x32xbf16, #tpu.memory_space<hbm>>
      tpu.enqueue_indirect_dma source(%dma_start3A_65 : memref<10016x32xbf16, #tpu.memory_space<hbm>>) target(%dma_start3A_59 : memref<128x32xbf16, #tpu.memory_space<vmem>>) offsets(%dma_start3A_62 : memref<128xi32, #tpu.memory_space<vmem>>) semaphore(%arg7 : memref<!tpu.dma_semaphore, #tpu.memory_space<semaphore_mem>>)
      %dma_start3A_66 = arith.constant 5 : i32
      %dma_start3A_67 = arith.constant 640 : i32
      %dma_start3A_68 = arith.constant 0 : i32
      %dma_start3A_69 = tpu.memref_slice %arg6[%dma_start3A_67, %dma_start3A_68] : memref<2560x32xbf16, #tpu.memory_space<vmem>> -> memref<128x32xbf16, #tpu.memory_space<vmem>>
      %dma_start3A_70 = arith.constant 0 : i32
      %dma_start3A_71 = tpu.memref_slice %arg5[%dma_start3A_66, %dma_start3A_70] : memref<20x128xi32, #tpu.memory_space<vmem>> -> memref<1x128xi32, #tpu.memory_space<vmem>>
      %dma_start3A_72 = tpu.memref_squeeze %dma_start3A_71 : memref<1x128xi32, #tpu.memory_space<vmem>> -> memref<128xi32, #tpu.memory_space<vmem>>
      %dma_start3A_73 = arith.constant 0 : i32
      %dma_start3A_74 = arith.constant 0 : i32
      %dma_start3A_75 = tpu.memref_slice %arg2[%dma_start3A_73, %dma_start3A_74] : memref<10016x32xbf16, #tpu.memory_space<hbm>> -> memref<10016x32xbf16, #tpu.memory_space<hbm>>
      tpu.enqueue_indirect_dma source(%dma_start3A_75 : memref<10016x32xbf16, #tpu.memory_space<hbm>>) target(%dma_start3A_69 : memref<128x32xbf16, #tpu.memory_space<vmem>>) offsets(%dma_start3A_72 : memref<128xi32, #tpu.memory_space<vmem>>) semaphore(%arg7 : memref<!tpu.dma_semaphore, #tpu.memory_space<semaphore_mem>>)
      %dma_start3A_76 = arith.constant 6 : i32
      %dma_start3A_77 = arith.constant 768 : i32
      %dma_start3A_78 = arith.constant 0 : i32
      %dma_start3A_79 = tpu.memref_slice %arg6[%dma_start3A_77, %dma_start3A_78] : memref<2560x32xbf16, #tpu.memory_space<vmem>> -> memref<128x32xbf16, #tpu.memory_space<vmem>>
      %dma_start3A_80 = arith.constant 0 : i32
      %dma_start3A_81 = tpu.memref_slice %arg5[%dma_start3A_76, %dma_start3A_80] : memref<20x128xi32, #tpu.memory_space<vmem>> -> memref<1x128xi32, #tpu.memory_space<vmem>>
      %dma_start3A_82 = tpu.memref_squeeze %dma_start3A_81 : memref<1x128xi32, #tpu.memory_space<vmem>> -> memref<128xi32, #tpu.memory_space<vmem>>
      %dma_start3A_83 = arith.constant 0 : i32
      %dma_start3A_84 = arith.constant 0 : i32
      %dma_start3A_85 = tpu.memref_slice %arg2[%dma_start3A_83, %dma_start3A_84] : memref<10016x32xbf16, #tpu.memory_space<hbm>> -> memref<10016x32xbf16, #tpu.memory_space<hbm>>
      tpu.enqueue_indirect_dma source(%dma_start3A_85 : memref<10016x32xbf16, #tpu.memory_space<hbm>>) target(%dma_start3A_79 : memref<128x32xbf16, #tpu.memory_space<vmem>>) offsets(%dma_start3A_82 : memref<128xi32, #tpu.memory_space<vmem>>) semaphore(%arg7 : memref<!tpu.dma_semaphore, #tpu.memory_space<semaphore_mem>>)
      %dma_start3A_86 = arith.constant 7 : i32
      %dma_start3A_87 = arith.constant 896 : i32
      %dma_start3A_88 = arith.constant 0 : i32
      %dma_start3A_89 = tpu.memref_slice %arg6[%dma_start3A_87, %dma_start3A_88] : memref<2560x32xbf16, #tpu.memory_space<vmem>> -> memref<128x32xbf16, #tpu.memory_space<vmem>>
      %dma_start3A_90 = arith.constant 0 : i32
      %dma_start3A_91 = tpu.memref_slice %arg5[%dma_start3A_86, %dma_start3A_90] : memref<20x128xi32, #tpu.memory_space<vmem>> -> memref<1x128xi32, #tpu.memory_space<vmem>>
      %dma_start3A_92 = tpu.memref_squeeze %dma_start3A_91 : memref<1x128xi32, #tpu.memory_space<vmem>> -> memref<128xi32, #tpu.memory_space<vmem>>
      %dma_start3A_93 = arith.constant 0 : i32
      %dma_start3A_94 = arith.constant 0 : i32
      %dma_start3A_95 = tpu.memref_slice %arg2[%dma_start3A_93, %dma_start3A_94] : memref<10016x32xbf16, #tpu.memory_space<hbm>> -> memref<10016x32xbf16, #tpu.memory_space<hbm>>
      tpu.enqueue_indirect_dma source(%dma_start3A_95 : memref<10016x32xbf16, #tpu.memory_space<hbm>>) target(%dma_start3A_89 : memref<128x32xbf16, #tpu.memory_space<vmem>>) offsets(%dma_start3A_92 : memref<128xi32, #tpu.memory_space<vmem>>) semaphore(%arg7 : memref<!tpu.dma_semaphore, #tpu.memory_space<semaphore_mem>>)
      %dma_start3A_96 = arith.constant 8 : i32
      %dma_start3A_97 = arith.constant 1024 : i32
      %dma_start3A_98 = arith.constant 0 : i32
      %dma_start3A_99 = tpu.memref_slice %arg6[%dma_start3A_97, %dma_start3A_98] : memref<2560x32xbf16, #tpu.memory_space<vmem>> -> memref<128x32xbf16, #tpu.memory_space<vmem>>
      %dma_start3A_100 = arith.constant 0 : i32
      %dma_start3A_101 = tpu.memref_slice %arg5[%dma_start3A_96, %dma_start3A_100] : memref<20x128xi32, #tpu.memory_space<vmem>> -> memref<1x128xi32, #tpu.memory_space<vmem>>
      %dma_start3A_102 = tpu.memref_squeeze %dma_start3A_101 : memref<1x128xi32, #tpu.memory_space<vmem>> -> memref<128xi32, #tpu.memory_space<vmem>>
      %dma_start3A_103 = arith.constant 0 : i32
      %dma_start3A_104 = arith.constant 0 : i32
      %dma_start3A_105 = tpu.memref_slice %arg2[%dma_start3A_103, %dma_start3A_104] : memref<10016x32xbf16, #tpu.memory_space<hbm>> -> memref<10016x32xbf16, #tpu.memory_space<hbm>>
      tpu.enqueue_indirect_dma source(%dma_start3A_105 : memref<10016x32xbf16, #tpu.memory_space<hbm>>) target(%dma_start3A_99 : memref<128x32xbf16, #tpu.memory_space<vmem>>) offsets(%dma_start3A_102 : memref<128xi32, #tpu.memory_space<vmem>>) semaphore(%arg7 : memref<!tpu.dma_semaphore, #tpu.memory_space<semaphore_mem>>)
      %dma_start3A_106 = arith.constant 9 : i32
      %dma_start3A_107 = arith.constant 1152 : i32
      %dma_start3A_108 = arith.constant 0 : i32
      %dma_start3A_109 = tpu.memref_slice %arg6[%dma_start3A_107, %dma_start3A_108] : memref<2560x32xbf16, #tpu.memory_space<vmem>> -> memref<128x32xbf16, #tpu.memory_space<vmem>>
      %dma_start3A_110 = arith.constant 0 : i32
      %dma_start3A_111 = tpu.memref_slice %arg5[%dma_start3A_106, %dma_start3A_110] : memref<20x128xi32, #tpu.memory_space<vmem>> -> memref<1x128xi32, #tpu.memory_space<vmem>>
      %dma_start3A_112 = tpu.memref_squeeze %dma_start3A_111 : memref<1x128xi32, #tpu.memory_space<vmem>> -> memref<128xi32, #tpu.memory_space<vmem>>
      %dma_start3A_113 = arith.constant 0 : i32
      %dma_start3A_114 = arith.constant 0 : i32
      %dma_start3A_115 = tpu.memref_slice %arg2[%dma_start3A_113, %dma_start3A_114] : memref<10016x32xbf16, #tpu.memory_space<hbm>> -> memref<10016x32xbf16, #tpu.memory_space<hbm>>
      tpu.enqueue_indirect_dma source(%dma_start3A_115 : memref<10016x32xbf16, #tpu.memory_space<hbm>>) target(%dma_start3A_109 : memref<128x32xbf16, #tpu.memory_space<vmem>>) offsets(%dma_start3A_112 : memref<128xi32, #tpu.memory_space<vmem>>) semaphore(%arg7 : memref<!tpu.dma_semaphore, #tpu.memory_space<semaphore_mem>>)
      %dma_start3A_116 = arith.constant 10 : i32
      %dma_start3A_117 = arith.constant 1280 : i32
      %dma_start3A_118 = arith.constant 0 : i32
      %dma_start3A_119 = tpu.memref_slice %arg6[%dma_start3A_117, %dma_start3A_118] : memref<2560x32xbf16, #tpu.memory_space<vmem>> -> memref<128x32xbf16, #tpu.memory_space<vmem>>
      %dma_start3A_120 = arith.constant 0 : i32
      %dma_start3A_121 = tpu.memref_slice %arg5[%dma_start3A_116, %dma_start3A_120] : memref<20x128xi32, #tpu.memory_space<vmem>> -> memref<1x128xi32, #tpu.memory_space<vmem>>
      %dma_start3A_122 = tpu.memref_squeeze %dma_start3A_121 : memref<1x128xi32, #tpu.memory_space<vmem>> -> memref<128xi32, #tpu.memory_space<vmem>>
      %dma_start3A_123 = arith.constant 0 : i32
      %dma_start3A_124 = arith.constant 0 : i32
      %dma_start3A_125 = tpu.memref_slice %arg2[%dma_start3A_123, %dma_start3A_124] : memref<10016x32xbf16, #tpu.memory_space<hbm>> -> memref<10016x32xbf16, #tpu.memory_space<hbm>>
      tpu.enqueue_indirect_dma source(%dma_start3A_125 : memref<10016x32xbf16, #tpu.memory_space<hbm>>) target(%dma_start3A_119 : memref<128x32xbf16, #tpu.memory_space<vmem>>) offsets(%dma_start3A_122 : memref<128xi32, #tpu.memory_space<vmem>>) semaphore(%arg7 : memref<!tpu.dma_semaphore, #tpu.memory_space<semaphore_mem>>)
      %dma_start3A_126 = arith.constant 11 : i32
      %dma_start3A_127 = arith.constant 1408 : i32
      %dma_start3A_128 = arith.constant 0 : i32
      %dma_start3A_129 = tpu.memref_slice %arg6[%dma_start3A_127, %dma_start3A_128] : memref<2560x32xbf16, #tpu.memory_space<vmem>> -> memref<128x32xbf16, #tpu.memory_space<vmem>>
      %dma_start3A_130 = arith.constant 0 : i32
      %dma_start3A_131 = tpu.memref_slice %arg5[%dma_start3A_126, %dma_start3A_130] : memref<20x128xi32, #tpu.memory_space<vmem>> -> memref<1x128xi32, #tpu.memory_space<vmem>>
      %dma_start3A_132 = tpu.memref_squeeze %dma_start3A_131 : memref<1x128xi32, #tpu.memory_space<vmem>> -> memref<128xi32, #tpu.memory_space<vmem>>
      %dma_start3A_133 = arith.constant 0 : i32
      %dma_start3A_134 = arith.constant 0 : i32
      %dma_start3A_135 = tpu.memref_slice %arg2[%dma_start3A_133, %dma_start3A_134] : memref<10016x32xbf16, #tpu.memory_space<hbm>> -> memref<10016x32xbf16, #tpu.memory_space<hbm>>
      tpu.enqueue_indirect_dma source(%dma_start3A_135 : memref<10016x32xbf16, #tpu.memory_space<hbm>>) target(%dma_start3A_129 : memref<128x32xbf16, #tpu.memory_space<vmem>>) offsets(%dma_start3A_132 : memref<128xi32, #tpu.memory_space<vmem>>) semaphore(%arg7 : memref<!tpu.dma_semaphore, #tpu.memory_space<semaphore_mem>>)
      %dma_start3A_136 = arith.constant 12 : i32
      %dma_start3A_137 = arith.constant 1536 : i32
      %dma_start3A_138 = arith.constant 0 : i32
      %dma_start3A_139 = tpu.memref_slice %arg6[%dma_start3A_137, %dma_start3A_138] : memref<2560x32xbf16, #tpu.memory_space<vmem>> -> memref<128x32xbf16, #tpu.memory_space<vmem>>
      %dma_start3A_140 = arith.constant 0 : i32
      %dma_start3A_141 = tpu.memref_slice %arg5[%dma_start3A_136, %dma_start3A_140] : memref<20x128xi32, #tpu.memory_space<vmem>> -> memref<1x128xi32, #tpu.memory_space<vmem>>
      %dma_start3A_142 = tpu.memref_squeeze %dma_start3A_141 : memref<1x128xi32, #tpu.memory_space<vmem>> -> memref<128xi32, #tpu.memory_space<vmem>>
      %dma_start3A_143 = arith.constant 0 : i32
      %dma_start3A_144 = arith.constant 0 : i32
      %dma_start3A_145 = tpu.memref_slice %arg2[%dma_start3A_143, %dma_start3A_144] : memref<10016x32xbf16, #tpu.memory_space<hbm>> -> memref<10016x32xbf16, #tpu.memory_space<hbm>>
      tpu.enqueue_indirect_dma source(%dma_start3A_145 : memref<10016x32xbf16, #tpu.memory_space<hbm>>) target(%dma_start3A_139 : memref<128x32xbf16, #tpu.memory_space<vmem>>) offsets(%dma_start3A_142 : memref<128xi32, #tpu.memory_space<vmem>>) semaphore(%arg7 : memref<!tpu.dma_semaphore, #tpu.memory_space<semaphore_mem>>)
      %dma_start3A_146 = arith.constant 13 : i32
      %dma_start3A_147 = arith.constant 1664 : i32
      %dma_start3A_148 = arith.constant 0 : i32
      %dma_start3A_149 = tpu.memref_slice %arg6[%dma_start3A_147, %dma_start3A_148] : memref<2560x32xbf16, #tpu.memory_space<vmem>> -> memref<128x32xbf16, #tpu.memory_space<vmem>>
      %dma_start3A_150 = arith.constant 0 : i32
      %dma_start3A_151 = tpu.memref_slice %arg5[%dma_start3A_146, %dma_start3A_150] : memref<20x128xi32, #tpu.memory_space<vmem>> -> memref<1x128xi32, #tpu.memory_space<vmem>>
      %dma_start3A_152 = tpu.memref_squeeze %dma_start3A_151 : memref<1x128xi32, #tpu.memory_space<vmem>> -> memref<128xi32, #tpu.memory_space<vmem>>
      %dma_start3A_153 = arith.constant 0 : i32
      %dma_start3A_154 = arith.constant 0 : i32
      %dma_start3A_155 = tpu.memref_slice %arg2[%dma_start3A_153, %dma_start3A_154] : memref<10016x32xbf16, #tpu.memory_space<hbm>> -> memref<10016x32xbf16, #tpu.memory_space<hbm>>
      tpu.enqueue_indirect_dma source(%dma_start3A_155 : memref<10016x32xbf16, #tpu.memory_space<hbm>>) target(%dma_start3A_149 : memref<128x32xbf16, #tpu.memory_space<vmem>>) offsets(%dma_start3A_152 : memref<128xi32, #tpu.memory_space<vmem>>) semaphore(%arg7 : memref<!tpu.dma_semaphore, #tpu.memory_space<semaphore_mem>>)
      %dma_start3A_156 = arith.constant 14 : i32
      %dma_start3A_157 = arith.constant 1792 : i32
      %dma_start3A_158 = arith.constant 0 : i32
      %dma_start3A_159 = tpu.memref_slice %arg6[%dma_start3A_157, %dma_start3A_158] : memref<2560x32xbf16, #tpu.memory_space<vmem>> -> memref<128x32xbf16, #tpu.memory_space<vmem>>
      %dma_start3A_160 = arith.constant 0 : i32
      %dma_start3A_161 = tpu.memref_slice %arg5[%dma_start3A_156, %dma_start3A_160] : memref<20x128xi32, #tpu.memory_space<vmem>> -> memref<1x128xi32, #tpu.memory_space<vmem>>
      %dma_start3A_162 = tpu.memref_squeeze %dma_start3A_161 : memref<1x128xi32, #tpu.memory_space<vmem>> -> memref<128xi32, #tpu.memory_space<vmem>>
      %dma_start3A_163 = arith.constant 0 : i32
      %dma_start3A_164 = arith.constant 0 : i32
      %dma_start3A_165 = tpu.memref_slice %arg2[%dma_start3A_163, %dma_start3A_164] : memref<10016x32xbf16, #tpu.memory_space<hbm>> -> memref<10016x32xbf16, #tpu.memory_space<hbm>>
      tpu.enqueue_indirect_dma source(%dma_start3A_165 : memref<10016x32xbf16, #tpu.memory_space<hbm>>) target(%dma_start3A_159 : memref<128x32xbf16, #tpu.memory_space<vmem>>) offsets(%dma_start3A_162 : memref<128xi32, #tpu.memory_space<vmem>>) semaphore(%arg7 : memref<!tpu.dma_semaphore, #tpu.memory_space<semaphore_mem>>)
      %dma_start3A_166 = arith.constant 15 : i32
      %dma_start3A_167 = arith.constant 1920 : i32
      %dma_start3A_168 = arith.constant 0 : i32
      %dma_start3A_169 = tpu.memref_slice %arg6[%dma_start3A_167, %dma_start3A_168] : memref<2560x32xbf16, #tpu.memory_space<vmem>> -> memref<128x32xbf16, #tpu.memory_space<vmem>>
      %dma_start3A_170 = arith.constant 0 : i32
      %dma_start3A_171 = tpu.memref_slice %arg5[%dma_start3A_166, %dma_start3A_170] : memref<20x128xi32, #tpu.memory_space<vmem>> -> memref<1x128xi32, #tpu.memory_space<vmem>>
      %dma_start3A_172 = tpu.memref_squeeze %dma_start3A_171 : memref<1x128xi32, #tpu.memory_space<vmem>> -> memref<128xi32, #tpu.memory_space<vmem>>
      %dma_start3A_173 = arith.constant 0 : i32
      %dma_start3A_174 = arith.constant 0 : i32
      %dma_start3A_175 = tpu.memref_slice %arg2[%dma_start3A_173, %dma_start3A_174] : memref<10016x32xbf16, #tpu.memory_space<hbm>> -> memref<10016x32xbf16, #tpu.memory_space<hbm>>
      tpu.enqueue_indirect_dma source(%dma_start3A_175 : memref<10016x32xbf16, #tpu.memory_space<hbm>>) target(%dma_start3A_169 : memref<128x32xbf16, #tpu.memory_space<vmem>>) offsets(%dma_start3A_172 : memref<128xi32, #tpu.memory_space<vmem>>) semaphore(%arg7 : memref<!tpu.dma_semaphore, #tpu.memory_space<semaphore_mem>>)
      %dma_start3A_176 = arith.constant 16 : i32
      %dma_start3A_177 = arith.constant 2048 : i32
      %dma_start3A_178 = arith.constant 0 : i32
      %dma_start3A_179 = tpu.memref_slice %arg6[%dma_start3A_177, %dma_start3A_178] : memref<2560x32xbf16, #tpu.memory_space<vmem>> -> memref<128x32xbf16, #tpu.memory_space<vmem>>
      %dma_start3A_180 = arith.constant 0 : i32
      %dma_start3A_181 = tpu.memref_slice %arg5[%dma_start3A_176, %dma_start3A_180] : memref<20x128xi32, #tpu.memory_space<vmem>> -> memref<1x128xi32, #tpu.memory_space<vmem>>
      %dma_start3A_182 = tpu.memref_squeeze %dma_start3A_181 : memref<1x128xi32, #tpu.memory_space<vmem>> -> memref<128xi32, #tpu.memory_space<vmem>>
      %dma_start3A_183 = arith.constant 0 : i32
      %dma_start3A_184 = arith.constant 0 : i32
      %dma_start3A_185 = tpu.memref_slice %arg2[%dma_start3A_183, %dma_start3A_184] : memref<10016x32xbf16, #tpu.memory_space<hbm>> -> memref<10016x32xbf16, #tpu.memory_space<hbm>>
      tpu.enqueue_indirect_dma source(%dma_start3A_185 : memref<10016x32xbf16, #tpu.memory_space<hbm>>) target(%dma_start3A_179 : memref<128x32xbf16, #tpu.memory_space<vmem>>) offsets(%dma_start3A_182 : memref<128xi32, #tpu.memory_space<vmem>>) semaphore(%arg7 : memref<!tpu.dma_semaphore, #tpu.memory_space<semaphore_mem>>)
      %dma_start3A_186 = arith.constant 17 : i32
      %dma_start3A_187 = arith.constant 2176 : i32
      %dma_start3A_188 = arith.constant 0 : i32
      %dma_start3A_189 = tpu.memref_slice %arg6[%dma_start3A_187, %dma_start3A_188] : memref<2560x32xbf16, #tpu.memory_space<vmem>> -> memref<128x32xbf16, #tpu.memory_space<vmem>>
      %dma_start3A_190 = arith.constant 0 : i32
      %dma_start3A_191 = tpu.memref_slice %arg5[%dma_start3A_186, %dma_start3A_190] : memref<20x128xi32, #tpu.memory_space<vmem>> -> memref<1x128xi32, #tpu.memory_space<vmem>>
      %dma_start3A_192 = tpu.memref_squeeze %dma_start3A_191 : memref<1x128xi32, #tpu.memory_space<vmem>> -> memref<128xi32, #tpu.memory_space<vmem>>
      %dma_start3A_193 = arith.constant 0 : i32
      %dma_start3A_194 = arith.constant 0 : i32
      %dma_start3A_195 = tpu.memref_slice %arg2[%dma_start3A_193, %dma_start3A_194] : memref<10016x32xbf16, #tpu.memory_space<hbm>> -> memref<10016x32xbf16, #tpu.memory_space<hbm>>
      tpu.enqueue_indirect_dma source(%dma_start3A_195 : memref<10016x32xbf16, #tpu.memory_space<hbm>>) target(%dma_start3A_189 : memref<128x32xbf16, #tpu.memory_space<vmem>>) offsets(%dma_start3A_192 : memref<128xi32, #tpu.memory_space<vmem>>) semaphore(%arg7 : memref<!tpu.dma_semaphore, #tpu.memory_space<semaphore_mem>>)
      %dma_start3A_196 = arith.constant 18 : i32
      %dma_start3A_197 = arith.constant 2304 : i32
      %dma_start3A_198 = arith.constant 0 : i32
      %dma_start3A_199 = tpu.memref_slice %arg6[%dma_start3A_197, %dma_start3A_198] : memref<2560x32xbf16, #tpu.memory_space<vmem>> -> memref<128x32xbf16, #tpu.memory_space<vmem>>
      %dma_start3A_200 = arith.constant 0 : i32
      %dma_start3A_201 = tpu.memref_slice %arg5[%dma_start3A_196, %dma_start3A_200] : memref<20x128xi32, #tpu.memory_space<vmem>> -> memref<1x128xi32, #tpu.memory_space<vmem>>
      %dma_start3A_202 = tpu.memref_squeeze %dma_start3A_201 : memref<1x128xi32, #tpu.memory_space<vmem>> -> memref<128xi32, #tpu.memory_space<vmem>>
      %dma_start3A_203 = arith.constant 0 : i32
      %dma_start3A_204 = arith.constant 0 : i32
      %dma_start3A_205 = tpu.memref_slice %arg2[%dma_start3A_203, %dma_start3A_204] : memref<10016x32xbf16, #tpu.memory_space<hbm>> -> memref<10016x32xbf16, #tpu.memory_space<hbm>>
      tpu.enqueue_indirect_dma source(%dma_start3A_205 : memref<10016x32xbf16, #tpu.memory_space<hbm>>) target(%dma_start3A_199 : memref<128x32xbf16, #tpu.memory_space<vmem>>) offsets(%dma_start3A_202 : memref<128xi32, #tpu.memory_space<vmem>>) semaphore(%arg7 : memref<!tpu.dma_semaphore, #tpu.memory_space<semaphore_mem>>)
      %dma_start3A_206 = arith.constant 19 : i32
      %dma_start3A_207 = arith.constant 2432 : i32
      %dma_start3A_208 = arith.constant 0 : i32
      %dma_start3A_209 = tpu.memref_slice %arg6[%dma_start3A_207, %dma_start3A_208] : memref<2560x32xbf16, #tpu.memory_space<vmem>> -> memref<128x32xbf16, #tpu.memory_space<vmem>>
      %dma_start3A_210 = arith.constant 0 : i32
      %dma_start3A_211 = tpu.memref_slice %arg5[%dma_start3A_206, %dma_start3A_210] : memref<20x128xi32, #tpu.memory_space<vmem>> -> memref<1x128xi32, #tpu.memory_space<vmem>>
      %dma_start3A_212 = tpu.memref_squeeze %dma_start3A_211 : memref<1x128xi32, #tpu.memory_space<vmem>> -> memref<128xi32, #tpu.memory_space<vmem>>
      %dma_start3A_213 = arith.constant 0 : i32
      %dma_start3A_214 = arith.constant 0 : i32
      %dma_start3A_215 = tpu.memref_slice %arg2[%dma_start3A_213, %dma_start3A_214] : memref<10016x32xbf16, #tpu.memory_space<hbm>> -> memref<10016x32xbf16, #tpu.memory_space<hbm>>
      tpu.enqueue_indirect_dma source(%dma_start3A_215 : memref<10016x32xbf16, #tpu.memory_space<hbm>>) target(%dma_start3A_209 : memref<128x32xbf16, #tpu.memory_space<vmem>>) offsets(%dma_start3A_212 : memref<128xi32, #tpu.memory_space<vmem>>) semaphore(%arg7 : memref<!tpu.dma_semaphore, #tpu.memory_space<semaphore_mem>>)
      %dma_wait3A = arith.constant 0 : i32
      %dma_wait3A_216 = arith.constant 0 : i32
      %dma_wait3A_217 = arith.constant 0 : i32
      %dma_wait3A_218 = tpu.memref_slice %arg6[%dma_wait3A_216, %dma_wait3A_217] : memref<2560x32xbf16, #tpu.memory_space<vmem>> -> memref<128x32xbf16, #tpu.memory_space<vmem>>
      %dma_wait3A_219 = arith.constant 0 : i32
      %dma_wait3A_220 = tpu.memref_slice %arg5[%dma_wait3A, %dma_wait3A_219] : memref<20x128xi32, #tpu.memory_space<vmem>> -> memref<1x128xi32, #tpu.memory_space<vmem>>
      %dma_wait3A_221 = tpu.memref_squeeze %dma_wait3A_220 : memref<1x128xi32, #tpu.memory_space<vmem>> -> memref<128xi32, #tpu.memory_space<vmem>>
      %dma_wait3A_222 = arith.constant 0 : i32
      %dma_wait3A_223 = arith.constant 0 : i32
      %dma_wait3A_224 = tpu.memref_slice %arg2[%dma_wait3A_222, %dma_wait3A_223] : memref<10016x32xbf16, #tpu.memory_space<hbm>> -> memref<10016x32xbf16, #tpu.memory_space<hbm>>
      tpu.wait_indirect_dma semaphore(%arg7 : memref<!tpu.dma_semaphore, #tpu.memory_space<semaphore_mem>>) src(%dma_wait3A_224 : memref<10016x32xbf16, #tpu.memory_space<hbm>>) dst(%dma_wait3A_218 : memref<128x32xbf16, #tpu.memory_space<vmem>>)
      %dma_wait3A_225 = arith.constant 1 : i32
      %dma_wait3A_226 = arith.constant 128 : i32
      %dma_wait3A_227 = arith.constant 0 : i32
      %dma_wait3A_228 = tpu.memref_slice %arg6[%dma_wait3A_226, %dma_wait3A_227] : memref<2560x32xbf16, #tpu.memory_space<vmem>> -> memref<128x32xbf16, #tpu.memory_space<vmem>>
      %dma_wait3A_229 = arith.constant 0 : i32
      %dma_wait3A_230 = tpu.memref_slice %arg5[%dma_wait3A_225, %dma_wait3A_229] : memref<20x128xi32, #tpu.memory_space<vmem>> -> memref<1x128xi32, #tpu.memory_space<vmem>>
      %dma_wait3A_231 = tpu.memref_squeeze %dma_wait3A_230 : memref<1x128xi32, #tpu.memory_space<vmem>> -> memref<128xi32, #tpu.memory_space<vmem>>
      %dma_wait3A_232 = arith.constant 0 : i32
      %dma_wait3A_233 = arith.constant 0 : i32
      %dma_wait3A_234 = tpu.memref_slice %arg2[%dma_wait3A_232, %dma_wait3A_233] : memref<10016x32xbf16, #tpu.memory_space<hbm>> -> memref<10016x32xbf16, #tpu.memory_space<hbm>>
      tpu.wait_indirect_dma semaphore(%arg7 : memref<!tpu.dma_semaphore, #tpu.memory_space<semaphore_mem>>) src(%dma_wait3A_234 : memref<10016x32xbf16, #tpu.memory_space<hbm>>) dst(%dma_wait3A_228 : memref<128x32xbf16, #tpu.memory_space<vmem>>)
      %dma_wait3A_235 = arith.constant 2 : i32
      %dma_wait3A_236 = arith.constant 256 : i32
      %dma_wait3A_237 = arith.constant 0 : i32
      %dma_wait3A_238 = tpu.memref_slice %arg6[%dma_wait3A_236, %dma_wait3A_237] : memref<2560x32xbf16, #tpu.memory_space<vmem>> -> memref<128x32xbf16, #tpu.memory_space<vmem>>
      %dma_wait3A_239 = arith.constant 0 : i32
      %dma_wait3A_240 = tpu.memref_slice %arg5[%dma_wait3A_235, %dma_wait3A_239] : memref<20x128xi32, #tpu.memory_space<vmem>> -> memref<1x128xi32, #tpu.memory_space<vmem>>
      %dma_wait3A_241 = tpu.memref_squeeze %dma_wait3A_240 : memref<1x128xi32, #tpu.memory_space<vmem>> -> memref<128xi32, #tpu.memory_space<vmem>>
      %dma_wait3A_242 = arith.constant 0 : i32
      %dma_wait3A_243 = arith.constant 0 : i32
      %dma_wait3A_244 = tpu.memref_slice %arg2[%dma_wait3A_242, %dma_wait3A_243] : memref<10016x32xbf16, #tpu.memory_space<hbm>> -> memref<10016x32xbf16, #tpu.memory_space<hbm>>
      tpu.wait_indirect_dma semaphore(%arg7 : memref<!tpu.dma_semaphore, #tpu.memory_space<semaphore_mem>>) src(%dma_wait3A_244 : memref<10016x32xbf16, #tpu.memory_space<hbm>>) dst(%dma_wait3A_238 : memref<128x32xbf16, #tpu.memory_space<vmem>>)
      %dma_wait3A_245 = arith.constant 3 : i32
      %dma_wait3A_246 = arith.constant 384 : i32
      %dma_wait3A_247 = arith.constant 0 : i32
      %dma_wait3A_248 = tpu.memref_slice %arg6[%dma_wait3A_246, %dma_wait3A_247] : memref<2560x32xbf16, #tpu.memory_space<vmem>> -> memref<128x32xbf16, #tpu.memory_space<vmem>>
      %dma_wait3A_249 = arith.constant 0 : i32
      %dma_wait3A_250 = tpu.memref_slice %arg5[%dma_wait3A_245, %dma_wait3A_249] : memref<20x128xi32, #tpu.memory_space<vmem>> -> memref<1x128xi32, #tpu.memory_space<vmem>>
      %dma_wait3A_251 = tpu.memref_squeeze %dma_wait3A_250 : memref<1x128xi32, #tpu.memory_space<vmem>> -> memref<128xi32, #tpu.memory_space<vmem>>
      %dma_wait3A_252 = arith.constant 0 : i32
      %dma_wait3A_253 = arith.constant 0 : i32
      %dma_wait3A_254 = tpu.memref_slice %arg2[%dma_wait3A_252, %dma_wait3A_253] : memref<10016x32xbf16, #tpu.memory_space<hbm>> -> memref<10016x32xbf16, #tpu.memory_space<hbm>>
      tpu.wait_indirect_dma semaphore(%arg7 : memref<!tpu.dma_semaphore, #tpu.memory_space<semaphore_mem>>) src(%dma_wait3A_254 : memref<10016x32xbf16, #tpu.memory_space<hbm>>) dst(%dma_wait3A_248 : memref<128x32xbf16, #tpu.memory_space<vmem>>)
      %dma_wait3A_255 = arith.constant 4 : i32
      %dma_wait3A_256 = arith.constant 512 : i32
      %dma_wait3A_257 = arith.constant 0 : i32
      %dma_wait3A_258 = tpu.memref_slice %arg6[%dma_wait3A_256, %dma_wait3A_257] : memref<2560x32xbf16, #tpu.memory_space<vmem>> -> memref<128x32xbf16, #tpu.memory_space<vmem>>
      %dma_wait3A_259 = arith.constant 0 : i32
      %dma_wait3A_260 = tpu.memref_slice %arg5[%dma_wait3A_255, %dma_wait3A_259] : memref<20x128xi32, #tpu.memory_space<vmem>> -> memref<1x128xi32, #tpu.memory_space<vmem>>
      %dma_wait3A_261 = tpu.memref_squeeze %dma_wait3A_260 : memref<1x128xi32, #tpu.memory_space<vmem>> -> memref<128xi32, #tpu.memory_space<vmem>>
      %dma_wait3A_262 = arith.constant 0 : i32
      %dma_wait3A_263 = arith.constant 0 : i32
      %dma_wait3A_264 = tpu.memref_slice %arg2[%dma_wait3A_262, %dma_wait3A_263] : memref<10016x32xbf16, #tpu.memory_space<hbm>> -> memref<10016x32xbf16, #tpu.memory_space<hbm>>
      tpu.wait_indirect_dma semaphore(%arg7 : memref<!tpu.dma_semaphore, #tpu.memory_space<semaphore_mem>>) src(%dma_wait3A_264 : memref<10016x32xbf16, #tpu.memory_space<hbm>>) dst(%dma_wait3A_258 : memref<128x32xbf16, #tpu.memory_space<vmem>>)
      %dma_wait3A_265 = arith.constant 5 : i32
      %dma_wait3A_266 = arith.constant 640 : i32
      %dma_wait3A_267 = arith.constant 0 : i32
      %dma_wait3A_268 = tpu.memref_slice %arg6[%dma_wait3A_266, %dma_wait3A_267] : memref<2560x32xbf16, #tpu.memory_space<vmem>> -> memref<128x32xbf16, #tpu.memory_space<vmem>>
      %dma_wait3A_269 = arith.constant 0 : i32
      %dma_wait3A_270 = tpu.memref_slice %arg5[%dma_wait3A_265, %dma_wait3A_269] : memref<20x128xi32, #tpu.memory_space<vmem>> -> memref<1x128xi32, #tpu.memory_space<vmem>>
      %dma_wait3A_271 = tpu.memref_squeeze %dma_wait3A_270 : memref<1x128xi32, #tpu.memory_space<vmem>> -> memref<128xi32, #tpu.memory_space<vmem>>
      %dma_wait3A_272 = arith.constant 0 : i32
      %dma_wait3A_273 = arith.constant 0 : i32
      %dma_wait3A_274 = tpu.memref_slice %arg2[%dma_wait3A_272, %dma_wait3A_273] : memref<10016x32xbf16, #tpu.memory_space<hbm>> -> memref<10016x32xbf16, #tpu.memory_space<hbm>>
      tpu.wait_indirect_dma semaphore(%arg7 : memref<!tpu.dma_semaphore, #tpu.memory_space<semaphore_mem>>) src(%dma_wait3A_274 : memref<10016x32xbf16, #tpu.memory_space<hbm>>) dst(%dma_wait3A_268 : memref<128x32xbf16, #tpu.memory_space<vmem>>)
      %dma_wait3A_275 = arith.constant 6 : i32
      %dma_wait3A_276 = arith.constant 768 : i32
      %dma_wait3A_277 = arith.constant 0 : i32
      %dma_wait3A_278 = tpu.memref_slice %arg6[%dma_wait3A_276, %dma_wait3A_277] : memref<2560x32xbf16, #tpu.memory_space<vmem>> -> memref<128x32xbf16, #tpu.memory_space<vmem>>
      %dma_wait3A_279 = arith.constant 0 : i32
      %dma_wait3A_280 = tpu.memref_slice %arg5[%dma_wait3A_275, %dma_wait3A_279] : memref<20x128xi32, #tpu.memory_space<vmem>> -> memref<1x128xi32, #tpu.memory_space<vmem>>
      %dma_wait3A_281 = tpu.memref_squeeze %dma_wait3A_280 : memref<1x128xi32, #tpu.memory_space<vmem>> -> memref<128xi32, #tpu.memory_space<vmem>>
      %dma_wait3A_282 = arith.constant 0 : i32
      %dma_wait3A_283 = arith.constant 0 : i32
      %dma_wait3A_284 = tpu.memref_slice %arg2[%dma_wait3A_282, %dma_wait3A_283] : memref<10016x32xbf16, #tpu.memory_space<hbm>> -> memref<10016x32xbf16, #tpu.memory_space<hbm>>
      tpu.wait_indirect_dma semaphore(%arg7 : memref<!tpu.dma_semaphore, #tpu.memory_space<semaphore_mem>>) src(%dma_wait3A_284 : memref<10016x32xbf16, #tpu.memory_space<hbm>>) dst(%dma_wait3A_278 : memref<128x32xbf16, #tpu.memory_space<vmem>>)
      %dma_wait3A_285 = arith.constant 7 : i32
      %dma_wait3A_286 = arith.constant 896 : i32
      %dma_wait3A_287 = arith.constant 0 : i32
      %dma_wait3A_288 = tpu.memref_slice %arg6[%dma_wait3A_286, %dma_wait3A_287] : memref<2560x32xbf16, #tpu.memory_space<vmem>> -> memref<128x32xbf16, #tpu.memory_space<vmem>>
      %dma_wait3A_289 = arith.constant 0 : i32
      %dma_wait3A_290 = tpu.memref_slice %arg5[%dma_wait3A_285, %dma_wait3A_289] : memref<20x128xi32, #tpu.memory_space<vmem>> -> memref<1x128xi32, #tpu.memory_space<vmem>>
      %dma_wait3A_291 = tpu.memref_squeeze %dma_wait3A_290 : memref<1x128xi32, #tpu.memory_space<vmem>> -> memref<128xi32, #tpu.memory_space<vmem>>
      %dma_wait3A_292 = arith.constant 0 : i32
      %dma_wait3A_293 = arith.constant 0 : i32
      %dma_wait3A_294 = tpu.memref_slice %arg2[%dma_wait3A_292, %dma_wait3A_293] : memref<10016x32xbf16, #tpu.memory_space<hbm>> -> memref<10016x32xbf16, #tpu.memory_space<hbm>>
      tpu.wait_indirect_dma semaphore(%arg7 : memref<!tpu.dma_semaphore, #tpu.memory_space<semaphore_mem>>) src(%dma_wait3A_294 : memref<10016x32xbf16, #tpu.memory_space<hbm>>) dst(%dma_wait3A_288 : memref<128x32xbf16, #tpu.memory_space<vmem>>)
      %dma_wait3A_295 = arith.constant 8 : i32
      %dma_wait3A_296 = arith.constant 1024 : i32
      %dma_wait3A_297 = arith.constant 0 : i32
      %dma_wait3A_298 = tpu.memref_slice %arg6[%dma_wait3A_296, %dma_wait3A_297] : memref<2560x32xbf16, #tpu.memory_space<vmem>> -> memref<128x32xbf16, #tpu.memory_space<vmem>>
      %dma_wait3A_299 = arith.constant 0 : i32
      %dma_wait3A_300 = tpu.memref_slice %arg5[%dma_wait3A_295, %dma_wait3A_299] : memref<20x128xi32, #tpu.memory_space<vmem>> -> memref<1x128xi32, #tpu.memory_space<vmem>>
      %dma_wait3A_301 = tpu.memref_squeeze %dma_wait3A_300 : memref<1x128xi32, #tpu.memory_space<vmem>> -> memref<128xi32, #tpu.memory_space<vmem>>
      %dma_wait3A_302 = arith.constant 0 : i32
      %dma_wait3A_303 = arith.constant 0 : i32
      %dma_wait3A_304 = tpu.memref_slice %arg2[%dma_wait3A_302, %dma_wait3A_303] : memref<10016x32xbf16, #tpu.memory_space<hbm>> -> memref<10016x32xbf16, #tpu.memory_space<hbm>>
      tpu.wait_indirect_dma semaphore(%arg7 : memref<!tpu.dma_semaphore, #tpu.memory_space<semaphore_mem>>) src(%dma_wait3A_304 : memref<10016x32xbf16, #tpu.memory_space<hbm>>) dst(%dma_wait3A_298 : memref<128x32xbf16, #tpu.memory_space<vmem>>)
      %dma_wait3A_305 = arith.constant 9 : i32
      %dma_wait3A_306 = arith.constant 1152 : i32
      %dma_wait3A_307 = arith.constant 0 : i32
      %dma_wait3A_308 = tpu.memref_slice %arg6[%dma_wait3A_306, %dma_wait3A_307] : memref<2560x32xbf16, #tpu.memory_space<vmem>> -> memref<128x32xbf16, #tpu.memory_space<vmem>>
      %dma_wait3A_309 = arith.constant 0 : i32
      %dma_wait3A_310 = tpu.memref_slice %arg5[%dma_wait3A_305, %dma_wait3A_309] : memref<20x128xi32, #tpu.memory_space<vmem>> -> memref<1x128xi32, #tpu.memory_space<vmem>>
      %dma_wait3A_311 = tpu.memref_squeeze %dma_wait3A_310 : memref<1x128xi32, #tpu.memory_space<vmem>> -> memref<128xi32, #tpu.memory_space<vmem>>
      %dma_wait3A_312 = arith.constant 0 : i32
      %dma_wait3A_313 = arith.constant 0 : i32
      %dma_wait3A_314 = tpu.memref_slice %arg2[%dma_wait3A_312, %dma_wait3A_313] : memref<10016x32xbf16, #tpu.memory_space<hbm>> -> memref<10016x32xbf16, #tpu.memory_space<hbm>>
      tpu.wait_indirect_dma semaphore(%arg7 : memref<!tpu.dma_semaphore, #tpu.memory_space<semaphore_mem>>) src(%dma_wait3A_314 : memref<10016x32xbf16, #tpu.memory_space<hbm>>) dst(%dma_wait3A_308 : memref<128x32xbf16, #tpu.memory_space<vmem>>)
      %dma_wait3A_315 = arith.constant 10 : i32
      %dma_wait3A_316 = arith.constant 1280 : i32
      %dma_wait3A_317 = arith.constant 0 : i32
      %dma_wait3A_318 = tpu.memref_slice %arg6[%dma_wait3A_316, %dma_wait3A_317] : memref<2560x32xbf16, #tpu.memory_space<vmem>> -> memref<128x32xbf16, #tpu.memory_space<vmem>>
      %dma_wait3A_319 = arith.constant 0 : i32
      %dma_wait3A_320 = tpu.memref_slice %arg5[%dma_wait3A_315, %dma_wait3A_319] : memref<20x128xi32, #tpu.memory_space<vmem>> -> memref<1x128xi32, #tpu.memory_space<vmem>>
      %dma_wait3A_321 = tpu.memref_squeeze %dma_wait3A_320 : memref<1x128xi32, #tpu.memory_space<vmem>> -> memref<128xi32, #tpu.memory_space<vmem>>
      %dma_wait3A_322 = arith.constant 0 : i32
      %dma_wait3A_323 = arith.constant 0 : i32
      %dma_wait3A_324 = tpu.memref_slice %arg2[%dma_wait3A_322, %dma_wait3A_323] : memref<10016x32xbf16, #tpu.memory_space<hbm>> -> memref<10016x32xbf16, #tpu.memory_space<hbm>>
      tpu.wait_indirect_dma semaphore(%arg7 : memref<!tpu.dma_semaphore, #tpu.memory_space<semaphore_mem>>) src(%dma_wait3A_324 : memref<10016x32xbf16, #tpu.memory_space<hbm>>) dst(%dma_wait3A_318 : memref<128x32xbf16, #tpu.memory_space<vmem>>)
      %dma_wait3A_325 = arith.constant 11 : i32
      %dma_wait3A_326 = arith.constant 1408 : i32
      %dma_wait3A_327 = arith.constant 0 : i32
      %dma_wait3A_328 = tpu.memref_slice %arg6[%dma_wait3A_326, %dma_wait3A_327] : memref<2560x32xbf16, #tpu.memory_space<vmem>> -> memref<128x32xbf16, #tpu.memory_space<vmem>>
      %dma_wait3A_329 = arith.constant 0 : i32
      %dma_wait3A_330 = tpu.memref_slice %arg5[%dma_wait3A_325, %dma_wait3A_329] : memref<20x128xi32, #tpu.memory_space<vmem>> -> memref<1x128xi32, #tpu.memory_space<vmem>>
      %dma_wait3A_331 = tpu.memref_squeeze %dma_wait3A_330 : memref<1x128xi32, #tpu.memory_space<vmem>> -> memref<128xi32, #tpu.memory_space<vmem>>
      %dma_wait3A_332 = arith.constant 0 : i32
      %dma_wait3A_333 = arith.constant 0 : i32
      %dma_wait3A_334 = tpu.memref_slice %arg2[%dma_wait3A_332, %dma_wait3A_333] : memref<10016x32xbf16, #tpu.memory_space<hbm>> -> memref<10016x32xbf16, #tpu.memory_space<hbm>>
      tpu.wait_indirect_dma semaphore(%arg7 : memref<!tpu.dma_semaphore, #tpu.memory_space<semaphore_mem>>) src(%dma_wait3A_334 : memref<10016x32xbf16, #tpu.memory_space<hbm>>) dst(%dma_wait3A_328 : memref<128x32xbf16, #tpu.memory_space<vmem>>)
      %dma_wait3A_335 = arith.constant 12 : i32
      %dma_wait3A_336 = arith.constant 1536 : i32
      %dma_wait3A_337 = arith.constant 0 : i32
      %dma_wait3A_338 = tpu.memref_slice %arg6[%dma_wait3A_336, %dma_wait3A_337] : memref<2560x32xbf16, #tpu.memory_space<vmem>> -> memref<128x32xbf16, #tpu.memory_space<vmem>>
      %dma_wait3A_339 = arith.constant 0 : i32
      %dma_wait3A_340 = tpu.memref_slice %arg5[%dma_wait3A_335, %dma_wait3A_339] : memref<20x128xi32, #tpu.memory_space<vmem>> -> memref<1x128xi32, #tpu.memory_space<vmem>>
      %dma_wait3A_341 = tpu.memref_squeeze %dma_wait3A_340 : memref<1x128xi32, #tpu.memory_space<vmem>> -> memref<128xi32, #tpu.memory_space<vmem>>
      %dma_wait3A_342 = arith.constant 0 : i32
      %dma_wait3A_343 = arith.constant 0 : i32
      %dma_wait3A_344 = tpu.memref_slice %arg2[%dma_wait3A_342, %dma_wait3A_343] : memref<10016x32xbf16, #tpu.memory_space<hbm>> -> memref<10016x32xbf16, #tpu.memory_space<hbm>>
      tpu.wait_indirect_dma semaphore(%arg7 : memref<!tpu.dma_semaphore, #tpu.memory_space<semaphore_mem>>) src(%dma_wait3A_344 : memref<10016x32xbf16, #tpu.memory_space<hbm>>) dst(%dma_wait3A_338 : memref<128x32xbf16, #tpu.memory_space<vmem>>)
      %dma_wait3A_345 = arith.constant 13 : i32
      %dma_wait3A_346 = arith.constant 1664 : i32
      %dma_wait3A_347 = arith.constant 0 : i32
      %dma_wait3A_348 = tpu.memref_slice %arg6[%dma_wait3A_346, %dma_wait3A_347] : memref<2560x32xbf16, #tpu.memory_space<vmem>> -> memref<128x32xbf16, #tpu.memory_space<vmem>>
      %dma_wait3A_349 = arith.constant 0 : i32
      %dma_wait3A_350 = tpu.memref_slice %arg5[%dma_wait3A_345, %dma_wait3A_349] : memref<20x128xi32, #tpu.memory_space<vmem>> -> memref<1x128xi32, #tpu.memory_space<vmem>>
      %dma_wait3A_351 = tpu.memref_squeeze %dma_wait3A_350 : memref<1x128xi32, #tpu.memory_space<vmem>> -> memref<128xi32, #tpu.memory_space<vmem>>
      %dma_wait3A_352 = arith.constant 0 : i32
      %dma_wait3A_353 = arith.constant 0 : i32
      %dma_wait3A_354 = tpu.memref_slice %arg2[%dma_wait3A_352, %dma_wait3A_353] : memref<10016x32xbf16, #tpu.memory_space<hbm>> -> memref<10016x32xbf16, #tpu.memory_space<hbm>>
      tpu.wait_indirect_dma semaphore(%arg7 : memref<!tpu.dma_semaphore, #tpu.memory_space<semaphore_mem>>) src(%dma_wait3A_354 : memref<10016x32xbf16, #tpu.memory_space<hbm>>) dst(%dma_wait3A_348 : memref<128x32xbf16, #tpu.memory_space<vmem>>)
      %dma_wait3A_355 = arith.constant 14 : i32
      %dma_wait3A_356 = arith.constant 1792 : i32
      %dma_wait3A_357 = arith.constant 0 : i32
      %dma_wait3A_358 = tpu.memref_slice %arg6[%dma_wait3A_356, %dma_wait3A_357] : memref<2560x32xbf16, #tpu.memory_space<vmem>> -> memref<128x32xbf16, #tpu.memory_space<vmem>>
      %dma_wait3A_359 = arith.constant 0 : i32
      %dma_wait3A_360 = tpu.memref_slice %arg5[%dma_wait3A_355, %dma_wait3A_359] : memref<20x128xi32, #tpu.memory_space<vmem>> -> memref<1x128xi32, #tpu.memory_space<vmem>>
      %dma_wait3A_361 = tpu.memref_squeeze %dma_wait3A_360 : memref<1x128xi32, #tpu.memory_space<vmem>> -> memref<128xi32, #tpu.memory_space<vmem>>
      %dma_wait3A_362 = arith.constant 0 : i32
      %dma_wait3A_363 = arith.constant 0 : i32
      %dma_wait3A_364 = tpu.memref_slice %arg2[%dma_wait3A_362, %dma_wait3A_363] : memref<10016x32xbf16, #tpu.memory_space<hbm>> -> memref<10016x32xbf16, #tpu.memory_space<hbm>>
      tpu.wait_indirect_dma semaphore(%arg7 : memref<!tpu.dma_semaphore, #tpu.memory_space<semaphore_mem>>) src(%dma_wait3A_364 : memref<10016x32xbf16, #tpu.memory_space<hbm>>) dst(%dma_wait3A_358 : memref<128x32xbf16, #tpu.memory_space<vmem>>)
      %dma_wait3A_365 = arith.constant 15 : i32
      %dma_wait3A_366 = arith.constant 1920 : i32
      %dma_wait3A_367 = arith.constant 0 : i32
      %dma_wait3A_368 = tpu.memref_slice %arg6[%dma_wait3A_366, %dma_wait3A_367] : memref<2560x32xbf16, #tpu.memory_space<vmem>> -> memref<128x32xbf16, #tpu.memory_space<vmem>>
      %dma_wait3A_369 = arith.constant 0 : i32
      %dma_wait3A_370 = tpu.memref_slice %arg5[%dma_wait3A_365, %dma_wait3A_369] : memref<20x128xi32, #tpu.memory_space<vmem>> -> memref<1x128xi32, #tpu.memory_space<vmem>>
      %dma_wait3A_371 = tpu.memref_squeeze %dma_wait3A_370 : memref<1x128xi32, #tpu.memory_space<vmem>> -> memref<128xi32, #tpu.memory_space<vmem>>
      %dma_wait3A_372 = arith.constant 0 : i32
      %dma_wait3A_373 = arith.constant 0 : i32
      %dma_wait3A_374 = tpu.memref_slice %arg2[%dma_wait3A_372, %dma_wait3A_373] : memref<10016x32xbf16, #tpu.memory_space<hbm>> -> memref<10016x32xbf16, #tpu.memory_space<hbm>>
      tpu.wait_indirect_dma semaphore(%arg7 : memref<!tpu.dma_semaphore, #tpu.memory_space<semaphore_mem>>) src(%dma_wait3A_374 : memref<10016x32xbf16, #tpu.memory_space<hbm>>) dst(%dma_wait3A_368 : memref<128x32xbf16, #tpu.memory_space<vmem>>)
      %dma_wait3A_375 = arith.constant 16 : i32
      %dma_wait3A_376 = arith.constant 2048 : i32
      %dma_wait3A_377 = arith.constant 0 : i32
      %dma_wait3A_378 = tpu.memref_slice %arg6[%dma_wait3A_376, %dma_wait3A_377] : memref<2560x32xbf16, #tpu.memory_space<vmem>> -> memref<128x32xbf16, #tpu.memory_space<vmem>>
      %dma_wait3A_379 = arith.constant 0 : i32
      %dma_wait3A_380 = tpu.memref_slice %arg5[%dma_wait3A_375, %dma_wait3A_379] : memref<20x128xi32, #tpu.memory_space<vmem>> -> memref<1x128xi32, #tpu.memory_space<vmem>>
      %dma_wait3A_381 = tpu.memref_squeeze %dma_wait3A_380 : memref<1x128xi32, #tpu.memory_space<vmem>> -> memref<128xi32, #tpu.memory_space<vmem>>
      %dma_wait3A_382 = arith.constant 0 : i32
      %dma_wait3A_383 = arith.constant 0 : i32
      %dma_wait3A_384 = tpu.memref_slice %arg2[%dma_wait3A_382, %dma_wait3A_383] : memref<10016x32xbf16, #tpu.memory_space<hbm>> -> memref<10016x32xbf16, #tpu.memory_space<hbm>>
      tpu.wait_indirect_dma semaphore(%arg7 : memref<!tpu.dma_semaphore, #tpu.memory_space<semaphore_mem>>) src(%dma_wait3A_384 : memref<10016x32xbf16, #tpu.memory_space<hbm>>) dst(%dma_wait3A_378 : memref<128x32xbf16, #tpu.memory_space<vmem>>)
      %dma_wait3A_385 = arith.constant 17 : i32
      %dma_wait3A_386 = arith.constant 2176 : i32
      %dma_wait3A_387 = arith.constant 0 : i32
      %dma_wait3A_388 = tpu.memref_slice %arg6[%dma_wait3A_386, %dma_wait3A_387] : memref<2560x32xbf16, #tpu.memory_space<vmem>> -> memref<128x32xbf16, #tpu.memory_space<vmem>>
      %dma_wait3A_389 = arith.constant 0 : i32
      %dma_wait3A_390 = tpu.memref_slice %arg5[%dma_wait3A_385, %dma_wait3A_389] : memref<20x128xi32, #tpu.memory_space<vmem>> -> memref<1x128xi32, #tpu.memory_space<vmem>>
      %dma_wait3A_391 = tpu.memref_squeeze %dma_wait3A_390 : memref<1x128xi32, #tpu.memory_space<vmem>> -> memref<128xi32, #tpu.memory_space<vmem>>
      %dma_wait3A_392 = arith.constant 0 : i32
      %dma_wait3A_393 = arith.constant 0 : i32
      %dma_wait3A_394 = tpu.memref_slice %arg2[%dma_wait3A_392, %dma_wait3A_393] : memref<10016x32xbf16, #tpu.memory_space<hbm>> -> memref<10016x32xbf16, #tpu.memory_space<hbm>>
      tpu.wait_indirect_dma semaphore(%arg7 : memref<!tpu.dma_semaphore, #tpu.memory_space<semaphore_mem>>) src(%dma_wait3A_394 : memref<10016x32xbf16, #tpu.memory_space<hbm>>) dst(%dma_wait3A_388 : memref<128x32xbf16, #tpu.memory_space<vmem>>)
      %dma_wait3A_395 = arith.constant 18 : i32
      %dma_wait3A_396 = arith.constant 2304 : i32
      %dma_wait3A_397 = arith.constant 0 : i32
      %dma_wait3A_398 = tpu.memref_slice %arg6[%dma_wait3A_396, %dma_wait3A_397] : memref<2560x32xbf16, #tpu.memory_space<vmem>> -> memref<128x32xbf16, #tpu.memory_space<vmem>>
      %dma_wait3A_399 = arith.constant 0 : i32
      %dma_wait3A_400 = tpu.memref_slice %arg5[%dma_wait3A_395, %dma_wait3A_399] : memref<20x128xi32, #tpu.memory_space<vmem>> -> memref<1x128xi32, #tpu.memory_space<vmem>>
      %dma_wait3A_401 = tpu.memref_squeeze %dma_wait3A_400 : memref<1x128xi32, #tpu.memory_space<vmem>> -> memref<128xi32, #tpu.memory_space<vmem>>
      %dma_wait3A_402 = arith.constant 0 : i32
      %dma_wait3A_403 = arith.constant 0 : i32
      %dma_wait3A_404 = tpu.memref_slice %arg2[%dma_wait3A_402, %dma_wait3A_403] : memref<10016x32xbf16, #tpu.memory_space<hbm>> -> memref<10016x32xbf16, #tpu.memory_space<hbm>>
      tpu.wait_indirect_dma semaphore(%arg7 : memref<!tpu.dma_semaphore, #tpu.memory_space<semaphore_mem>>) src(%dma_wait3A_404 : memref<10016x32xbf16, #tpu.memory_space<hbm>>) dst(%dma_wait3A_398 : memref<128x32xbf16, #tpu.memory_space<vmem>>)
      %dma_wait3A_405 = arith.constant 19 : i32
      %dma_wait3A_406 = arith.constant 2432 : i32
      %dma_wait3A_407 = arith.constant 0 : i32
      %dma_wait3A_408 = tpu.memref_slice %arg6[%dma_wait3A_406, %dma_wait3A_407] : memref<2560x32xbf16, #tpu.memory_space<vmem>> -> memref<128x32xbf16, #tpu.memory_space<vmem>>
      %dma_wait3A_409 = arith.constant 0 : i32
      %dma_wait3A_410 = tpu.memref_slice %arg5[%dma_wait3A_405, %dma_wait3A_409] : memref<20x128xi32, #tpu.memory_space<vmem>> -> memref<1x128xi32, #tpu.memory_space<vmem>>
      %dma_wait3A_411 = tpu.memref_squeeze %dma_wait3A_410 : memref<1x128xi32, #tpu.memory_space<vmem>> -> memref<128xi32, #tpu.memory_space<vmem>>
      %dma_wait3A_412 = arith.constant 0 : i32
      %dma_wait3A_413 = arith.constant 0 : i32
      %dma_wait3A_414 = tpu.memref_slice %arg2[%dma_wait3A_412, %dma_wait3A_413] : memref<10016x32xbf16, #tpu.memory_space<hbm>> -> memref<10016x32xbf16, #tpu.memory_space<hbm>>
      tpu.wait_indirect_dma semaphore(%arg7 : memref<!tpu.dma_semaphore, #tpu.memory_space<semaphore_mem>>) src(%dma_wait3A_414 : memref<10016x32xbf16, #tpu.memory_space<hbm>>) dst(%dma_wait3A_408 : memref<128x32xbf16, #tpu.memory_space<vmem>>)
      "tpu.region"() ({
        %run_scoped3A = tpu.sem_alloc : memref<!tpu.dma_semaphore, #tpu.memory_space<semaphore_mem>>
        %dma_start3A_415 = arith.constant 0 : i32
        %dma_start3A_416 = tpu.memref_slice %arg4[%add3A_11, %dma_start3A_415] : memref<163840x32xbf16, #tpu.memory_space<hbm>> -> memref<2560x32xbf16, #tpu.memory_space<hbm>>
        %dma_start3A_417 = arith.constant 0 : i32
        %dma_start3A_418 = tpu.memref_slice %arg4[%add3A_11, %dma_start3A_417] : memref<163840x32xbf16, #tpu.memory_space<hbm>> -> memref<2560x32xbf16, #tpu.memory_space<hbm>>
        tpu.enqueue_dma source(%arg6 : memref<2560x32xbf16, #tpu.memory_space<vmem>>) target(%dma_start3A_418 : memref<2560x32xbf16, #tpu.memory_space<hbm>>) target_semaphore(%run_scoped3A : memref<!tpu.dma_semaphore, #tpu.memory_space<semaphore_mem>>)
        %dma_wait3A_419 = arith.constant 0 : i32
        %dma_wait3A_420 = tpu.memref_slice %arg4[%add3A_11, %dma_wait3A_419] : memref<163840x32xbf16, #tpu.memory_space<hbm>> -> memref<2560x32xbf16, #tpu.memory_space<hbm>>
        %dma_wait3A_421 = arith.constant 0 : i32
        %dma_wait3A_422 = tpu.memref_slice %arg4[%add3A_11, %dma_wait3A_421] : memref<163840x32xbf16, #tpu.memory_space<hbm>> -> memref<2560x32xbf16, #tpu.memory_space<hbm>>
        tpu.wait_dma2 semaphore(%run_scoped3A : memref<!tpu.dma_semaphore, #tpu.memory_space<semaphore_mem>>) src(%arg6 : memref<2560x32xbf16, #tpu.memory_space<vmem>>) dst(%dma_wait3A_422 : memref<2560x32xbf16, #tpu.memory_space<hbm>>)
        tpu.yield
      }) : () -> ()
    }
    %scan3A_5 = arith.constant 2 : i32
    return
  }
}

#map = affine_map<(d0, d1) -> (0, 0)>
#map1 = affine_map<(d0, d1) -> (0, 0, 0)>
module attributes {stable_mosaic.version = 14 : i64} {
  func.func @_scatter_body(%arg0: i32, %arg1: i32, %arg2: memref<163840x32xf32, #tpu.memory_space<hbm>>, %arg3: memref<1280x128xi32, #tpu.memory_space<hbm>>, %arg4: memref<626x32xf32, #tpu.memory_space<hbm>>, %arg5: memref<2x10016x32xf32, #tpu.memory_space<hbm>>, %arg6: memref<20x128xi32, #tpu.memory_space<vmem>>, %arg7: memref<2560x32xf32, #tpu.memory_space<vmem>>, %arg8: memref<626x32xf32, #tpu.memory_space<vmem>>, %arg9: memref<10016x32xf32, #tpu.memory_space<vmem_shared>>, %arg10: memref<!tpu.dma_semaphore, #tpu.memory_space<semaphore_mem>>) attributes {dimension_semantics = [#tpu.dimension_semantics<core_parallel>, #tpu.dimension_semantics<subcore_parallel>], iteration_bounds = array<i64: 2, 16>, scalar_prefetch = 0 : i64, scratch_operands = 5 : i64, tpu.core_type = #tpu.core_type<sc_vector_subcore>, window_params = [{transform_indices = #map}, {transform_indices = #map}, {transform_indices = #map}, {transform_indices = #map1}]} {
    %mul3A = arith.constant 2 : i32
    %mul3A_0 = arith.muli %arg1, %mul3A : i32
    %add3A = arith.addi %mul3A_0, %arg0 : i32
    "tpu.region"() ({
      %run_scoped3A = tpu.sem_alloc : memref<!tpu.dma_semaphore, #tpu.memory_space<semaphore_mem>>
      tpu.enqueue_dma source(%arg4 : memref<626x32xf32, #tpu.memory_space<hbm>>) target(%arg8 : memref<626x32xf32, #tpu.memory_space<vmem>>) target_semaphore(%run_scoped3A : memref<!tpu.dma_semaphore, #tpu.memory_space<semaphore_mem>>)
      tpu.wait_dma2 semaphore(%run_scoped3A : memref<!tpu.dma_semaphore, #tpu.memory_space<semaphore_mem>>) src(%arg4 : memref<626x32xf32, #tpu.memory_space<hbm>>) dst(%arg8 : memref<626x32xf32, #tpu.memory_space<vmem>>)
      tpu.yield
    }) : () -> ()
    %mul3A_1 = arith.constant 626 : i32
    %mul3A_2 = arith.muli %arg1, %mul3A_1 : i32
    "tpu.region"() ({
      %run_scoped3A = tpu.sem_alloc : memref<!tpu.dma_semaphore, #tpu.memory_space<semaphore_mem>>
      %dma_start3A = arith.constant 0 : i32
      %dma_start3A_13 = tpu.memref_slice %arg9[%mul3A_2, %dma_start3A] : memref<10016x32xf32, #tpu.memory_space<vmem_shared>> -> memref<626x32xf32, #tpu.memory_space<vmem_shared>>
      %dma_start3A_14 = arith.constant 0 : i32
      %dma_start3A_15 = tpu.memref_slice %arg9[%mul3A_2, %dma_start3A_14] : memref<10016x32xf32, #tpu.memory_space<vmem_shared>> -> memref<626x32xf32, #tpu.memory_space<vmem_shared>>
      tpu.enqueue_dma source(%arg8 : memref<626x32xf32, #tpu.memory_space<vmem>>) target(%dma_start3A_15 : memref<626x32xf32, #tpu.memory_space<vmem_shared>>) target_semaphore(%run_scoped3A : memref<!tpu.dma_semaphore, #tpu.memory_space<semaphore_mem>>)
      %dma_wait3A = arith.constant 0 : i32
      %dma_wait3A_16 = tpu.memref_slice %arg9[%mul3A_2, %dma_wait3A] : memref<10016x32xf32, #tpu.memory_space<vmem_shared>> -> memref<626x32xf32, #tpu.memory_space<vmem_shared>>
      %dma_wait3A_17 = arith.constant 0 : i32
      %dma_wait3A_18 = tpu.memref_slice %arg9[%mul3A_2, %dma_wait3A_17] : memref<10016x32xf32, #tpu.memory_space<vmem_shared>> -> memref<626x32xf32, #tpu.memory_space<vmem_shared>>
      tpu.wait_dma2 semaphore(%run_scoped3A : memref<!tpu.dma_semaphore, #tpu.memory_space<semaphore_mem>>) src(%arg8 : memref<626x32xf32, #tpu.memory_space<vmem>>) dst(%dma_wait3A_18 : memref<626x32xf32, #tpu.memory_space<vmem_shared>>)
      tpu.yield
    }) : () -> ()
    %barrier3A = arith.constant 0 : index
    tpu.barrier barrier_id(%barrier3A)
    %scan3A = arith.constant 0 : i32
    %scan3A_3 = arith.constant 0 : i32
    %scan3A_4 = arith.constant 2 : i32
    %scan3A_5 = arith.addi %scan3A_3, %scan3A_4 : i32
    %scan3A_6 = arith.constant 1 : i32
    scf.for %scan3A_13 = %scan3A_3 to %scan3A_5 step %scan3A_6  : i32 {
      %mul3A_14 = arith.constant 5120 : i32
      %mul3A_15 = arith.muli %add3A, %mul3A_14 : i32
      %mul3A_16 = arith.constant 2560 : i32
      %mul3A_17 = arith.muli %scan3A_13, %mul3A_16 : i32
      %add3A_18 = arith.addi %mul3A_15, %mul3A_17 : i32
      %mul3A_19 = arith.constant 40 : i32
      %mul3A_20 = arith.muli %add3A, %mul3A_19 : i32
      %mul3A_21 = arith.constant 20 : i32
      %mul3A_22 = arith.muli %scan3A_13, %mul3A_21 : i32
      %add3A_23 = arith.addi %mul3A_20, %mul3A_22 : i32
      "tpu.region"() ({
        %run_scoped3A = tpu.sem_alloc : memref<!tpu.dma_semaphore, #tpu.memory_space<semaphore_mem>>
        %dma_start3A_422 = arith.constant 0 : i32
        %dma_start3A_423 = tpu.memref_slice %arg3[%add3A_23, %dma_start3A_422] : memref<1280x128xi32, #tpu.memory_space<hbm>> -> memref<20x128xi32, #tpu.memory_space<hbm>>
        %dma_start3A_424 = arith.constant 0 : i32
        %dma_start3A_425 = tpu.memref_slice %arg3[%add3A_23, %dma_start3A_424] : memref<1280x128xi32, #tpu.memory_space<hbm>> -> memref<20x128xi32, #tpu.memory_space<hbm>>
        tpu.enqueue_dma source(%dma_start3A_425 : memref<20x128xi32, #tpu.memory_space<hbm>>) target(%arg6 : memref<20x128xi32, #tpu.memory_space<vmem>>) target_semaphore(%run_scoped3A : memref<!tpu.dma_semaphore, #tpu.memory_space<semaphore_mem>>)
        %dma_wait3A_426 = arith.constant 0 : i32
        %dma_wait3A_427 = tpu.memref_slice %arg3[%add3A_23, %dma_wait3A_426] : memref<1280x128xi32, #tpu.memory_space<hbm>> -> memref<20x128xi32, #tpu.memory_space<hbm>>
        %dma_wait3A_428 = arith.constant 0 : i32
        %dma_wait3A_429 = tpu.memref_slice %arg3[%add3A_23, %dma_wait3A_428] : memref<1280x128xi32, #tpu.memory_space<hbm>> -> memref<20x128xi32, #tpu.memory_space<hbm>>
        tpu.wait_dma2 semaphore(%run_scoped3A : memref<!tpu.dma_semaphore, #tpu.memory_space<semaphore_mem>>) src(%dma_wait3A_429 : memref<20x128xi32, #tpu.memory_space<hbm>>) dst(%arg6 : memref<20x128xi32, #tpu.memory_space<vmem>>)
        tpu.yield
      }) : () -> ()
      "tpu.region"() ({
        %run_scoped3A = tpu.sem_alloc : memref<!tpu.dma_semaphore, #tpu.memory_space<semaphore_mem>>
        %dma_start3A_422 = arith.constant 0 : i32
        %dma_start3A_423 = tpu.memref_slice %arg2[%add3A_18, %dma_start3A_422] : memref<163840x32xf32, #tpu.memory_space<hbm>> -> memref<2560x32xf32, #tpu.memory_space<hbm>>
        %dma_start3A_424 = arith.constant 0 : i32
        %dma_start3A_425 = tpu.memref_slice %arg2[%add3A_18, %dma_start3A_424] : memref<163840x32xf32, #tpu.memory_space<hbm>> -> memref<2560x32xf32, #tpu.memory_space<hbm>>
        tpu.enqueue_dma source(%dma_start3A_425 : memref<2560x32xf32, #tpu.memory_space<hbm>>) target(%arg7 : memref<2560x32xf32, #tpu.memory_space<vmem>>) target_semaphore(%run_scoped3A : memref<!tpu.dma_semaphore, #tpu.memory_space<semaphore_mem>>)
        %dma_wait3A_426 = arith.constant 0 : i32
        %dma_wait3A_427 = tpu.memref_slice %arg2[%add3A_18, %dma_wait3A_426] : memref<163840x32xf32, #tpu.memory_space<hbm>> -> memref<2560x32xf32, #tpu.memory_space<hbm>>
        %dma_wait3A_428 = arith.constant 0 : i32
        %dma_wait3A_429 = tpu.memref_slice %arg2[%add3A_18, %dma_wait3A_428] : memref<163840x32xf32, #tpu.memory_space<hbm>> -> memref<2560x32xf32, #tpu.memory_space<hbm>>
        tpu.wait_dma2 semaphore(%run_scoped3A : memref<!tpu.dma_semaphore, #tpu.memory_space<semaphore_mem>>) src(%dma_wait3A_429 : memref<2560x32xf32, #tpu.memory_space<hbm>>) dst(%arg7 : memref<2560x32xf32, #tpu.memory_space<vmem>>)
        tpu.yield
      }) : () -> ()
      %dma_start3A = arith.constant 0 : i32
      %dma_start3A_24 = arith.constant 0 : i32
      %dma_start3A_25 = arith.constant 0 : i32
      %dma_start3A_26 = tpu.memref_slice %arg7[%dma_start3A_24, %dma_start3A_25] : memref<2560x32xf32, #tpu.memory_space<vmem>> -> memref<128x32xf32, #tpu.memory_space<vmem>>
      %dma_start3A_27 = arith.constant 0 : i32
      %dma_start3A_28 = tpu.memref_slice %arg6[%dma_start3A, %dma_start3A_27] : memref<20x128xi32, #tpu.memory_space<vmem>> -> memref<1x128xi32, #tpu.memory_space<vmem>>
      %dma_start3A_29 = tpu.memref_squeeze %dma_start3A_28 : memref<1x128xi32, #tpu.memory_space<vmem>> -> memref<128xi32, #tpu.memory_space<vmem>>
      %dma_start3A_30 = arith.constant 0 : i32
      %dma_start3A_31 = arith.constant 0 : i32
      %dma_start3A_32 = tpu.memref_slice %arg9[%dma_start3A_30, %dma_start3A_31] : memref<10016x32xf32, #tpu.memory_space<vmem_shared>> -> memref<10016x32xf32, #tpu.memory_space<vmem_shared>>
      tpu.enqueue_indirect_dma source(%dma_start3A_26 : memref<128x32xf32, #tpu.memory_space<vmem>>) target(%dma_start3A_32 : memref<10016x32xf32, #tpu.memory_space<vmem_shared>>) offsets(%dma_start3A_29 : memref<128xi32, #tpu.memory_space<vmem>>) semaphore(%arg10 : memref<!tpu.dma_semaphore, #tpu.memory_space<semaphore_mem>>) {add = true}
      %dma_start3A_33 = arith.constant 1 : i32
      %dma_start3A_34 = arith.constant 128 : i32
      %dma_start3A_35 = arith.constant 0 : i32
      %dma_start3A_36 = tpu.memref_slice %arg7[%dma_start3A_34, %dma_start3A_35] : memref<2560x32xf32, #tpu.memory_space<vmem>> -> memref<128x32xf32, #tpu.memory_space<vmem>>
      %dma_start3A_37 = arith.constant 0 : i32
      %dma_start3A_38 = tpu.memref_slice %arg6[%dma_start3A_33, %dma_start3A_37] : memref<20x128xi32, #tpu.memory_space<vmem>> -> memref<1x128xi32, #tpu.memory_space<vmem>>
      %dma_start3A_39 = tpu.memref_squeeze %dma_start3A_38 : memref<1x128xi32, #tpu.memory_space<vmem>> -> memref<128xi32, #tpu.memory_space<vmem>>
      %dma_start3A_40 = arith.constant 0 : i32
      %dma_start3A_41 = arith.constant 0 : i32
      %dma_start3A_42 = tpu.memref_slice %arg9[%dma_start3A_40, %dma_start3A_41] : memref<10016x32xf32, #tpu.memory_space<vmem_shared>> -> memref<10016x32xf32, #tpu.memory_space<vmem_shared>>
      tpu.enqueue_indirect_dma source(%dma_start3A_36 : memref<128x32xf32, #tpu.memory_space<vmem>>) target(%dma_start3A_42 : memref<10016x32xf32, #tpu.memory_space<vmem_shared>>) offsets(%dma_start3A_39 : memref<128xi32, #tpu.memory_space<vmem>>) semaphore(%arg10 : memref<!tpu.dma_semaphore, #tpu.memory_space<semaphore_mem>>) {add = true}
      %dma_start3A_43 = arith.constant 2 : i32
      %dma_start3A_44 = arith.constant 256 : i32
      %dma_start3A_45 = arith.constant 0 : i32
      %dma_start3A_46 = tpu.memref_slice %arg7[%dma_start3A_44, %dma_start3A_45] : memref<2560x32xf32, #tpu.memory_space<vmem>> -> memref<128x32xf32, #tpu.memory_space<vmem>>
      %dma_start3A_47 = arith.constant 0 : i32
      %dma_start3A_48 = tpu.memref_slice %arg6[%dma_start3A_43, %dma_start3A_47] : memref<20x128xi32, #tpu.memory_space<vmem>> -> memref<1x128xi32, #tpu.memory_space<vmem>>
      %dma_start3A_49 = tpu.memref_squeeze %dma_start3A_48 : memref<1x128xi32, #tpu.memory_space<vmem>> -> memref<128xi32, #tpu.memory_space<vmem>>
      %dma_start3A_50 = arith.constant 0 : i32
      %dma_start3A_51 = arith.constant 0 : i32
      %dma_start3A_52 = tpu.memref_slice %arg9[%dma_start3A_50, %dma_start3A_51] : memref<10016x32xf32, #tpu.memory_space<vmem_shared>> -> memref<10016x32xf32, #tpu.memory_space<vmem_shared>>
      tpu.enqueue_indirect_dma source(%dma_start3A_46 : memref<128x32xf32, #tpu.memory_space<vmem>>) target(%dma_start3A_52 : memref<10016x32xf32, #tpu.memory_space<vmem_shared>>) offsets(%dma_start3A_49 : memref<128xi32, #tpu.memory_space<vmem>>) semaphore(%arg10 : memref<!tpu.dma_semaphore, #tpu.memory_space<semaphore_mem>>) {add = true}
      %dma_start3A_53 = arith.constant 3 : i32
      %dma_start3A_54 = arith.constant 384 : i32
      %dma_start3A_55 = arith.constant 0 : i32
      %dma_start3A_56 = tpu.memref_slice %arg7[%dma_start3A_54, %dma_start3A_55] : memref<2560x32xf32, #tpu.memory_space<vmem>> -> memref<128x32xf32, #tpu.memory_space<vmem>>
      %dma_start3A_57 = arith.constant 0 : i32
      %dma_start3A_58 = tpu.memref_slice %arg6[%dma_start3A_53, %dma_start3A_57] : memref<20x128xi32, #tpu.memory_space<vmem>> -> memref<1x128xi32, #tpu.memory_space<vmem>>
      %dma_start3A_59 = tpu.memref_squeeze %dma_start3A_58 : memref<1x128xi32, #tpu.memory_space<vmem>> -> memref<128xi32, #tpu.memory_space<vmem>>
      %dma_start3A_60 = arith.constant 0 : i32
      %dma_start3A_61 = arith.constant 0 : i32
      %dma_start3A_62 = tpu.memref_slice %arg9[%dma_start3A_60, %dma_start3A_61] : memref<10016x32xf32, #tpu.memory_space<vmem_shared>> -> memref<10016x32xf32, #tpu.memory_space<vmem_shared>>
      tpu.enqueue_indirect_dma source(%dma_start3A_56 : memref<128x32xf32, #tpu.memory_space<vmem>>) target(%dma_start3A_62 : memref<10016x32xf32, #tpu.memory_space<vmem_shared>>) offsets(%dma_start3A_59 : memref<128xi32, #tpu.memory_space<vmem>>) semaphore(%arg10 : memref<!tpu.dma_semaphore, #tpu.memory_space<semaphore_mem>>) {add = true}
      %dma_start3A_63 = arith.constant 4 : i32
      %dma_start3A_64 = arith.constant 512 : i32
      %dma_start3A_65 = arith.constant 0 : i32
      %dma_start3A_66 = tpu.memref_slice %arg7[%dma_start3A_64, %dma_start3A_65] : memref<2560x32xf32, #tpu.memory_space<vmem>> -> memref<128x32xf32, #tpu.memory_space<vmem>>
      %dma_start3A_67 = arith.constant 0 : i32
      %dma_start3A_68 = tpu.memref_slice %arg6[%dma_start3A_63, %dma_start3A_67] : memref<20x128xi32, #tpu.memory_space<vmem>> -> memref<1x128xi32, #tpu.memory_space<vmem>>
      %dma_start3A_69 = tpu.memref_squeeze %dma_start3A_68 : memref<1x128xi32, #tpu.memory_space<vmem>> -> memref<128xi32, #tpu.memory_space<vmem>>
      %dma_start3A_70 = arith.constant 0 : i32
      %dma_start3A_71 = arith.constant 0 : i32
      %dma_start3A_72 = tpu.memref_slice %arg9[%dma_start3A_70, %dma_start3A_71] : memref<10016x32xf32, #tpu.memory_space<vmem_shared>> -> memref<10016x32xf32, #tpu.memory_space<vmem_shared>>
      tpu.enqueue_indirect_dma source(%dma_start3A_66 : memref<128x32xf32, #tpu.memory_space<vmem>>) target(%dma_start3A_72 : memref<10016x32xf32, #tpu.memory_space<vmem_shared>>) offsets(%dma_start3A_69 : memref<128xi32, #tpu.memory_space<vmem>>) semaphore(%arg10 : memref<!tpu.dma_semaphore, #tpu.memory_space<semaphore_mem>>) {add = true}
      %dma_start3A_73 = arith.constant 5 : i32
      %dma_start3A_74 = arith.constant 640 : i32
      %dma_start3A_75 = arith.constant 0 : i32
      %dma_start3A_76 = tpu.memref_slice %arg7[%dma_start3A_74, %dma_start3A_75] : memref<2560x32xf32, #tpu.memory_space<vmem>> -> memref<128x32xf32, #tpu.memory_space<vmem>>
      %dma_start3A_77 = arith.constant 0 : i32
      %dma_start3A_78 = tpu.memref_slice %arg6[%dma_start3A_73, %dma_start3A_77] : memref<20x128xi32, #tpu.memory_space<vmem>> -> memref<1x128xi32, #tpu.memory_space<vmem>>
      %dma_start3A_79 = tpu.memref_squeeze %dma_start3A_78 : memref<1x128xi32, #tpu.memory_space<vmem>> -> memref<128xi32, #tpu.memory_space<vmem>>
      %dma_start3A_80 = arith.constant 0 : i32
      %dma_start3A_81 = arith.constant 0 : i32
      %dma_start3A_82 = tpu.memref_slice %arg9[%dma_start3A_80, %dma_start3A_81] : memref<10016x32xf32, #tpu.memory_space<vmem_shared>> -> memref<10016x32xf32, #tpu.memory_space<vmem_shared>>
      tpu.enqueue_indirect_dma source(%dma_start3A_76 : memref<128x32xf32, #tpu.memory_space<vmem>>) target(%dma_start3A_82 : memref<10016x32xf32, #tpu.memory_space<vmem_shared>>) offsets(%dma_start3A_79 : memref<128xi32, #tpu.memory_space<vmem>>) semaphore(%arg10 : memref<!tpu.dma_semaphore, #tpu.memory_space<semaphore_mem>>) {add = true}
      %dma_start3A_83 = arith.constant 6 : i32
      %dma_start3A_84 = arith.constant 768 : i32
      %dma_start3A_85 = arith.constant 0 : i32
      %dma_start3A_86 = tpu.memref_slice %arg7[%dma_start3A_84, %dma_start3A_85] : memref<2560x32xf32, #tpu.memory_space<vmem>> -> memref<128x32xf32, #tpu.memory_space<vmem>>
      %dma_start3A_87 = arith.constant 0 : i32
      %dma_start3A_88 = tpu.memref_slice %arg6[%dma_start3A_83, %dma_start3A_87] : memref<20x128xi32, #tpu.memory_space<vmem>> -> memref<1x128xi32, #tpu.memory_space<vmem>>
      %dma_start3A_89 = tpu.memref_squeeze %dma_start3A_88 : memref<1x128xi32, #tpu.memory_space<vmem>> -> memref<128xi32, #tpu.memory_space<vmem>>
      %dma_start3A_90 = arith.constant 0 : i32
      %dma_start3A_91 = arith.constant 0 : i32
      %dma_start3A_92 = tpu.memref_slice %arg9[%dma_start3A_90, %dma_start3A_91] : memref<10016x32xf32, #tpu.memory_space<vmem_shared>> -> memref<10016x32xf32, #tpu.memory_space<vmem_shared>>
      tpu.enqueue_indirect_dma source(%dma_start3A_86 : memref<128x32xf32, #tpu.memory_space<vmem>>) target(%dma_start3A_92 : memref<10016x32xf32, #tpu.memory_space<vmem_shared>>) offsets(%dma_start3A_89 : memref<128xi32, #tpu.memory_space<vmem>>) semaphore(%arg10 : memref<!tpu.dma_semaphore, #tpu.memory_space<semaphore_mem>>) {add = true}
      %dma_start3A_93 = arith.constant 7 : i32
      %dma_start3A_94 = arith.constant 896 : i32
      %dma_start3A_95 = arith.constant 0 : i32
      %dma_start3A_96 = tpu.memref_slice %arg7[%dma_start3A_94, %dma_start3A_95] : memref<2560x32xf32, #tpu.memory_space<vmem>> -> memref<128x32xf32, #tpu.memory_space<vmem>>
      %dma_start3A_97 = arith.constant 0 : i32
      %dma_start3A_98 = tpu.memref_slice %arg6[%dma_start3A_93, %dma_start3A_97] : memref<20x128xi32, #tpu.memory_space<vmem>> -> memref<1x128xi32, #tpu.memory_space<vmem>>
      %dma_start3A_99 = tpu.memref_squeeze %dma_start3A_98 : memref<1x128xi32, #tpu.memory_space<vmem>> -> memref<128xi32, #tpu.memory_space<vmem>>
      %dma_start3A_100 = arith.constant 0 : i32
      %dma_start3A_101 = arith.constant 0 : i32
      %dma_start3A_102 = tpu.memref_slice %arg9[%dma_start3A_100, %dma_start3A_101] : memref<10016x32xf32, #tpu.memory_space<vmem_shared>> -> memref<10016x32xf32, #tpu.memory_space<vmem_shared>>
      tpu.enqueue_indirect_dma source(%dma_start3A_96 : memref<128x32xf32, #tpu.memory_space<vmem>>) target(%dma_start3A_102 : memref<10016x32xf32, #tpu.memory_space<vmem_shared>>) offsets(%dma_start3A_99 : memref<128xi32, #tpu.memory_space<vmem>>) semaphore(%arg10 : memref<!tpu.dma_semaphore, #tpu.memory_space<semaphore_mem>>) {add = true}
      %dma_start3A_103 = arith.constant 8 : i32
      %dma_start3A_104 = arith.constant 1024 : i32
      %dma_start3A_105 = arith.constant 0 : i32
      %dma_start3A_106 = tpu.memref_slice %arg7[%dma_start3A_104, %dma_start3A_105] : memref<2560x32xf32, #tpu.memory_space<vmem>> -> memref<128x32xf32, #tpu.memory_space<vmem>>
      %dma_start3A_107 = arith.constant 0 : i32
      %dma_start3A_108 = tpu.memref_slice %arg6[%dma_start3A_103, %dma_start3A_107] : memref<20x128xi32, #tpu.memory_space<vmem>> -> memref<1x128xi32, #tpu.memory_space<vmem>>
      %dma_start3A_109 = tpu.memref_squeeze %dma_start3A_108 : memref<1x128xi32, #tpu.memory_space<vmem>> -> memref<128xi32, #tpu.memory_space<vmem>>
      %dma_start3A_110 = arith.constant 0 : i32
      %dma_start3A_111 = arith.constant 0 : i32
      %dma_start3A_112 = tpu.memref_slice %arg9[%dma_start3A_110, %dma_start3A_111] : memref<10016x32xf32, #tpu.memory_space<vmem_shared>> -> memref<10016x32xf32, #tpu.memory_space<vmem_shared>>
      tpu.enqueue_indirect_dma source(%dma_start3A_106 : memref<128x32xf32, #tpu.memory_space<vmem>>) target(%dma_start3A_112 : memref<10016x32xf32, #tpu.memory_space<vmem_shared>>) offsets(%dma_start3A_109 : memref<128xi32, #tpu.memory_space<vmem>>) semaphore(%arg10 : memref<!tpu.dma_semaphore, #tpu.memory_space<semaphore_mem>>) {add = true}
      %dma_start3A_113 = arith.constant 9 : i32
      %dma_start3A_114 = arith.constant 1152 : i32
      %dma_start3A_115 = arith.constant 0 : i32
      %dma_start3A_116 = tpu.memref_slice %arg7[%dma_start3A_114, %dma_start3A_115] : memref<2560x32xf32, #tpu.memory_space<vmem>> -> memref<128x32xf32, #tpu.memory_space<vmem>>
      %dma_start3A_117 = arith.constant 0 : i32
      %dma_start3A_118 = tpu.memref_slice %arg6[%dma_start3A_113, %dma_start3A_117] : memref<20x128xi32, #tpu.memory_space<vmem>> -> memref<1x128xi32, #tpu.memory_space<vmem>>
      %dma_start3A_119 = tpu.memref_squeeze %dma_start3A_118 : memref<1x128xi32, #tpu.memory_space<vmem>> -> memref<128xi32, #tpu.memory_space<vmem>>
      %dma_start3A_120 = arith.constant 0 : i32
      %dma_start3A_121 = arith.constant 0 : i32
      %dma_start3A_122 = tpu.memref_slice %arg9[%dma_start3A_120, %dma_start3A_121] : memref<10016x32xf32, #tpu.memory_space<vmem_shared>> -> memref<10016x32xf32, #tpu.memory_space<vmem_shared>>
      tpu.enqueue_indirect_dma source(%dma_start3A_116 : memref<128x32xf32, #tpu.memory_space<vmem>>) target(%dma_start3A_122 : memref<10016x32xf32, #tpu.memory_space<vmem_shared>>) offsets(%dma_start3A_119 : memref<128xi32, #tpu.memory_space<vmem>>) semaphore(%arg10 : memref<!tpu.dma_semaphore, #tpu.memory_space<semaphore_mem>>) {add = true}
      %dma_start3A_123 = arith.constant 10 : i32
      %dma_start3A_124 = arith.constant 1280 : i32
      %dma_start3A_125 = arith.constant 0 : i32
      %dma_start3A_126 = tpu.memref_slice %arg7[%dma_start3A_124, %dma_start3A_125] : memref<2560x32xf32, #tpu.memory_space<vmem>> -> memref<128x32xf32, #tpu.memory_space<vmem>>
      %dma_start3A_127 = arith.constant 0 : i32
      %dma_start3A_128 = tpu.memref_slice %arg6[%dma_start3A_123, %dma_start3A_127] : memref<20x128xi32, #tpu.memory_space<vmem>> -> memref<1x128xi32, #tpu.memory_space<vmem>>
      %dma_start3A_129 = tpu.memref_squeeze %dma_start3A_128 : memref<1x128xi32, #tpu.memory_space<vmem>> -> memref<128xi32, #tpu.memory_space<vmem>>
      %dma_start3A_130 = arith.constant 0 : i32
      %dma_start3A_131 = arith.constant 0 : i32
      %dma_start3A_132 = tpu.memref_slice %arg9[%dma_start3A_130, %dma_start3A_131] : memref<10016x32xf32, #tpu.memory_space<vmem_shared>> -> memref<10016x32xf32, #tpu.memory_space<vmem_shared>>
      tpu.enqueue_indirect_dma source(%dma_start3A_126 : memref<128x32xf32, #tpu.memory_space<vmem>>) target(%dma_start3A_132 : memref<10016x32xf32, #tpu.memory_space<vmem_shared>>) offsets(%dma_start3A_129 : memref<128xi32, #tpu.memory_space<vmem>>) semaphore(%arg10 : memref<!tpu.dma_semaphore, #tpu.memory_space<semaphore_mem>>) {add = true}
      %dma_start3A_133 = arith.constant 11 : i32
      %dma_start3A_134 = arith.constant 1408 : i32
      %dma_start3A_135 = arith.constant 0 : i32
      %dma_start3A_136 = tpu.memref_slice %arg7[%dma_start3A_134, %dma_start3A_135] : memref<2560x32xf32, #tpu.memory_space<vmem>> -> memref<128x32xf32, #tpu.memory_space<vmem>>
      %dma_start3A_137 = arith.constant 0 : i32
      %dma_start3A_138 = tpu.memref_slice %arg6[%dma_start3A_133, %dma_start3A_137] : memref<20x128xi32, #tpu.memory_space<vmem>> -> memref<1x128xi32, #tpu.memory_space<vmem>>
      %dma_start3A_139 = tpu.memref_squeeze %dma_start3A_138 : memref<1x128xi32, #tpu.memory_space<vmem>> -> memref<128xi32, #tpu.memory_space<vmem>>
      %dma_start3A_140 = arith.constant 0 : i32
      %dma_start3A_141 = arith.constant 0 : i32
      %dma_start3A_142 = tpu.memref_slice %arg9[%dma_start3A_140, %dma_start3A_141] : memref<10016x32xf32, #tpu.memory_space<vmem_shared>> -> memref<10016x32xf32, #tpu.memory_space<vmem_shared>>
      tpu.enqueue_indirect_dma source(%dma_start3A_136 : memref<128x32xf32, #tpu.memory_space<vmem>>) target(%dma_start3A_142 : memref<10016x32xf32, #tpu.memory_space<vmem_shared>>) offsets(%dma_start3A_139 : memref<128xi32, #tpu.memory_space<vmem>>) semaphore(%arg10 : memref<!tpu.dma_semaphore, #tpu.memory_space<semaphore_mem>>) {add = true}
      %dma_start3A_143 = arith.constant 12 : i32
      %dma_start3A_144 = arith.constant 1536 : i32
      %dma_start3A_145 = arith.constant 0 : i32
      %dma_start3A_146 = tpu.memref_slice %arg7[%dma_start3A_144, %dma_start3A_145] : memref<2560x32xf32, #tpu.memory_space<vmem>> -> memref<128x32xf32, #tpu.memory_space<vmem>>
      %dma_start3A_147 = arith.constant 0 : i32
      %dma_start3A_148 = tpu.memref_slice %arg6[%dma_start3A_143, %dma_start3A_147] : memref<20x128xi32, #tpu.memory_space<vmem>> -> memref<1x128xi32, #tpu.memory_space<vmem>>
      %dma_start3A_149 = tpu.memref_squeeze %dma_start3A_148 : memref<1x128xi32, #tpu.memory_space<vmem>> -> memref<128xi32, #tpu.memory_space<vmem>>
      %dma_start3A_150 = arith.constant 0 : i32
      %dma_start3A_151 = arith.constant 0 : i32
      %dma_start3A_152 = tpu.memref_slice %arg9[%dma_start3A_150, %dma_start3A_151] : memref<10016x32xf32, #tpu.memory_space<vmem_shared>> -> memref<10016x32xf32, #tpu.memory_space<vmem_shared>>
      tpu.enqueue_indirect_dma source(%dma_start3A_146 : memref<128x32xf32, #tpu.memory_space<vmem>>) target(%dma_start3A_152 : memref<10016x32xf32, #tpu.memory_space<vmem_shared>>) offsets(%dma_start3A_149 : memref<128xi32, #tpu.memory_space<vmem>>) semaphore(%arg10 : memref<!tpu.dma_semaphore, #tpu.memory_space<semaphore_mem>>) {add = true}
      %dma_start3A_153 = arith.constant 13 : i32
      %dma_start3A_154 = arith.constant 1664 : i32
      %dma_start3A_155 = arith.constant 0 : i32
      %dma_start3A_156 = tpu.memref_slice %arg7[%dma_start3A_154, %dma_start3A_155] : memref<2560x32xf32, #tpu.memory_space<vmem>> -> memref<128x32xf32, #tpu.memory_space<vmem>>
      %dma_start3A_157 = arith.constant 0 : i32
      %dma_start3A_158 = tpu.memref_slice %arg6[%dma_start3A_153, %dma_start3A_157] : memref<20x128xi32, #tpu.memory_space<vmem>> -> memref<1x128xi32, #tpu.memory_space<vmem>>
      %dma_start3A_159 = tpu.memref_squeeze %dma_start3A_158 : memref<1x128xi32, #tpu.memory_space<vmem>> -> memref<128xi32, #tpu.memory_space<vmem>>
      %dma_start3A_160 = arith.constant 0 : i32
      %dma_start3A_161 = arith.constant 0 : i32
      %dma_start3A_162 = tpu.memref_slice %arg9[%dma_start3A_160, %dma_start3A_161] : memref<10016x32xf32, #tpu.memory_space<vmem_shared>> -> memref<10016x32xf32, #tpu.memory_space<vmem_shared>>
      tpu.enqueue_indirect_dma source(%dma_start3A_156 : memref<128x32xf32, #tpu.memory_space<vmem>>) target(%dma_start3A_162 : memref<10016x32xf32, #tpu.memory_space<vmem_shared>>) offsets(%dma_start3A_159 : memref<128xi32, #tpu.memory_space<vmem>>) semaphore(%arg10 : memref<!tpu.dma_semaphore, #tpu.memory_space<semaphore_mem>>) {add = true}
      %dma_start3A_163 = arith.constant 14 : i32
      %dma_start3A_164 = arith.constant 1792 : i32
      %dma_start3A_165 = arith.constant 0 : i32
      %dma_start3A_166 = tpu.memref_slice %arg7[%dma_start3A_164, %dma_start3A_165] : memref<2560x32xf32, #tpu.memory_space<vmem>> -> memref<128x32xf32, #tpu.memory_space<vmem>>
      %dma_start3A_167 = arith.constant 0 : i32
      %dma_start3A_168 = tpu.memref_slice %arg6[%dma_start3A_163, %dma_start3A_167] : memref<20x128xi32, #tpu.memory_space<vmem>> -> memref<1x128xi32, #tpu.memory_space<vmem>>
      %dma_start3A_169 = tpu.memref_squeeze %dma_start3A_168 : memref<1x128xi32, #tpu.memory_space<vmem>> -> memref<128xi32, #tpu.memory_space<vmem>>
      %dma_start3A_170 = arith.constant 0 : i32
      %dma_start3A_171 = arith.constant 0 : i32
      %dma_start3A_172 = tpu.memref_slice %arg9[%dma_start3A_170, %dma_start3A_171] : memref<10016x32xf32, #tpu.memory_space<vmem_shared>> -> memref<10016x32xf32, #tpu.memory_space<vmem_shared>>
      tpu.enqueue_indirect_dma source(%dma_start3A_166 : memref<128x32xf32, #tpu.memory_space<vmem>>) target(%dma_start3A_172 : memref<10016x32xf32, #tpu.memory_space<vmem_shared>>) offsets(%dma_start3A_169 : memref<128xi32, #tpu.memory_space<vmem>>) semaphore(%arg10 : memref<!tpu.dma_semaphore, #tpu.memory_space<semaphore_mem>>) {add = true}
      %dma_start3A_173 = arith.constant 15 : i32
      %dma_start3A_174 = arith.constant 1920 : i32
      %dma_start3A_175 = arith.constant 0 : i32
      %dma_start3A_176 = tpu.memref_slice %arg7[%dma_start3A_174, %dma_start3A_175] : memref<2560x32xf32, #tpu.memory_space<vmem>> -> memref<128x32xf32, #tpu.memory_space<vmem>>
      %dma_start3A_177 = arith.constant 0 : i32
      %dma_start3A_178 = tpu.memref_slice %arg6[%dma_start3A_173, %dma_start3A_177] : memref<20x128xi32, #tpu.memory_space<vmem>> -> memref<1x128xi32, #tpu.memory_space<vmem>>
      %dma_start3A_179 = tpu.memref_squeeze %dma_start3A_178 : memref<1x128xi32, #tpu.memory_space<vmem>> -> memref<128xi32, #tpu.memory_space<vmem>>
      %dma_start3A_180 = arith.constant 0 : i32
      %dma_start3A_181 = arith.constant 0 : i32
      %dma_start3A_182 = tpu.memref_slice %arg9[%dma_start3A_180, %dma_start3A_181] : memref<10016x32xf32, #tpu.memory_space<vmem_shared>> -> memref<10016x32xf32, #tpu.memory_space<vmem_shared>>
      tpu.enqueue_indirect_dma source(%dma_start3A_176 : memref<128x32xf32, #tpu.memory_space<vmem>>) target(%dma_start3A_182 : memref<10016x32xf32, #tpu.memory_space<vmem_shared>>) offsets(%dma_start3A_179 : memref<128xi32, #tpu.memory_space<vmem>>) semaphore(%arg10 : memref<!tpu.dma_semaphore, #tpu.memory_space<semaphore_mem>>) {add = true}
      %dma_start3A_183 = arith.constant 16 : i32
      %dma_start3A_184 = arith.constant 2048 : i32
      %dma_start3A_185 = arith.constant 0 : i32
      %dma_start3A_186 = tpu.memref_slice %arg7[%dma_start3A_184, %dma_start3A_185] : memref<2560x32xf32, #tpu.memory_space<vmem>> -> memref<128x32xf32, #tpu.memory_space<vmem>>
      %dma_start3A_187 = arith.constant 0 : i32
      %dma_start3A_188 = tpu.memref_slice %arg6[%dma_start3A_183, %dma_start3A_187] : memref<20x128xi32, #tpu.memory_space<vmem>> -> memref<1x128xi32, #tpu.memory_space<vmem>>
      %dma_start3A_189 = tpu.memref_squeeze %dma_start3A_188 : memref<1x128xi32, #tpu.memory_space<vmem>> -> memref<128xi32, #tpu.memory_space<vmem>>
      %dma_start3A_190 = arith.constant 0 : i32
      %dma_start3A_191 = arith.constant 0 : i32
      %dma_start3A_192 = tpu.memref_slice %arg9[%dma_start3A_190, %dma_start3A_191] : memref<10016x32xf32, #tpu.memory_space<vmem_shared>> -> memref<10016x32xf32, #tpu.memory_space<vmem_shared>>
      tpu.enqueue_indirect_dma source(%dma_start3A_186 : memref<128x32xf32, #tpu.memory_space<vmem>>) target(%dma_start3A_192 : memref<10016x32xf32, #tpu.memory_space<vmem_shared>>) offsets(%dma_start3A_189 : memref<128xi32, #tpu.memory_space<vmem>>) semaphore(%arg10 : memref<!tpu.dma_semaphore, #tpu.memory_space<semaphore_mem>>) {add = true}
      %dma_start3A_193 = arith.constant 17 : i32
      %dma_start3A_194 = arith.constant 2176 : i32
      %dma_start3A_195 = arith.constant 0 : i32
      %dma_start3A_196 = tpu.memref_slice %arg7[%dma_start3A_194, %dma_start3A_195] : memref<2560x32xf32, #tpu.memory_space<vmem>> -> memref<128x32xf32, #tpu.memory_space<vmem>>
      %dma_start3A_197 = arith.constant 0 : i32
      %dma_start3A_198 = tpu.memref_slice %arg6[%dma_start3A_193, %dma_start3A_197] : memref<20x128xi32, #tpu.memory_space<vmem>> -> memref<1x128xi32, #tpu.memory_space<vmem>>
      %dma_start3A_199 = tpu.memref_squeeze %dma_start3A_198 : memref<1x128xi32, #tpu.memory_space<vmem>> -> memref<128xi32, #tpu.memory_space<vmem>>
      %dma_start3A_200 = arith.constant 0 : i32
      %dma_start3A_201 = arith.constant 0 : i32
      %dma_start3A_202 = tpu.memref_slice %arg9[%dma_start3A_200, %dma_start3A_201] : memref<10016x32xf32, #tpu.memory_space<vmem_shared>> -> memref<10016x32xf32, #tpu.memory_space<vmem_shared>>
      tpu.enqueue_indirect_dma source(%dma_start3A_196 : memref<128x32xf32, #tpu.memory_space<vmem>>) target(%dma_start3A_202 : memref<10016x32xf32, #tpu.memory_space<vmem_shared>>) offsets(%dma_start3A_199 : memref<128xi32, #tpu.memory_space<vmem>>) semaphore(%arg10 : memref<!tpu.dma_semaphore, #tpu.memory_space<semaphore_mem>>) {add = true}
      %dma_start3A_203 = arith.constant 18 : i32
      %dma_start3A_204 = arith.constant 2304 : i32
      %dma_start3A_205 = arith.constant 0 : i32
      %dma_start3A_206 = tpu.memref_slice %arg7[%dma_start3A_204, %dma_start3A_205] : memref<2560x32xf32, #tpu.memory_space<vmem>> -> memref<128x32xf32, #tpu.memory_space<vmem>>
      %dma_start3A_207 = arith.constant 0 : i32
      %dma_start3A_208 = tpu.memref_slice %arg6[%dma_start3A_203, %dma_start3A_207] : memref<20x128xi32, #tpu.memory_space<vmem>> -> memref<1x128xi32, #tpu.memory_space<vmem>>
      %dma_start3A_209 = tpu.memref_squeeze %dma_start3A_208 : memref<1x128xi32, #tpu.memory_space<vmem>> -> memref<128xi32, #tpu.memory_space<vmem>>
      %dma_start3A_210 = arith.constant 0 : i32
      %dma_start3A_211 = arith.constant 0 : i32
      %dma_start3A_212 = tpu.memref_slice %arg9[%dma_start3A_210, %dma_start3A_211] : memref<10016x32xf32, #tpu.memory_space<vmem_shared>> -> memref<10016x32xf32, #tpu.memory_space<vmem_shared>>
      tpu.enqueue_indirect_dma source(%dma_start3A_206 : memref<128x32xf32, #tpu.memory_space<vmem>>) target(%dma_start3A_212 : memref<10016x32xf32, #tpu.memory_space<vmem_shared>>) offsets(%dma_start3A_209 : memref<128xi32, #tpu.memory_space<vmem>>) semaphore(%arg10 : memref<!tpu.dma_semaphore, #tpu.memory_space<semaphore_mem>>) {add = true}
      %dma_start3A_213 = arith.constant 19 : i32
      %dma_start3A_214 = arith.constant 2432 : i32
      %dma_start3A_215 = arith.constant 0 : i32
      %dma_start3A_216 = tpu.memref_slice %arg7[%dma_start3A_214, %dma_start3A_215] : memref<2560x32xf32, #tpu.memory_space<vmem>> -> memref<128x32xf32, #tpu.memory_space<vmem>>
      %dma_start3A_217 = arith.constant 0 : i32
      %dma_start3A_218 = tpu.memref_slice %arg6[%dma_start3A_213, %dma_start3A_217] : memref<20x128xi32, #tpu.memory_space<vmem>> -> memref<1x128xi32, #tpu.memory_space<vmem>>
      %dma_start3A_219 = tpu.memref_squeeze %dma_start3A_218 : memref<1x128xi32, #tpu.memory_space<vmem>> -> memref<128xi32, #tpu.memory_space<vmem>>
      %dma_start3A_220 = arith.constant 0 : i32
      %dma_start3A_221 = arith.constant 0 : i32
      %dma_start3A_222 = tpu.memref_slice %arg9[%dma_start3A_220, %dma_start3A_221] : memref<10016x32xf32, #tpu.memory_space<vmem_shared>> -> memref<10016x32xf32, #tpu.memory_space<vmem_shared>>
      tpu.enqueue_indirect_dma source(%dma_start3A_216 : memref<128x32xf32, #tpu.memory_space<vmem>>) target(%dma_start3A_222 : memref<10016x32xf32, #tpu.memory_space<vmem_shared>>) offsets(%dma_start3A_219 : memref<128xi32, #tpu.memory_space<vmem>>) semaphore(%arg10 : memref<!tpu.dma_semaphore, #tpu.memory_space<semaphore_mem>>) {add = true}
      %dma_wait3A = arith.constant 0 : i32
      %dma_wait3A_223 = arith.constant 0 : i32
      %dma_wait3A_224 = arith.constant 0 : i32
      %dma_wait3A_225 = tpu.memref_slice %arg7[%dma_wait3A_223, %dma_wait3A_224] : memref<2560x32xf32, #tpu.memory_space<vmem>> -> memref<128x32xf32, #tpu.memory_space<vmem>>
      %dma_wait3A_226 = arith.constant 0 : i32
      %dma_wait3A_227 = tpu.memref_slice %arg6[%dma_wait3A, %dma_wait3A_226] : memref<20x128xi32, #tpu.memory_space<vmem>> -> memref<1x128xi32, #tpu.memory_space<vmem>>
      %dma_wait3A_228 = tpu.memref_squeeze %dma_wait3A_227 : memref<1x128xi32, #tpu.memory_space<vmem>> -> memref<128xi32, #tpu.memory_space<vmem>>
      %dma_wait3A_229 = arith.constant 0 : i32
      %dma_wait3A_230 = arith.constant 0 : i32
      %dma_wait3A_231 = tpu.memref_slice %arg9[%dma_wait3A_229, %dma_wait3A_230] : memref<10016x32xf32, #tpu.memory_space<vmem_shared>> -> memref<10016x32xf32, #tpu.memory_space<vmem_shared>>
      tpu.wait_indirect_dma semaphore(%arg10 : memref<!tpu.dma_semaphore, #tpu.memory_space<semaphore_mem>>) src(%dma_wait3A_225 : memref<128x32xf32, #tpu.memory_space<vmem>>) dst(%dma_wait3A_231 : memref<10016x32xf32, #tpu.memory_space<vmem_shared>>)
      %dma_wait3A_232 = arith.constant 1 : i32
      %dma_wait3A_233 = arith.constant 128 : i32
      %dma_wait3A_234 = arith.constant 0 : i32
      %dma_wait3A_235 = tpu.memref_slice %arg7[%dma_wait3A_233, %dma_wait3A_234] : memref<2560x32xf32, #tpu.memory_space<vmem>> -> memref<128x32xf32, #tpu.memory_space<vmem>>
      %dma_wait3A_236 = arith.constant 0 : i32
      %dma_wait3A_237 = tpu.memref_slice %arg6[%dma_wait3A_232, %dma_wait3A_236] : memref<20x128xi32, #tpu.memory_space<vmem>> -> memref<1x128xi32, #tpu.memory_space<vmem>>
      %dma_wait3A_238 = tpu.memref_squeeze %dma_wait3A_237 : memref<1x128xi32, #tpu.memory_space<vmem>> -> memref<128xi32, #tpu.memory_space<vmem>>
      %dma_wait3A_239 = arith.constant 0 : i32
      %dma_wait3A_240 = arith.constant 0 : i32
      %dma_wait3A_241 = tpu.memref_slice %arg9[%dma_wait3A_239, %dma_wait3A_240] : memref<10016x32xf32, #tpu.memory_space<vmem_shared>> -> memref<10016x32xf32, #tpu.memory_space<vmem_shared>>
      tpu.wait_indirect_dma semaphore(%arg10 : memref<!tpu.dma_semaphore, #tpu.memory_space<semaphore_mem>>) src(%dma_wait3A_235 : memref<128x32xf32, #tpu.memory_space<vmem>>) dst(%dma_wait3A_241 : memref<10016x32xf32, #tpu.memory_space<vmem_shared>>)
      %dma_wait3A_242 = arith.constant 2 : i32
      %dma_wait3A_243 = arith.constant 256 : i32
      %dma_wait3A_244 = arith.constant 0 : i32
      %dma_wait3A_245 = tpu.memref_slice %arg7[%dma_wait3A_243, %dma_wait3A_244] : memref<2560x32xf32, #tpu.memory_space<vmem>> -> memref<128x32xf32, #tpu.memory_space<vmem>>
      %dma_wait3A_246 = arith.constant 0 : i32
      %dma_wait3A_247 = tpu.memref_slice %arg6[%dma_wait3A_242, %dma_wait3A_246] : memref<20x128xi32, #tpu.memory_space<vmem>> -> memref<1x128xi32, #tpu.memory_space<vmem>>
      %dma_wait3A_248 = tpu.memref_squeeze %dma_wait3A_247 : memref<1x128xi32, #tpu.memory_space<vmem>> -> memref<128xi32, #tpu.memory_space<vmem>>
      %dma_wait3A_249 = arith.constant 0 : i32
      %dma_wait3A_250 = arith.constant 0 : i32
      %dma_wait3A_251 = tpu.memref_slice %arg9[%dma_wait3A_249, %dma_wait3A_250] : memref<10016x32xf32, #tpu.memory_space<vmem_shared>> -> memref<10016x32xf32, #tpu.memory_space<vmem_shared>>
      tpu.wait_indirect_dma semaphore(%arg10 : memref<!tpu.dma_semaphore, #tpu.memory_space<semaphore_mem>>) src(%dma_wait3A_245 : memref<128x32xf32, #tpu.memory_space<vmem>>) dst(%dma_wait3A_251 : memref<10016x32xf32, #tpu.memory_space<vmem_shared>>)
      %dma_wait3A_252 = arith.constant 3 : i32
      %dma_wait3A_253 = arith.constant 384 : i32
      %dma_wait3A_254 = arith.constant 0 : i32
      %dma_wait3A_255 = tpu.memref_slice %arg7[%dma_wait3A_253, %dma_wait3A_254] : memref<2560x32xf32, #tpu.memory_space<vmem>> -> memref<128x32xf32, #tpu.memory_space<vmem>>
      %dma_wait3A_256 = arith.constant 0 : i32
      %dma_wait3A_257 = tpu.memref_slice %arg6[%dma_wait3A_252, %dma_wait3A_256] : memref<20x128xi32, #tpu.memory_space<vmem>> -> memref<1x128xi32, #tpu.memory_space<vmem>>
      %dma_wait3A_258 = tpu.memref_squeeze %dma_wait3A_257 : memref<1x128xi32, #tpu.memory_space<vmem>> -> memref<128xi32, #tpu.memory_space<vmem>>
      %dma_wait3A_259 = arith.constant 0 : i32
      %dma_wait3A_260 = arith.constant 0 : i32
      %dma_wait3A_261 = tpu.memref_slice %arg9[%dma_wait3A_259, %dma_wait3A_260] : memref<10016x32xf32, #tpu.memory_space<vmem_shared>> -> memref<10016x32xf32, #tpu.memory_space<vmem_shared>>
      tpu.wait_indirect_dma semaphore(%arg10 : memref<!tpu.dma_semaphore, #tpu.memory_space<semaphore_mem>>) src(%dma_wait3A_255 : memref<128x32xf32, #tpu.memory_space<vmem>>) dst(%dma_wait3A_261 : memref<10016x32xf32, #tpu.memory_space<vmem_shared>>)
      %dma_wait3A_262 = arith.constant 4 : i32
      %dma_wait3A_263 = arith.constant 512 : i32
      %dma_wait3A_264 = arith.constant 0 : i32
      %dma_wait3A_265 = tpu.memref_slice %arg7[%dma_wait3A_263, %dma_wait3A_264] : memref<2560x32xf32, #tpu.memory_space<vmem>> -> memref<128x32xf32, #tpu.memory_space<vmem>>
      %dma_wait3A_266 = arith.constant 0 : i32
      %dma_wait3A_267 = tpu.memref_slice %arg6[%dma_wait3A_262, %dma_wait3A_266] : memref<20x128xi32, #tpu.memory_space<vmem>> -> memref<1x128xi32, #tpu.memory_space<vmem>>
      %dma_wait3A_268 = tpu.memref_squeeze %dma_wait3A_267 : memref<1x128xi32, #tpu.memory_space<vmem>> -> memref<128xi32, #tpu.memory_space<vmem>>
      %dma_wait3A_269 = arith.constant 0 : i32
      %dma_wait3A_270 = arith.constant 0 : i32
      %dma_wait3A_271 = tpu.memref_slice %arg9[%dma_wait3A_269, %dma_wait3A_270] : memref<10016x32xf32, #tpu.memory_space<vmem_shared>> -> memref<10016x32xf32, #tpu.memory_space<vmem_shared>>
      tpu.wait_indirect_dma semaphore(%arg10 : memref<!tpu.dma_semaphore, #tpu.memory_space<semaphore_mem>>) src(%dma_wait3A_265 : memref<128x32xf32, #tpu.memory_space<vmem>>) dst(%dma_wait3A_271 : memref<10016x32xf32, #tpu.memory_space<vmem_shared>>)
      %dma_wait3A_272 = arith.constant 5 : i32
      %dma_wait3A_273 = arith.constant 640 : i32
      %dma_wait3A_274 = arith.constant 0 : i32
      %dma_wait3A_275 = tpu.memref_slice %arg7[%dma_wait3A_273, %dma_wait3A_274] : memref<2560x32xf32, #tpu.memory_space<vmem>> -> memref<128x32xf32, #tpu.memory_space<vmem>>
      %dma_wait3A_276 = arith.constant 0 : i32
      %dma_wait3A_277 = tpu.memref_slice %arg6[%dma_wait3A_272, %dma_wait3A_276] : memref<20x128xi32, #tpu.memory_space<vmem>> -> memref<1x128xi32, #tpu.memory_space<vmem>>
      %dma_wait3A_278 = tpu.memref_squeeze %dma_wait3A_277 : memref<1x128xi32, #tpu.memory_space<vmem>> -> memref<128xi32, #tpu.memory_space<vmem>>
      %dma_wait3A_279 = arith.constant 0 : i32
      %dma_wait3A_280 = arith.constant 0 : i32
      %dma_wait3A_281 = tpu.memref_slice %arg9[%dma_wait3A_279, %dma_wait3A_280] : memref<10016x32xf32, #tpu.memory_space<vmem_shared>> -> memref<10016x32xf32, #tpu.memory_space<vmem_shared>>
      tpu.wait_indirect_dma semaphore(%arg10 : memref<!tpu.dma_semaphore, #tpu.memory_space<semaphore_mem>>) src(%dma_wait3A_275 : memref<128x32xf32, #tpu.memory_space<vmem>>) dst(%dma_wait3A_281 : memref<10016x32xf32, #tpu.memory_space<vmem_shared>>)
      %dma_wait3A_282 = arith.constant 6 : i32
      %dma_wait3A_283 = arith.constant 768 : i32
      %dma_wait3A_284 = arith.constant 0 : i32
      %dma_wait3A_285 = tpu.memref_slice %arg7[%dma_wait3A_283, %dma_wait3A_284] : memref<2560x32xf32, #tpu.memory_space<vmem>> -> memref<128x32xf32, #tpu.memory_space<vmem>>
      %dma_wait3A_286 = arith.constant 0 : i32
      %dma_wait3A_287 = tpu.memref_slice %arg6[%dma_wait3A_282, %dma_wait3A_286] : memref<20x128xi32, #tpu.memory_space<vmem>> -> memref<1x128xi32, #tpu.memory_space<vmem>>
      %dma_wait3A_288 = tpu.memref_squeeze %dma_wait3A_287 : memref<1x128xi32, #tpu.memory_space<vmem>> -> memref<128xi32, #tpu.memory_space<vmem>>
      %dma_wait3A_289 = arith.constant 0 : i32
      %dma_wait3A_290 = arith.constant 0 : i32
      %dma_wait3A_291 = tpu.memref_slice %arg9[%dma_wait3A_289, %dma_wait3A_290] : memref<10016x32xf32, #tpu.memory_space<vmem_shared>> -> memref<10016x32xf32, #tpu.memory_space<vmem_shared>>
      tpu.wait_indirect_dma semaphore(%arg10 : memref<!tpu.dma_semaphore, #tpu.memory_space<semaphore_mem>>) src(%dma_wait3A_285 : memref<128x32xf32, #tpu.memory_space<vmem>>) dst(%dma_wait3A_291 : memref<10016x32xf32, #tpu.memory_space<vmem_shared>>)
      %dma_wait3A_292 = arith.constant 7 : i32
      %dma_wait3A_293 = arith.constant 896 : i32
      %dma_wait3A_294 = arith.constant 0 : i32
      %dma_wait3A_295 = tpu.memref_slice %arg7[%dma_wait3A_293, %dma_wait3A_294] : memref<2560x32xf32, #tpu.memory_space<vmem>> -> memref<128x32xf32, #tpu.memory_space<vmem>>
      %dma_wait3A_296 = arith.constant 0 : i32
      %dma_wait3A_297 = tpu.memref_slice %arg6[%dma_wait3A_292, %dma_wait3A_296] : memref<20x128xi32, #tpu.memory_space<vmem>> -> memref<1x128xi32, #tpu.memory_space<vmem>>
      %dma_wait3A_298 = tpu.memref_squeeze %dma_wait3A_297 : memref<1x128xi32, #tpu.memory_space<vmem>> -> memref<128xi32, #tpu.memory_space<vmem>>
      %dma_wait3A_299 = arith.constant 0 : i32
      %dma_wait3A_300 = arith.constant 0 : i32
      %dma_wait3A_301 = tpu.memref_slice %arg9[%dma_wait3A_299, %dma_wait3A_300] : memref<10016x32xf32, #tpu.memory_space<vmem_shared>> -> memref<10016x32xf32, #tpu.memory_space<vmem_shared>>
      tpu.wait_indirect_dma semaphore(%arg10 : memref<!tpu.dma_semaphore, #tpu.memory_space<semaphore_mem>>) src(%dma_wait3A_295 : memref<128x32xf32, #tpu.memory_space<vmem>>) dst(%dma_wait3A_301 : memref<10016x32xf32, #tpu.memory_space<vmem_shared>>)
      %dma_wait3A_302 = arith.constant 8 : i32
      %dma_wait3A_303 = arith.constant 1024 : i32
      %dma_wait3A_304 = arith.constant 0 : i32
      %dma_wait3A_305 = tpu.memref_slice %arg7[%dma_wait3A_303, %dma_wait3A_304] : memref<2560x32xf32, #tpu.memory_space<vmem>> -> memref<128x32xf32, #tpu.memory_space<vmem>>
      %dma_wait3A_306 = arith.constant 0 : i32
      %dma_wait3A_307 = tpu.memref_slice %arg6[%dma_wait3A_302, %dma_wait3A_306] : memref<20x128xi32, #tpu.memory_space<vmem>> -> memref<1x128xi32, #tpu.memory_space<vmem>>
      %dma_wait3A_308 = tpu.memref_squeeze %dma_wait3A_307 : memref<1x128xi32, #tpu.memory_space<vmem>> -> memref<128xi32, #tpu.memory_space<vmem>>
      %dma_wait3A_309 = arith.constant 0 : i32
      %dma_wait3A_310 = arith.constant 0 : i32
      %dma_wait3A_311 = tpu.memref_slice %arg9[%dma_wait3A_309, %dma_wait3A_310] : memref<10016x32xf32, #tpu.memory_space<vmem_shared>> -> memref<10016x32xf32, #tpu.memory_space<vmem_shared>>
      tpu.wait_indirect_dma semaphore(%arg10 : memref<!tpu.dma_semaphore, #tpu.memory_space<semaphore_mem>>) src(%dma_wait3A_305 : memref<128x32xf32, #tpu.memory_space<vmem>>) dst(%dma_wait3A_311 : memref<10016x32xf32, #tpu.memory_space<vmem_shared>>)
      %dma_wait3A_312 = arith.constant 9 : i32
      %dma_wait3A_313 = arith.constant 1152 : i32
      %dma_wait3A_314 = arith.constant 0 : i32
      %dma_wait3A_315 = tpu.memref_slice %arg7[%dma_wait3A_313, %dma_wait3A_314] : memref<2560x32xf32, #tpu.memory_space<vmem>> -> memref<128x32xf32, #tpu.memory_space<vmem>>
      %dma_wait3A_316 = arith.constant 0 : i32
      %dma_wait3A_317 = tpu.memref_slice %arg6[%dma_wait3A_312, %dma_wait3A_316] : memref<20x128xi32, #tpu.memory_space<vmem>> -> memref<1x128xi32, #tpu.memory_space<vmem>>
      %dma_wait3A_318 = tpu.memref_squeeze %dma_wait3A_317 : memref<1x128xi32, #tpu.memory_space<vmem>> -> memref<128xi32, #tpu.memory_space<vmem>>
      %dma_wait3A_319 = arith.constant 0 : i32
      %dma_wait3A_320 = arith.constant 0 : i32
      %dma_wait3A_321 = tpu.memref_slice %arg9[%dma_wait3A_319, %dma_wait3A_320] : memref<10016x32xf32, #tpu.memory_space<vmem_shared>> -> memref<10016x32xf32, #tpu.memory_space<vmem_shared>>
      tpu.wait_indirect_dma semaphore(%arg10 : memref<!tpu.dma_semaphore, #tpu.memory_space<semaphore_mem>>) src(%dma_wait3A_315 : memref<128x32xf32, #tpu.memory_space<vmem>>) dst(%dma_wait3A_321 : memref<10016x32xf32, #tpu.memory_space<vmem_shared>>)
      %dma_wait3A_322 = arith.constant 10 : i32
      %dma_wait3A_323 = arith.constant 1280 : i32
      %dma_wait3A_324 = arith.constant 0 : i32
      %dma_wait3A_325 = tpu.memref_slice %arg7[%dma_wait3A_323, %dma_wait3A_324] : memref<2560x32xf32, #tpu.memory_space<vmem>> -> memref<128x32xf32, #tpu.memory_space<vmem>>
      %dma_wait3A_326 = arith.constant 0 : i32
      %dma_wait3A_327 = tpu.memref_slice %arg6[%dma_wait3A_322, %dma_wait3A_326] : memref<20x128xi32, #tpu.memory_space<vmem>> -> memref<1x128xi32, #tpu.memory_space<vmem>>
      %dma_wait3A_328 = tpu.memref_squeeze %dma_wait3A_327 : memref<1x128xi32, #tpu.memory_space<vmem>> -> memref<128xi32, #tpu.memory_space<vmem>>
      %dma_wait3A_329 = arith.constant 0 : i32
      %dma_wait3A_330 = arith.constant 0 : i32
      %dma_wait3A_331 = tpu.memref_slice %arg9[%dma_wait3A_329, %dma_wait3A_330] : memref<10016x32xf32, #tpu.memory_space<vmem_shared>> -> memref<10016x32xf32, #tpu.memory_space<vmem_shared>>
      tpu.wait_indirect_dma semaphore(%arg10 : memref<!tpu.dma_semaphore, #tpu.memory_space<semaphore_mem>>) src(%dma_wait3A_325 : memref<128x32xf32, #tpu.memory_space<vmem>>) dst(%dma_wait3A_331 : memref<10016x32xf32, #tpu.memory_space<vmem_shared>>)
      %dma_wait3A_332 = arith.constant 11 : i32
      %dma_wait3A_333 = arith.constant 1408 : i32
      %dma_wait3A_334 = arith.constant 0 : i32
      %dma_wait3A_335 = tpu.memref_slice %arg7[%dma_wait3A_333, %dma_wait3A_334] : memref<2560x32xf32, #tpu.memory_space<vmem>> -> memref<128x32xf32, #tpu.memory_space<vmem>>
      %dma_wait3A_336 = arith.constant 0 : i32
      %dma_wait3A_337 = tpu.memref_slice %arg6[%dma_wait3A_332, %dma_wait3A_336] : memref<20x128xi32, #tpu.memory_space<vmem>> -> memref<1x128xi32, #tpu.memory_space<vmem>>
      %dma_wait3A_338 = tpu.memref_squeeze %dma_wait3A_337 : memref<1x128xi32, #tpu.memory_space<vmem>> -> memref<128xi32, #tpu.memory_space<vmem>>
      %dma_wait3A_339 = arith.constant 0 : i32
      %dma_wait3A_340 = arith.constant 0 : i32
      %dma_wait3A_341 = tpu.memref_slice %arg9[%dma_wait3A_339, %dma_wait3A_340] : memref<10016x32xf32, #tpu.memory_space<vmem_shared>> -> memref<10016x32xf32, #tpu.memory_space<vmem_shared>>
      tpu.wait_indirect_dma semaphore(%arg10 : memref<!tpu.dma_semaphore, #tpu.memory_space<semaphore_mem>>) src(%dma_wait3A_335 : memref<128x32xf32, #tpu.memory_space<vmem>>) dst(%dma_wait3A_341 : memref<10016x32xf32, #tpu.memory_space<vmem_shared>>)
      %dma_wait3A_342 = arith.constant 12 : i32
      %dma_wait3A_343 = arith.constant 1536 : i32
      %dma_wait3A_344 = arith.constant 0 : i32
      %dma_wait3A_345 = tpu.memref_slice %arg7[%dma_wait3A_343, %dma_wait3A_344] : memref<2560x32xf32, #tpu.memory_space<vmem>> -> memref<128x32xf32, #tpu.memory_space<vmem>>
      %dma_wait3A_346 = arith.constant 0 : i32
      %dma_wait3A_347 = tpu.memref_slice %arg6[%dma_wait3A_342, %dma_wait3A_346] : memref<20x128xi32, #tpu.memory_space<vmem>> -> memref<1x128xi32, #tpu.memory_space<vmem>>
      %dma_wait3A_348 = tpu.memref_squeeze %dma_wait3A_347 : memref<1x128xi32, #tpu.memory_space<vmem>> -> memref<128xi32, #tpu.memory_space<vmem>>
      %dma_wait3A_349 = arith.constant 0 : i32
      %dma_wait3A_350 = arith.constant 0 : i32
      %dma_wait3A_351 = tpu.memref_slice %arg9[%dma_wait3A_349, %dma_wait3A_350] : memref<10016x32xf32, #tpu.memory_space<vmem_shared>> -> memref<10016x32xf32, #tpu.memory_space<vmem_shared>>
      tpu.wait_indirect_dma semaphore(%arg10 : memref<!tpu.dma_semaphore, #tpu.memory_space<semaphore_mem>>) src(%dma_wait3A_345 : memref<128x32xf32, #tpu.memory_space<vmem>>) dst(%dma_wait3A_351 : memref<10016x32xf32, #tpu.memory_space<vmem_shared>>)
      %dma_wait3A_352 = arith.constant 13 : i32
      %dma_wait3A_353 = arith.constant 1664 : i32
      %dma_wait3A_354 = arith.constant 0 : i32
      %dma_wait3A_355 = tpu.memref_slice %arg7[%dma_wait3A_353, %dma_wait3A_354] : memref<2560x32xf32, #tpu.memory_space<vmem>> -> memref<128x32xf32, #tpu.memory_space<vmem>>
      %dma_wait3A_356 = arith.constant 0 : i32
      %dma_wait3A_357 = tpu.memref_slice %arg6[%dma_wait3A_352, %dma_wait3A_356] : memref<20x128xi32, #tpu.memory_space<vmem>> -> memref<1x128xi32, #tpu.memory_space<vmem>>
      %dma_wait3A_358 = tpu.memref_squeeze %dma_wait3A_357 : memref<1x128xi32, #tpu.memory_space<vmem>> -> memref<128xi32, #tpu.memory_space<vmem>>
      %dma_wait3A_359 = arith.constant 0 : i32
      %dma_wait3A_360 = arith.constant 0 : i32
      %dma_wait3A_361 = tpu.memref_slice %arg9[%dma_wait3A_359, %dma_wait3A_360] : memref<10016x32xf32, #tpu.memory_space<vmem_shared>> -> memref<10016x32xf32, #tpu.memory_space<vmem_shared>>
      tpu.wait_indirect_dma semaphore(%arg10 : memref<!tpu.dma_semaphore, #tpu.memory_space<semaphore_mem>>) src(%dma_wait3A_355 : memref<128x32xf32, #tpu.memory_space<vmem>>) dst(%dma_wait3A_361 : memref<10016x32xf32, #tpu.memory_space<vmem_shared>>)
      %dma_wait3A_362 = arith.constant 14 : i32
      %dma_wait3A_363 = arith.constant 1792 : i32
      %dma_wait3A_364 = arith.constant 0 : i32
      %dma_wait3A_365 = tpu.memref_slice %arg7[%dma_wait3A_363, %dma_wait3A_364] : memref<2560x32xf32, #tpu.memory_space<vmem>> -> memref<128x32xf32, #tpu.memory_space<vmem>>
      %dma_wait3A_366 = arith.constant 0 : i32
      %dma_wait3A_367 = tpu.memref_slice %arg6[%dma_wait3A_362, %dma_wait3A_366] : memref<20x128xi32, #tpu.memory_space<vmem>> -> memref<1x128xi32, #tpu.memory_space<vmem>>
      %dma_wait3A_368 = tpu.memref_squeeze %dma_wait3A_367 : memref<1x128xi32, #tpu.memory_space<vmem>> -> memref<128xi32, #tpu.memory_space<vmem>>
      %dma_wait3A_369 = arith.constant 0 : i32
      %dma_wait3A_370 = arith.constant 0 : i32
      %dma_wait3A_371 = tpu.memref_slice %arg9[%dma_wait3A_369, %dma_wait3A_370] : memref<10016x32xf32, #tpu.memory_space<vmem_shared>> -> memref<10016x32xf32, #tpu.memory_space<vmem_shared>>
      tpu.wait_indirect_dma semaphore(%arg10 : memref<!tpu.dma_semaphore, #tpu.memory_space<semaphore_mem>>) src(%dma_wait3A_365 : memref<128x32xf32, #tpu.memory_space<vmem>>) dst(%dma_wait3A_371 : memref<10016x32xf32, #tpu.memory_space<vmem_shared>>)
      %dma_wait3A_372 = arith.constant 15 : i32
      %dma_wait3A_373 = arith.constant 1920 : i32
      %dma_wait3A_374 = arith.constant 0 : i32
      %dma_wait3A_375 = tpu.memref_slice %arg7[%dma_wait3A_373, %dma_wait3A_374] : memref<2560x32xf32, #tpu.memory_space<vmem>> -> memref<128x32xf32, #tpu.memory_space<vmem>>
      %dma_wait3A_376 = arith.constant 0 : i32
      %dma_wait3A_377 = tpu.memref_slice %arg6[%dma_wait3A_372, %dma_wait3A_376] : memref<20x128xi32, #tpu.memory_space<vmem>> -> memref<1x128xi32, #tpu.memory_space<vmem>>
      %dma_wait3A_378 = tpu.memref_squeeze %dma_wait3A_377 : memref<1x128xi32, #tpu.memory_space<vmem>> -> memref<128xi32, #tpu.memory_space<vmem>>
      %dma_wait3A_379 = arith.constant 0 : i32
      %dma_wait3A_380 = arith.constant 0 : i32
      %dma_wait3A_381 = tpu.memref_slice %arg9[%dma_wait3A_379, %dma_wait3A_380] : memref<10016x32xf32, #tpu.memory_space<vmem_shared>> -> memref<10016x32xf32, #tpu.memory_space<vmem_shared>>
      tpu.wait_indirect_dma semaphore(%arg10 : memref<!tpu.dma_semaphore, #tpu.memory_space<semaphore_mem>>) src(%dma_wait3A_375 : memref<128x32xf32, #tpu.memory_space<vmem>>) dst(%dma_wait3A_381 : memref<10016x32xf32, #tpu.memory_space<vmem_shared>>)
      %dma_wait3A_382 = arith.constant 16 : i32
      %dma_wait3A_383 = arith.constant 2048 : i32
      %dma_wait3A_384 = arith.constant 0 : i32
      %dma_wait3A_385 = tpu.memref_slice %arg7[%dma_wait3A_383, %dma_wait3A_384] : memref<2560x32xf32, #tpu.memory_space<vmem>> -> memref<128x32xf32, #tpu.memory_space<vmem>>
      %dma_wait3A_386 = arith.constant 0 : i32
      %dma_wait3A_387 = tpu.memref_slice %arg6[%dma_wait3A_382, %dma_wait3A_386] : memref<20x128xi32, #tpu.memory_space<vmem>> -> memref<1x128xi32, #tpu.memory_space<vmem>>
      %dma_wait3A_388 = tpu.memref_squeeze %dma_wait3A_387 : memref<1x128xi32, #tpu.memory_space<vmem>> -> memref<128xi32, #tpu.memory_space<vmem>>
      %dma_wait3A_389 = arith.constant 0 : i32
      %dma_wait3A_390 = arith.constant 0 : i32
      %dma_wait3A_391 = tpu.memref_slice %arg9[%dma_wait3A_389, %dma_wait3A_390] : memref<10016x32xf32, #tpu.memory_space<vmem_shared>> -> memref<10016x32xf32, #tpu.memory_space<vmem_shared>>
      tpu.wait_indirect_dma semaphore(%arg10 : memref<!tpu.dma_semaphore, #tpu.memory_space<semaphore_mem>>) src(%dma_wait3A_385 : memref<128x32xf32, #tpu.memory_space<vmem>>) dst(%dma_wait3A_391 : memref<10016x32xf32, #tpu.memory_space<vmem_shared>>)
      %dma_wait3A_392 = arith.constant 17 : i32
      %dma_wait3A_393 = arith.constant 2176 : i32
      %dma_wait3A_394 = arith.constant 0 : i32
      %dma_wait3A_395 = tpu.memref_slice %arg7[%dma_wait3A_393, %dma_wait3A_394] : memref<2560x32xf32, #tpu.memory_space<vmem>> -> memref<128x32xf32, #tpu.memory_space<vmem>>
      %dma_wait3A_396 = arith.constant 0 : i32
      %dma_wait3A_397 = tpu.memref_slice %arg6[%dma_wait3A_392, %dma_wait3A_396] : memref<20x128xi32, #tpu.memory_space<vmem>> -> memref<1x128xi32, #tpu.memory_space<vmem>>
      %dma_wait3A_398 = tpu.memref_squeeze %dma_wait3A_397 : memref<1x128xi32, #tpu.memory_space<vmem>> -> memref<128xi32, #tpu.memory_space<vmem>>
      %dma_wait3A_399 = arith.constant 0 : i32
      %dma_wait3A_400 = arith.constant 0 : i32
      %dma_wait3A_401 = tpu.memref_slice %arg9[%dma_wait3A_399, %dma_wait3A_400] : memref<10016x32xf32, #tpu.memory_space<vmem_shared>> -> memref<10016x32xf32, #tpu.memory_space<vmem_shared>>
      tpu.wait_indirect_dma semaphore(%arg10 : memref<!tpu.dma_semaphore, #tpu.memory_space<semaphore_mem>>) src(%dma_wait3A_395 : memref<128x32xf32, #tpu.memory_space<vmem>>) dst(%dma_wait3A_401 : memref<10016x32xf32, #tpu.memory_space<vmem_shared>>)
      %dma_wait3A_402 = arith.constant 18 : i32
      %dma_wait3A_403 = arith.constant 2304 : i32
      %dma_wait3A_404 = arith.constant 0 : i32
      %dma_wait3A_405 = tpu.memref_slice %arg7[%dma_wait3A_403, %dma_wait3A_404] : memref<2560x32xf32, #tpu.memory_space<vmem>> -> memref<128x32xf32, #tpu.memory_space<vmem>>
      %dma_wait3A_406 = arith.constant 0 : i32
      %dma_wait3A_407 = tpu.memref_slice %arg6[%dma_wait3A_402, %dma_wait3A_406] : memref<20x128xi32, #tpu.memory_space<vmem>> -> memref<1x128xi32, #tpu.memory_space<vmem>>
      %dma_wait3A_408 = tpu.memref_squeeze %dma_wait3A_407 : memref<1x128xi32, #tpu.memory_space<vmem>> -> memref<128xi32, #tpu.memory_space<vmem>>
      %dma_wait3A_409 = arith.constant 0 : i32
      %dma_wait3A_410 = arith.constant 0 : i32
      %dma_wait3A_411 = tpu.memref_slice %arg9[%dma_wait3A_409, %dma_wait3A_410] : memref<10016x32xf32, #tpu.memory_space<vmem_shared>> -> memref<10016x32xf32, #tpu.memory_space<vmem_shared>>
      tpu.wait_indirect_dma semaphore(%arg10 : memref<!tpu.dma_semaphore, #tpu.memory_space<semaphore_mem>>) src(%dma_wait3A_405 : memref<128x32xf32, #tpu.memory_space<vmem>>) dst(%dma_wait3A_411 : memref<10016x32xf32, #tpu.memory_space<vmem_shared>>)
      %dma_wait3A_412 = arith.constant 19 : i32
      %dma_wait3A_413 = arith.constant 2432 : i32
      %dma_wait3A_414 = arith.constant 0 : i32
      %dma_wait3A_415 = tpu.memref_slice %arg7[%dma_wait3A_413, %dma_wait3A_414] : memref<2560x32xf32, #tpu.memory_space<vmem>> -> memref<128x32xf32, #tpu.memory_space<vmem>>
      %dma_wait3A_416 = arith.constant 0 : i32
      %dma_wait3A_417 = tpu.memref_slice %arg6[%dma_wait3A_412, %dma_wait3A_416] : memref<20x128xi32, #tpu.memory_space<vmem>> -> memref<1x128xi32, #tpu.memory_space<vmem>>
      %dma_wait3A_418 = tpu.memref_squeeze %dma_wait3A_417 : memref<1x128xi32, #tpu.memory_space<vmem>> -> memref<128xi32, #tpu.memory_space<vmem>>
      %dma_wait3A_419 = arith.constant 0 : i32
      %dma_wait3A_420 = arith.constant 0 : i32
      %dma_wait3A_421 = tpu.memref_slice %arg9[%dma_wait3A_419, %dma_wait3A_420] : memref<10016x32xf32, #tpu.memory_space<vmem_shared>> -> memref<10016x32xf32, #tpu.memory_space<vmem_shared>>
      tpu.wait_indirect_dma semaphore(%arg10 : memref<!tpu.dma_semaphore, #tpu.memory_space<semaphore_mem>>) src(%dma_wait3A_415 : memref<128x32xf32, #tpu.memory_space<vmem>>) dst(%dma_wait3A_421 : memref<10016x32xf32, #tpu.memory_space<vmem_shared>>)
    }
    %scan3A_7 = arith.constant 2 : i32
    %barrier3A_8 = arith.constant 0 : index
    tpu.barrier barrier_id(%barrier3A_8)
    %mul3A_9 = arith.constant 626 : i32
    %mul3A_10 = arith.muli %arg1, %mul3A_9 : i32
    "tpu.region"() ({
      %run_scoped3A = tpu.sem_alloc : memref<!tpu.dma_semaphore, #tpu.memory_space<semaphore_mem>>
      %dma_start3A = arith.constant 0 : i32
      %dma_start3A_13 = tpu.memref_slice %arg9[%mul3A_10, %dma_start3A] : memref<10016x32xf32, #tpu.memory_space<vmem_shared>> -> memref<626x32xf32, #tpu.memory_space<vmem_shared>>
      %dma_start3A_14 = arith.constant 0 : i32
      %dma_start3A_15 = tpu.memref_slice %arg9[%mul3A_10, %dma_start3A_14] : memref<10016x32xf32, #tpu.memory_space<vmem_shared>> -> memref<626x32xf32, #tpu.memory_space<vmem_shared>>
      tpu.enqueue_dma source(%dma_start3A_15 : memref<626x32xf32, #tpu.memory_space<vmem_shared>>) target(%arg8 : memref<626x32xf32, #tpu.memory_space<vmem>>) target_semaphore(%run_scoped3A : memref<!tpu.dma_semaphore, #tpu.memory_space<semaphore_mem>>)
      %dma_wait3A = arith.constant 0 : i32
      %dma_wait3A_16 = tpu.memref_slice %arg9[%mul3A_10, %dma_wait3A] : memref<10016x32xf32, #tpu.memory_space<vmem_shared>> -> memref<626x32xf32, #tpu.memory_space<vmem_shared>>
      %dma_wait3A_17 = arith.constant 0 : i32
      %dma_wait3A_18 = tpu.memref_slice %arg9[%mul3A_10, %dma_wait3A_17] : memref<10016x32xf32, #tpu.memory_space<vmem_shared>> -> memref<626x32xf32, #tpu.memory_space<vmem_shared>>
      tpu.wait_dma2 semaphore(%run_scoped3A : memref<!tpu.dma_semaphore, #tpu.memory_space<semaphore_mem>>) src(%dma_wait3A_18 : memref<626x32xf32, #tpu.memory_space<vmem_shared>>) dst(%arg8 : memref<626x32xf32, #tpu.memory_space<vmem>>)
      tpu.yield
    }) : () -> ()
    %mul3A_11 = arith.constant 626 : i32
    %mul3A_12 = arith.muli %arg1, %mul3A_11 : i32
    "tpu.region"() ({
      %run_scoped3A = tpu.sem_alloc : memref<!tpu.dma_semaphore, #tpu.memory_space<semaphore_mem>>
      %dma_start3A = arith.constant 0 : i32
      %dma_start3A_13 = tpu.memref_slice %arg5[%arg0, %mul3A_12, %dma_start3A] : memref<2x10016x32xf32, #tpu.memory_space<hbm>> -> memref<1x626x32xf32, #tpu.memory_space<hbm>>
      %dma_start3A_14 = tpu.memref_squeeze %dma_start3A_13 : memref<1x626x32xf32, #tpu.memory_space<hbm>> -> memref<626x32xf32, #tpu.memory_space<hbm>>
      %dma_start3A_15 = arith.constant 0 : i32
      %dma_start3A_16 = tpu.memref_slice %arg5[%arg0, %mul3A_12, %dma_start3A_15] : memref<2x10016x32xf32, #tpu.memory_space<hbm>> -> memref<1x626x32xf32, #tpu.memory_space<hbm>>
      %dma_start3A_17 = tpu.memref_squeeze %dma_start3A_16 : memref<1x626x32xf32, #tpu.memory_space<hbm>> -> memref<626x32xf32, #tpu.memory_space<hbm>>
      tpu.enqueue_dma source(%arg8 : memref<626x32xf32, #tpu.memory_space<vmem>>) target(%dma_start3A_17 : memref<626x32xf32, #tpu.memory_space<hbm>>) target_semaphore(%run_scoped3A : memref<!tpu.dma_semaphore, #tpu.memory_space<semaphore_mem>>)
      %dma_wait3A = arith.constant 0 : i32
      %dma_wait3A_18 = tpu.memref_slice %arg5[%arg0, %mul3A_12, %dma_wait3A] : memref<2x10016x32xf32, #tpu.memory_space<hbm>> -> memref<1x626x32xf32, #tpu.memory_space<hbm>>
      %dma_wait3A_19 = tpu.memref_squeeze %dma_wait3A_18 : memref<1x626x32xf32, #tpu.memory_space<hbm>> -> memref<626x32xf32, #tpu.memory_space<hbm>>
      %dma_wait3A_20 = arith.constant 0 : i32
      %dma_wait3A_21 = tpu.memref_slice %arg5[%arg0, %mul3A_12, %dma_wait3A_20] : memref<2x10016x32xf32, #tpu.memory_space<hbm>> -> memref<1x626x32xf32, #tpu.memory_space<hbm>>
      %dma_wait3A_22 = tpu.memref_squeeze %dma_wait3A_21 : memref<1x626x32xf32, #tpu.memory_space<hbm>> -> memref<626x32xf32, #tpu.memory_space<hbm>>
      tpu.wait_dma2 semaphore(%run_scoped3A : memref<!tpu.dma_semaphore, #tpu.memory_space<semaphore_mem>>) src(%arg8 : memref<626x32xf32, #tpu.memory_space<vmem>>) dst(%dma_wait3A_22 : memref<626x32xf32, #tpu.memory_space<hbm>>)
      tpu.yield
    }) : () -> ()
    return
  }
}

#map = affine_map<(d0, d1) -> (0, 0)>
module attributes {stable_mosaic.version = 14 : i64} {
  func.func @_gather_body(%arg0: i32, %arg1: i32, %arg2: memref<10016x32xbf16, #tpu.memory_space<hbm>>, %arg3: memref<1280x128xi32, #tpu.memory_space<hbm>>, %arg4: memref<163840x32xbf16, #tpu.memory_space<hbm>>, %arg5: memref<20x128xi32, #tpu.memory_space<vmem>>, %arg6: memref<2560x32xbf16, #tpu.memory_space<vmem>>, %arg7: memref<!tpu.dma_semaphore, #tpu.memory_space<semaphore_mem>>) attributes {dimension_semantics = [#tpu.dimension_semantics<core_parallel>, #tpu.dimension_semantics<subcore_parallel>], iteration_bounds = array<i64: 2, 16>, scalar_prefetch = 0 : i64, scratch_operands = 3 : i64, tpu.core_type = #tpu.core_type<sc_vector_subcore>, window_params = [{transform_indices = #map}, {transform_indices = #map}, {transform_indices = #map}]} {
    %mul3A = arith.constant 2 : i32
    %mul3A_0 = arith.muli %arg1, %mul3A : i32
    %add3A = arith.addi %mul3A_0, %arg0 : i32
    %scan3A = arith.constant 0 : i32
    %scan3A_1 = arith.constant 0 : i32
    %scan3A_2 = arith.constant 2 : i32
    %scan3A_3 = arith.addi %scan3A_1, %scan3A_2 : i32
    %scan3A_4 = arith.constant 1 : i32
    scf.for %scan3A_6 = %scan3A_1 to %scan3A_3 step %scan3A_4  : i32 {
      %mul3A_7 = arith.constant 5120 : i32
      %mul3A_8 = arith.muli %add3A, %mul3A_7 : i32
      %mul3A_9 = arith.constant 2560 : i32
      %mul3A_10 = arith.muli %scan3A_6, %mul3A_9 : i32
      %add3A_11 = arith.addi %mul3A_8, %mul3A_10 : i32
      %mul3A_12 = arith.constant 40 : i32
      %mul3A_13 = arith.muli %add3A, %mul3A_12 : i32
      %mul3A_14 = arith.constant 20 : i32
      %mul3A_15 = arith.muli %scan3A_6, %mul3A_14 : i32
      %add3A_16 = arith.addi %mul3A_13, %mul3A_15 : i32
      "tpu.region"() ({
        %run_scoped3A = tpu.sem_alloc : memref<!tpu.dma_semaphore, #tpu.memory_space<semaphore_mem>>
        %dma_start3A_415 = arith.constant 0 : i32
        %dma_start3A_416 = tpu.memref_slice %arg3[%add3A_16, %dma_start3A_415] : memref<1280x128xi32, #tpu.memory_space<hbm>> -> memref<20x128xi32, #tpu.memory_space<hbm>>
        %dma_start3A_417 = arith.constant 0 : i32
        %dma_start3A_418 = tpu.memref_slice %arg3[%add3A_16, %dma_start3A_417] : memref<1280x128xi32, #tpu.memory_space<hbm>> -> memref<20x128xi32, #tpu.memory_space<hbm>>
        tpu.enqueue_dma source(%dma_start3A_418 : memref<20x128xi32, #tpu.memory_space<hbm>>) target(%arg5 : memref<20x128xi32, #tpu.memory_space<vmem>>) target_semaphore(%run_scoped3A : memref<!tpu.dma_semaphore, #tpu.memory_space<semaphore_mem>>)
        %dma_wait3A_419 = arith.constant 0 : i32
        %dma_wait3A_420 = tpu.memref_slice %arg3[%add3A_16, %dma_wait3A_419] : memref<1280x128xi32, #tpu.memory_space<hbm>> -> memref<20x128xi32, #tpu.memory_space<hbm>>
        %dma_wait3A_421 = arith.constant 0 : i32
        %dma_wait3A_422 = tpu.memref_slice %arg3[%add3A_16, %dma_wait3A_421] : memref<1280x128xi32, #tpu.memory_space<hbm>> -> memref<20x128xi32, #tpu.memory_space<hbm>>
        tpu.wait_dma2 semaphore(%run_scoped3A : memref<!tpu.dma_semaphore, #tpu.memory_space<semaphore_mem>>) src(%dma_wait3A_422 : memref<20x128xi32, #tpu.memory_space<hbm>>) dst(%arg5 : memref<20x128xi32, #tpu.memory_space<vmem>>)
        tpu.yield
      }) : () -> ()
      %dma_start3A = arith.constant 0 : i32
      %dma_start3A_17 = arith.constant 0 : i32
      %dma_start3A_18 = arith.constant 0 : i32
      %dma_start3A_19 = tpu.memref_slice %arg6[%dma_start3A_17, %dma_start3A_18] : memref<2560x32xbf16, #tpu.memory_space<vmem>> -> memref<128x32xbf16, #tpu.memory_space<vmem>>
      %dma_start3A_20 = arith.constant 0 : i32
      %dma_start3A_21 = tpu.memref_slice %arg5[%dma_start3A, %dma_start3A_20] : memref<20x128xi32, #tpu.memory_space<vmem>> -> memref<1x128xi32, #tpu.memory_space<vmem>>
      %dma_start3A_22 = tpu.memref_squeeze %dma_start3A_21 : memref<1x128xi32, #tpu.memory_space<vmem>> -> memref<128xi32, #tpu.memory_space<vmem>>
      %dma_start3A_23 = arith.constant 0 : i32
      %dma_start3A_24 = arith.constant 0 : i32
      %dma_start3A_25 = tpu.memref_slice %arg2[%dma_start3A_23, %dma_start3A_24] : memref<10016x32xbf16, #tpu.memory_space<hbm>> -> memref<10016x32xbf16, #tpu.memory_space<hbm>>
      tpu.enqueue_indirect_dma source(%dma_start3A_25 : memref<10016x32xbf16, #tpu.memory_space<hbm>>) target(%dma_start3A_19 : memref<128x32xbf16, #tpu.memory_space<vmem>>) offsets(%dma_start3A_22 : memref<128xi32, #tpu.memory_space<vmem>>) semaphore(%arg7 : memref<!tpu.dma_semaphore, #tpu.memory_space<semaphore_mem>>)
      %dma_start3A_26 = arith.constant 1 : i32
      %dma_start3A_27 = arith.constant 128 : i32
      %dma_start3A_28 = arith.constant 0 : i32
      %dma_start3A_29 = tpu.memref_slice %arg6[%dma_start3A_27, %dma_start3A_28] : memref<2560x32xbf16, #tpu.memory_space<vmem>> -> memref<128x32xbf16, #tpu.memory_space<vmem>>
      %dma_start3A_30 = arith.constant 0 : i32
      %dma_start3A_31 = tpu.memref_slice %arg5[%dma_start3A_26, %dma_start3A_30] : memref<20x128xi32, #tpu.memory_space<vmem>> -> memref<1x128xi32, #tpu.memory_space<vmem>>
      %dma_start3A_32 = tpu.memref_squeeze %dma_start3A_31 : memref<1x128xi32, #tpu.memory_space<vmem>> -> memref<128xi32, #tpu.memory_space<vmem>>
      %dma_start3A_33 = arith.constant 0 : i32
      %dma_start3A_34 = arith.constant 0 : i32
      %dma_start3A_35 = tpu.memref_slice %arg2[%dma_start3A_33, %dma_start3A_34] : memref<10016x32xbf16, #tpu.memory_space<hbm>> -> memref<10016x32xbf16, #tpu.memory_space<hbm>>
      tpu.enqueue_indirect_dma source(%dma_start3A_35 : memref<10016x32xbf16, #tpu.memory_space<hbm>>) target(%dma_start3A_29 : memref<128x32xbf16, #tpu.memory_space<vmem>>) offsets(%dma_start3A_32 : memref<128xi32, #tpu.memory_space<vmem>>) semaphore(%arg7 : memref<!tpu.dma_semaphore, #tpu.memory_space<semaphore_mem>>)
      %dma_start3A_36 = arith.constant 2 : i32
      %dma_start3A_37 = arith.constant 256 : i32
      %dma_start3A_38 = arith.constant 0 : i32
      %dma_start3A_39 = tpu.memref_slice %arg6[%dma_start3A_37, %dma_start3A_38] : memref<2560x32xbf16, #tpu.memory_space<vmem>> -> memref<128x32xbf16, #tpu.memory_space<vmem>>
      %dma_start3A_40 = arith.constant 0 : i32
      %dma_start3A_41 = tpu.memref_slice %arg5[%dma_start3A_36, %dma_start3A_40] : memref<20x128xi32, #tpu.memory_space<vmem>> -> memref<1x128xi32, #tpu.memory_space<vmem>>
      %dma_start3A_42 = tpu.memref_squeeze %dma_start3A_41 : memref<1x128xi32, #tpu.memory_space<vmem>> -> memref<128xi32, #tpu.memory_space<vmem>>
      %dma_start3A_43 = arith.constant 0 : i32
      %dma_start3A_44 = arith.constant 0 : i32
      %dma_start3A_45 = tpu.memref_slice %arg2[%dma_start3A_43, %dma_start3A_44] : memref<10016x32xbf16, #tpu.memory_space<hbm>> -> memref<10016x32xbf16, #tpu.memory_space<hbm>>
      tpu.enqueue_indirect_dma source(%dma_start3A_45 : memref<10016x32xbf16, #tpu.memory_space<hbm>>) target(%dma_start3A_39 : memref<128x32xbf16, #tpu.memory_space<vmem>>) offsets(%dma_start3A_42 : memref<128xi32, #tpu.memory_space<vmem>>) semaphore(%arg7 : memref<!tpu.dma_semaphore, #tpu.memory_space<semaphore_mem>>)
      %dma_start3A_46 = arith.constant 3 : i32
      %dma_start3A_47 = arith.constant 384 : i32
      %dma_start3A_48 = arith.constant 0 : i32
      %dma_start3A_49 = tpu.memref_slice %arg6[%dma_start3A_47, %dma_start3A_48] : memref<2560x32xbf16, #tpu.memory_space<vmem>> -> memref<128x32xbf16, #tpu.memory_space<vmem>>
      %dma_start3A_50 = arith.constant 0 : i32
      %dma_start3A_51 = tpu.memref_slice %arg5[%dma_start3A_46, %dma_start3A_50] : memref<20x128xi32, #tpu.memory_space<vmem>> -> memref<1x128xi32, #tpu.memory_space<vmem>>
      %dma_start3A_52 = tpu.memref_squeeze %dma_start3A_51 : memref<1x128xi32, #tpu.memory_space<vmem>> -> memref<128xi32, #tpu.memory_space<vmem>>
      %dma_start3A_53 = arith.constant 0 : i32
      %dma_start3A_54 = arith.constant 0 : i32
      %dma_start3A_55 = tpu.memref_slice %arg2[%dma_start3A_53, %dma_start3A_54] : memref<10016x32xbf16, #tpu.memory_space<hbm>> -> memref<10016x32xbf16, #tpu.memory_space<hbm>>
      tpu.enqueue_indirect_dma source(%dma_start3A_55 : memref<10016x32xbf16, #tpu.memory_space<hbm>>) target(%dma_start3A_49 : memref<128x32xbf16, #tpu.memory_space<vmem>>) offsets(%dma_start3A_52 : memref<128xi32, #tpu.memory_space<vmem>>) semaphore(%arg7 : memref<!tpu.dma_semaphore, #tpu.memory_space<semaphore_mem>>)
      %dma_start3A_56 = arith.constant 4 : i32
      %dma_start3A_57 = arith.constant 512 : i32
      %dma_start3A_58 = arith.constant 0 : i32
      %dma_start3A_59 = tpu.memref_slice %arg6[%dma_start3A_57, %dma_start3A_58] : memref<2560x32xbf16, #tpu.memory_space<vmem>> -> memref<128x32xbf16, #tpu.memory_space<vmem>>
      %dma_start3A_60 = arith.constant 0 : i32
      %dma_start3A_61 = tpu.memref_slice %arg5[%dma_start3A_56, %dma_start3A_60] : memref<20x128xi32, #tpu.memory_space<vmem>> -> memref<1x128xi32, #tpu.memory_space<vmem>>
      %dma_start3A_62 = tpu.memref_squeeze %dma_start3A_61 : memref<1x128xi32, #tpu.memory_space<vmem>> -> memref<128xi32, #tpu.memory_space<vmem>>
      %dma_start3A_63 = arith.constant 0 : i32
      %dma_start3A_64 = arith.constant 0 : i32
      %dma_start3A_65 = tpu.memref_slice %arg2[%dma_start3A_63, %dma_start3A_64] : memref<10016x32xbf16, #tpu.memory_space<hbm>> -> memref<10016x32xbf16, #tpu.memory_space<hbm>>
      tpu.enqueue_indirect_dma source(%dma_start3A_65 : memref<10016x32xbf16, #tpu.memory_space<hbm>>) target(%dma_start3A_59 : memref<128x32xbf16, #tpu.memory_space<vmem>>) offsets(%dma_start3A_62 : memref<128xi32, #tpu.memory_space<vmem>>) semaphore(%arg7 : memref<!tpu.dma_semaphore, #tpu.memory_space<semaphore_mem>>)
      %dma_start3A_66 = arith.constant 5 : i32
      %dma_start3A_67 = arith.constant 640 : i32
      %dma_start3A_68 = arith.constant 0 : i32
      %dma_start3A_69 = tpu.memref_slice %arg6[%dma_start3A_67, %dma_start3A_68] : memref<2560x32xbf16, #tpu.memory_space<vmem>> -> memref<128x32xbf16, #tpu.memory_space<vmem>>
      %dma_start3A_70 = arith.constant 0 : i32
      %dma_start3A_71 = tpu.memref_slice %arg5[%dma_start3A_66, %dma_start3A_70] : memref<20x128xi32, #tpu.memory_space<vmem>> -> memref<1x128xi32, #tpu.memory_space<vmem>>
      %dma_start3A_72 = tpu.memref_squeeze %dma_start3A_71 : memref<1x128xi32, #tpu.memory_space<vmem>> -> memref<128xi32, #tpu.memory_space<vmem>>
      %dma_start3A_73 = arith.constant 0 : i32
      %dma_start3A_74 = arith.constant 0 : i32
      %dma_start3A_75 = tpu.memref_slice %arg2[%dma_start3A_73, %dma_start3A_74] : memref<10016x32xbf16, #tpu.memory_space<hbm>> -> memref<10016x32xbf16, #tpu.memory_space<hbm>>
      tpu.enqueue_indirect_dma source(%dma_start3A_75 : memref<10016x32xbf16, #tpu.memory_space<hbm>>) target(%dma_start3A_69 : memref<128x32xbf16, #tpu.memory_space<vmem>>) offsets(%dma_start3A_72 : memref<128xi32, #tpu.memory_space<vmem>>) semaphore(%arg7 : memref<!tpu.dma_semaphore, #tpu.memory_space<semaphore_mem>>)
      %dma_start3A_76 = arith.constant 6 : i32
      %dma_start3A_77 = arith.constant 768 : i32
      %dma_start3A_78 = arith.constant 0 : i32
      %dma_start3A_79 = tpu.memref_slice %arg6[%dma_start3A_77, %dma_start3A_78] : memref<2560x32xbf16, #tpu.memory_space<vmem>> -> memref<128x32xbf16, #tpu.memory_space<vmem>>
      %dma_start3A_80 = arith.constant 0 : i32
      %dma_start3A_81 = tpu.memref_slice %arg5[%dma_start3A_76, %dma_start3A_80] : memref<20x128xi32, #tpu.memory_space<vmem>> -> memref<1x128xi32, #tpu.memory_space<vmem>>
      %dma_start3A_82 = tpu.memref_squeeze %dma_start3A_81 : memref<1x128xi32, #tpu.memory_space<vmem>> -> memref<128xi32, #tpu.memory_space<vmem>>
      %dma_start3A_83 = arith.constant 0 : i32
      %dma_start3A_84 = arith.constant 0 : i32
      %dma_start3A_85 = tpu.memref_slice %arg2[%dma_start3A_83, %dma_start3A_84] : memref<10016x32xbf16, #tpu.memory_space<hbm>> -> memref<10016x32xbf16, #tpu.memory_space<hbm>>
      tpu.enqueue_indirect_dma source(%dma_start3A_85 : memref<10016x32xbf16, #tpu.memory_space<hbm>>) target(%dma_start3A_79 : memref<128x32xbf16, #tpu.memory_space<vmem>>) offsets(%dma_start3A_82 : memref<128xi32, #tpu.memory_space<vmem>>) semaphore(%arg7 : memref<!tpu.dma_semaphore, #tpu.memory_space<semaphore_mem>>)
      %dma_start3A_86 = arith.constant 7 : i32
      %dma_start3A_87 = arith.constant 896 : i32
      %dma_start3A_88 = arith.constant 0 : i32
      %dma_start3A_89 = tpu.memref_slice %arg6[%dma_start3A_87, %dma_start3A_88] : memref<2560x32xbf16, #tpu.memory_space<vmem>> -> memref<128x32xbf16, #tpu.memory_space<vmem>>
      %dma_start3A_90 = arith.constant 0 : i32
      %dma_start3A_91 = tpu.memref_slice %arg5[%dma_start3A_86, %dma_start3A_90] : memref<20x128xi32, #tpu.memory_space<vmem>> -> memref<1x128xi32, #tpu.memory_space<vmem>>
      %dma_start3A_92 = tpu.memref_squeeze %dma_start3A_91 : memref<1x128xi32, #tpu.memory_space<vmem>> -> memref<128xi32, #tpu.memory_space<vmem>>
      %dma_start3A_93 = arith.constant 0 : i32
      %dma_start3A_94 = arith.constant 0 : i32
      %dma_start3A_95 = tpu.memref_slice %arg2[%dma_start3A_93, %dma_start3A_94] : memref<10016x32xbf16, #tpu.memory_space<hbm>> -> memref<10016x32xbf16, #tpu.memory_space<hbm>>
      tpu.enqueue_indirect_dma source(%dma_start3A_95 : memref<10016x32xbf16, #tpu.memory_space<hbm>>) target(%dma_start3A_89 : memref<128x32xbf16, #tpu.memory_space<vmem>>) offsets(%dma_start3A_92 : memref<128xi32, #tpu.memory_space<vmem>>) semaphore(%arg7 : memref<!tpu.dma_semaphore, #tpu.memory_space<semaphore_mem>>)
      %dma_start3A_96 = arith.constant 8 : i32
      %dma_start3A_97 = arith.constant 1024 : i32
      %dma_start3A_98 = arith.constant 0 : i32
      %dma_start3A_99 = tpu.memref_slice %arg6[%dma_start3A_97, %dma_start3A_98] : memref<2560x32xbf16, #tpu.memory_space<vmem>> -> memref<128x32xbf16, #tpu.memory_space<vmem>>
      %dma_start3A_100 = arith.constant 0 : i32
      %dma_start3A_101 = tpu.memref_slice %arg5[%dma_start3A_96, %dma_start3A_100] : memref<20x128xi32, #tpu.memory_space<vmem>> -> memref<1x128xi32, #tpu.memory_space<vmem>>
      %dma_start3A_102 = tpu.memref_squeeze %dma_start3A_101 : memref<1x128xi32, #tpu.memory_space<vmem>> -> memref<128xi32, #tpu.memory_space<vmem>>
      %dma_start3A_103 = arith.constant 0 : i32
      %dma_start3A_104 = arith.constant 0 : i32
      %dma_start3A_105 = tpu.memref_slice %arg2[%dma_start3A_103, %dma_start3A_104] : memref<10016x32xbf16, #tpu.memory_space<hbm>> -> memref<10016x32xbf16, #tpu.memory_space<hbm>>
      tpu.enqueue_indirect_dma source(%dma_start3A_105 : memref<10016x32xbf16, #tpu.memory_space<hbm>>) target(%dma_start3A_99 : memref<128x32xbf16, #tpu.memory_space<vmem>>) offsets(%dma_start3A_102 : memref<128xi32, #tpu.memory_space<vmem>>) semaphore(%arg7 : memref<!tpu.dma_semaphore, #tpu.memory_space<semaphore_mem>>)
      %dma_start3A_106 = arith.constant 9 : i32
      %dma_start3A_107 = arith.constant 1152 : i32
      %dma_start3A_108 = arith.constant 0 : i32
      %dma_start3A_109 = tpu.memref_slice %arg6[%dma_start3A_107, %dma_start3A_108] : memref<2560x32xbf16, #tpu.memory_space<vmem>> -> memref<128x32xbf16, #tpu.memory_space<vmem>>
      %dma_start3A_110 = arith.constant 0 : i32
      %dma_start3A_111 = tpu.memref_slice %arg5[%dma_start3A_106, %dma_start3A_110] : memref<20x128xi32, #tpu.memory_space<vmem>> -> memref<1x128xi32, #tpu.memory_space<vmem>>
      %dma_start3A_112 = tpu.memref_squeeze %dma_start3A_111 : memref<1x128xi32, #tpu.memory_space<vmem>> -> memref<128xi32, #tpu.memory_space<vmem>>
      %dma_start3A_113 = arith.constant 0 : i32
      %dma_start3A_114 = arith.constant 0 : i32
      %dma_start3A_115 = tpu.memref_slice %arg2[%dma_start3A_113, %dma_start3A_114] : memref<10016x32xbf16, #tpu.memory_space<hbm>> -> memref<10016x32xbf16, #tpu.memory_space<hbm>>
      tpu.enqueue_indirect_dma source(%dma_start3A_115 : memref<10016x32xbf16, #tpu.memory_space<hbm>>) target(%dma_start3A_109 : memref<128x32xbf16, #tpu.memory_space<vmem>>) offsets(%dma_start3A_112 : memref<128xi32, #tpu.memory_space<vmem>>) semaphore(%arg7 : memref<!tpu.dma_semaphore, #tpu.memory_space<semaphore_mem>>)
      %dma_start3A_116 = arith.constant 10 : i32
      %dma_start3A_117 = arith.constant 1280 : i32
      %dma_start3A_118 = arith.constant 0 : i32
      %dma_start3A_119 = tpu.memref_slice %arg6[%dma_start3A_117, %dma_start3A_118] : memref<2560x32xbf16, #tpu.memory_space<vmem>> -> memref<128x32xbf16, #tpu.memory_space<vmem>>
      %dma_start3A_120 = arith.constant 0 : i32
      %dma_start3A_121 = tpu.memref_slice %arg5[%dma_start3A_116, %dma_start3A_120] : memref<20x128xi32, #tpu.memory_space<vmem>> -> memref<1x128xi32, #tpu.memory_space<vmem>>
      %dma_start3A_122 = tpu.memref_squeeze %dma_start3A_121 : memref<1x128xi32, #tpu.memory_space<vmem>> -> memref<128xi32, #tpu.memory_space<vmem>>
      %dma_start3A_123 = arith.constant 0 : i32
      %dma_start3A_124 = arith.constant 0 : i32
      %dma_start3A_125 = tpu.memref_slice %arg2[%dma_start3A_123, %dma_start3A_124] : memref<10016x32xbf16, #tpu.memory_space<hbm>> -> memref<10016x32xbf16, #tpu.memory_space<hbm>>
      tpu.enqueue_indirect_dma source(%dma_start3A_125 : memref<10016x32xbf16, #tpu.memory_space<hbm>>) target(%dma_start3A_119 : memref<128x32xbf16, #tpu.memory_space<vmem>>) offsets(%dma_start3A_122 : memref<128xi32, #tpu.memory_space<vmem>>) semaphore(%arg7 : memref<!tpu.dma_semaphore, #tpu.memory_space<semaphore_mem>>)
      %dma_start3A_126 = arith.constant 11 : i32
      %dma_start3A_127 = arith.constant 1408 : i32
      %dma_start3A_128 = arith.constant 0 : i32
      %dma_start3A_129 = tpu.memref_slice %arg6[%dma_start3A_127, %dma_start3A_128] : memref<2560x32xbf16, #tpu.memory_space<vmem>> -> memref<128x32xbf16, #tpu.memory_space<vmem>>
      %dma_start3A_130 = arith.constant 0 : i32
      %dma_start3A_131 = tpu.memref_slice %arg5[%dma_start3A_126, %dma_start3A_130] : memref<20x128xi32, #tpu.memory_space<vmem>> -> memref<1x128xi32, #tpu.memory_space<vmem>>
      %dma_start3A_132 = tpu.memref_squeeze %dma_start3A_131 : memref<1x128xi32, #tpu.memory_space<vmem>> -> memref<128xi32, #tpu.memory_space<vmem>>
      %dma_start3A_133 = arith.constant 0 : i32
      %dma_start3A_134 = arith.constant 0 : i32
      %dma_start3A_135 = tpu.memref_slice %arg2[%dma_start3A_133, %dma_start3A_134] : memref<10016x32xbf16, #tpu.memory_space<hbm>> -> memref<10016x32xbf16, #tpu.memory_space<hbm>>
      tpu.enqueue_indirect_dma source(%dma_start3A_135 : memref<10016x32xbf16, #tpu.memory_space<hbm>>) target(%dma_start3A_129 : memref<128x32xbf16, #tpu.memory_space<vmem>>) offsets(%dma_start3A_132 : memref<128xi32, #tpu.memory_space<vmem>>) semaphore(%arg7 : memref<!tpu.dma_semaphore, #tpu.memory_space<semaphore_mem>>)
      %dma_start3A_136 = arith.constant 12 : i32
      %dma_start3A_137 = arith.constant 1536 : i32
      %dma_start3A_138 = arith.constant 0 : i32
      %dma_start3A_139 = tpu.memref_slice %arg6[%dma_start3A_137, %dma_start3A_138] : memref<2560x32xbf16, #tpu.memory_space<vmem>> -> memref<128x32xbf16, #tpu.memory_space<vmem>>
      %dma_start3A_140 = arith.constant 0 : i32
      %dma_start3A_141 = tpu.memref_slice %arg5[%dma_start3A_136, %dma_start3A_140] : memref<20x128xi32, #tpu.memory_space<vmem>> -> memref<1x128xi32, #tpu.memory_space<vmem>>
      %dma_start3A_142 = tpu.memref_squeeze %dma_start3A_141 : memref<1x128xi32, #tpu.memory_space<vmem>> -> memref<128xi32, #tpu.memory_space<vmem>>
      %dma_start3A_143 = arith.constant 0 : i32
      %dma_start3A_144 = arith.constant 0 : i32
      %dma_start3A_145 = tpu.memref_slice %arg2[%dma_start3A_143, %dma_start3A_144] : memref<10016x32xbf16, #tpu.memory_space<hbm>> -> memref<10016x32xbf16, #tpu.memory_space<hbm>>
      tpu.enqueue_indirect_dma source(%dma_start3A_145 : memref<10016x32xbf16, #tpu.memory_space<hbm>>) target(%dma_start3A_139 : memref<128x32xbf16, #tpu.memory_space<vmem>>) offsets(%dma_start3A_142 : memref<128xi32, #tpu.memory_space<vmem>>) semaphore(%arg7 : memref<!tpu.dma_semaphore, #tpu.memory_space<semaphore_mem>>)
      %dma_start3A_146 = arith.constant 13 : i32
      %dma_start3A_147 = arith.constant 1664 : i32
      %dma_start3A_148 = arith.constant 0 : i32
      %dma_start3A_149 = tpu.memref_slice %arg6[%dma_start3A_147, %dma_start3A_148] : memref<2560x32xbf16, #tpu.memory_space<vmem>> -> memref<128x32xbf16, #tpu.memory_space<vmem>>
      %dma_start3A_150 = arith.constant 0 : i32
      %dma_start3A_151 = tpu.memref_slice %arg5[%dma_start3A_146, %dma_start3A_150] : memref<20x128xi32, #tpu.memory_space<vmem>> -> memref<1x128xi32, #tpu.memory_space<vmem>>
      %dma_start3A_152 = tpu.memref_squeeze %dma_start3A_151 : memref<1x128xi32, #tpu.memory_space<vmem>> -> memref<128xi32, #tpu.memory_space<vmem>>
      %dma_start3A_153 = arith.constant 0 : i32
      %dma_start3A_154 = arith.constant 0 : i32
      %dma_start3A_155 = tpu.memref_slice %arg2[%dma_start3A_153, %dma_start3A_154] : memref<10016x32xbf16, #tpu.memory_space<hbm>> -> memref<10016x32xbf16, #tpu.memory_space<hbm>>
      tpu.enqueue_indirect_dma source(%dma_start3A_155 : memref<10016x32xbf16, #tpu.memory_space<hbm>>) target(%dma_start3A_149 : memref<128x32xbf16, #tpu.memory_space<vmem>>) offsets(%dma_start3A_152 : memref<128xi32, #tpu.memory_space<vmem>>) semaphore(%arg7 : memref<!tpu.dma_semaphore, #tpu.memory_space<semaphore_mem>>)
      %dma_start3A_156 = arith.constant 14 : i32
      %dma_start3A_157 = arith.constant 1792 : i32
      %dma_start3A_158 = arith.constant 0 : i32
      %dma_start3A_159 = tpu.memref_slice %arg6[%dma_start3A_157, %dma_start3A_158] : memref<2560x32xbf16, #tpu.memory_space<vmem>> -> memref<128x32xbf16, #tpu.memory_space<vmem>>
      %dma_start3A_160 = arith.constant 0 : i32
      %dma_start3A_161 = tpu.memref_slice %arg5[%dma_start3A_156, %dma_start3A_160] : memref<20x128xi32, #tpu.memory_space<vmem>> -> memref<1x128xi32, #tpu.memory_space<vmem>>
      %dma_start3A_162 = tpu.memref_squeeze %dma_start3A_161 : memref<1x128xi32, #tpu.memory_space<vmem>> -> memref<128xi32, #tpu.memory_space<vmem>>
      %dma_start3A_163 = arith.constant 0 : i32
      %dma_start3A_164 = arith.constant 0 : i32
      %dma_start3A_165 = tpu.memref_slice %arg2[%dma_start3A_163, %dma_start3A_164] : memref<10016x32xbf16, #tpu.memory_space<hbm>> -> memref<10016x32xbf16, #tpu.memory_space<hbm>>
      tpu.enqueue_indirect_dma source(%dma_start3A_165 : memref<10016x32xbf16, #tpu.memory_space<hbm>>) target(%dma_start3A_159 : memref<128x32xbf16, #tpu.memory_space<vmem>>) offsets(%dma_start3A_162 : memref<128xi32, #tpu.memory_space<vmem>>) semaphore(%arg7 : memref<!tpu.dma_semaphore, #tpu.memory_space<semaphore_mem>>)
      %dma_start3A_166 = arith.constant 15 : i32
      %dma_start3A_167 = arith.constant 1920 : i32
      %dma_start3A_168 = arith.constant 0 : i32
      %dma_start3A_169 = tpu.memref_slice %arg6[%dma_start3A_167, %dma_start3A_168] : memref<2560x32xbf16, #tpu.memory_space<vmem>> -> memref<128x32xbf16, #tpu.memory_space<vmem>>
      %dma_start3A_170 = arith.constant 0 : i32
      %dma_start3A_171 = tpu.memref_slice %arg5[%dma_start3A_166, %dma_start3A_170] : memref<20x128xi32, #tpu.memory_space<vmem>> -> memref<1x128xi32, #tpu.memory_space<vmem>>
      %dma_start3A_172 = tpu.memref_squeeze %dma_start3A_171 : memref<1x128xi32, #tpu.memory_space<vmem>> -> memref<128xi32, #tpu.memory_space<vmem>>
      %dma_start3A_173 = arith.constant 0 : i32
      %dma_start3A_174 = arith.constant 0 : i32
      %dma_start3A_175 = tpu.memref_slice %arg2[%dma_start3A_173, %dma_start3A_174] : memref<10016x32xbf16, #tpu.memory_space<hbm>> -> memref<10016x32xbf16, #tpu.memory_space<hbm>>
      tpu.enqueue_indirect_dma source(%dma_start3A_175 : memref<10016x32xbf16, #tpu.memory_space<hbm>>) target(%dma_start3A_169 : memref<128x32xbf16, #tpu.memory_space<vmem>>) offsets(%dma_start3A_172 : memref<128xi32, #tpu.memory_space<vmem>>) semaphore(%arg7 : memref<!tpu.dma_semaphore, #tpu.memory_space<semaphore_mem>>)
      %dma_start3A_176 = arith.constant 16 : i32
      %dma_start3A_177 = arith.constant 2048 : i32
      %dma_start3A_178 = arith.constant 0 : i32
      %dma_start3A_179 = tpu.memref_slice %arg6[%dma_start3A_177, %dma_start3A_178] : memref<2560x32xbf16, #tpu.memory_space<vmem>> -> memref<128x32xbf16, #tpu.memory_space<vmem>>
      %dma_start3A_180 = arith.constant 0 : i32
      %dma_start3A_181 = tpu.memref_slice %arg5[%dma_start3A_176, %dma_start3A_180] : memref<20x128xi32, #tpu.memory_space<vmem>> -> memref<1x128xi32, #tpu.memory_space<vmem>>
      %dma_start3A_182 = tpu.memref_squeeze %dma_start3A_181 : memref<1x128xi32, #tpu.memory_space<vmem>> -> memref<128xi32, #tpu.memory_space<vmem>>
      %dma_start3A_183 = arith.constant 0 : i32
      %dma_start3A_184 = arith.constant 0 : i32
      %dma_start3A_185 = tpu.memref_slice %arg2[%dma_start3A_183, %dma_start3A_184] : memref<10016x32xbf16, #tpu.memory_space<hbm>> -> memref<10016x32xbf16, #tpu.memory_space<hbm>>
      tpu.enqueue_indirect_dma source(%dma_start3A_185 : memref<10016x32xbf16, #tpu.memory_space<hbm>>) target(%dma_start3A_179 : memref<128x32xbf16, #tpu.memory_space<vmem>>) offsets(%dma_start3A_182 : memref<128xi32, #tpu.memory_space<vmem>>) semaphore(%arg7 : memref<!tpu.dma_semaphore, #tpu.memory_space<semaphore_mem>>)
      %dma_start3A_186 = arith.constant 17 : i32
      %dma_start3A_187 = arith.constant 2176 : i32
      %dma_start3A_188 = arith.constant 0 : i32
      %dma_start3A_189 = tpu.memref_slice %arg6[%dma_start3A_187, %dma_start3A_188] : memref<2560x32xbf16, #tpu.memory_space<vmem>> -> memref<128x32xbf16, #tpu.memory_space<vmem>>
      %dma_start3A_190 = arith.constant 0 : i32
      %dma_start3A_191 = tpu.memref_slice %arg5[%dma_start3A_186, %dma_start3A_190] : memref<20x128xi32, #tpu.memory_space<vmem>> -> memref<1x128xi32, #tpu.memory_space<vmem>>
      %dma_start3A_192 = tpu.memref_squeeze %dma_start3A_191 : memref<1x128xi32, #tpu.memory_space<vmem>> -> memref<128xi32, #tpu.memory_space<vmem>>
      %dma_start3A_193 = arith.constant 0 : i32
      %dma_start3A_194 = arith.constant 0 : i32
      %dma_start3A_195 = tpu.memref_slice %arg2[%dma_start3A_193, %dma_start3A_194] : memref<10016x32xbf16, #tpu.memory_space<hbm>> -> memref<10016x32xbf16, #tpu.memory_space<hbm>>
      tpu.enqueue_indirect_dma source(%dma_start3A_195 : memref<10016x32xbf16, #tpu.memory_space<hbm>>) target(%dma_start3A_189 : memref<128x32xbf16, #tpu.memory_space<vmem>>) offsets(%dma_start3A_192 : memref<128xi32, #tpu.memory_space<vmem>>) semaphore(%arg7 : memref<!tpu.dma_semaphore, #tpu.memory_space<semaphore_mem>>)
      %dma_start3A_196 = arith.constant 18 : i32
      %dma_start3A_197 = arith.constant 2304 : i32
      %dma_start3A_198 = arith.constant 0 : i32
      %dma_start3A_199 = tpu.memref_slice %arg6[%dma_start3A_197, %dma_start3A_198] : memref<2560x32xbf16, #tpu.memory_space<vmem>> -> memref<128x32xbf16, #tpu.memory_space<vmem>>
      %dma_start3A_200 = arith.constant 0 : i32
      %dma_start3A_201 = tpu.memref_slice %arg5[%dma_start3A_196, %dma_start3A_200] : memref<20x128xi32, #tpu.memory_space<vmem>> -> memref<1x128xi32, #tpu.memory_space<vmem>>
      %dma_start3A_202 = tpu.memref_squeeze %dma_start3A_201 : memref<1x128xi32, #tpu.memory_space<vmem>> -> memref<128xi32, #tpu.memory_space<vmem>>
      %dma_start3A_203 = arith.constant 0 : i32
      %dma_start3A_204 = arith.constant 0 : i32
      %dma_start3A_205 = tpu.memref_slice %arg2[%dma_start3A_203, %dma_start3A_204] : memref<10016x32xbf16, #tpu.memory_space<hbm>> -> memref<10016x32xbf16, #tpu.memory_space<hbm>>
      tpu.enqueue_indirect_dma source(%dma_start3A_205 : memref<10016x32xbf16, #tpu.memory_space<hbm>>) target(%dma_start3A_199 : memref<128x32xbf16, #tpu.memory_space<vmem>>) offsets(%dma_start3A_202 : memref<128xi32, #tpu.memory_space<vmem>>) semaphore(%arg7 : memref<!tpu.dma_semaphore, #tpu.memory_space<semaphore_mem>>)
      %dma_start3A_206 = arith.constant 19 : i32
      %dma_start3A_207 = arith.constant 2432 : i32
      %dma_start3A_208 = arith.constant 0 : i32
      %dma_start3A_209 = tpu.memref_slice %arg6[%dma_start3A_207, %dma_start3A_208] : memref<2560x32xbf16, #tpu.memory_space<vmem>> -> memref<128x32xbf16, #tpu.memory_space<vmem>>
      %dma_start3A_210 = arith.constant 0 : i32
      %dma_start3A_211 = tpu.memref_slice %arg5[%dma_start3A_206, %dma_start3A_210] : memref<20x128xi32, #tpu.memory_space<vmem>> -> memref<1x128xi32, #tpu.memory_space<vmem>>
      %dma_start3A_212 = tpu.memref_squeeze %dma_start3A_211 : memref<1x128xi32, #tpu.memory_space<vmem>> -> memref<128xi32, #tpu.memory_space<vmem>>
      %dma_start3A_213 = arith.constant 0 : i32
      %dma_start3A_214 = arith.constant 0 : i32
      %dma_start3A_215 = tpu.memref_slice %arg2[%dma_start3A_213, %dma_start3A_214] : memref<10016x32xbf16, #tpu.memory_space<hbm>> -> memref<10016x32xbf16, #tpu.memory_space<hbm>>
      tpu.enqueue_indirect_dma source(%dma_start3A_215 : memref<10016x32xbf16, #tpu.memory_space<hbm>>) target(%dma_start3A_209 : memref<128x32xbf16, #tpu.memory_space<vmem>>) offsets(%dma_start3A_212 : memref<128xi32, #tpu.memory_space<vmem>>) semaphore(%arg7 : memref<!tpu.dma_semaphore, #tpu.memory_space<semaphore_mem>>)
      %dma_wait3A = arith.constant 0 : i32
      %dma_wait3A_216 = arith.constant 0 : i32
      %dma_wait3A_217 = arith.constant 0 : i32
      %dma_wait3A_218 = tpu.memref_slice %arg6[%dma_wait3A_216, %dma_wait3A_217] : memref<2560x32xbf16, #tpu.memory_space<vmem>> -> memref<128x32xbf16, #tpu.memory_space<vmem>>
      %dma_wait3A_219 = arith.constant 0 : i32
      %dma_wait3A_220 = tpu.memref_slice %arg5[%dma_wait3A, %dma_wait3A_219] : memref<20x128xi32, #tpu.memory_space<vmem>> -> memref<1x128xi32, #tpu.memory_space<vmem>>
      %dma_wait3A_221 = tpu.memref_squeeze %dma_wait3A_220 : memref<1x128xi32, #tpu.memory_space<vmem>> -> memref<128xi32, #tpu.memory_space<vmem>>
      %dma_wait3A_222 = arith.constant 0 : i32
      %dma_wait3A_223 = arith.constant 0 : i32
      %dma_wait3A_224 = tpu.memref_slice %arg2[%dma_wait3A_222, %dma_wait3A_223] : memref<10016x32xbf16, #tpu.memory_space<hbm>> -> memref<10016x32xbf16, #tpu.memory_space<hbm>>
      tpu.wait_indirect_dma semaphore(%arg7 : memref<!tpu.dma_semaphore, #tpu.memory_space<semaphore_mem>>) src(%dma_wait3A_224 : memref<10016x32xbf16, #tpu.memory_space<hbm>>) dst(%dma_wait3A_218 : memref<128x32xbf16, #tpu.memory_space<vmem>>)
      %dma_wait3A_225 = arith.constant 1 : i32
      %dma_wait3A_226 = arith.constant 128 : i32
      %dma_wait3A_227 = arith.constant 0 : i32
      %dma_wait3A_228 = tpu.memref_slice %arg6[%dma_wait3A_226, %dma_wait3A_227] : memref<2560x32xbf16, #tpu.memory_space<vmem>> -> memref<128x32xbf16, #tpu.memory_space<vmem>>
      %dma_wait3A_229 = arith.constant 0 : i32
      %dma_wait3A_230 = tpu.memref_slice %arg5[%dma_wait3A_225, %dma_wait3A_229] : memref<20x128xi32, #tpu.memory_space<vmem>> -> memref<1x128xi32, #tpu.memory_space<vmem>>
      %dma_wait3A_231 = tpu.memref_squeeze %dma_wait3A_230 : memref<1x128xi32, #tpu.memory_space<vmem>> -> memref<128xi32, #tpu.memory_space<vmem>>
      %dma_wait3A_232 = arith.constant 0 : i32
      %dma_wait3A_233 = arith.constant 0 : i32
      %dma_wait3A_234 = tpu.memref_slice %arg2[%dma_wait3A_232, %dma_wait3A_233] : memref<10016x32xbf16, #tpu.memory_space<hbm>> -> memref<10016x32xbf16, #tpu.memory_space<hbm>>
      tpu.wait_indirect_dma semaphore(%arg7 : memref<!tpu.dma_semaphore, #tpu.memory_space<semaphore_mem>>) src(%dma_wait3A_234 : memref<10016x32xbf16, #tpu.memory_space<hbm>>) dst(%dma_wait3A_228 : memref<128x32xbf16, #tpu.memory_space<vmem>>)
      %dma_wait3A_235 = arith.constant 2 : i32
      %dma_wait3A_236 = arith.constant 256 : i32
      %dma_wait3A_237 = arith.constant 0 : i32
      %dma_wait3A_238 = tpu.memref_slice %arg6[%dma_wait3A_236, %dma_wait3A_237] : memref<2560x32xbf16, #tpu.memory_space<vmem>> -> memref<128x32xbf16, #tpu.memory_space<vmem>>
      %dma_wait3A_239 = arith.constant 0 : i32
      %dma_wait3A_240 = tpu.memref_slice %arg5[%dma_wait3A_235, %dma_wait3A_239] : memref<20x128xi32, #tpu.memory_space<vmem>> -> memref<1x128xi32, #tpu.memory_space<vmem>>
      %dma_wait3A_241 = tpu.memref_squeeze %dma_wait3A_240 : memref<1x128xi32, #tpu.memory_space<vmem>> -> memref<128xi32, #tpu.memory_space<vmem>>
      %dma_wait3A_242 = arith.constant 0 : i32
      %dma_wait3A_243 = arith.constant 0 : i32
      %dma_wait3A_244 = tpu.memref_slice %arg2[%dma_wait3A_242, %dma_wait3A_243] : memref<10016x32xbf16, #tpu.memory_space<hbm>> -> memref<10016x32xbf16, #tpu.memory_space<hbm>>
      tpu.wait_indirect_dma semaphore(%arg7 : memref<!tpu.dma_semaphore, #tpu.memory_space<semaphore_mem>>) src(%dma_wait3A_244 : memref<10016x32xbf16, #tpu.memory_space<hbm>>) dst(%dma_wait3A_238 : memref<128x32xbf16, #tpu.memory_space<vmem>>)
      %dma_wait3A_245 = arith.constant 3 : i32
      %dma_wait3A_246 = arith.constant 384 : i32
      %dma_wait3A_247 = arith.constant 0 : i32
      %dma_wait3A_248 = tpu.memref_slice %arg6[%dma_wait3A_246, %dma_wait3A_247] : memref<2560x32xbf16, #tpu.memory_space<vmem>> -> memref<128x32xbf16, #tpu.memory_space<vmem>>
      %dma_wait3A_249 = arith.constant 0 : i32
      %dma_wait3A_250 = tpu.memref_slice %arg5[%dma_wait3A_245, %dma_wait3A_249] : memref<20x128xi32, #tpu.memory_space<vmem>> -> memref<1x128xi32, #tpu.memory_space<vmem>>
      %dma_wait3A_251 = tpu.memref_squeeze %dma_wait3A_250 : memref<1x128xi32, #tpu.memory_space<vmem>> -> memref<128xi32, #tpu.memory_space<vmem>>
      %dma_wait3A_252 = arith.constant 0 : i32
      %dma_wait3A_253 = arith.constant 0 : i32
      %dma_wait3A_254 = tpu.memref_slice %arg2[%dma_wait3A_252, %dma_wait3A_253] : memref<10016x32xbf16, #tpu.memory_space<hbm>> -> memref<10016x32xbf16, #tpu.memory_space<hbm>>
      tpu.wait_indirect_dma semaphore(%arg7 : memref<!tpu.dma_semaphore, #tpu.memory_space<semaphore_mem>>) src(%dma_wait3A_254 : memref<10016x32xbf16, #tpu.memory_space<hbm>>) dst(%dma_wait3A_248 : memref<128x32xbf16, #tpu.memory_space<vmem>>)
      %dma_wait3A_255 = arith.constant 4 : i32
      %dma_wait3A_256 = arith.constant 512 : i32
      %dma_wait3A_257 = arith.constant 0 : i32
      %dma_wait3A_258 = tpu.memref_slice %arg6[%dma_wait3A_256, %dma_wait3A_257] : memref<2560x32xbf16, #tpu.memory_space<vmem>> -> memref<128x32xbf16, #tpu.memory_space<vmem>>
      %dma_wait3A_259 = arith.constant 0 : i32
      %dma_wait3A_260 = tpu.memref_slice %arg5[%dma_wait3A_255, %dma_wait3A_259] : memref<20x128xi32, #tpu.memory_space<vmem>> -> memref<1x128xi32, #tpu.memory_space<vmem>>
      %dma_wait3A_261 = tpu.memref_squeeze %dma_wait3A_260 : memref<1x128xi32, #tpu.memory_space<vmem>> -> memref<128xi32, #tpu.memory_space<vmem>>
      %dma_wait3A_262 = arith.constant 0 : i32
      %dma_wait3A_263 = arith.constant 0 : i32
      %dma_wait3A_264 = tpu.memref_slice %arg2[%dma_wait3A_262, %dma_wait3A_263] : memref<10016x32xbf16, #tpu.memory_space<hbm>> -> memref<10016x32xbf16, #tpu.memory_space<hbm>>
      tpu.wait_indirect_dma semaphore(%arg7 : memref<!tpu.dma_semaphore, #tpu.memory_space<semaphore_mem>>) src(%dma_wait3A_264 : memref<10016x32xbf16, #tpu.memory_space<hbm>>) dst(%dma_wait3A_258 : memref<128x32xbf16, #tpu.memory_space<vmem>>)
      %dma_wait3A_265 = arith.constant 5 : i32
      %dma_wait3A_266 = arith.constant 640 : i32
      %dma_wait3A_267 = arith.constant 0 : i32
      %dma_wait3A_268 = tpu.memref_slice %arg6[%dma_wait3A_266, %dma_wait3A_267] : memref<2560x32xbf16, #tpu.memory_space<vmem>> -> memref<128x32xbf16, #tpu.memory_space<vmem>>
      %dma_wait3A_269 = arith.constant 0 : i32
      %dma_wait3A_270 = tpu.memref_slice %arg5[%dma_wait3A_265, %dma_wait3A_269] : memref<20x128xi32, #tpu.memory_space<vmem>> -> memref<1x128xi32, #tpu.memory_space<vmem>>
      %dma_wait3A_271 = tpu.memref_squeeze %dma_wait3A_270 : memref<1x128xi32, #tpu.memory_space<vmem>> -> memref<128xi32, #tpu.memory_space<vmem>>
      %dma_wait3A_272 = arith.constant 0 : i32
      %dma_wait3A_273 = arith.constant 0 : i32
      %dma_wait3A_274 = tpu.memref_slice %arg2[%dma_wait3A_272, %dma_wait3A_273] : memref<10016x32xbf16, #tpu.memory_space<hbm>> -> memref<10016x32xbf16, #tpu.memory_space<hbm>>
      tpu.wait_indirect_dma semaphore(%arg7 : memref<!tpu.dma_semaphore, #tpu.memory_space<semaphore_mem>>) src(%dma_wait3A_274 : memref<10016x32xbf16, #tpu.memory_space<hbm>>) dst(%dma_wait3A_268 : memref<128x32xbf16, #tpu.memory_space<vmem>>)
      %dma_wait3A_275 = arith.constant 6 : i32
      %dma_wait3A_276 = arith.constant 768 : i32
      %dma_wait3A_277 = arith.constant 0 : i32
      %dma_wait3A_278 = tpu.memref_slice %arg6[%dma_wait3A_276, %dma_wait3A_277] : memref<2560x32xbf16, #tpu.memory_space<vmem>> -> memref<128x32xbf16, #tpu.memory_space<vmem>>
      %dma_wait3A_279 = arith.constant 0 : i32
      %dma_wait3A_280 = tpu.memref_slice %arg5[%dma_wait3A_275, %dma_wait3A_279] : memref<20x128xi32, #tpu.memory_space<vmem>> -> memref<1x128xi32, #tpu.memory_space<vmem>>
      %dma_wait3A_281 = tpu.memref_squeeze %dma_wait3A_280 : memref<1x128xi32, #tpu.memory_space<vmem>> -> memref<128xi32, #tpu.memory_space<vmem>>
      %dma_wait3A_282 = arith.constant 0 : i32
      %dma_wait3A_283 = arith.constant 0 : i32
      %dma_wait3A_284 = tpu.memref_slice %arg2[%dma_wait3A_282, %dma_wait3A_283] : memref<10016x32xbf16, #tpu.memory_space<hbm>> -> memref<10016x32xbf16, #tpu.memory_space<hbm>>
      tpu.wait_indirect_dma semaphore(%arg7 : memref<!tpu.dma_semaphore, #tpu.memory_space<semaphore_mem>>) src(%dma_wait3A_284 : memref<10016x32xbf16, #tpu.memory_space<hbm>>) dst(%dma_wait3A_278 : memref<128x32xbf16, #tpu.memory_space<vmem>>)
      %dma_wait3A_285 = arith.constant 7 : i32
      %dma_wait3A_286 = arith.constant 896 : i32
      %dma_wait3A_287 = arith.constant 0 : i32
      %dma_wait3A_288 = tpu.memref_slice %arg6[%dma_wait3A_286, %dma_wait3A_287] : memref<2560x32xbf16, #tpu.memory_space<vmem>> -> memref<128x32xbf16, #tpu.memory_space<vmem>>
      %dma_wait3A_289 = arith.constant 0 : i32
      %dma_wait3A_290 = tpu.memref_slice %arg5[%dma_wait3A_285, %dma_wait3A_289] : memref<20x128xi32, #tpu.memory_space<vmem>> -> memref<1x128xi32, #tpu.memory_space<vmem>>
      %dma_wait3A_291 = tpu.memref_squeeze %dma_wait3A_290 : memref<1x128xi32, #tpu.memory_space<vmem>> -> memref<128xi32, #tpu.memory_space<vmem>>
      %dma_wait3A_292 = arith.constant 0 : i32
      %dma_wait3A_293 = arith.constant 0 : i32
      %dma_wait3A_294 = tpu.memref_slice %arg2[%dma_wait3A_292, %dma_wait3A_293] : memref<10016x32xbf16, #tpu.memory_space<hbm>> -> memref<10016x32xbf16, #tpu.memory_space<hbm>>
      tpu.wait_indirect_dma semaphore(%arg7 : memref<!tpu.dma_semaphore, #tpu.memory_space<semaphore_mem>>) src(%dma_wait3A_294 : memref<10016x32xbf16, #tpu.memory_space<hbm>>) dst(%dma_wait3A_288 : memref<128x32xbf16, #tpu.memory_space<vmem>>)
      %dma_wait3A_295 = arith.constant 8 : i32
      %dma_wait3A_296 = arith.constant 1024 : i32
      %dma_wait3A_297 = arith.constant 0 : i32
      %dma_wait3A_298 = tpu.memref_slice %arg6[%dma_wait3A_296, %dma_wait3A_297] : memref<2560x32xbf16, #tpu.memory_space<vmem>> -> memref<128x32xbf16, #tpu.memory_space<vmem>>
      %dma_wait3A_299 = arith.constant 0 : i32
      %dma_wait3A_300 = tpu.memref_slice %arg5[%dma_wait3A_295, %dma_wait3A_299] : memref<20x128xi32, #tpu.memory_space<vmem>> -> memref<1x128xi32, #tpu.memory_space<vmem>>
      %dma_wait3A_301 = tpu.memref_squeeze %dma_wait3A_300 : memref<1x128xi32, #tpu.memory_space<vmem>> -> memref<128xi32, #tpu.memory_space<vmem>>
      %dma_wait3A_302 = arith.constant 0 : i32
      %dma_wait3A_303 = arith.constant 0 : i32
      %dma_wait3A_304 = tpu.memref_slice %arg2[%dma_wait3A_302, %dma_wait3A_303] : memref<10016x32xbf16, #tpu.memory_space<hbm>> -> memref<10016x32xbf16, #tpu.memory_space<hbm>>
      tpu.wait_indirect_dma semaphore(%arg7 : memref<!tpu.dma_semaphore, #tpu.memory_space<semaphore_mem>>) src(%dma_wait3A_304 : memref<10016x32xbf16, #tpu.memory_space<hbm>>) dst(%dma_wait3A_298 : memref<128x32xbf16, #tpu.memory_space<vmem>>)
      %dma_wait3A_305 = arith.constant 9 : i32
      %dma_wait3A_306 = arith.constant 1152 : i32
      %dma_wait3A_307 = arith.constant 0 : i32
      %dma_wait3A_308 = tpu.memref_slice %arg6[%dma_wait3A_306, %dma_wait3A_307] : memref<2560x32xbf16, #tpu.memory_space<vmem>> -> memref<128x32xbf16, #tpu.memory_space<vmem>>
      %dma_wait3A_309 = arith.constant 0 : i32
      %dma_wait3A_310 = tpu.memref_slice %arg5[%dma_wait3A_305, %dma_wait3A_309] : memref<20x128xi32, #tpu.memory_space<vmem>> -> memref<1x128xi32, #tpu.memory_space<vmem>>
      %dma_wait3A_311 = tpu.memref_squeeze %dma_wait3A_310 : memref<1x128xi32, #tpu.memory_space<vmem>> -> memref<128xi32, #tpu.memory_space<vmem>>
      %dma_wait3A_312 = arith.constant 0 : i32
      %dma_wait3A_313 = arith.constant 0 : i32
      %dma_wait3A_314 = tpu.memref_slice %arg2[%dma_wait3A_312, %dma_wait3A_313] : memref<10016x32xbf16, #tpu.memory_space<hbm>> -> memref<10016x32xbf16, #tpu.memory_space<hbm>>
      tpu.wait_indirect_dma semaphore(%arg7 : memref<!tpu.dma_semaphore, #tpu.memory_space<semaphore_mem>>) src(%dma_wait3A_314 : memref<10016x32xbf16, #tpu.memory_space<hbm>>) dst(%dma_wait3A_308 : memref<128x32xbf16, #tpu.memory_space<vmem>>)
      %dma_wait3A_315 = arith.constant 10 : i32
      %dma_wait3A_316 = arith.constant 1280 : i32
      %dma_wait3A_317 = arith.constant 0 : i32
      %dma_wait3A_318 = tpu.memref_slice %arg6[%dma_wait3A_316, %dma_wait3A_317] : memref<2560x32xbf16, #tpu.memory_space<vmem>> -> memref<128x32xbf16, #tpu.memory_space<vmem>>
      %dma_wait3A_319 = arith.constant 0 : i32
      %dma_wait3A_320 = tpu.memref_slice %arg5[%dma_wait3A_315, %dma_wait3A_319] : memref<20x128xi32, #tpu.memory_space<vmem>> -> memref<1x128xi32, #tpu.memory_space<vmem>>
      %dma_wait3A_321 = tpu.memref_squeeze %dma_wait3A_320 : memref<1x128xi32, #tpu.memory_space<vmem>> -> memref<128xi32, #tpu.memory_space<vmem>>
      %dma_wait3A_322 = arith.constant 0 : i32
      %dma_wait3A_323 = arith.constant 0 : i32
      %dma_wait3A_324 = tpu.memref_slice %arg2[%dma_wait3A_322, %dma_wait3A_323] : memref<10016x32xbf16, #tpu.memory_space<hbm>> -> memref<10016x32xbf16, #tpu.memory_space<hbm>>
      tpu.wait_indirect_dma semaphore(%arg7 : memref<!tpu.dma_semaphore, #tpu.memory_space<semaphore_mem>>) src(%dma_wait3A_324 : memref<10016x32xbf16, #tpu.memory_space<hbm>>) dst(%dma_wait3A_318 : memref<128x32xbf16, #tpu.memory_space<vmem>>)
      %dma_wait3A_325 = arith.constant 11 : i32
      %dma_wait3A_326 = arith.constant 1408 : i32
      %dma_wait3A_327 = arith.constant 0 : i32
      %dma_wait3A_328 = tpu.memref_slice %arg6[%dma_wait3A_326, %dma_wait3A_327] : memref<2560x32xbf16, #tpu.memory_space<vmem>> -> memref<128x32xbf16, #tpu.memory_space<vmem>>
      %dma_wait3A_329 = arith.constant 0 : i32
      %dma_wait3A_330 = tpu.memref_slice %arg5[%dma_wait3A_325, %dma_wait3A_329] : memref<20x128xi32, #tpu.memory_space<vmem>> -> memref<1x128xi32, #tpu.memory_space<vmem>>
      %dma_wait3A_331 = tpu.memref_squeeze %dma_wait3A_330 : memref<1x128xi32, #tpu.memory_space<vmem>> -> memref<128xi32, #tpu.memory_space<vmem>>
      %dma_wait3A_332 = arith.constant 0 : i32
      %dma_wait3A_333 = arith.constant 0 : i32
      %dma_wait3A_334 = tpu.memref_slice %arg2[%dma_wait3A_332, %dma_wait3A_333] : memref<10016x32xbf16, #tpu.memory_space<hbm>> -> memref<10016x32xbf16, #tpu.memory_space<hbm>>
      tpu.wait_indirect_dma semaphore(%arg7 : memref<!tpu.dma_semaphore, #tpu.memory_space<semaphore_mem>>) src(%dma_wait3A_334 : memref<10016x32xbf16, #tpu.memory_space<hbm>>) dst(%dma_wait3A_328 : memref<128x32xbf16, #tpu.memory_space<vmem>>)
      %dma_wait3A_335 = arith.constant 12 : i32
      %dma_wait3A_336 = arith.constant 1536 : i32
      %dma_wait3A_337 = arith.constant 0 : i32
      %dma_wait3A_338 = tpu.memref_slice %arg6[%dma_wait3A_336, %dma_wait3A_337] : memref<2560x32xbf16, #tpu.memory_space<vmem>> -> memref<128x32xbf16, #tpu.memory_space<vmem>>
      %dma_wait3A_339 = arith.constant 0 : i32
      %dma_wait3A_340 = tpu.memref_slice %arg5[%dma_wait3A_335, %dma_wait3A_339] : memref<20x128xi32, #tpu.memory_space<vmem>> -> memref<1x128xi32, #tpu.memory_space<vmem>>
      %dma_wait3A_341 = tpu.memref_squeeze %dma_wait3A_340 : memref<1x128xi32, #tpu.memory_space<vmem>> -> memref<128xi32, #tpu.memory_space<vmem>>
      %dma_wait3A_342 = arith.constant 0 : i32
      %dma_wait3A_343 = arith.constant 0 : i32
      %dma_wait3A_344 = tpu.memref_slice %arg2[%dma_wait3A_342, %dma_wait3A_343] : memref<10016x32xbf16, #tpu.memory_space<hbm>> -> memref<10016x32xbf16, #tpu.memory_space<hbm>>
      tpu.wait_indirect_dma semaphore(%arg7 : memref<!tpu.dma_semaphore, #tpu.memory_space<semaphore_mem>>) src(%dma_wait3A_344 : memref<10016x32xbf16, #tpu.memory_space<hbm>>) dst(%dma_wait3A_338 : memref<128x32xbf16, #tpu.memory_space<vmem>>)
      %dma_wait3A_345 = arith.constant 13 : i32
      %dma_wait3A_346 = arith.constant 1664 : i32
      %dma_wait3A_347 = arith.constant 0 : i32
      %dma_wait3A_348 = tpu.memref_slice %arg6[%dma_wait3A_346, %dma_wait3A_347] : memref<2560x32xbf16, #tpu.memory_space<vmem>> -> memref<128x32xbf16, #tpu.memory_space<vmem>>
      %dma_wait3A_349 = arith.constant 0 : i32
      %dma_wait3A_350 = tpu.memref_slice %arg5[%dma_wait3A_345, %dma_wait3A_349] : memref<20x128xi32, #tpu.memory_space<vmem>> -> memref<1x128xi32, #tpu.memory_space<vmem>>
      %dma_wait3A_351 = tpu.memref_squeeze %dma_wait3A_350 : memref<1x128xi32, #tpu.memory_space<vmem>> -> memref<128xi32, #tpu.memory_space<vmem>>
      %dma_wait3A_352 = arith.constant 0 : i32
      %dma_wait3A_353 = arith.constant 0 : i32
      %dma_wait3A_354 = tpu.memref_slice %arg2[%dma_wait3A_352, %dma_wait3A_353] : memref<10016x32xbf16, #tpu.memory_space<hbm>> -> memref<10016x32xbf16, #tpu.memory_space<hbm>>
      tpu.wait_indirect_dma semaphore(%arg7 : memref<!tpu.dma_semaphore, #tpu.memory_space<semaphore_mem>>) src(%dma_wait3A_354 : memref<10016x32xbf16, #tpu.memory_space<hbm>>) dst(%dma_wait3A_348 : memref<128x32xbf16, #tpu.memory_space<vmem>>)
      %dma_wait3A_355 = arith.constant 14 : i32
      %dma_wait3A_356 = arith.constant 1792 : i32
      %dma_wait3A_357 = arith.constant 0 : i32
      %dma_wait3A_358 = tpu.memref_slice %arg6[%dma_wait3A_356, %dma_wait3A_357] : memref<2560x32xbf16, #tpu.memory_space<vmem>> -> memref<128x32xbf16, #tpu.memory_space<vmem>>
      %dma_wait3A_359 = arith.constant 0 : i32
      %dma_wait3A_360 = tpu.memref_slice %arg5[%dma_wait3A_355, %dma_wait3A_359] : memref<20x128xi32, #tpu.memory_space<vmem>> -> memref<1x128xi32, #tpu.memory_space<vmem>>
      %dma_wait3A_361 = tpu.memref_squeeze %dma_wait3A_360 : memref<1x128xi32, #tpu.memory_space<vmem>> -> memref<128xi32, #tpu.memory_space<vmem>>
      %dma_wait3A_362 = arith.constant 0 : i32
      %dma_wait3A_363 = arith.constant 0 : i32
      %dma_wait3A_364 = tpu.memref_slice %arg2[%dma_wait3A_362, %dma_wait3A_363] : memref<10016x32xbf16, #tpu.memory_space<hbm>> -> memref<10016x32xbf16, #tpu.memory_space<hbm>>
      tpu.wait_indirect_dma semaphore(%arg7 : memref<!tpu.dma_semaphore, #tpu.memory_space<semaphore_mem>>) src(%dma_wait3A_364 : memref<10016x32xbf16, #tpu.memory_space<hbm>>) dst(%dma_wait3A_358 : memref<128x32xbf16, #tpu.memory_space<vmem>>)
      %dma_wait3A_365 = arith.constant 15 : i32
      %dma_wait3A_366 = arith.constant 1920 : i32
      %dma_wait3A_367 = arith.constant 0 : i32
      %dma_wait3A_368 = tpu.memref_slice %arg6[%dma_wait3A_366, %dma_wait3A_367] : memref<2560x32xbf16, #tpu.memory_space<vmem>> -> memref<128x32xbf16, #tpu.memory_space<vmem>>
      %dma_wait3A_369 = arith.constant 0 : i32
      %dma_wait3A_370 = tpu.memref_slice %arg5[%dma_wait3A_365, %dma_wait3A_369] : memref<20x128xi32, #tpu.memory_space<vmem>> -> memref<1x128xi32, #tpu.memory_space<vmem>>
      %dma_wait3A_371 = tpu.memref_squeeze %dma_wait3A_370 : memref<1x128xi32, #tpu.memory_space<vmem>> -> memref<128xi32, #tpu.memory_space<vmem>>
      %dma_wait3A_372 = arith.constant 0 : i32
      %dma_wait3A_373 = arith.constant 0 : i32
      %dma_wait3A_374 = tpu.memref_slice %arg2[%dma_wait3A_372, %dma_wait3A_373] : memref<10016x32xbf16, #tpu.memory_space<hbm>> -> memref<10016x32xbf16, #tpu.memory_space<hbm>>
      tpu.wait_indirect_dma semaphore(%arg7 : memref<!tpu.dma_semaphore, #tpu.memory_space<semaphore_mem>>) src(%dma_wait3A_374 : memref<10016x32xbf16, #tpu.memory_space<hbm>>) dst(%dma_wait3A_368 : memref<128x32xbf16, #tpu.memory_space<vmem>>)
      %dma_wait3A_375 = arith.constant 16 : i32
      %dma_wait3A_376 = arith.constant 2048 : i32
      %dma_wait3A_377 = arith.constant 0 : i32
      %dma_wait3A_378 = tpu.memref_slice %arg6[%dma_wait3A_376, %dma_wait3A_377] : memref<2560x32xbf16, #tpu.memory_space<vmem>> -> memref<128x32xbf16, #tpu.memory_space<vmem>>
      %dma_wait3A_379 = arith.constant 0 : i32
      %dma_wait3A_380 = tpu.memref_slice %arg5[%dma_wait3A_375, %dma_wait3A_379] : memref<20x128xi32, #tpu.memory_space<vmem>> -> memref<1x128xi32, #tpu.memory_space<vmem>>
      %dma_wait3A_381 = tpu.memref_squeeze %dma_wait3A_380 : memref<1x128xi32, #tpu.memory_space<vmem>> -> memref<128xi32, #tpu.memory_space<vmem>>
      %dma_wait3A_382 = arith.constant 0 : i32
      %dma_wait3A_383 = arith.constant 0 : i32
      %dma_wait3A_384 = tpu.memref_slice %arg2[%dma_wait3A_382, %dma_wait3A_383] : memref<10016x32xbf16, #tpu.memory_space<hbm>> -> memref<10016x32xbf16, #tpu.memory_space<hbm>>
      tpu.wait_indirect_dma semaphore(%arg7 : memref<!tpu.dma_semaphore, #tpu.memory_space<semaphore_mem>>) src(%dma_wait3A_384 : memref<10016x32xbf16, #tpu.memory_space<hbm>>) dst(%dma_wait3A_378 : memref<128x32xbf16, #tpu.memory_space<vmem>>)
      %dma_wait3A_385 = arith.constant 17 : i32
      %dma_wait3A_386 = arith.constant 2176 : i32
      %dma_wait3A_387 = arith.constant 0 : i32
      %dma_wait3A_388 = tpu.memref_slice %arg6[%dma_wait3A_386, %dma_wait3A_387] : memref<2560x32xbf16, #tpu.memory_space<vmem>> -> memref<128x32xbf16, #tpu.memory_space<vmem>>
      %dma_wait3A_389 = arith.constant 0 : i32
      %dma_wait3A_390 = tpu.memref_slice %arg5[%dma_wait3A_385, %dma_wait3A_389] : memref<20x128xi32, #tpu.memory_space<vmem>> -> memref<1x128xi32, #tpu.memory_space<vmem>>
      %dma_wait3A_391 = tpu.memref_squeeze %dma_wait3A_390 : memref<1x128xi32, #tpu.memory_space<vmem>> -> memref<128xi32, #tpu.memory_space<vmem>>
      %dma_wait3A_392 = arith.constant 0 : i32
      %dma_wait3A_393 = arith.constant 0 : i32
      %dma_wait3A_394 = tpu.memref_slice %arg2[%dma_wait3A_392, %dma_wait3A_393] : memref<10016x32xbf16, #tpu.memory_space<hbm>> -> memref<10016x32xbf16, #tpu.memory_space<hbm>>
      tpu.wait_indirect_dma semaphore(%arg7 : memref<!tpu.dma_semaphore, #tpu.memory_space<semaphore_mem>>) src(%dma_wait3A_394 : memref<10016x32xbf16, #tpu.memory_space<hbm>>) dst(%dma_wait3A_388 : memref<128x32xbf16, #tpu.memory_space<vmem>>)
      %dma_wait3A_395 = arith.constant 18 : i32
      %dma_wait3A_396 = arith.constant 2304 : i32
      %dma_wait3A_397 = arith.constant 0 : i32
      %dma_wait3A_398 = tpu.memref_slice %arg6[%dma_wait3A_396, %dma_wait3A_397] : memref<2560x32xbf16, #tpu.memory_space<vmem>> -> memref<128x32xbf16, #tpu.memory_space<vmem>>
      %dma_wait3A_399 = arith.constant 0 : i32
      %dma_wait3A_400 = tpu.memref_slice %arg5[%dma_wait3A_395, %dma_wait3A_399] : memref<20x128xi32, #tpu.memory_space<vmem>> -> memref<1x128xi32, #tpu.memory_space<vmem>>
      %dma_wait3A_401 = tpu.memref_squeeze %dma_wait3A_400 : memref<1x128xi32, #tpu.memory_space<vmem>> -> memref<128xi32, #tpu.memory_space<vmem>>
      %dma_wait3A_402 = arith.constant 0 : i32
      %dma_wait3A_403 = arith.constant 0 : i32
      %dma_wait3A_404 = tpu.memref_slice %arg2[%dma_wait3A_402, %dma_wait3A_403] : memref<10016x32xbf16, #tpu.memory_space<hbm>> -> memref<10016x32xbf16, #tpu.memory_space<hbm>>
      tpu.wait_indirect_dma semaphore(%arg7 : memref<!tpu.dma_semaphore, #tpu.memory_space<semaphore_mem>>) src(%dma_wait3A_404 : memref<10016x32xbf16, #tpu.memory_space<hbm>>) dst(%dma_wait3A_398 : memref<128x32xbf16, #tpu.memory_space<vmem>>)
      %dma_wait3A_405 = arith.constant 19 : i32
      %dma_wait3A_406 = arith.constant 2432 : i32
      %dma_wait3A_407 = arith.constant 0 : i32
      %dma_wait3A_408 = tpu.memref_slice %arg6[%dma_wait3A_406, %dma_wait3A_407] : memref<2560x32xbf16, #tpu.memory_space<vmem>> -> memref<128x32xbf16, #tpu.memory_space<vmem>>
      %dma_wait3A_409 = arith.constant 0 : i32
      %dma_wait3A_410 = tpu.memref_slice %arg5[%dma_wait3A_405, %dma_wait3A_409] : memref<20x128xi32, #tpu.memory_space<vmem>> -> memref<1x128xi32, #tpu.memory_space<vmem>>
      %dma_wait3A_411 = tpu.memref_squeeze %dma_wait3A_410 : memref<1x128xi32, #tpu.memory_space<vmem>> -> memref<128xi32, #tpu.memory_space<vmem>>
      %dma_wait3A_412 = arith.constant 0 : i32
      %dma_wait3A_413 = arith.constant 0 : i32
      %dma_wait3A_414 = tpu.memref_slice %arg2[%dma_wait3A_412, %dma_wait3A_413] : memref<10016x32xbf16, #tpu.memory_space<hbm>> -> memref<10016x32xbf16, #tpu.memory_space<hbm>>
      tpu.wait_indirect_dma semaphore(%arg7 : memref<!tpu.dma_semaphore, #tpu.memory_space<semaphore_mem>>) src(%dma_wait3A_414 : memref<10016x32xbf16, #tpu.memory_space<hbm>>) dst(%dma_wait3A_408 : memref<128x32xbf16, #tpu.memory_space<vmem>>)
      "tpu.region"() ({
        %run_scoped3A = tpu.sem_alloc : memref<!tpu.dma_semaphore, #tpu.memory_space<semaphore_mem>>
        %dma_start3A_415 = arith.constant 0 : i32
        %dma_start3A_416 = tpu.memref_slice %arg4[%add3A_11, %dma_start3A_415] : memref<163840x32xbf16, #tpu.memory_space<hbm>> -> memref<2560x32xbf16, #tpu.memory_space<hbm>>
        %dma_start3A_417 = arith.constant 0 : i32
        %dma_start3A_418 = tpu.memref_slice %arg4[%add3A_11, %dma_start3A_417] : memref<163840x32xbf16, #tpu.memory_space<hbm>> -> memref<2560x32xbf16, #tpu.memory_space<hbm>>
        tpu.enqueue_dma source(%arg6 : memref<2560x32xbf16, #tpu.memory_space<vmem>>) target(%dma_start3A_418 : memref<2560x32xbf16, #tpu.memory_space<hbm>>) target_semaphore(%run_scoped3A : memref<!tpu.dma_semaphore, #tpu.memory_space<semaphore_mem>>)
        %dma_wait3A_419 = arith.constant 0 : i32
        %dma_wait3A_420 = tpu.memref_slice %arg4[%add3A_11, %dma_wait3A_419] : memref<163840x32xbf16, #tpu.memory_space<hbm>> -> memref<2560x32xbf16, #tpu.memory_space<hbm>>
        %dma_wait3A_421 = arith.constant 0 : i32
        %dma_wait3A_422 = tpu.memref_slice %arg4[%add3A_11, %dma_wait3A_421] : memref<163840x32xbf16, #tpu.memory_space<hbm>> -> memref<2560x32xbf16, #tpu.memory_space<hbm>>
        tpu.wait_dma2 semaphore(%run_scoped3A : memref<!tpu.dma_semaphore, #tpu.memory_space<semaphore_mem>>) src(%arg6 : memref<2560x32xbf16, #tpu.memory_space<vmem>>) dst(%dma_wait3A_422 : memref<2560x32xbf16, #tpu.memory_space<hbm>>)
        tpu.yield
      }) : () -> ()
    }
    %scan3A_5 = arith.constant 2 : i32
    return
  }
}

#map = affine_map<(d0, d1) -> (0, 0)>
#map1 = affine_map<(d0, d1) -> (0, 0, 0)>
module attributes {stable_mosaic.version = 14 : i64} {
  func.func @_scatter_body(%arg0: i32, %arg1: i32, %arg2: memref<163840x32xf32, #tpu.memory_space<hbm>>, %arg3: memref<1280x128xi32, #tpu.memory_space<hbm>>, %arg4: memref<626x32xf32, #tpu.memory_space<hbm>>, %arg5: memref<2x10016x32xf32, #tpu.memory_space<hbm>>, %arg6: memref<20x128xi32, #tpu.memory_space<vmem>>, %arg7: memref<2560x32xf32, #tpu.memory_space<vmem>>, %arg8: memref<626x32xf32, #tpu.memory_space<vmem>>, %arg9: memref<10016x32xf32, #tpu.memory_space<vmem_shared>>, %arg10: memref<!tpu.dma_semaphore, #tpu.memory_space<semaphore_mem>>) attributes {dimension_semantics = [#tpu.dimension_semantics<core_parallel>, #tpu.dimension_semantics<subcore_parallel>], iteration_bounds = array<i64: 2, 16>, scalar_prefetch = 0 : i64, scratch_operands = 5 : i64, tpu.core_type = #tpu.core_type<sc_vector_subcore>, window_params = [{transform_indices = #map}, {transform_indices = #map}, {transform_indices = #map}, {transform_indices = #map1}]} {
    %mul3A = arith.constant 2 : i32
    %mul3A_0 = arith.muli %arg1, %mul3A : i32
    %add3A = arith.addi %mul3A_0, %arg0 : i32
    "tpu.region"() ({
      %run_scoped3A = tpu.sem_alloc : memref<!tpu.dma_semaphore, #tpu.memory_space<semaphore_mem>>
      tpu.enqueue_dma source(%arg4 : memref<626x32xf32, #tpu.memory_space<hbm>>) target(%arg8 : memref<626x32xf32, #tpu.memory_space<vmem>>) target_semaphore(%run_scoped3A : memref<!tpu.dma_semaphore, #tpu.memory_space<semaphore_mem>>)
      tpu.wait_dma2 semaphore(%run_scoped3A : memref<!tpu.dma_semaphore, #tpu.memory_space<semaphore_mem>>) src(%arg4 : memref<626x32xf32, #tpu.memory_space<hbm>>) dst(%arg8 : memref<626x32xf32, #tpu.memory_space<vmem>>)
      tpu.yield
    }) : () -> ()
    %mul3A_1 = arith.constant 626 : i32
    %mul3A_2 = arith.muli %arg1, %mul3A_1 : i32
    "tpu.region"() ({
      %run_scoped3A = tpu.sem_alloc : memref<!tpu.dma_semaphore, #tpu.memory_space<semaphore_mem>>
      %dma_start3A = arith.constant 0 : i32
      %dma_start3A_13 = tpu.memref_slice %arg9[%mul3A_2, %dma_start3A] : memref<10016x32xf32, #tpu.memory_space<vmem_shared>> -> memref<626x32xf32, #tpu.memory_space<vmem_shared>>
      %dma_start3A_14 = arith.constant 0 : i32
      %dma_start3A_15 = tpu.memref_slice %arg9[%mul3A_2, %dma_start3A_14] : memref<10016x32xf32, #tpu.memory_space<vmem_shared>> -> memref<626x32xf32, #tpu.memory_space<vmem_shared>>
      tpu.enqueue_dma source(%arg8 : memref<626x32xf32, #tpu.memory_space<vmem>>) target(%dma_start3A_15 : memref<626x32xf32, #tpu.memory_space<vmem_shared>>) target_semaphore(%run_scoped3A : memref<!tpu.dma_semaphore, #tpu.memory_space<semaphore_mem>>)
      %dma_wait3A = arith.constant 0 : i32
      %dma_wait3A_16 = tpu.memref_slice %arg9[%mul3A_2, %dma_wait3A] : memref<10016x32xf32, #tpu.memory_space<vmem_shared>> -> memref<626x32xf32, #tpu.memory_space<vmem_shared>>
      %dma_wait3A_17 = arith.constant 0 : i32
      %dma_wait3A_18 = tpu.memref_slice %arg9[%mul3A_2, %dma_wait3A_17] : memref<10016x32xf32, #tpu.memory_space<vmem_shared>> -> memref<626x32xf32, #tpu.memory_space<vmem_shared>>
      tpu.wait_dma2 semaphore(%run_scoped3A : memref<!tpu.dma_semaphore, #tpu.memory_space<semaphore_mem>>) src(%arg8 : memref<626x32xf32, #tpu.memory_space<vmem>>) dst(%dma_wait3A_18 : memref<626x32xf32, #tpu.memory_space<vmem_shared>>)
      tpu.yield
    }) : () -> ()
    %barrier3A = arith.constant 0 : index
    tpu.barrier barrier_id(%barrier3A)
    %scan3A = arith.constant 0 : i32
    %scan3A_3 = arith.constant 0 : i32
    %scan3A_4 = arith.constant 2 : i32
    %scan3A_5 = arith.addi %scan3A_3, %scan3A_4 : i32
    %scan3A_6 = arith.constant 1 : i32
    scf.for %scan3A_13 = %scan3A_3 to %scan3A_5 step %scan3A_6  : i32 {
      %mul3A_14 = arith.constant 5120 : i32
      %mul3A_15 = arith.muli %add3A, %mul3A_14 : i32
      %mul3A_16 = arith.constant 2560 : i32
      %mul3A_17 = arith.muli %scan3A_13, %mul3A_16 : i32
      %add3A_18 = arith.addi %mul3A_15, %mul3A_17 : i32
      %mul3A_19 = arith.constant 40 : i32
      %mul3A_20 = arith.muli %add3A, %mul3A_19 : i32
      %mul3A_21 = arith.constant 20 : i32
      %mul3A_22 = arith.muli %scan3A_13, %mul3A_21 : i32
      %add3A_23 = arith.addi %mul3A_20, %mul3A_22 : i32
      "tpu.region"() ({
        %run_scoped3A = tpu.sem_alloc : memref<!tpu.dma_semaphore, #tpu.memory_space<semaphore_mem>>
        %dma_start3A_422 = arith.constant 0 : i32
        %dma_start3A_423 = tpu.memref_slice %arg3[%add3A_23, %dma_start3A_422] : memref<1280x128xi32, #tpu.memory_space<hbm>> -> memref<20x128xi32, #tpu.memory_space<hbm>>
        %dma_start3A_424 = arith.constant 0 : i32
        %dma_start3A_425 = tpu.memref_slice %arg3[%add3A_23, %dma_start3A_424] : memref<1280x128xi32, #tpu.memory_space<hbm>> -> memref<20x128xi32, #tpu.memory_space<hbm>>
        tpu.enqueue_dma source(%dma_start3A_425 : memref<20x128xi32, #tpu.memory_space<hbm>>) target(%arg6 : memref<20x128xi32, #tpu.memory_space<vmem>>) target_semaphore(%run_scoped3A : memref<!tpu.dma_semaphore, #tpu.memory_space<semaphore_mem>>)
        %dma_wait3A_426 = arith.constant 0 : i32
        %dma_wait3A_427 = tpu.memref_slice %arg3[%add3A_23, %dma_wait3A_426] : memref<1280x128xi32, #tpu.memory_space<hbm>> -> memref<20x128xi32, #tpu.memory_space<hbm>>
        %dma_wait3A_428 = arith.constant 0 : i32
        %dma_wait3A_429 = tpu.memref_slice %arg3[%add3A_23, %dma_wait3A_428] : memref<1280x128xi32, #tpu.memory_space<hbm>> -> memref<20x128xi32, #tpu.memory_space<hbm>>
        tpu.wait_dma2 semaphore(%run_scoped3A : memref<!tpu.dma_semaphore, #tpu.memory_space<semaphore_mem>>) src(%dma_wait3A_429 : memref<20x128xi32, #tpu.memory_space<hbm>>) dst(%arg6 : memref<20x128xi32, #tpu.memory_space<vmem>>)
        tpu.yield
      }) : () -> ()
      "tpu.region"() ({
        %run_scoped3A = tpu.sem_alloc : memref<!tpu.dma_semaphore, #tpu.memory_space<semaphore_mem>>
        %dma_start3A_422 = arith.constant 0 : i32
        %dma_start3A_423 = tpu.memref_slice %arg2[%add3A_18, %dma_start3A_422] : memref<163840x32xf32, #tpu.memory_space<hbm>> -> memref<2560x32xf32, #tpu.memory_space<hbm>>
        %dma_start3A_424 = arith.constant 0 : i32
        %dma_start3A_425 = tpu.memref_slice %arg2[%add3A_18, %dma_start3A_424] : memref<163840x32xf32, #tpu.memory_space<hbm>> -> memref<2560x32xf32, #tpu.memory_space<hbm>>
        tpu.enqueue_dma source(%dma_start3A_425 : memref<2560x32xf32, #tpu.memory_space<hbm>>) target(%arg7 : memref<2560x32xf32, #tpu.memory_space<vmem>>) target_semaphore(%run_scoped3A : memref<!tpu.dma_semaphore, #tpu.memory_space<semaphore_mem>>)
        %dma_wait3A_426 = arith.constant 0 : i32
        %dma_wait3A_427 = tpu.memref_slice %arg2[%add3A_18, %dma_wait3A_426] : memref<163840x32xf32, #tpu.memory_space<hbm>> -> memref<2560x32xf32, #tpu.memory_space<hbm>>
        %dma_wait3A_428 = arith.constant 0 : i32
        %dma_wait3A_429 = tpu.memref_slice %arg2[%add3A_18, %dma_wait3A_428] : memref<163840x32xf32, #tpu.memory_space<hbm>> -> memref<2560x32xf32, #tpu.memory_space<hbm>>
        tpu.wait_dma2 semaphore(%run_scoped3A : memref<!tpu.dma_semaphore, #tpu.memory_space<semaphore_mem>>) src(%dma_wait3A_429 : memref<2560x32xf32, #tpu.memory_space<hbm>>) dst(%arg7 : memref<2560x32xf32, #tpu.memory_space<vmem>>)
        tpu.yield
      }) : () -> ()
      %dma_start3A = arith.constant 0 : i32
      %dma_start3A_24 = arith.constant 0 : i32
      %dma_start3A_25 = arith.constant 0 : i32
      %dma_start3A_26 = tpu.memref_slice %arg7[%dma_start3A_24, %dma_start3A_25] : memref<2560x32xf32, #tpu.memory_space<vmem>> -> memref<128x32xf32, #tpu.memory_space<vmem>>
      %dma_start3A_27 = arith.constant 0 : i32
      %dma_start3A_28 = tpu.memref_slice %arg6[%dma_start3A, %dma_start3A_27] : memref<20x128xi32, #tpu.memory_space<vmem>> -> memref<1x128xi32, #tpu.memory_space<vmem>>
      %dma_start3A_29 = tpu.memref_squeeze %dma_start3A_28 : memref<1x128xi32, #tpu.memory_space<vmem>> -> memref<128xi32, #tpu.memory_space<vmem>>
      %dma_start3A_30 = arith.constant 0 : i32
      %dma_start3A_31 = arith.constant 0 : i32
      %dma_start3A_32 = tpu.memref_slice %arg9[%dma_start3A_30, %dma_start3A_31] : memref<10016x32xf32, #tpu.memory_space<vmem_shared>> -> memref<10016x32xf32, #tpu.memory_space<vmem_shared>>
      tpu.enqueue_indirect_dma source(%dma_start3A_26 : memref<128x32xf32, #tpu.memory_space<vmem>>) target(%dma_start3A_32 : memref<10016x32xf32, #tpu.memory_space<vmem_shared>>) offsets(%dma_start3A_29 : memref<128xi32, #tpu.memory_space<vmem>>) semaphore(%arg10 : memref<!tpu.dma_semaphore, #tpu.memory_space<semaphore_mem>>) {add = true}
      %dma_start3A_33 = arith.constant 1 : i32
      %dma_start3A_34 = arith.constant 128 : i32
      %dma_start3A_35 = arith.constant 0 : i32
      %dma_start3A_36 = tpu.memref_slice %arg7[%dma_start3A_34, %dma_start3A_35] : memref<2560x32xf32, #tpu.memory_space<vmem>> -> memref<128x32xf32, #tpu.memory_space<vmem>>
      %dma_start3A_37 = arith.constant 0 : i32
      %dma_start3A_38 = tpu.memref_slice %arg6[%dma_start3A_33, %dma_start3A_37] : memref<20x128xi32, #tpu.memory_space<vmem>> -> memref<1x128xi32, #tpu.memory_space<vmem>>
      %dma_start3A_39 = tpu.memref_squeeze %dma_start3A_38 : memref<1x128xi32, #tpu.memory_space<vmem>> -> memref<128xi32, #tpu.memory_space<vmem>>
      %dma_start3A_40 = arith.constant 0 : i32
      %dma_start3A_41 = arith.constant 0 : i32
      %dma_start3A_42 = tpu.memref_slice %arg9[%dma_start3A_40, %dma_start3A_41] : memref<10016x32xf32, #tpu.memory_space<vmem_shared>> -> memref<10016x32xf32, #tpu.memory_space<vmem_shared>>
      tpu.enqueue_indirect_dma source(%dma_start3A_36 : memref<128x32xf32, #tpu.memory_space<vmem>>) target(%dma_start3A_42 : memref<10016x32xf32, #tpu.memory_space<vmem_shared>>) offsets(%dma_start3A_39 : memref<128xi32, #tpu.memory_space<vmem>>) semaphore(%arg10 : memref<!tpu.dma_semaphore, #tpu.memory_space<semaphore_mem>>) {add = true}
      %dma_start3A_43 = arith.constant 2 : i32
      %dma_start3A_44 = arith.constant 256 : i32
      %dma_start3A_45 = arith.constant 0 : i32
      %dma_start3A_46 = tpu.memref_slice %arg7[%dma_start3A_44, %dma_start3A_45] : memref<2560x32xf32, #tpu.memory_space<vmem>> -> memref<128x32xf32, #tpu.memory_space<vmem>>
      %dma_start3A_47 = arith.constant 0 : i32
      %dma_start3A_48 = tpu.memref_slice %arg6[%dma_start3A_43, %dma_start3A_47] : memref<20x128xi32, #tpu.memory_space<vmem>> -> memref<1x128xi32, #tpu.memory_space<vmem>>
      %dma_start3A_49 = tpu.memref_squeeze %dma_start3A_48 : memref<1x128xi32, #tpu.memory_space<vmem>> -> memref<128xi32, #tpu.memory_space<vmem>>
      %dma_start3A_50 = arith.constant 0 : i32
      %dma_start3A_51 = arith.constant 0 : i32
      %dma_start3A_52 = tpu.memref_slice %arg9[%dma_start3A_50, %dma_start3A_51] : memref<10016x32xf32, #tpu.memory_space<vmem_shared>> -> memref<10016x32xf32, #tpu.memory_space<vmem_shared>>
      tpu.enqueue_indirect_dma source(%dma_start3A_46 : memref<128x32xf32, #tpu.memory_space<vmem>>) target(%dma_start3A_52 : memref<10016x32xf32, #tpu.memory_space<vmem_shared>>) offsets(%dma_start3A_49 : memref<128xi32, #tpu.memory_space<vmem>>) semaphore(%arg10 : memref<!tpu.dma_semaphore, #tpu.memory_space<semaphore_mem>>) {add = true}
      %dma_start3A_53 = arith.constant 3 : i32
      %dma_start3A_54 = arith.constant 384 : i32
      %dma_start3A_55 = arith.constant 0 : i32
      %dma_start3A_56 = tpu.memref_slice %arg7[%dma_start3A_54, %dma_start3A_55] : memref<2560x32xf32, #tpu.memory_space<vmem>> -> memref<128x32xf32, #tpu.memory_space<vmem>>
      %dma_start3A_57 = arith.constant 0 : i32
      %dma_start3A_58 = tpu.memref_slice %arg6[%dma_start3A_53, %dma_start3A_57] : memref<20x128xi32, #tpu.memory_space<vmem>> -> memref<1x128xi32, #tpu.memory_space<vmem>>
      %dma_start3A_59 = tpu.memref_squeeze %dma_start3A_58 : memref<1x128xi32, #tpu.memory_space<vmem>> -> memref<128xi32, #tpu.memory_space<vmem>>
      %dma_start3A_60 = arith.constant 0 : i32
      %dma_start3A_61 = arith.constant 0 : i32
      %dma_start3A_62 = tpu.memref_slice %arg9[%dma_start3A_60, %dma_start3A_61] : memref<10016x32xf32, #tpu.memory_space<vmem_shared>> -> memref<10016x32xf32, #tpu.memory_space<vmem_shared>>
      tpu.enqueue_indirect_dma source(%dma_start3A_56 : memref<128x32xf32, #tpu.memory_space<vmem>>) target(%dma_start3A_62 : memref<10016x32xf32, #tpu.memory_space<vmem_shared>>) offsets(%dma_start3A_59 : memref<128xi32, #tpu.memory_space<vmem>>) semaphore(%arg10 : memref<!tpu.dma_semaphore, #tpu.memory_space<semaphore_mem>>) {add = true}
      %dma_start3A_63 = arith.constant 4 : i32
      %dma_start3A_64 = arith.constant 512 : i32
      %dma_start3A_65 = arith.constant 0 : i32
      %dma_start3A_66 = tpu.memref_slice %arg7[%dma_start3A_64, %dma_start3A_65] : memref<2560x32xf32, #tpu.memory_space<vmem>> -> memref<128x32xf32, #tpu.memory_space<vmem>>
      %dma_start3A_67 = arith.constant 0 : i32
      %dma_start3A_68 = tpu.memref_slice %arg6[%dma_start3A_63, %dma_start3A_67] : memref<20x128xi32, #tpu.memory_space<vmem>> -> memref<1x128xi32, #tpu.memory_space<vmem>>
      %dma_start3A_69 = tpu.memref_squeeze %dma_start3A_68 : memref<1x128xi32, #tpu.memory_space<vmem>> -> memref<128xi32, #tpu.memory_space<vmem>>
      %dma_start3A_70 = arith.constant 0 : i32
      %dma_start3A_71 = arith.constant 0 : i32
      %dma_start3A_72 = tpu.memref_slice %arg9[%dma_start3A_70, %dma_start3A_71] : memref<10016x32xf32, #tpu.memory_space<vmem_shared>> -> memref<10016x32xf32, #tpu.memory_space<vmem_shared>>
      tpu.enqueue_indirect_dma source(%dma_start3A_66 : memref<128x32xf32, #tpu.memory_space<vmem>>) target(%dma_start3A_72 : memref<10016x32xf32, #tpu.memory_space<vmem_shared>>) offsets(%dma_start3A_69 : memref<128xi32, #tpu.memory_space<vmem>>) semaphore(%arg10 : memref<!tpu.dma_semaphore, #tpu.memory_space<semaphore_mem>>) {add = true}
      %dma_start3A_73 = arith.constant 5 : i32
      %dma_start3A_74 = arith.constant 640 : i32
      %dma_start3A_75 = arith.constant 0 : i32
      %dma_start3A_76 = tpu.memref_slice %arg7[%dma_start3A_74, %dma_start3A_75] : memref<2560x32xf32, #tpu.memory_space<vmem>> -> memref<128x32xf32, #tpu.memory_space<vmem>>
      %dma_start3A_77 = arith.constant 0 : i32
      %dma_start3A_78 = tpu.memref_slice %arg6[%dma_start3A_73, %dma_start3A_77] : memref<20x128xi32, #tpu.memory_space<vmem>> -> memref<1x128xi32, #tpu.memory_space<vmem>>
      %dma_start3A_79 = tpu.memref_squeeze %dma_start3A_78 : memref<1x128xi32, #tpu.memory_space<vmem>> -> memref<128xi32, #tpu.memory_space<vmem>>
      %dma_start3A_80 = arith.constant 0 : i32
      %dma_start3A_81 = arith.constant 0 : i32
      %dma_start3A_82 = tpu.memref_slice %arg9[%dma_start3A_80, %dma_start3A_81] : memref<10016x32xf32, #tpu.memory_space<vmem_shared>> -> memref<10016x32xf32, #tpu.memory_space<vmem_shared>>
      tpu.enqueue_indirect_dma source(%dma_start3A_76 : memref<128x32xf32, #tpu.memory_space<vmem>>) target(%dma_start3A_82 : memref<10016x32xf32, #tpu.memory_space<vmem_shared>>) offsets(%dma_start3A_79 : memref<128xi32, #tpu.memory_space<vmem>>) semaphore(%arg10 : memref<!tpu.dma_semaphore, #tpu.memory_space<semaphore_mem>>) {add = true}
      %dma_start3A_83 = arith.constant 6 : i32
      %dma_start3A_84 = arith.constant 768 : i32
      %dma_start3A_85 = arith.constant 0 : i32
      %dma_start3A_86 = tpu.memref_slice %arg7[%dma_start3A_84, %dma_start3A_85] : memref<2560x32xf32, #tpu.memory_space<vmem>> -> memref<128x32xf32, #tpu.memory_space<vmem>>
      %dma_start3A_87 = arith.constant 0 : i32
      %dma_start3A_88 = tpu.memref_slice %arg6[%dma_start3A_83, %dma_start3A_87] : memref<20x128xi32, #tpu.memory_space<vmem>> -> memref<1x128xi32, #tpu.memory_space<vmem>>
      %dma_start3A_89 = tpu.memref_squeeze %dma_start3A_88 : memref<1x128xi32, #tpu.memory_space<vmem>> -> memref<128xi32, #tpu.memory_space<vmem>>
      %dma_start3A_90 = arith.constant 0 : i32
      %dma_start3A_91 = arith.constant 0 : i32
      %dma_start3A_92 = tpu.memref_slice %arg9[%dma_start3A_90, %dma_start3A_91] : memref<10016x32xf32, #tpu.memory_space<vmem_shared>> -> memref<10016x32xf32, #tpu.memory_space<vmem_shared>>
      tpu.enqueue_indirect_dma source(%dma_start3A_86 : memref<128x32xf32, #tpu.memory_space<vmem>>) target(%dma_start3A_92 : memref<10016x32xf32, #tpu.memory_space<vmem_shared>>) offsets(%dma_start3A_89 : memref<128xi32, #tpu.memory_space<vmem>>) semaphore(%arg10 : memref<!tpu.dma_semaphore, #tpu.memory_space<semaphore_mem>>) {add = true}
      %dma_start3A_93 = arith.constant 7 : i32
      %dma_start3A_94 = arith.constant 896 : i32
      %dma_start3A_95 = arith.constant 0 : i32
      %dma_start3A_96 = tpu.memref_slice %arg7[%dma_start3A_94, %dma_start3A_95] : memref<2560x32xf32, #tpu.memory_space<vmem>> -> memref<128x32xf32, #tpu.memory_space<vmem>>
      %dma_start3A_97 = arith.constant 0 : i32
      %dma_start3A_98 = tpu.memref_slice %arg6[%dma_start3A_93, %dma_start3A_97] : memref<20x128xi32, #tpu.memory_space<vmem>> -> memref<1x128xi32, #tpu.memory_space<vmem>>
      %dma_start3A_99 = tpu.memref_squeeze %dma_start3A_98 : memref<1x128xi32, #tpu.memory_space<vmem>> -> memref<128xi32, #tpu.memory_space<vmem>>
      %dma_start3A_100 = arith.constant 0 : i32
      %dma_start3A_101 = arith.constant 0 : i32
      %dma_start3A_102 = tpu.memref_slice %arg9[%dma_start3A_100, %dma_start3A_101] : memref<10016x32xf32, #tpu.memory_space<vmem_shared>> -> memref<10016x32xf32, #tpu.memory_space<vmem_shared>>
      tpu.enqueue_indirect_dma source(%dma_start3A_96 : memref<128x32xf32, #tpu.memory_space<vmem>>) target(%dma_start3A_102 : memref<10016x32xf32, #tpu.memory_space<vmem_shared>>) offsets(%dma_start3A_99 : memref<128xi32, #tpu.memory_space<vmem>>) semaphore(%arg10 : memref<!tpu.dma_semaphore, #tpu.memory_space<semaphore_mem>>) {add = true}
      %dma_start3A_103 = arith.constant 8 : i32
      %dma_start3A_104 = arith.constant 1024 : i32
      %dma_start3A_105 = arith.constant 0 : i32
      %dma_start3A_106 = tpu.memref_slice %arg7[%dma_start3A_104, %dma_start3A_105] : memref<2560x32xf32, #tpu.memory_space<vmem>> -> memref<128x32xf32, #tpu.memory_space<vmem>>
      %dma_start3A_107 = arith.constant 0 : i32
      %dma_start3A_108 = tpu.memref_slice %arg6[%dma_start3A_103, %dma_start3A_107] : memref<20x128xi32, #tpu.memory_space<vmem>> -> memref<1x128xi32, #tpu.memory_space<vmem>>
      %dma_start3A_109 = tpu.memref_squeeze %dma_start3A_108 : memref<1x128xi32, #tpu.memory_space<vmem>> -> memref<128xi32, #tpu.memory_space<vmem>>
      %dma_start3A_110 = arith.constant 0 : i32
      %dma_start3A_111 = arith.constant 0 : i32
      %dma_start3A_112 = tpu.memref_slice %arg9[%dma_start3A_110, %dma_start3A_111] : memref<10016x32xf32, #tpu.memory_space<vmem_shared>> -> memref<10016x32xf32, #tpu.memory_space<vmem_shared>>
      tpu.enqueue_indirect_dma source(%dma_start3A_106 : memref<128x32xf32, #tpu.memory_space<vmem>>) target(%dma_start3A_112 : memref<10016x32xf32, #tpu.memory_space<vmem_shared>>) offsets(%dma_start3A_109 : memref<128xi32, #tpu.memory_space<vmem>>) semaphore(%arg10 : memref<!tpu.dma_semaphore, #tpu.memory_space<semaphore_mem>>) {add = true}
      %dma_start3A_113 = arith.constant 9 : i32
      %dma_start3A_114 = arith.constant 1152 : i32
      %dma_start3A_115 = arith.constant 0 : i32
      %dma_start3A_116 = tpu.memref_slice %arg7[%dma_start3A_114, %dma_start3A_115] : memref<2560x32xf32, #tpu.memory_space<vmem>> -> memref<128x32xf32, #tpu.memory_space<vmem>>
      %dma_start3A_117 = arith.constant 0 : i32
      %dma_start3A_118 = tpu.memref_slice %arg6[%dma_start3A_113, %dma_start3A_117] : memref<20x128xi32, #tpu.memory_space<vmem>> -> memref<1x128xi32, #tpu.memory_space<vmem>>
      %dma_start3A_119 = tpu.memref_squeeze %dma_start3A_118 : memref<1x128xi32, #tpu.memory_space<vmem>> -> memref<128xi32, #tpu.memory_space<vmem>>
      %dma_start3A_120 = arith.constant 0 : i32
      %dma_start3A_121 = arith.constant 0 : i32
      %dma_start3A_122 = tpu.memref_slice %arg9[%dma_start3A_120, %dma_start3A_121] : memref<10016x32xf32, #tpu.memory_space<vmem_shared>> -> memref<10016x32xf32, #tpu.memory_space<vmem_shared>>
      tpu.enqueue_indirect_dma source(%dma_start3A_116 : memref<128x32xf32, #tpu.memory_space<vmem>>) target(%dma_start3A_122 : memref<10016x32xf32, #tpu.memory_space<vmem_shared>>) offsets(%dma_start3A_119 : memref<128xi32, #tpu.memory_space<vmem>>) semaphore(%arg10 : memref<!tpu.dma_semaphore, #tpu.memory_space<semaphore_mem>>) {add = true}
      %dma_start3A_123 = arith.constant 10 : i32
      %dma_start3A_124 = arith.constant 1280 : i32
      %dma_start3A_125 = arith.constant 0 : i32
      %dma_start3A_126 = tpu.memref_slice %arg7[%dma_start3A_124, %dma_start3A_125] : memref<2560x32xf32, #tpu.memory_space<vmem>> -> memref<128x32xf32, #tpu.memory_space<vmem>>
      %dma_start3A_127 = arith.constant 0 : i32
      %dma_start3A_128 = tpu.memref_slice %arg6[%dma_start3A_123, %dma_start3A_127] : memref<20x128xi32, #tpu.memory_space<vmem>> -> memref<1x128xi32, #tpu.memory_space<vmem>>
      %dma_start3A_129 = tpu.memref_squeeze %dma_start3A_128 : memref<1x128xi32, #tpu.memory_space<vmem>> -> memref<128xi32, #tpu.memory_space<vmem>>
      %dma_start3A_130 = arith.constant 0 : i32
      %dma_start3A_131 = arith.constant 0 : i32
      %dma_start3A_132 = tpu.memref_slice %arg9[%dma_start3A_130, %dma_start3A_131] : memref<10016x32xf32, #tpu.memory_space<vmem_shared>> -> memref<10016x32xf32, #tpu.memory_space<vmem_shared>>
      tpu.enqueue_indirect_dma source(%dma_start3A_126 : memref<128x32xf32, #tpu.memory_space<vmem>>) target(%dma_start3A_132 : memref<10016x32xf32, #tpu.memory_space<vmem_shared>>) offsets(%dma_start3A_129 : memref<128xi32, #tpu.memory_space<vmem>>) semaphore(%arg10 : memref<!tpu.dma_semaphore, #tpu.memory_space<semaphore_mem>>) {add = true}
      %dma_start3A_133 = arith.constant 11 : i32
      %dma_start3A_134 = arith.constant 1408 : i32
      %dma_start3A_135 = arith.constant 0 : i32
      %dma_start3A_136 = tpu.memref_slice %arg7[%dma_start3A_134, %dma_start3A_135] : memref<2560x32xf32, #tpu.memory_space<vmem>> -> memref<128x32xf32, #tpu.memory_space<vmem>>
      %dma_start3A_137 = arith.constant 0 : i32
      %dma_start3A_138 = tpu.memref_slice %arg6[%dma_start3A_133, %dma_start3A_137] : memref<20x128xi32, #tpu.memory_space<vmem>> -> memref<1x128xi32, #tpu.memory_space<vmem>>
      %dma_start3A_139 = tpu.memref_squeeze %dma_start3A_138 : memref<1x128xi32, #tpu.memory_space<vmem>> -> memref<128xi32, #tpu.memory_space<vmem>>
      %dma_start3A_140 = arith.constant 0 : i32
      %dma_start3A_141 = arith.constant 0 : i32
      %dma_start3A_142 = tpu.memref_slice %arg9[%dma_start3A_140, %dma_start3A_141] : memref<10016x32xf32, #tpu.memory_space<vmem_shared>> -> memref<10016x32xf32, #tpu.memory_space<vmem_shared>>
      tpu.enqueue_indirect_dma source(%dma_start3A_136 : memref<128x32xf32, #tpu.memory_space<vmem>>) target(%dma_start3A_142 : memref<10016x32xf32, #tpu.memory_space<vmem_shared>>) offsets(%dma_start3A_139 : memref<128xi32, #tpu.memory_space<vmem>>) semaphore(%arg10 : memref<!tpu.dma_semaphore, #tpu.memory_space<semaphore_mem>>) {add = true}
      %dma_start3A_143 = arith.constant 12 : i32
      %dma_start3A_144 = arith.constant 1536 : i32
      %dma_start3A_145 = arith.constant 0 : i32
      %dma_start3A_146 = tpu.memref_slice %arg7[%dma_start3A_144, %dma_start3A_145] : memref<2560x32xf32, #tpu.memory_space<vmem>> -> memref<128x32xf32, #tpu.memory_space<vmem>>
      %dma_start3A_147 = arith.constant 0 : i32
      %dma_start3A_148 = tpu.memref_slice %arg6[%dma_start3A_143, %dma_start3A_147] : memref<20x128xi32, #tpu.memory_space<vmem>> -> memref<1x128xi32, #tpu.memory_space<vmem>>
      %dma_start3A_149 = tpu.memref_squeeze %dma_start3A_148 : memref<1x128xi32, #tpu.memory_space<vmem>> -> memref<128xi32, #tpu.memory_space<vmem>>
      %dma_start3A_150 = arith.constant 0 : i32
      %dma_start3A_151 = arith.constant 0 : i32
      %dma_start3A_152 = tpu.memref_slice %arg9[%dma_start3A_150, %dma_start3A_151] : memref<10016x32xf32, #tpu.memory_space<vmem_shared>> -> memref<10016x32xf32, #tpu.memory_space<vmem_shared>>
      tpu.enqueue_indirect_dma source(%dma_start3A_146 : memref<128x32xf32, #tpu.memory_space<vmem>>) target(%dma_start3A_152 : memref<10016x32xf32, #tpu.memory_space<vmem_shared>>) offsets(%dma_start3A_149 : memref<128xi32, #tpu.memory_space<vmem>>) semaphore(%arg10 : memref<!tpu.dma_semaphore, #tpu.memory_space<semaphore_mem>>) {add = true}
      %dma_start3A_153 = arith.constant 13 : i32
      %dma_start3A_154 = arith.constant 1664 : i32
      %dma_start3A_155 = arith.constant 0 : i32
      %dma_start3A_156 = tpu.memref_slice %arg7[%dma_start3A_154, %dma_start3A_155] : memref<2560x32xf32, #tpu.memory_space<vmem>> -> memref<128x32xf32, #tpu.memory_space<vmem>>
      %dma_start3A_157 = arith.constant 0 : i32
      %dma_start3A_158 = tpu.memref_slice %arg6[%dma_start3A_153, %dma_start3A_157] : memref<20x128xi32, #tpu.memory_space<vmem>> -> memref<1x128xi32, #tpu.memory_space<vmem>>
      %dma_start3A_159 = tpu.memref_squeeze %dma_start3A_158 : memref<1x128xi32, #tpu.memory_space<vmem>> -> memref<128xi32, #tpu.memory_space<vmem>>
      %dma_start3A_160 = arith.constant 0 : i32
      %dma_start3A_161 = arith.constant 0 : i32
      %dma_start3A_162 = tpu.memref_slice %arg9[%dma_start3A_160, %dma_start3A_161] : memref<10016x32xf32, #tpu.memory_space<vmem_shared>> -> memref<10016x32xf32, #tpu.memory_space<vmem_shared>>
      tpu.enqueue_indirect_dma source(%dma_start3A_156 : memref<128x32xf32, #tpu.memory_space<vmem>>) target(%dma_start3A_162 : memref<10016x32xf32, #tpu.memory_space<vmem_shared>>) offsets(%dma_start3A_159 : memref<128xi32, #tpu.memory_space<vmem>>) semaphore(%arg10 : memref<!tpu.dma_semaphore, #tpu.memory_space<semaphore_mem>>) {add = true}
      %dma_start3A_163 = arith.constant 14 : i32
      %dma_start3A_164 = arith.constant 1792 : i32
      %dma_start3A_165 = arith.constant 0 : i32
      %dma_start3A_166 = tpu.memref_slice %arg7[%dma_start3A_164, %dma_start3A_165] : memref<2560x32xf32, #tpu.memory_space<vmem>> -> memref<128x32xf32, #tpu.memory_space<vmem>>
      %dma_start3A_167 = arith.constant 0 : i32
      %dma_start3A_168 = tpu.memref_slice %arg6[%dma_start3A_163, %dma_start3A_167] : memref<20x128xi32, #tpu.memory_space<vmem>> -> memref<1x128xi32, #tpu.memory_space<vmem>>
      %dma_start3A_169 = tpu.memref_squeeze %dma_start3A_168 : memref<1x128xi32, #tpu.memory_space<vmem>> -> memref<128xi32, #tpu.memory_space<vmem>>
      %dma_start3A_170 = arith.constant 0 : i32
      %dma_start3A_171 = arith.constant 0 : i32
      %dma_start3A_172 = tpu.memref_slice %arg9[%dma_start3A_170, %dma_start3A_171] : memref<10016x32xf32, #tpu.memory_space<vmem_shared>> -> memref<10016x32xf32, #tpu.memory_space<vmem_shared>>
      tpu.enqueue_indirect_dma source(%dma_start3A_166 : memref<128x32xf32, #tpu.memory_space<vmem>>) target(%dma_start3A_172 : memref<10016x32xf32, #tpu.memory_space<vmem_shared>>) offsets(%dma_start3A_169 : memref<128xi32, #tpu.memory_space<vmem>>) semaphore(%arg10 : memref<!tpu.dma_semaphore, #tpu.memory_space<semaphore_mem>>) {add = true}
      %dma_start3A_173 = arith.constant 15 : i32
      %dma_start3A_174 = arith.constant 1920 : i32
      %dma_start3A_175 = arith.constant 0 : i32
      %dma_start3A_176 = tpu.memref_slice %arg7[%dma_start3A_174, %dma_start3A_175] : memref<2560x32xf32, #tpu.memory_space<vmem>> -> memref<128x32xf32, #tpu.memory_space<vmem>>
      %dma_start3A_177 = arith.constant 0 : i32
      %dma_start3A_178 = tpu.memref_slice %arg6[%dma_start3A_173, %dma_start3A_177] : memref<20x128xi32, #tpu.memory_space<vmem>> -> memref<1x128xi32, #tpu.memory_space<vmem>>
      %dma_start3A_179 = tpu.memref_squeeze %dma_start3A_178 : memref<1x128xi32, #tpu.memory_space<vmem>> -> memref<128xi32, #tpu.memory_space<vmem>>
      %dma_start3A_180 = arith.constant 0 : i32
      %dma_start3A_181 = arith.constant 0 : i32
      %dma_start3A_182 = tpu.memref_slice %arg9[%dma_start3A_180, %dma_start3A_181] : memref<10016x32xf32, #tpu.memory_space<vmem_shared>> -> memref<10016x32xf32, #tpu.memory_space<vmem_shared>>
      tpu.enqueue_indirect_dma source(%dma_start3A_176 : memref<128x32xf32, #tpu.memory_space<vmem>>) target(%dma_start3A_182 : memref<10016x32xf32, #tpu.memory_space<vmem_shared>>) offsets(%dma_start3A_179 : memref<128xi32, #tpu.memory_space<vmem>>) semaphore(%arg10 : memref<!tpu.dma_semaphore, #tpu.memory_space<semaphore_mem>>) {add = true}
      %dma_start3A_183 = arith.constant 16 : i32
      %dma_start3A_184 = arith.constant 2048 : i32
      %dma_start3A_185 = arith.constant 0 : i32
      %dma_start3A_186 = tpu.memref_slice %arg7[%dma_start3A_184, %dma_start3A_185] : memref<2560x32xf32, #tpu.memory_space<vmem>> -> memref<128x32xf32, #tpu.memory_space<vmem>>
      %dma_start3A_187 = arith.constant 0 : i32
      %dma_start3A_188 = tpu.memref_slice %arg6[%dma_start3A_183, %dma_start3A_187] : memref<20x128xi32, #tpu.memory_space<vmem>> -> memref<1x128xi32, #tpu.memory_space<vmem>>
      %dma_start3A_189 = tpu.memref_squeeze %dma_start3A_188 : memref<1x128xi32, #tpu.memory_space<vmem>> -> memref<128xi32, #tpu.memory_space<vmem>>
      %dma_start3A_190 = arith.constant 0 : i32
      %dma_start3A_191 = arith.constant 0 : i32
      %dma_start3A_192 = tpu.memref_slice %arg9[%dma_start3A_190, %dma_start3A_191] : memref<10016x32xf32, #tpu.memory_space<vmem_shared>> -> memref<10016x32xf32, #tpu.memory_space<vmem_shared>>
      tpu.enqueue_indirect_dma source(%dma_start3A_186 : memref<128x32xf32, #tpu.memory_space<vmem>>) target(%dma_start3A_192 : memref<10016x32xf32, #tpu.memory_space<vmem_shared>>) offsets(%dma_start3A_189 : memref<128xi32, #tpu.memory_space<vmem>>) semaphore(%arg10 : memref<!tpu.dma_semaphore, #tpu.memory_space<semaphore_mem>>) {add = true}
      %dma_start3A_193 = arith.constant 17 : i32
      %dma_start3A_194 = arith.constant 2176 : i32
      %dma_start3A_195 = arith.constant 0 : i32
      %dma_start3A_196 = tpu.memref_slice %arg7[%dma_start3A_194, %dma_start3A_195] : memref<2560x32xf32, #tpu.memory_space<vmem>> -> memref<128x32xf32, #tpu.memory_space<vmem>>
      %dma_start3A_197 = arith.constant 0 : i32
      %dma_start3A_198 = tpu.memref_slice %arg6[%dma_start3A_193, %dma_start3A_197] : memref<20x128xi32, #tpu.memory_space<vmem>> -> memref<1x128xi32, #tpu.memory_space<vmem>>
      %dma_start3A_199 = tpu.memref_squeeze %dma_start3A_198 : memref<1x128xi32, #tpu.memory_space<vmem>> -> memref<128xi32, #tpu.memory_space<vmem>>
      %dma_start3A_200 = arith.constant 0 : i32
      %dma_start3A_201 = arith.constant 0 : i32
      %dma_start3A_202 = tpu.memref_slice %arg9[%dma_start3A_200, %dma_start3A_201] : memref<10016x32xf32, #tpu.memory_space<vmem_shared>> -> memref<10016x32xf32, #tpu.memory_space<vmem_shared>>
      tpu.enqueue_indirect_dma source(%dma_start3A_196 : memref<128x32xf32, #tpu.memory_space<vmem>>) target(%dma_start3A_202 : memref<10016x32xf32, #tpu.memory_space<vmem_shared>>) offsets(%dma_start3A_199 : memref<128xi32, #tpu.memory_space<vmem>>) semaphore(%arg10 : memref<!tpu.dma_semaphore, #tpu.memory_space<semaphore_mem>>) {add = true}
      %dma_start3A_203 = arith.constant 18 : i32
      %dma_start3A_204 = arith.constant 2304 : i32
      %dma_start3A_205 = arith.constant 0 : i32
      %dma_start3A_206 = tpu.memref_slice %arg7[%dma_start3A_204, %dma_start3A_205] : memref<2560x32xf32, #tpu.memory_space<vmem>> -> memref<128x32xf32, #tpu.memory_space<vmem>>
      %dma_start3A_207 = arith.constant 0 : i32
      %dma_start3A_208 = tpu.memref_slice %arg6[%dma_start3A_203, %dma_start3A_207] : memref<20x128xi32, #tpu.memory_space<vmem>> -> memref<1x128xi32, #tpu.memory_space<vmem>>
      %dma_start3A_209 = tpu.memref_squeeze %dma_start3A_208 : memref<1x128xi32, #tpu.memory_space<vmem>> -> memref<128xi32, #tpu.memory_space<vmem>>
      %dma_start3A_210 = arith.constant 0 : i32
      %dma_start3A_211 = arith.constant 0 : i32
      %dma_start3A_212 = tpu.memref_slice %arg9[%dma_start3A_210, %dma_start3A_211] : memref<10016x32xf32, #tpu.memory_space<vmem_shared>> -> memref<10016x32xf32, #tpu.memory_space<vmem_shared>>
      tpu.enqueue_indirect_dma source(%dma_start3A_206 : memref<128x32xf32, #tpu.memory_space<vmem>>) target(%dma_start3A_212 : memref<10016x32xf32, #tpu.memory_space<vmem_shared>>) offsets(%dma_start3A_209 : memref<128xi32, #tpu.memory_space<vmem>>) semaphore(%arg10 : memref<!tpu.dma_semaphore, #tpu.memory_space<semaphore_mem>>) {add = true}
      %dma_start3A_213 = arith.constant 19 : i32
      %dma_start3A_214 = arith.constant 2432 : i32
      %dma_start3A_215 = arith.constant 0 : i32
      %dma_start3A_216 = tpu.memref_slice %arg7[%dma_start3A_214, %dma_start3A_215] : memref<2560x32xf32, #tpu.memory_space<vmem>> -> memref<128x32xf32, #tpu.memory_space<vmem>>
      %dma_start3A_217 = arith.constant 0 : i32
      %dma_start3A_218 = tpu.memref_slice %arg6[%dma_start3A_213, %dma_start3A_217] : memref<20x128xi32, #tpu.memory_space<vmem>> -> memref<1x128xi32, #tpu.memory_space<vmem>>
      %dma_start3A_219 = tpu.memref_squeeze %dma_start3A_218 : memref<1x128xi32, #tpu.memory_space<vmem>> -> memref<128xi32, #tpu.memory_space<vmem>>
      %dma_start3A_220 = arith.constant 0 : i32
      %dma_start3A_221 = arith.constant 0 : i32
      %dma_start3A_222 = tpu.memref_slice %arg9[%dma_start3A_220, %dma_start3A_221] : memref<10016x32xf32, #tpu.memory_space<vmem_shared>> -> memref<10016x32xf32, #tpu.memory_space<vmem_shared>>
      tpu.enqueue_indirect_dma source(%dma_start3A_216 : memref<128x32xf32, #tpu.memory_space<vmem>>) target(%dma_start3A_222 : memref<10016x32xf32, #tpu.memory_space<vmem_shared>>) offsets(%dma_start3A_219 : memref<128xi32, #tpu.memory_space<vmem>>) semaphore(%arg10 : memref<!tpu.dma_semaphore, #tpu.memory_space<semaphore_mem>>) {add = true}
      %dma_wait3A = arith.constant 0 : i32
      %dma_wait3A_223 = arith.constant 0 : i32
      %dma_wait3A_224 = arith.constant 0 : i32
      %dma_wait3A_225 = tpu.memref_slice %arg7[%dma_wait3A_223, %dma_wait3A_224] : memref<2560x32xf32, #tpu.memory_space<vmem>> -> memref<128x32xf32, #tpu.memory_space<vmem>>
      %dma_wait3A_226 = arith.constant 0 : i32
      %dma_wait3A_227 = tpu.memref_slice %arg6[%dma_wait3A, %dma_wait3A_226] : memref<20x128xi32, #tpu.memory_space<vmem>> -> memref<1x128xi32, #tpu.memory_space<vmem>>
      %dma_wait3A_228 = tpu.memref_squeeze %dma_wait3A_227 : memref<1x128xi32, #tpu.memory_space<vmem>> -> memref<128xi32, #tpu.memory_space<vmem>>
      %dma_wait3A_229 = arith.constant 0 : i32
      %dma_wait3A_230 = arith.constant 0 : i32
      %dma_wait3A_231 = tpu.memref_slice %arg9[%dma_wait3A_229, %dma_wait3A_230] : memref<10016x32xf32, #tpu.memory_space<vmem_shared>> -> memref<10016x32xf32, #tpu.memory_space<vmem_shared>>
      tpu.wait_indirect_dma semaphore(%arg10 : memref<!tpu.dma_semaphore, #tpu.memory_space<semaphore_mem>>) src(%dma_wait3A_225 : memref<128x32xf32, #tpu.memory_space<vmem>>) dst(%dma_wait3A_231 : memref<10016x32xf32, #tpu.memory_space<vmem_shared>>)
      %dma_wait3A_232 = arith.constant 1 : i32
      %dma_wait3A_233 = arith.constant 128 : i32
      %dma_wait3A_234 = arith.constant 0 : i32
      %dma_wait3A_235 = tpu.memref_slice %arg7[%dma_wait3A_233, %dma_wait3A_234] : memref<2560x32xf32, #tpu.memory_space<vmem>> -> memref<128x32xf32, #tpu.memory_space<vmem>>
      %dma_wait3A_236 = arith.constant 0 : i32
      %dma_wait3A_237 = tpu.memref_slice %arg6[%dma_wait3A_232, %dma_wait3A_236] : memref<20x128xi32, #tpu.memory_space<vmem>> -> memref<1x128xi32, #tpu.memory_space<vmem>>
      %dma_wait3A_238 = tpu.memref_squeeze %dma_wait3A_237 : memref<1x128xi32, #tpu.memory_space<vmem>> -> memref<128xi32, #tpu.memory_space<vmem>>
      %dma_wait3A_239 = arith.constant 0 : i32
      %dma_wait3A_240 = arith.constant 0 : i32
      %dma_wait3A_241 = tpu.memref_slice %arg9[%dma_wait3A_239, %dma_wait3A_240] : memref<10016x32xf32, #tpu.memory_space<vmem_shared>> -> memref<10016x32xf32, #tpu.memory_space<vmem_shared>>
      tpu.wait_indirect_dma semaphore(%arg10 : memref<!tpu.dma_semaphore, #tpu.memory_space<semaphore_mem>>) src(%dma_wait3A_235 : memref<128x32xf32, #tpu.memory_space<vmem>>) dst(%dma_wait3A_241 : memref<10016x32xf32, #tpu.memory_space<vmem_shared>>)
      %dma_wait3A_242 = arith.constant 2 : i32
      %dma_wait3A_243 = arith.constant 256 : i32
      %dma_wait3A_244 = arith.constant 0 : i32
      %dma_wait3A_245 = tpu.memref_slice %arg7[%dma_wait3A_243, %dma_wait3A_244] : memref<2560x32xf32, #tpu.memory_space<vmem>> -> memref<128x32xf32, #tpu.memory_space<vmem>>
      %dma_wait3A_246 = arith.constant 0 : i32
      %dma_wait3A_247 = tpu.memref_slice %arg6[%dma_wait3A_242, %dma_wait3A_246] : memref<20x128xi32, #tpu.memory_space<vmem>> -> memref<1x128xi32, #tpu.memory_space<vmem>>
      %dma_wait3A_248 = tpu.memref_squeeze %dma_wait3A_247 : memref<1x128xi32, #tpu.memory_space<vmem>> -> memref<128xi32, #tpu.memory_space<vmem>>
      %dma_wait3A_249 = arith.constant 0 : i32
      %dma_wait3A_250 = arith.constant 0 : i32
      %dma_wait3A_251 = tpu.memref_slice %arg9[%dma_wait3A_249, %dma_wait3A_250] : memref<10016x32xf32, #tpu.memory_space<vmem_shared>> -> memref<10016x32xf32, #tpu.memory_space<vmem_shared>>
      tpu.wait_indirect_dma semaphore(%arg10 : memref<!tpu.dma_semaphore, #tpu.memory_space<semaphore_mem>>) src(%dma_wait3A_245 : memref<128x32xf32, #tpu.memory_space<vmem>>) dst(%dma_wait3A_251 : memref<10016x32xf32, #tpu.memory_space<vmem_shared>>)
      %dma_wait3A_252 = arith.constant 3 : i32
      %dma_wait3A_253 = arith.constant 384 : i32
      %dma_wait3A_254 = arith.constant 0 : i32
      %dma_wait3A_255 = tpu.memref_slice %arg7[%dma_wait3A_253, %dma_wait3A_254] : memref<2560x32xf32, #tpu.memory_space<vmem>> -> memref<128x32xf32, #tpu.memory_space<vmem>>
      %dma_wait3A_256 = arith.constant 0 : i32
      %dma_wait3A_257 = tpu.memref_slice %arg6[%dma_wait3A_252, %dma_wait3A_256] : memref<20x128xi32, #tpu.memory_space<vmem>> -> memref<1x128xi32, #tpu.memory_space<vmem>>
      %dma_wait3A_258 = tpu.memref_squeeze %dma_wait3A_257 : memref<1x128xi32, #tpu.memory_space<vmem>> -> memref<128xi32, #tpu.memory_space<vmem>>
      %dma_wait3A_259 = arith.constant 0 : i32
      %dma_wait3A_260 = arith.constant 0 : i32
      %dma_wait3A_261 = tpu.memref_slice %arg9[%dma_wait3A_259, %dma_wait3A_260] : memref<10016x32xf32, #tpu.memory_space<vmem_shared>> -> memref<10016x32xf32, #tpu.memory_space<vmem_shared>>
      tpu.wait_indirect_dma semaphore(%arg10 : memref<!tpu.dma_semaphore, #tpu.memory_space<semaphore_mem>>) src(%dma_wait3A_255 : memref<128x32xf32, #tpu.memory_space<vmem>>) dst(%dma_wait3A_261 : memref<10016x32xf32, #tpu.memory_space<vmem_shared>>)
      %dma_wait3A_262 = arith.constant 4 : i32
      %dma_wait3A_263 = arith.constant 512 : i32
      %dma_wait3A_264 = arith.constant 0 : i32
      %dma_wait3A_265 = tpu.memref_slice %arg7[%dma_wait3A_263, %dma_wait3A_264] : memref<2560x32xf32, #tpu.memory_space<vmem>> -> memref<128x32xf32, #tpu.memory_space<vmem>>
      %dma_wait3A_266 = arith.constant 0 : i32
      %dma_wait3A_267 = tpu.memref_slice %arg6[%dma_wait3A_262, %dma_wait3A_266] : memref<20x128xi32, #tpu.memory_space<vmem>> -> memref<1x128xi32, #tpu.memory_space<vmem>>
      %dma_wait3A_268 = tpu.memref_squeeze %dma_wait3A_267 : memref<1x128xi32, #tpu.memory_space<vmem>> -> memref<128xi32, #tpu.memory_space<vmem>>
      %dma_wait3A_269 = arith.constant 0 : i32
      %dma_wait3A_270 = arith.constant 0 : i32
      %dma_wait3A_271 = tpu.memref_slice %arg9[%dma_wait3A_269, %dma_wait3A_270] : memref<10016x32xf32, #tpu.memory_space<vmem_shared>> -> memref<10016x32xf32, #tpu.memory_space<vmem_shared>>
      tpu.wait_indirect_dma semaphore(%arg10 : memref<!tpu.dma_semaphore, #tpu.memory_space<semaphore_mem>>) src(%dma_wait3A_265 : memref<128x32xf32, #tpu.memory_space<vmem>>) dst(%dma_wait3A_271 : memref<10016x32xf32, #tpu.memory_space<vmem_shared>>)
      %dma_wait3A_272 = arith.constant 5 : i32
      %dma_wait3A_273 = arith.constant 640 : i32
      %dma_wait3A_274 = arith.constant 0 : i32
      %dma_wait3A_275 = tpu.memref_slice %arg7[%dma_wait3A_273, %dma_wait3A_274] : memref<2560x32xf32, #tpu.memory_space<vmem>> -> memref<128x32xf32, #tpu.memory_space<vmem>>
      %dma_wait3A_276 = arith.constant 0 : i32
      %dma_wait3A_277 = tpu.memref_slice %arg6[%dma_wait3A_272, %dma_wait3A_276] : memref<20x128xi32, #tpu.memory_space<vmem>> -> memref<1x128xi32, #tpu.memory_space<vmem>>
      %dma_wait3A_278 = tpu.memref_squeeze %dma_wait3A_277 : memref<1x128xi32, #tpu.memory_space<vmem>> -> memref<128xi32, #tpu.memory_space<vmem>>
      %dma_wait3A_279 = arith.constant 0 : i32
      %dma_wait3A_280 = arith.constant 0 : i32
      %dma_wait3A_281 = tpu.memref_slice %arg9[%dma_wait3A_279, %dma_wait3A_280] : memref<10016x32xf32, #tpu.memory_space<vmem_shared>> -> memref<10016x32xf32, #tpu.memory_space<vmem_shared>>
      tpu.wait_indirect_dma semaphore(%arg10 : memref<!tpu.dma_semaphore, #tpu.memory_space<semaphore_mem>>) src(%dma_wait3A_275 : memref<128x32xf32, #tpu.memory_space<vmem>>) dst(%dma_wait3A_281 : memref<10016x32xf32, #tpu.memory_space<vmem_shared>>)
      %dma_wait3A_282 = arith.constant 6 : i32
      %dma_wait3A_283 = arith.constant 768 : i32
      %dma_wait3A_284 = arith.constant 0 : i32
      %dma_wait3A_285 = tpu.memref_slice %arg7[%dma_wait3A_283, %dma_wait3A_284] : memref<2560x32xf32, #tpu.memory_space<vmem>> -> memref<128x32xf32, #tpu.memory_space<vmem>>
      %dma_wait3A_286 = arith.constant 0 : i32
      %dma_wait3A_287 = tpu.memref_slice %arg6[%dma_wait3A_282, %dma_wait3A_286] : memref<20x128xi32, #tpu.memory_space<vmem>> -> memref<1x128xi32, #tpu.memory_space<vmem>>
      %dma_wait3A_288 = tpu.memref_squeeze %dma_wait3A_287 : memref<1x128xi32, #tpu.memory_space<vmem>> -> memref<128xi32, #tpu.memory_space<vmem>>
      %dma_wait3A_289 = arith.constant 0 : i32
      %dma_wait3A_290 = arith.constant 0 : i32
      %dma_wait3A_291 = tpu.memref_slice %arg9[%dma_wait3A_289, %dma_wait3A_290] : memref<10016x32xf32, #tpu.memory_space<vmem_shared>> -> memref<10016x32xf32, #tpu.memory_space<vmem_shared>>
      tpu.wait_indirect_dma semaphore(%arg10 : memref<!tpu.dma_semaphore, #tpu.memory_space<semaphore_mem>>) src(%dma_wait3A_285 : memref<128x32xf32, #tpu.memory_space<vmem>>) dst(%dma_wait3A_291 : memref<10016x32xf32, #tpu.memory_space<vmem_shared>>)
      %dma_wait3A_292 = arith.constant 7 : i32
      %dma_wait3A_293 = arith.constant 896 : i32
      %dma_wait3A_294 = arith.constant 0 : i32
      %dma_wait3A_295 = tpu.memref_slice %arg7[%dma_wait3A_293, %dma_wait3A_294] : memref<2560x32xf32, #tpu.memory_space<vmem>> -> memref<128x32xf32, #tpu.memory_space<vmem>>
      %dma_wait3A_296 = arith.constant 0 : i32
      %dma_wait3A_297 = tpu.memref_slice %arg6[%dma_wait3A_292, %dma_wait3A_296] : memref<20x128xi32, #tpu.memory_space<vmem>> -> memref<1x128xi32, #tpu.memory_space<vmem>>
      %dma_wait3A_298 = tpu.memref_squeeze %dma_wait3A_297 : memref<1x128xi32, #tpu.memory_space<vmem>> -> memref<128xi32, #tpu.memory_space<vmem>>
      %dma_wait3A_299 = arith.constant 0 : i32
      %dma_wait3A_300 = arith.constant 0 : i32
      %dma_wait3A_301 = tpu.memref_slice %arg9[%dma_wait3A_299, %dma_wait3A_300] : memref<10016x32xf32, #tpu.memory_space<vmem_shared>> -> memref<10016x32xf32, #tpu.memory_space<vmem_shared>>
      tpu.wait_indirect_dma semaphore(%arg10 : memref<!tpu.dma_semaphore, #tpu.memory_space<semaphore_mem>>) src(%dma_wait3A_295 : memref<128x32xf32, #tpu.memory_space<vmem>>) dst(%dma_wait3A_301 : memref<10016x32xf32, #tpu.memory_space<vmem_shared>>)
      %dma_wait3A_302 = arith.constant 8 : i32
      %dma_wait3A_303 = arith.constant 1024 : i32
      %dma_wait3A_304 = arith.constant 0 : i32
      %dma_wait3A_305 = tpu.memref_slice %arg7[%dma_wait3A_303, %dma_wait3A_304] : memref<2560x32xf32, #tpu.memory_space<vmem>> -> memref<128x32xf32, #tpu.memory_space<vmem>>
      %dma_wait3A_306 = arith.constant 0 : i32
      %dma_wait3A_307 = tpu.memref_slice %arg6[%dma_wait3A_302, %dma_wait3A_306] : memref<20x128xi32, #tpu.memory_space<vmem>> -> memref<1x128xi32, #tpu.memory_space<vmem>>
      %dma_wait3A_308 = tpu.memref_squeeze %dma_wait3A_307 : memref<1x128xi32, #tpu.memory_space<vmem>> -> memref<128xi32, #tpu.memory_space<vmem>>
      %dma_wait3A_309 = arith.constant 0 : i32
      %dma_wait3A_310 = arith.constant 0 : i32
      %dma_wait3A_311 = tpu.memref_slice %arg9[%dma_wait3A_309, %dma_wait3A_310] : memref<10016x32xf32, #tpu.memory_space<vmem_shared>> -> memref<10016x32xf32, #tpu.memory_space<vmem_shared>>
      tpu.wait_indirect_dma semaphore(%arg10 : memref<!tpu.dma_semaphore, #tpu.memory_space<semaphore_mem>>) src(%dma_wait3A_305 : memref<128x32xf32, #tpu.memory_space<vmem>>) dst(%dma_wait3A_311 : memref<10016x32xf32, #tpu.memory_space<vmem_shared>>)
      %dma_wait3A_312 = arith.constant 9 : i32
      %dma_wait3A_313 = arith.constant 1152 : i32
      %dma_wait3A_314 = arith.constant 0 : i32
      %dma_wait3A_315 = tpu.memref_slice %arg7[%dma_wait3A_313, %dma_wait3A_314] : memref<2560x32xf32, #tpu.memory_space<vmem>> -> memref<128x32xf32, #tpu.memory_space<vmem>>
      %dma_wait3A_316 = arith.constant 0 : i32
      %dma_wait3A_317 = tpu.memref_slice %arg6[%dma_wait3A_312, %dma_wait3A_316] : memref<20x128xi32, #tpu.memory_space<vmem>> -> memref<1x128xi32, #tpu.memory_space<vmem>>
      %dma_wait3A_318 = tpu.memref_squeeze %dma_wait3A_317 : memref<1x128xi32, #tpu.memory_space<vmem>> -> memref<128xi32, #tpu.memory_space<vmem>>
      %dma_wait3A_319 = arith.constant 0 : i32
      %dma_wait3A_320 = arith.constant 0 : i32
      %dma_wait3A_321 = tpu.memref_slice %arg9[%dma_wait3A_319, %dma_wait3A_320] : memref<10016x32xf32, #tpu.memory_space<vmem_shared>> -> memref<10016x32xf32, #tpu.memory_space<vmem_shared>>
      tpu.wait_indirect_dma semaphore(%arg10 : memref<!tpu.dma_semaphore, #tpu.memory_space<semaphore_mem>>) src(%dma_wait3A_315 : memref<128x32xf32, #tpu.memory_space<vmem>>) dst(%dma_wait3A_321 : memref<10016x32xf32, #tpu.memory_space<vmem_shared>>)
      %dma_wait3A_322 = arith.constant 10 : i32
      %dma_wait3A_323 = arith.constant 1280 : i32
      %dma_wait3A_324 = arith.constant 0 : i32
      %dma_wait3A_325 = tpu.memref_slice %arg7[%dma_wait3A_323, %dma_wait3A_324] : memref<2560x32xf32, #tpu.memory_space<vmem>> -> memref<128x32xf32, #tpu.memory_space<vmem>>
      %dma_wait3A_326 = arith.constant 0 : i32
      %dma_wait3A_327 = tpu.memref_slice %arg6[%dma_wait3A_322, %dma_wait3A_326] : memref<20x128xi32, #tpu.memory_space<vmem>> -> memref<1x128xi32, #tpu.memory_space<vmem>>
      %dma_wait3A_328 = tpu.memref_squeeze %dma_wait3A_327 : memref<1x128xi32, #tpu.memory_space<vmem>> -> memref<128xi32, #tpu.memory_space<vmem>>
      %dma_wait3A_329 = arith.constant 0 : i32
      %dma_wait3A_330 = arith.constant 0 : i32
      %dma_wait3A_331 = tpu.memref_slice %arg9[%dma_wait3A_329, %dma_wait3A_330] : memref<10016x32xf32, #tpu.memory_space<vmem_shared>> -> memref<10016x32xf32, #tpu.memory_space<vmem_shared>>
      tpu.wait_indirect_dma semaphore(%arg10 : memref<!tpu.dma_semaphore, #tpu.memory_space<semaphore_mem>>) src(%dma_wait3A_325 : memref<128x32xf32, #tpu.memory_space<vmem>>) dst(%dma_wait3A_331 : memref<10016x32xf32, #tpu.memory_space<vmem_shared>>)
      %dma_wait3A_332 = arith.constant 11 : i32
      %dma_wait3A_333 = arith.constant 1408 : i32
      %dma_wait3A_334 = arith.constant 0 : i32
      %dma_wait3A_335 = tpu.memref_slice %arg7[%dma_wait3A_333, %dma_wait3A_334] : memref<2560x32xf32, #tpu.memory_space<vmem>> -> memref<128x32xf32, #tpu.memory_space<vmem>>
      %dma_wait3A_336 = arith.constant 0 : i32
      %dma_wait3A_337 = tpu.memref_slice %arg6[%dma_wait3A_332, %dma_wait3A_336] : memref<20x128xi32, #tpu.memory_space<vmem>> -> memref<1x128xi32, #tpu.memory_space<vmem>>
      %dma_wait3A_338 = tpu.memref_squeeze %dma_wait3A_337 : memref<1x128xi32, #tpu.memory_space<vmem>> -> memref<128xi32, #tpu.memory_space<vmem>>
      %dma_wait3A_339 = arith.constant 0 : i32
      %dma_wait3A_340 = arith.constant 0 : i32
      %dma_wait3A_341 = tpu.memref_slice %arg9[%dma_wait3A_339, %dma_wait3A_340] : memref<10016x32xf32, #tpu.memory_space<vmem_shared>> -> memref<10016x32xf32, #tpu.memory_space<vmem_shared>>
      tpu.wait_indirect_dma semaphore(%arg10 : memref<!tpu.dma_semaphore, #tpu.memory_space<semaphore_mem>>) src(%dma_wait3A_335 : memref<128x32xf32, #tpu.memory_space<vmem>>) dst(%dma_wait3A_341 : memref<10016x32xf32, #tpu.memory_space<vmem_shared>>)
      %dma_wait3A_342 = arith.constant 12 : i32
      %dma_wait3A_343 = arith.constant 1536 : i32
      %dma_wait3A_344 = arith.constant 0 : i32
      %dma_wait3A_345 = tpu.memref_slice %arg7[%dma_wait3A_343, %dma_wait3A_344] : memref<2560x32xf32, #tpu.memory_space<vmem>> -> memref<128x32xf32, #tpu.memory_space<vmem>>
      %dma_wait3A_346 = arith.constant 0 : i32
      %dma_wait3A_347 = tpu.memref_slice %arg6[%dma_wait3A_342, %dma_wait3A_346] : memref<20x128xi32, #tpu.memory_space<vmem>> -> memref<1x128xi32, #tpu.memory_space<vmem>>
      %dma_wait3A_348 = tpu.memref_squeeze %dma_wait3A_347 : memref<1x128xi32, #tpu.memory_space<vmem>> -> memref<128xi32, #tpu.memory_space<vmem>>
      %dma_wait3A_349 = arith.constant 0 : i32
      %dma_wait3A_350 = arith.constant 0 : i32
      %dma_wait3A_351 = tpu.memref_slice %arg9[%dma_wait3A_349, %dma_wait3A_350] : memref<10016x32xf32, #tpu.memory_space<vmem_shared>> -> memref<10016x32xf32, #tpu.memory_space<vmem_shared>>
      tpu.wait_indirect_dma semaphore(%arg10 : memref<!tpu.dma_semaphore, #tpu.memory_space<semaphore_mem>>) src(%dma_wait3A_345 : memref<128x32xf32, #tpu.memory_space<vmem>>) dst(%dma_wait3A_351 : memref<10016x32xf32, #tpu.memory_space<vmem_shared>>)
      %dma_wait3A_352 = arith.constant 13 : i32
      %dma_wait3A_353 = arith.constant 1664 : i32
      %dma_wait3A_354 = arith.constant 0 : i32
      %dma_wait3A_355 = tpu.memref_slice %arg7[%dma_wait3A_353, %dma_wait3A_354] : memref<2560x32xf32, #tpu.memory_space<vmem>> -> memref<128x32xf32, #tpu.memory_space<vmem>>
      %dma_wait3A_356 = arith.constant 0 : i32
      %dma_wait3A_357 = tpu.memref_slice %arg6[%dma_wait3A_352, %dma_wait3A_356] : memref<20x128xi32, #tpu.memory_space<vmem>> -> memref<1x128xi32, #tpu.memory_space<vmem>>
      %dma_wait3A_358 = tpu.memref_squeeze %dma_wait3A_357 : memref<1x128xi32, #tpu.memory_space<vmem>> -> memref<128xi32, #tpu.memory_space<vmem>>
      %dma_wait3A_359 = arith.constant 0 : i32
      %dma_wait3A_360 = arith.constant 0 : i32
      %dma_wait3A_361 = tpu.memref_slice %arg9[%dma_wait3A_359, %dma_wait3A_360] : memref<10016x32xf32, #tpu.memory_space<vmem_shared>> -> memref<10016x32xf32, #tpu.memory_space<vmem_shared>>
      tpu.wait_indirect_dma semaphore(%arg10 : memref<!tpu.dma_semaphore, #tpu.memory_space<semaphore_mem>>) src(%dma_wait3A_355 : memref<128x32xf32, #tpu.memory_space<vmem>>) dst(%dma_wait3A_361 : memref<10016x32xf32, #tpu.memory_space<vmem_shared>>)
      %dma_wait3A_362 = arith.constant 14 : i32
      %dma_wait3A_363 = arith.constant 1792 : i32
      %dma_wait3A_364 = arith.constant 0 : i32
      %dma_wait3A_365 = tpu.memref_slice %arg7[%dma_wait3A_363, %dma_wait3A_364] : memref<2560x32xf32, #tpu.memory_space<vmem>> -> memref<128x32xf32, #tpu.memory_space<vmem>>
      %dma_wait3A_366 = arith.constant 0 : i32
      %dma_wait3A_367 = tpu.memref_slice %arg6[%dma_wait3A_362, %dma_wait3A_366] : memref<20x128xi32, #tpu.memory_space<vmem>> -> memref<1x128xi32, #tpu.memory_space<vmem>>
      %dma_wait3A_368 = tpu.memref_squeeze %dma_wait3A_367 : memref<1x128xi32, #tpu.memory_space<vmem>> -> memref<128xi32, #tpu.memory_space<vmem>>
      %dma_wait3A_369 = arith.constant 0 : i32
      %dma_wait3A_370 = arith.constant 0 : i32
      %dma_wait3A_371 = tpu.memref_slice %arg9[%dma_wait3A_369, %dma_wait3A_370] : memref<10016x32xf32, #tpu.memory_space<vmem_shared>> -> memref<10016x32xf32, #tpu.memory_space<vmem_shared>>
      tpu.wait_indirect_dma semaphore(%arg10 : memref<!tpu.dma_semaphore, #tpu.memory_space<semaphore_mem>>) src(%dma_wait3A_365 : memref<128x32xf32, #tpu.memory_space<vmem>>) dst(%dma_wait3A_371 : memref<10016x32xf32, #tpu.memory_space<vmem_shared>>)
      %dma_wait3A_372 = arith.constant 15 : i32
      %dma_wait3A_373 = arith.constant 1920 : i32
      %dma_wait3A_374 = arith.constant 0 : i32
      %dma_wait3A_375 = tpu.memref_slice %arg7[%dma_wait3A_373, %dma_wait3A_374] : memref<2560x32xf32, #tpu.memory_space<vmem>> -> memref<128x32xf32, #tpu.memory_space<vmem>>
      %dma_wait3A_376 = arith.constant 0 : i32
      %dma_wait3A_377 = tpu.memref_slice %arg6[%dma_wait3A_372, %dma_wait3A_376] : memref<20x128xi32, #tpu.memory_space<vmem>> -> memref<1x128xi32, #tpu.memory_space<vmem>>
      %dma_wait3A_378 = tpu.memref_squeeze %dma_wait3A_377 : memref<1x128xi32, #tpu.memory_space<vmem>> -> memref<128xi32, #tpu.memory_space<vmem>>
      %dma_wait3A_379 = arith.constant 0 : i32
      %dma_wait3A_380 = arith.constant 0 : i32
      %dma_wait3A_381 = tpu.memref_slice %arg9[%dma_wait3A_379, %dma_wait3A_380] : memref<10016x32xf32, #tpu.memory_space<vmem_shared>> -> memref<10016x32xf32, #tpu.memory_space<vmem_shared>>
      tpu.wait_indirect_dma semaphore(%arg10 : memref<!tpu.dma_semaphore, #tpu.memory_space<semaphore_mem>>) src(%dma_wait3A_375 : memref<128x32xf32, #tpu.memory_space<vmem>>) dst(%dma_wait3A_381 : memref<10016x32xf32, #tpu.memory_space<vmem_shared>>)
      %dma_wait3A_382 = arith.constant 16 : i32
      %dma_wait3A_383 = arith.constant 2048 : i32
      %dma_wait3A_384 = arith.constant 0 : i32
      %dma_wait3A_385 = tpu.memref_slice %arg7[%dma_wait3A_383, %dma_wait3A_384] : memref<2560x32xf32, #tpu.memory_space<vmem>> -> memref<128x32xf32, #tpu.memory_space<vmem>>
      %dma_wait3A_386 = arith.constant 0 : i32
      %dma_wait3A_387 = tpu.memref_slice %arg6[%dma_wait3A_382, %dma_wait3A_386] : memref<20x128xi32, #tpu.memory_space<vmem>> -> memref<1x128xi32, #tpu.memory_space<vmem>>
      %dma_wait3A_388 = tpu.memref_squeeze %dma_wait3A_387 : memref<1x128xi32, #tpu.memory_space<vmem>> -> memref<128xi32, #tpu.memory_space<vmem>>
      %dma_wait3A_389 = arith.constant 0 : i32
      %dma_wait3A_390 = arith.constant 0 : i32
      %dma_wait3A_391 = tpu.memref_slice %arg9[%dma_wait3A_389, %dma_wait3A_390] : memref<10016x32xf32, #tpu.memory_space<vmem_shared>> -> memref<10016x32xf32, #tpu.memory_space<vmem_shared>>
      tpu.wait_indirect_dma semaphore(%arg10 : memref<!tpu.dma_semaphore, #tpu.memory_space<semaphore_mem>>) src(%dma_wait3A_385 : memref<128x32xf32, #tpu.memory_space<vmem>>) dst(%dma_wait3A_391 : memref<10016x32xf32, #tpu.memory_space<vmem_shared>>)
      %dma_wait3A_392 = arith.constant 17 : i32
      %dma_wait3A_393 = arith.constant 2176 : i32
      %dma_wait3A_394 = arith.constant 0 : i32
      %dma_wait3A_395 = tpu.memref_slice %arg7[%dma_wait3A_393, %dma_wait3A_394] : memref<2560x32xf32, #tpu.memory_space<vmem>> -> memref<128x32xf32, #tpu.memory_space<vmem>>
      %dma_wait3A_396 = arith.constant 0 : i32
      %dma_wait3A_397 = tpu.memref_slice %arg6[%dma_wait3A_392, %dma_wait3A_396] : memref<20x128xi32, #tpu.memory_space<vmem>> -> memref<1x128xi32, #tpu.memory_space<vmem>>
      %dma_wait3A_398 = tpu.memref_squeeze %dma_wait3A_397 : memref<1x128xi32, #tpu.memory_space<vmem>> -> memref<128xi32, #tpu.memory_space<vmem>>
      %dma_wait3A_399 = arith.constant 0 : i32
      %dma_wait3A_400 = arith.constant 0 : i32
      %dma_wait3A_401 = tpu.memref_slice %arg9[%dma_wait3A_399, %dma_wait3A_400] : memref<10016x32xf32, #tpu.memory_space<vmem_shared>> -> memref<10016x32xf32, #tpu.memory_space<vmem_shared>>
      tpu.wait_indirect_dma semaphore(%arg10 : memref<!tpu.dma_semaphore, #tpu.memory_space<semaphore_mem>>) src(%dma_wait3A_395 : memref<128x32xf32, #tpu.memory_space<vmem>>) dst(%dma_wait3A_401 : memref<10016x32xf32, #tpu.memory_space<vmem_shared>>)
      %dma_wait3A_402 = arith.constant 18 : i32
      %dma_wait3A_403 = arith.constant 2304 : i32
      %dma_wait3A_404 = arith.constant 0 : i32
      %dma_wait3A_405 = tpu.memref_slice %arg7[%dma_wait3A_403, %dma_wait3A_404] : memref<2560x32xf32, #tpu.memory_space<vmem>> -> memref<128x32xf32, #tpu.memory_space<vmem>>
      %dma_wait3A_406 = arith.constant 0 : i32
      %dma_wait3A_407 = tpu.memref_slice %arg6[%dma_wait3A_402, %dma_wait3A_406] : memref<20x128xi32, #tpu.memory_space<vmem>> -> memref<1x128xi32, #tpu.memory_space<vmem>>
      %dma_wait3A_408 = tpu.memref_squeeze %dma_wait3A_407 : memref<1x128xi32, #tpu.memory_space<vmem>> -> memref<128xi32, #tpu.memory_space<vmem>>
      %dma_wait3A_409 = arith.constant 0 : i32
      %dma_wait3A_410 = arith.constant 0 : i32
      %dma_wait3A_411 = tpu.memref_slice %arg9[%dma_wait3A_409, %dma_wait3A_410] : memref<10016x32xf32, #tpu.memory_space<vmem_shared>> -> memref<10016x32xf32, #tpu.memory_space<vmem_shared>>
      tpu.wait_indirect_dma semaphore(%arg10 : memref<!tpu.dma_semaphore, #tpu.memory_space<semaphore_mem>>) src(%dma_wait3A_405 : memref<128x32xf32, #tpu.memory_space<vmem>>) dst(%dma_wait3A_411 : memref<10016x32xf32, #tpu.memory_space<vmem_shared>>)
      %dma_wait3A_412 = arith.constant 19 : i32
      %dma_wait3A_413 = arith.constant 2432 : i32
      %dma_wait3A_414 = arith.constant 0 : i32
      %dma_wait3A_415 = tpu.memref_slice %arg7[%dma_wait3A_413, %dma_wait3A_414] : memref<2560x32xf32, #tpu.memory_space<vmem>> -> memref<128x32xf32, #tpu.memory_space<vmem>>
      %dma_wait3A_416 = arith.constant 0 : i32
      %dma_wait3A_417 = tpu.memref_slice %arg6[%dma_wait3A_412, %dma_wait3A_416] : memref<20x128xi32, #tpu.memory_space<vmem>> -> memref<1x128xi32, #tpu.memory_space<vmem>>
      %dma_wait3A_418 = tpu.memref_squeeze %dma_wait3A_417 : memref<1x128xi32, #tpu.memory_space<vmem>> -> memref<128xi32, #tpu.memory_space<vmem>>
      %dma_wait3A_419 = arith.constant 0 : i32
      %dma_wait3A_420 = arith.constant 0 : i32
      %dma_wait3A_421 = tpu.memref_slice %arg9[%dma_wait3A_419, %dma_wait3A_420] : memref<10016x32xf32, #tpu.memory_space<vmem_shared>> -> memref<10016x32xf32, #tpu.memory_space<vmem_shared>>
      tpu.wait_indirect_dma semaphore(%arg10 : memref<!tpu.dma_semaphore, #tpu.memory_space<semaphore_mem>>) src(%dma_wait3A_415 : memref<128x32xf32, #tpu.memory_space<vmem>>) dst(%dma_wait3A_421 : memref<10016x32xf32, #tpu.memory_space<vmem_shared>>)
    }
    %scan3A_7 = arith.constant 2 : i32
    %barrier3A_8 = arith.constant 0 : index
    tpu.barrier barrier_id(%barrier3A_8)
    %mul3A_9 = arith.constant 626 : i32
    %mul3A_10 = arith.muli %arg1, %mul3A_9 : i32
    "tpu.region"() ({
      %run_scoped3A = tpu.sem_alloc : memref<!tpu.dma_semaphore, #tpu.memory_space<semaphore_mem>>
      %dma_start3A = arith.constant 0 : i32
      %dma_start3A_13 = tpu.memref_slice %arg9[%mul3A_10, %dma_start3A] : memref<10016x32xf32, #tpu.memory_space<vmem_shared>> -> memref<626x32xf32, #tpu.memory_space<vmem_shared>>
      %dma_start3A_14 = arith.constant 0 : i32
      %dma_start3A_15 = tpu.memref_slice %arg9[%mul3A_10, %dma_start3A_14] : memref<10016x32xf32, #tpu.memory_space<vmem_shared>> -> memref<626x32xf32, #tpu.memory_space<vmem_shared>>
      tpu.enqueue_dma source(%dma_start3A_15 : memref<626x32xf32, #tpu.memory_space<vmem_shared>>) target(%arg8 : memref<626x32xf32, #tpu.memory_space<vmem>>) target_semaphore(%run_scoped3A : memref<!tpu.dma_semaphore, #tpu.memory_space<semaphore_mem>>)
      %dma_wait3A = arith.constant 0 : i32
      %dma_wait3A_16 = tpu.memref_slice %arg9[%mul3A_10, %dma_wait3A] : memref<10016x32xf32, #tpu.memory_space<vmem_shared>> -> memref<626x32xf32, #tpu.memory_space<vmem_shared>>
      %dma_wait3A_17 = arith.constant 0 : i32
      %dma_wait3A_18 = tpu.memref_slice %arg9[%mul3A_10, %dma_wait3A_17] : memref<10016x32xf32, #tpu.memory_space<vmem_shared>> -> memref<626x32xf32, #tpu.memory_space<vmem_shared>>
      tpu.wait_dma2 semaphore(%run_scoped3A : memref<!tpu.dma_semaphore, #tpu.memory_space<semaphore_mem>>) src(%dma_wait3A_18 : memref<626x32xf32, #tpu.memory_space<vmem_shared>>) dst(%arg8 : memref<626x32xf32, #tpu.memory_space<vmem>>)
      tpu.yield
    }) : () -> ()
    %mul3A_11 = arith.constant 626 : i32
    %mul3A_12 = arith.muli %arg1, %mul3A_11 : i32
    "tpu.region"() ({
      %run_scoped3A = tpu.sem_alloc : memref<!tpu.dma_semaphore, #tpu.memory_space<semaphore_mem>>
      %dma_start3A = arith.constant 0 : i32
      %dma_start3A_13 = tpu.memref_slice %arg5[%arg0, %mul3A_12, %dma_start3A] : memref<2x10016x32xf32, #tpu.memory_space<hbm>> -> memref<1x626x32xf32, #tpu.memory_space<hbm>>
      %dma_start3A_14 = tpu.memref_squeeze %dma_start3A_13 : memref<1x626x32xf32, #tpu.memory_space<hbm>> -> memref<626x32xf32, #tpu.memory_space<hbm>>
      %dma_start3A_15 = arith.constant 0 : i32
      %dma_start3A_16 = tpu.memref_slice %arg5[%arg0, %mul3A_12, %dma_start3A_15] : memref<2x10016x32xf32, #tpu.memory_space<hbm>> -> memref<1x626x32xf32, #tpu.memory_space<hbm>>
      %dma_start3A_17 = tpu.memref_squeeze %dma_start3A_16 : memref<1x626x32xf32, #tpu.memory_space<hbm>> -> memref<626x32xf32, #tpu.memory_space<hbm>>
      tpu.enqueue_dma source(%arg8 : memref<626x32xf32, #tpu.memory_space<vmem>>) target(%dma_start3A_17 : memref<626x32xf32, #tpu.memory_space<hbm>>) target_semaphore(%run_scoped3A : memref<!tpu.dma_semaphore, #tpu.memory_space<semaphore_mem>>)
      %dma_wait3A = arith.constant 0 : i32
      %dma_wait3A_18 = tpu.memref_slice %arg5[%arg0, %mul3A_12, %dma_wait3A] : memref<2x10016x32xf32, #tpu.memory_space<hbm>> -> memref<1x626x32xf32, #tpu.memory_space<hbm>>
      %dma_wait3A_19 = tpu.memref_squeeze %dma_wait3A_18 : memref<1x626x32xf32, #tpu.memory_space<hbm>> -> memref<626x32xf32, #tpu.memory_space<hbm>>
      %dma_wait3A_20 = arith.constant 0 : i32
      %dma_wait3A_21 = tpu.memref_slice %arg5[%arg0, %mul3A_12, %dma_wait3A_20] : memref<2x10016x32xf32, #tpu.memory_space<hbm>> -> memref<1x626x32xf32, #tpu.memory_space<hbm>>
      %dma_wait3A_22 = tpu.memref_squeeze %dma_wait3A_21 : memref<1x626x32xf32, #tpu.memory_space<hbm>> -> memref<626x32xf32, #tpu.memory_space<hbm>>
      tpu.wait_dma2 semaphore(%run_scoped3A : memref<!tpu.dma_semaphore, #tpu.memory_space<semaphore_mem>>) src(%arg8 : memref<626x32xf32, #tpu.memory_space<vmem>>) dst(%dma_wait3A_22 : memref<626x32xf32, #tpu.memory_space<hbm>>)
      tpu.yield
    }) : () -> ()
    return
  }
}

module attributes {stable_mosaic.version = 14 : i64} {
  func.func @_lstm_body(%arg0: memref<8x1280x24xf32, #tpu.memory_space<vmem>>, %arg1: memref<24x24xf32, #tpu.memory_space<vmem>>, %arg2: memref<1x24xf32, #tpu.memory_space<vmem>>, %arg3: memref<24x512xf32, #tpu.memory_space<vmem>>, %arg4: memref<24x512xf32, #tpu.memory_space<vmem>>, %arg5: memref<1x512xf32, #tpu.memory_space<vmem>>, %arg6: memref<8x1280x24xf32, #tpu.memory_space<vmem>>) attributes {dimension_semantics = [], scalar_prefetch = 0 : i64, scratch_operands = 0 : i64, tpu.core_type = #tpu.core_type<tc>} {
    %get3A = arith.constant 0 : index
    %get3A_0 = arith.constant 0 : index
    %get3A_1 = vector.load %arg1[%get3A, %get3A_0] : memref<24x24xf32, #tpu.memory_space<vmem>>, vector<24x24xf32>
    %get3A_2 = arith.constant 0 : index
    %get3A_3 = arith.constant 0 : index
    %get3A_4 = vector.load %arg2[%get3A_2, %get3A_3] : memref<1x24xf32, #tpu.memory_space<vmem>>, vector<1x24xf32>
    %get3A_5 = arith.constant 0 : index
    %get3A_6 = arith.constant 0 : index
    %get3A_7 = vector.load %arg3[%get3A_5, %get3A_6] : memref<24x512xf32, #tpu.memory_space<vmem>>, vector<24x512xf32>
    %get3A_8 = arith.constant 0 : index
    %get3A_9 = arith.constant 0 : index
    %get3A_10 = vector.load %arg4[%get3A_8, %get3A_9] : memref<24x512xf32, #tpu.memory_space<vmem>>, vector<24x512xf32>
    %get3A_11 = arith.constant 0 : index
    %get3A_12 = arith.constant 0 : index
    %get3A_13 = vector.load %arg5[%get3A_11, %get3A_12] : memref<1x512xf32, #tpu.memory_space<vmem>>, vector<1x512xf32>
    %broadcast_in_dim3A = arith.constant 0.000000e+00 : f32
    %broadcast_in_dim3A_14 = vector.broadcast %broadcast_in_dim3A : f32 to vector<1280x24xf32>
    %scan3A = arith.constant 0 : i32
    %scan3A_15 = arith.constant 8 : i32
    %scan3A_16 = arith.addi %scan3A, %scan3A_15 : i32
    %scan3A_17 = arith.constant 1 : i32
    %scan3A_18:2 = scf.for %scan3A_20 = %scan3A to %scan3A_16 step %scan3A_17 iter_args(%scan3A_21 = %broadcast_in_dim3A_14, %scan3A_22 = %broadcast_in_dim3A_14) -> (vector<1280x24xf32>, vector<1280x24xf32>)  : i32 {
      %get3A_23 = arith.index_cast %scan3A_20 : i32 to index
      %get3A_24 = arith.constant 0 : index
      %get3A_25 = arith.constant 0 : index
      %get3A_26 = vector.load %arg0[%get3A_23, %get3A_24, %get3A_25] : memref<8x1280x24xf32, #tpu.memory_space<vmem>>, vector<1x1280x24xf32>
      %get3A_27 = vector.shape_cast %get3A_26 : vector<1x1280x24xf32> to vector<1280x24xf32>
      %dot_general3A = arith.constant dense<0.000000e+00> : vector<1280x24xf32>
      %dot_general3A_28 = tpu.matmul %get3A_27, %get3A_1, %dot_general3A {dimension_numbers = #tpu.dot_dimension_numbers<[1], [0], [0], [1], [0, 0, 1, 1], [], []>, transpose_lhs_hint = false} : vector<1280x24xf32>, vector<24x24xf32>, vector<1280x24xf32> -> vector<1280x24xf32>
      %add3A = vector.broadcast %get3A_4 : vector<1x24xf32> to vector<1280x24xf32>
      %add3A_29 = arith.addf %dot_general3A_28, %add3A : vector<1280x24xf32>
      %dot_general3A_30 = arith.constant dense<0.000000e+00> : vector<1280x512xf32>
      %dot_general3A_31 = tpu.matmul %add3A_29, %get3A_7, %dot_general3A_30 {dimension_numbers = #tpu.dot_dimension_numbers<[1], [0], [0], [1], [0, 0, 1, 1], [], []>, transpose_lhs_hint = false} : vector<1280x24xf32>, vector<24x512xf32>, vector<1280x512xf32> -> vector<1280x512xf32>
      %dot_general3A_32 = arith.constant dense<0.000000e+00> : vector<1280x512xf32>
      %dot_general3A_33 = tpu.matmul %scan3A_21, %get3A_10, %dot_general3A_32 {dimension_numbers = #tpu.dot_dimension_numbers<[1], [0], [0], [1], [0, 0, 1, 1], [], []>, transpose_lhs_hint = false} : vector<1280x24xf32>, vector<24x512xf32>, vector<1280x512xf32> -> vector<1280x512xf32>
      %add3A_34 = arith.addf %dot_general3A_31, %dot_general3A_33 : vector<1280x512xf32>
      %add3A_35 = vector.broadcast %get3A_13 : vector<1x512xf32> to vector<1280x512xf32>
      %add3A_36 = arith.addf %add3A_34, %add3A_35 : vector<1280x512xf32>
      %slice3A = vector.extract_strided_slice %add3A_36 {offsets = [0, 0], sizes = [1280, 24], strides = [1, 1]} : vector<1280x512xf32> to vector<1280x24xf32>
      %logistic3A = arith.negf %slice3A : vector<1280x24xf32>
      %logistic3A_37 = math.exp %logistic3A : vector<1280x24xf32>
      %logistic3A_38 = arith.constant 1.000000e+00 : f32
      %logistic3A_39 = vector.broadcast %logistic3A_38 : f32 to vector<1280x24xf32>
      %logistic3A_40 = arith.addf %logistic3A_39, %logistic3A_37 : vector<1280x24xf32>
      %logistic3A_41 = arith.divf %logistic3A_39, %logistic3A_40 : vector<1280x24xf32>
      %slice3A_42 = vector.extract_strided_slice %add3A_36 {offsets = [0, 128], sizes = [1280, 24], strides = [1, 1]} : vector<1280x512xf32> to vector<1280x24xf32>
      %logistic3A_43 = arith.negf %slice3A_42 : vector<1280x24xf32>
      %logistic3A_44 = math.exp %logistic3A_43 : vector<1280x24xf32>
      %logistic3A_45 = arith.constant 1.000000e+00 : f32
      %logistic3A_46 = vector.broadcast %logistic3A_45 : f32 to vector<1280x24xf32>
      %logistic3A_47 = arith.addf %logistic3A_46, %logistic3A_44 : vector<1280x24xf32>
      %logistic3A_48 = arith.divf %logistic3A_46, %logistic3A_47 : vector<1280x24xf32>
      %slice3A_49 = vector.extract_strided_slice %add3A_36 {offsets = [0, 256], sizes = [1280, 24], strides = [1, 1]} : vector<1280x512xf32> to vector<1280x24xf32>
      %tanh3A = math.tanh %slice3A_49 : vector<1280x24xf32>
      %slice3A_50 = vector.extract_strided_slice %add3A_36 {offsets = [0, 384], sizes = [1280, 24], strides = [1, 1]} : vector<1280x512xf32> to vector<1280x24xf32>
      %logistic3A_51 = arith.negf %slice3A_50 : vector<1280x24xf32>
      %logistic3A_52 = math.exp %logistic3A_51 : vector<1280x24xf32>
      %logistic3A_53 = arith.constant 1.000000e+00 : f32
      %logistic3A_54 = vector.broadcast %logistic3A_53 : f32 to vector<1280x24xf32>
      %logistic3A_55 = arith.addf %logistic3A_54, %logistic3A_52 : vector<1280x24xf32>
      %logistic3A_56 = arith.divf %logistic3A_54, %logistic3A_55 : vector<1280x24xf32>
      %mul3A = arith.mulf %logistic3A_48, %scan3A_22 : vector<1280x24xf32>
      %mul3A_57 = arith.mulf %logistic3A_41, %tanh3A : vector<1280x24xf32>
      %add3A_58 = arith.addf %mul3A, %mul3A_57 : vector<1280x24xf32>
      %tanh3A_59 = math.tanh %add3A_58 : vector<1280x24xf32>
      %mul3A_60 = arith.mulf %logistic3A_56, %tanh3A_59 : vector<1280x24xf32>
      %swap3A = arith.index_cast %scan3A_20 : i32 to index
      %swap3A_61 = arith.constant 0 : index
      %swap3A_62 = arith.constant 0 : index
      %swap3A_63 = vector.load %arg6[%swap3A, %swap3A_61, %swap3A_62] : memref<8x1280x24xf32, #tpu.memory_space<vmem>>, vector<1x1280x24xf32>
      %swap3A_64 = vector.shape_cast %swap3A_63 : vector<1x1280x24xf32> to vector<1280x24xf32>
      %swap3A_65 = vector.shape_cast %mul3A_60 : vector<1280x24xf32> to vector<1x1280x24xf32>
      tpu.vector_store %arg6[%swap3A, %swap3A_61, %swap3A_62], %swap3A_65 {strides = array<i32>} : memref<8x1280x24xf32, #tpu.memory_space<vmem>>, vector<1x1280x24xf32>,
      scf.yield %mul3A_60, %add3A_58 : vector<1280x24xf32>, vector<1280x24xf32>
    }
    %scan3A_19 = arith.constant 8 : i32
    return
  }
}

module attributes {stable_mosaic.version = 14 : i64} {
  func.func @_hmlp_body(%arg0: i32, %arg1: memref<6400x16xf32, #tpu.memory_space<vmem>>, %arg2: memref<16x32xbf16, #tpu.memory_space<vmem>>, %arg3: memref<1x32xf32, #tpu.memory_space<vmem>>, %arg4: memref<32x32xbf16, #tpu.memory_space<vmem>>, %arg5: memref<1x32xf32, #tpu.memory_space<vmem>>, %arg6: memref<1600x128xbf16, #tpu.memory_space<vmem>>) attributes {dimension_semantics = [#tpu.dimension_semantics<arbitrary>], iteration_bounds = array<i64: 25>, scalar_prefetch = 0 : i64, scratch_operands = 0 : i64, tpu.core_type = #tpu.core_type<tc>, window_params = [{transform_indices = @transform_0, window_bounds = array<i64: 6400, 16>}, {pipeline_mode = #tpu.pipeline_mode<synchronous>, transform_indices = @transform_1, window_bounds = array<i64: 16, 32>}, {pipeline_mode = #tpu.pipeline_mode<synchronous>, transform_indices = @transform_2, window_bounds = array<i64: 1, 32>}, {pipeline_mode = #tpu.pipeline_mode<synchronous>, transform_indices = @transform_3, window_bounds = array<i64: 32, 32>}, {pipeline_mode = #tpu.pipeline_mode<synchronous>, transform_indices = @transform_4, window_bounds = array<i64: 1, 32>}, {transform_indices = @transform_5, window_bounds = array<i64: 1600, 128>}]} {
    %get3A = arith.constant 0 : index
    %get3A_0 = arith.constant 0 : index
    %get3A_1 = vector.load %arg1[%get3A, %get3A_0] : memref<6400x16xf32, #tpu.memory_space<vmem>>, vector<6400x16xf32>
    %convert_element_type3A = arith.truncf %get3A_1 : vector<6400x16xf32> to vector<6400x16xbf16>
    %get3A_2 = arith.constant 0 : index
    %get3A_3 = arith.constant 0 : index
    %get3A_4 = vector.load %arg2[%get3A_2, %get3A_3] : memref<16x32xbf16, #tpu.memory_space<vmem>>, vector<16x32xbf16>
    %dot_general3A = arith.constant dense<0.000000e+00> : vector<6400x32xf32>
    %dot_general3A_5 = tpu.matmul %convert_element_type3A, %get3A_4, %dot_general3A {dimension_numbers = #tpu.dot_dimension_numbers<[1], [0], [0], [1], [0, 0, 1, 1], [], []>, transpose_lhs_hint = false} : vector<6400x16xbf16>, vector<16x32xbf16>, vector<6400x32xf32> -> vector<6400x32xf32>
    %get3A_6 = arith.constant 0 : index
    %get3A_7 = arith.constant 0 : index
    %get3A_8 = vector.load %arg3[%get3A_6, %get3A_7] : memref<1x32xf32, #tpu.memory_space<vmem>>, vector<1x32xf32>
    %add3A = vector.broadcast %get3A_8 : vector<1x32xf32> to vector<6400x32xf32>
    %add3A_9 = arith.addf %dot_general3A_5, %add3A : vector<6400x32xf32>
    %max3A = arith.constant 0.000000e+00 : f32
    %max3A_10 = vector.broadcast %max3A : f32 to vector<6400x32xf32>
    %max3A_11 = arith.maximumf %add3A_9, %max3A_10 : vector<6400x32xf32>
    %convert_element_type3A_12 = arith.truncf %max3A_11 : vector<6400x32xf32> to vector<6400x32xbf16>
    %get3A_13 = arith.constant 0 : index
    %get3A_14 = arith.constant 0 : index
    %get3A_15 = vector.load %arg4[%get3A_13, %get3A_14] : memref<32x32xbf16, #tpu.memory_space<vmem>>, vector<32x32xbf16>
    %dot_general3A_16 = arith.constant dense<0.000000e+00> : vector<6400x32xf32>
    %dot_general3A_17 = tpu.matmul %convert_element_type3A_12, %get3A_15, %dot_general3A_16 {dimension_numbers = #tpu.dot_dimension_numbers<[1], [0], [0], [1], [0, 0, 1, 1], [], []>, transpose_lhs_hint = false} : vector<6400x32xbf16>, vector<32x32xbf16>, vector<6400x32xf32> -> vector<6400x32xf32>
    %get3A_18 = arith.constant 0 : index
    %get3A_19 = arith.constant 0 : index
    %get3A_20 = vector.load %arg5[%get3A_18, %get3A_19] : memref<1x32xf32, #tpu.memory_space<vmem>>, vector<1x32xf32>
    %add3A_21 = vector.broadcast %get3A_20 : vector<1x32xf32> to vector<6400x32xf32>
    %add3A_22 = arith.addf %dot_general3A_17, %add3A_21 : vector<6400x32xf32>
    %max3A_23 = arith.constant 0.000000e+00 : f32
    %max3A_24 = vector.broadcast %max3A_23 : f32 to vector<6400x32xf32>
    %max3A_25 = arith.maximumf %add3A_22, %max3A_24 : vector<6400x32xf32>
    %convert_element_type3A_26 = arith.truncf %max3A_25 : vector<6400x32xf32> to vector<6400x32xbf16>
    %slice3A = vector.extract_strided_slice %convert_element_type3A_26 {offsets = [0, 0], sizes = [1600, 32], strides = [1, 1]} : vector<6400x32xbf16> to vector<1600x32xbf16>
    %slice3A_27 = vector.extract_strided_slice %convert_element_type3A_26 {offsets = [1600, 0], sizes = [1600, 32], strides = [1, 1]} : vector<6400x32xbf16> to vector<1600x32xbf16>
    %slice3A_28 = vector.extract_strided_slice %convert_element_type3A_26 {offsets = [3200, 0], sizes = [1600, 32], strides = [1, 1]} : vector<6400x32xbf16> to vector<1600x32xbf16>
    %slice3A_29 = vector.extract_strided_slice %convert_element_type3A_26 {offsets = [4800, 0], sizes = [1600, 32], strides = [1, 1]} : vector<6400x32xbf16> to vector<1600x32xbf16>
    %concatenate3A = tpu.concatenate %slice3A, %slice3A_27, %slice3A_28, %slice3A_29 in 1 : vector<1600x32xbf16>, vector<1600x32xbf16>, vector<1600x32xbf16>, vector<1600x32xbf16> -> vector<1600x128xbf16>
    %swap3A = arith.constant 0 : index
    %swap3A_30 = arith.constant 0 : index
    %swap3A_31 = vector.load %arg6[%swap3A, %swap3A_30] : memref<1600x128xbf16, #tpu.memory_space<vmem>>, vector<1600x128xbf16>
    tpu.vector_store %arg6[%swap3A, %swap3A_30], %concatenate3A {strides = array<i32>} : memref<1600x128xbf16, #tpu.memory_space<vmem>>, vector<1600x128xbf16>,
    return
  }
  func.func @transform_0(%arg0: i32) -> (i32, i32) {
    %c0_i32 = arith.constant 0 : i32
    %c0_i32_0 = arith.constant 0 : i32
    return %arg0, %c0_i32 : i32, i32
  }
  func.func @transform_1(%arg0: i32) -> (i32, i32) {
    %c0_i32 = arith.constant 0 : i32
    %c0_i32_0 = arith.constant 0 : i32
    %c0_i32_1 = arith.constant 0 : i32
    return %c0_i32, %c0_i32_0 : i32, i32
  }
  func.func @transform_2(%arg0: i32) -> (i32, i32) {
    %c0_i32 = arith.constant 0 : i32
    %c0_i32_0 = arith.constant 0 : i32
    %c0_i32_1 = arith.constant 0 : i32
    return %c0_i32, %c0_i32_0 : i32, i32
  }
  func.func @transform_3(%arg0: i32) -> (i32, i32) {
    %c0_i32 = arith.constant 0 : i32
    %c0_i32_0 = arith.constant 0 : i32
    %c0_i32_1 = arith.constant 0 : i32
    return %c0_i32, %c0_i32_0 : i32, i32
  }
  func.func @transform_4(%arg0: i32) -> (i32, i32) {
    %c0_i32 = arith.constant 0 : i32
    %c0_i32_0 = arith.constant 0 : i32
    %c0_i32_1 = arith.constant 0 : i32
    return %c0_i32, %c0_i32_0 : i32, i32
  }
  func.func @transform_5(%arg0: i32) -> (i32, i32) {
    %c0_i32 = arith.constant 0 : i32
    %c0_i32_0 = arith.constant 0 : i32
    return %arg0, %c0_i32 : i32, i32
  }
}

module attributes {stable_mosaic.version = 14 : i64} {
  func.func @_msg_body(%arg0: i32, %arg1: memref<512x128xbf16, #tpu.memory_space<vmem>>, %arg2: memref<512x128xbf16, #tpu.memory_space<vmem>>, %arg3: memref<128x2304xbf16, #tpu.memory_space<vmem>>, %arg4: memref<1x2304xf32, #tpu.memory_space<vmem>>, %arg5: memref<128x2304xbf16, #tpu.memory_space<vmem>>, %arg6: memref<2304x128xbf16, #tpu.memory_space<vmem>>, %arg7: memref<1x128xf32, #tpu.memory_space<vmem>>, %arg8: memref<512x128xf32, #tpu.memory_space<vmem>>) attributes {dimension_semantics = [#tpu.dimension_semantics<arbitrary>], iteration_bounds = array<i64: 80>, scalar_prefetch = 0 : i64, scratch_operands = 0 : i64, tpu.core_type = #tpu.core_type<tc>, window_params = [{transform_indices = @transform_0, window_bounds = array<i64: 512, 128>}, {transform_indices = @transform_1, window_bounds = array<i64: 512, 128>}, {pipeline_mode = #tpu.pipeline_mode<synchronous>, transform_indices = @transform_2, window_bounds = array<i64: 128, 2304>}, {pipeline_mode = #tpu.pipeline_mode<synchronous>, transform_indices = @transform_3, window_bounds = array<i64: 1, 2304>}, {pipeline_mode = #tpu.pipeline_mode<synchronous>, transform_indices = @transform_4, window_bounds = array<i64: 128, 2304>}, {pipeline_mode = #tpu.pipeline_mode<synchronous>, transform_indices = @transform_5, window_bounds = array<i64: 2304, 128>}, {pipeline_mode = #tpu.pipeline_mode<synchronous>, transform_indices = @transform_6, window_bounds = array<i64: 1, 128>}, {transform_indices = @transform_7, window_bounds = array<i64: 512, 128>}]} {
    %get3A = arith.constant 0 : index
    %get3A_0 = arith.constant 0 : index
    %get3A_1 = vector.load %arg2[%get3A, %get3A_0] : memref<512x128xbf16, #tpu.memory_space<vmem>>, vector<512x128xbf16>
    %get3A_2 = arith.constant 0 : index
    %get3A_3 = arith.constant 0 : index
    %get3A_4 = vector.load %arg1[%get3A_2, %get3A_3] : memref<512x128xbf16, #tpu.memory_space<vmem>>, vector<512x128xbf16>
    %get3A_5 = arith.constant 0 : index
    %get3A_6 = arith.constant 0 : index
    %get3A_7 = vector.load %arg3[%get3A_5, %get3A_6] : memref<128x2304xbf16, #tpu.memory_space<vmem>>, vector<128x2304xbf16>
    %dot_general3A = arith.constant dense<0.000000e+00> : vector<512x2304xf32>
    %dot_general3A_8 = tpu.matmul %get3A_4, %get3A_7, %dot_general3A {dimension_numbers = #tpu.dot_dimension_numbers<[1], [0], [0], [1], [0, 0, 1, 1], [], []>, transpose_lhs_hint = false} : vector<512x128xbf16>, vector<128x2304xbf16>, vector<512x2304xf32> -> vector<512x2304xf32>
    %get3A_9 = arith.constant 0 : index
    %get3A_10 = arith.constant 0 : index
    %get3A_11 = vector.load %arg4[%get3A_9, %get3A_10] : memref<1x2304xf32, #tpu.memory_space<vmem>>, vector<1x2304xf32>
    %add3A = vector.broadcast %get3A_11 : vector<1x2304xf32> to vector<512x2304xf32>
    %add3A_12 = arith.addf %dot_general3A_8, %add3A : vector<512x2304xf32>
    %convert_element_type3A = arith.truncf %add3A_12 : vector<512x2304xf32> to vector<512x2304xbf16>
    %get3A_13 = arith.constant 0 : index
    %get3A_14 = arith.constant 0 : index
    %get3A_15 = vector.load %arg5[%get3A_13, %get3A_14] : memref<128x2304xbf16, #tpu.memory_space<vmem>>, vector<128x2304xbf16>
    %dot_general3A_16 = arith.constant dense<0.000000e+00> : vector<512x2304xf32>
    %dot_general3A_17 = tpu.matmul %get3A_1, %get3A_15, %dot_general3A_16 {dimension_numbers = #tpu.dot_dimension_numbers<[1], [0], [0], [1], [0, 0, 1, 1], [], []>, transpose_lhs_hint = false} : vector<512x128xbf16>, vector<128x2304xbf16>, vector<512x2304xf32> -> vector<512x2304xf32>
    %convert_element_type3A_18 = arith.truncf %dot_general3A_17 : vector<512x2304xf32> to vector<512x2304xbf16>
    %mul3A = arith.mulf %convert_element_type3A, %convert_element_type3A_18 : vector<512x2304xbf16>
    %get3A_19 = arith.constant 0 : index
    %get3A_20 = arith.constant 0 : index
    %get3A_21 = vector.load %arg6[%get3A_19, %get3A_20] : memref<2304x128xbf16, #tpu.memory_space<vmem>>, vector<2304x128xbf16>
    %dot_general3A_22 = arith.constant dense<0.000000e+00> : vector<512x128xf32>
    %dot_general3A_23 = tpu.matmul %mul3A, %get3A_21, %dot_general3A_22 {dimension_numbers = #tpu.dot_dimension_numbers<[1], [0], [0], [1], [0, 0, 1, 1], [], []>, transpose_lhs_hint = false} : vector<512x2304xbf16>, vector<2304x128xbf16>, vector<512x128xf32> -> vector<512x128xf32>
    %get3A_24 = arith.constant 0 : index
    %get3A_25 = arith.constant 0 : index
    %get3A_26 = vector.load %arg7[%get3A_24, %get3A_25] : memref<1x128xf32, #tpu.memory_space<vmem>>, vector<1x128xf32>
    %add3A_27 = vector.broadcast %get3A_26 : vector<1x128xf32> to vector<512x128xf32>
    %add3A_28 = arith.addf %dot_general3A_23, %add3A_27 : vector<512x128xf32>
    %swap3A = arith.constant 0 : index
    %swap3A_29 = arith.constant 0 : index
    %swap3A_30 = vector.load %arg8[%swap3A, %swap3A_29] : memref<512x128xf32, #tpu.memory_space<vmem>>, vector<512x128xf32>
    tpu.vector_store %arg8[%swap3A, %swap3A_29], %add3A_28 {strides = array<i32>} : memref<512x128xf32, #tpu.memory_space<vmem>>, vector<512x128xf32>,
    return
  }
  func.func @transform_0(%arg0: i32) -> (i32, i32) {
    %c0_i32 = arith.constant 0 : i32
    %c0_i32_0 = arith.constant 0 : i32
    return %arg0, %c0_i32 : i32, i32
  }
  func.func @transform_1(%arg0: i32) -> (i32, i32) {
    %c0_i32 = arith.constant 0 : i32
    %c0_i32_0 = arith.constant 0 : i32
    return %arg0, %c0_i32 : i32, i32
  }
  func.func @transform_2(%arg0: i32) -> (i32, i32) {
    %c0_i32 = arith.constant 0 : i32
    %c0_i32_0 = arith.constant 0 : i32
    %c0_i32_1 = arith.constant 0 : i32
    return %c0_i32, %c0_i32_0 : i32, i32
  }
  func.func @transform_3(%arg0: i32) -> (i32, i32) {
    %c0_i32 = arith.constant 0 : i32
    %c0_i32_0 = arith.constant 0 : i32
    %c0_i32_1 = arith.constant 0 : i32
    return %c0_i32, %c0_i32_0 : i32, i32
  }
  func.func @transform_4(%arg0: i32) -> (i32, i32) {
    %c0_i32 = arith.constant 0 : i32
    %c0_i32_0 = arith.constant 0 : i32
    %c0_i32_1 = arith.constant 0 : i32
    return %c0_i32, %c0_i32_0 : i32, i32
  }
  func.func @transform_5(%arg0: i32) -> (i32, i32) {
    %c0_i32 = arith.constant 0 : i32
    %c0_i32_0 = arith.constant 0 : i32
    %c0_i32_1 = arith.constant 0 : i32
    return %c0_i32, %c0_i32_0 : i32, i32
  }
  func.func @transform_6(%arg0: i32) -> (i32, i32) {
    %c0_i32 = arith.constant 0 : i32
    %c0_i32_0 = arith.constant 0 : i32
    %c0_i32_1 = arith.constant 0 : i32
    return %c0_i32, %c0_i32_0 : i32, i32
  }
  func.func @transform_7(%arg0: i32) -> (i32, i32) {
    %c0_i32 = arith.constant 0 : i32
    %c0_i32_0 = arith.constant 0 : i32
    return %arg0, %c0_i32 : i32, i32
  }
}

module attributes {stable_mosaic.version = 14 : i64} {
  func.func @_node_body(%arg0: memref<2x10016x32xf32, #tpu.memory_space<vmem>>, %arg1: memref<10016x32xf32, #tpu.memory_space<vmem>>, %arg2: memref<32x32xf32, #tpu.memory_space<vmem>>, %arg3: memref<1x32xf32, #tpu.memory_space<vmem>>, %arg4: memref<1x32xf32, #tpu.memory_space<vmem>>, %arg5: memref<10016x32xf32, #tpu.memory_space<vmem>>) attributes {dimension_semantics = [], scalar_prefetch = 0 : i64, scratch_operands = 0 : i64, tpu.core_type = #tpu.core_type<tc>} {
    %get3A = arith.constant 0 : index
    %get3A_0 = arith.constant 0 : index
    %get3A_1 = arith.constant 0 : index
    %get3A_2 = vector.load %arg0[%get3A, %get3A_0, %get3A_1] : memref<2x10016x32xf32, #tpu.memory_space<vmem>>, vector<1x10016x32xf32>
    %get3A_3 = vector.shape_cast %get3A_2 : vector<1x10016x32xf32> to vector<10016x32xf32>
    %get3A_4 = arith.constant 1 : index
    %get3A_5 = arith.constant 0 : index
    %get3A_6 = arith.constant 0 : index
    %get3A_7 = vector.load %arg0[%get3A_4, %get3A_5, %get3A_6] : memref<2x10016x32xf32, #tpu.memory_space<vmem>>, vector<1x10016x32xf32>
    %get3A_8 = vector.shape_cast %get3A_7 : vector<1x10016x32xf32> to vector<10016x32xf32>
    %add3A = arith.addf %get3A_3, %get3A_8 : vector<10016x32xf32>
    %slice3A = vector.extract_strided_slice %add3A {offsets = [0, 24], sizes = [10016, 1], strides = [1, 1]} : vector<10016x32xf32> to vector<10016x1xf32>
    %max3A = arith.constant 1.000000e+00 : f32
    %max3A_9 = vector.broadcast %max3A : f32 to vector<10016x1xf32>
    %max3A_10 = arith.maximumf %slice3A, %max3A_9 : vector<10016x1xf32>
    %div3A = arith.constant 1.000000e+00 : f32
    %div3A_11 = vector.broadcast %div3A : f32 to vector<10016x1xf32>
    %div3A_12 = arith.divf %div3A_11, %max3A_10 : vector<10016x1xf32>
    %mul3A = vector.broadcast %div3A_12 : vector<10016x1xf32> to vector<10016x32xf32>
    %mul3A_13 = arith.mulf %add3A, %mul3A : vector<10016x32xf32>
    %get3A_14 = arith.constant 0 : index
    %get3A_15 = arith.constant 0 : index
    %get3A_16 = vector.load %arg1[%get3A_14, %get3A_15] : memref<10016x32xf32, #tpu.memory_space<vmem>>, vector<10016x32xf32>
    %get3A_17 = arith.constant 0 : index
    %get3A_18 = arith.constant 0 : index
    %get3A_19 = vector.load %arg2[%get3A_17, %get3A_18] : memref<32x32xf32, #tpu.memory_space<vmem>>, vector<32x32xf32>
    %dot_general3A = arith.constant dense<0.000000e+00> : vector<10016x32xf32>
    %dot_general3A_20 = tpu.matmul %get3A_16, %get3A_19, %dot_general3A {dimension_numbers = #tpu.dot_dimension_numbers<[1], [0], [0], [1], [0, 0, 1, 1], [], []>, transpose_lhs_hint = false} : vector<10016x32xf32>, vector<32x32xf32>, vector<10016x32xf32> -> vector<10016x32xf32>
    %add3A_21 = arith.addf %mul3A_13, %dot_general3A_20 : vector<10016x32xf32>
    %get3A_22 = arith.constant 0 : index
    %get3A_23 = arith.constant 0 : index
    %get3A_24 = vector.load %arg3[%get3A_22, %get3A_23] : memref<1x32xf32, #tpu.memory_space<vmem>>, vector<1x32xf32>
    %add3A_25 = vector.broadcast %get3A_24 : vector<1x32xf32> to vector<10016x32xf32>
    %add3A_26 = arith.addf %add3A_21, %add3A_25 : vector<10016x32xf32>
    %max3A_27 = arith.constant 0.000000e+00 : f32
    %max3A_28 = vector.broadcast %max3A_27 : f32 to vector<10016x32xf32>
    %max3A_29 = arith.maximumf %add3A_26, %max3A_28 : vector<10016x32xf32>
    %get3A_30 = arith.constant 0 : index
    %get3A_31 = arith.constant 0 : index
    %get3A_32 = vector.load %arg4[%get3A_30, %get3A_31] : memref<1x32xf32, #tpu.memory_space<vmem>>, vector<1x32xf32>
    %mul3A_33 = vector.broadcast %get3A_32 : vector<1x32xf32> to vector<10016x32xf32>
    %mul3A_34 = arith.mulf %max3A_29, %mul3A_33 : vector<10016x32xf32>
    %swap3A = arith.constant 0 : index
    %swap3A_35 = arith.constant 0 : index
    %swap3A_36 = vector.load %arg5[%swap3A, %swap3A_35] : memref<10016x32xf32, #tpu.memory_space<vmem>>, vector<10016x32xf32>
    tpu.vector_store %arg5[%swap3A, %swap3A_35], %mul3A_34 {strides = array<i32>} : memref<10016x32xf32, #tpu.memory_space<vmem>>, vector<10016x32xf32>,
    return
  }
}

module attributes {stable_mosaic.version = 14 : i64} {
  func.func @_node_final_body(%arg0: memref<2x10016x32xf32, #tpu.memory_space<vmem>>, %arg1: memref<10016x32xf32, #tpu.memory_space<vmem>>, %arg2: memref<32x32xf32, #tpu.memory_space<vmem>>, %arg3: memref<1x32xf32, #tpu.memory_space<vmem>>, %arg4: memref<1x32xf32, #tpu.memory_space<vmem>>, %arg5: memref<32x32xf32, #tpu.memory_space<vmem>>, %arg6: memref<1x32xf32, #tpu.memory_space<vmem>>, %arg7: memref<10016x32xf32, #tpu.memory_space<vmem>>) attributes {dimension_semantics = [], scalar_prefetch = 0 : i64, scratch_operands = 0 : i64, tpu.core_type = #tpu.core_type<tc>} {
    %get3A = arith.constant 0 : index
    %get3A_0 = arith.constant 0 : index
    %get3A_1 = arith.constant 0 : index
    %get3A_2 = vector.load %arg0[%get3A, %get3A_0, %get3A_1] : memref<2x10016x32xf32, #tpu.memory_space<vmem>>, vector<1x10016x32xf32>
    %get3A_3 = vector.shape_cast %get3A_2 : vector<1x10016x32xf32> to vector<10016x32xf32>
    %get3A_4 = arith.constant 1 : index
    %get3A_5 = arith.constant 0 : index
    %get3A_6 = arith.constant 0 : index
    %get3A_7 = vector.load %arg0[%get3A_4, %get3A_5, %get3A_6] : memref<2x10016x32xf32, #tpu.memory_space<vmem>>, vector<1x10016x32xf32>
    %get3A_8 = vector.shape_cast %get3A_7 : vector<1x10016x32xf32> to vector<10016x32xf32>
    %add3A = arith.addf %get3A_3, %get3A_8 : vector<10016x32xf32>
    %slice3A = vector.extract_strided_slice %add3A {offsets = [0, 24], sizes = [10016, 1], strides = [1, 1]} : vector<10016x32xf32> to vector<10016x1xf32>
    %max3A = arith.constant 1.000000e+00 : f32
    %max3A_9 = vector.broadcast %max3A : f32 to vector<10016x1xf32>
    %max3A_10 = arith.maximumf %slice3A, %max3A_9 : vector<10016x1xf32>
    %div3A = arith.constant 1.000000e+00 : f32
    %div3A_11 = vector.broadcast %div3A : f32 to vector<10016x1xf32>
    %div3A_12 = arith.divf %div3A_11, %max3A_10 : vector<10016x1xf32>
    %mul3A = vector.broadcast %div3A_12 : vector<10016x1xf32> to vector<10016x32xf32>
    %mul3A_13 = arith.mulf %add3A, %mul3A : vector<10016x32xf32>
    %get3A_14 = arith.constant 0 : index
    %get3A_15 = arith.constant 0 : index
    %get3A_16 = vector.load %arg1[%get3A_14, %get3A_15] : memref<10016x32xf32, #tpu.memory_space<vmem>>, vector<10016x32xf32>
    %get3A_17 = arith.constant 0 : index
    %get3A_18 = arith.constant 0 : index
    %get3A_19 = vector.load %arg2[%get3A_17, %get3A_18] : memref<32x32xf32, #tpu.memory_space<vmem>>, vector<32x32xf32>
    %dot_general3A = arith.constant dense<0.000000e+00> : vector<10016x32xf32>
    %dot_general3A_20 = tpu.matmul %get3A_16, %get3A_19, %dot_general3A {dimension_numbers = #tpu.dot_dimension_numbers<[1], [0], [0], [1], [0, 0, 1, 1], [], []>, transpose_lhs_hint = false} : vector<10016x32xf32>, vector<32x32xf32>, vector<10016x32xf32> -> vector<10016x32xf32>
    %add3A_21 = arith.addf %mul3A_13, %dot_general3A_20 : vector<10016x32xf32>
    %get3A_22 = arith.constant 0 : index
    %get3A_23 = arith.constant 0 : index
    %get3A_24 = vector.load %arg3[%get3A_22, %get3A_23] : memref<1x32xf32, #tpu.memory_space<vmem>>, vector<1x32xf32>
    %add3A_25 = vector.broadcast %get3A_24 : vector<1x32xf32> to vector<10016x32xf32>
    %add3A_26 = arith.addf %add3A_21, %add3A_25 : vector<10016x32xf32>
    %max3A_27 = arith.constant 0.000000e+00 : f32
    %max3A_28 = vector.broadcast %max3A_27 : f32 to vector<10016x32xf32>
    %max3A_29 = arith.maximumf %add3A_26, %max3A_28 : vector<10016x32xf32>
    %get3A_30 = arith.constant 0 : index
    %get3A_31 = arith.constant 0 : index
    %get3A_32 = vector.load %arg4[%get3A_30, %get3A_31] : memref<1x32xf32, #tpu.memory_space<vmem>>, vector<1x32xf32>
    %mul3A_33 = vector.broadcast %get3A_32 : vector<1x32xf32> to vector<10016x32xf32>
    %mul3A_34 = arith.mulf %max3A_29, %mul3A_33 : vector<10016x32xf32>
    %get3A_35 = arith.constant 0 : index
    %get3A_36 = arith.constant 0 : index
    %get3A_37 = vector.load %arg5[%get3A_35, %get3A_36] : memref<32x32xf32, #tpu.memory_space<vmem>>, vector<32x32xf32>
    %dot_general3A_38 = arith.constant dense<0.000000e+00> : vector<10016x32xf32>
    %dot_general3A_39 = tpu.matmul %mul3A_34, %get3A_37, %dot_general3A_38 {dimension_numbers = #tpu.dot_dimension_numbers<[1], [0], [0], [1], [0, 0, 1, 1], [], []>, transpose_lhs_hint = false} : vector<10016x32xf32>, vector<32x32xf32>, vector<10016x32xf32> -> vector<10016x32xf32>
    %get3A_40 = arith.constant 0 : index
    %get3A_41 = arith.constant 0 : index
    %get3A_42 = vector.load %arg6[%get3A_40, %get3A_41] : memref<1x32xf32, #tpu.memory_space<vmem>>, vector<1x32xf32>
    %add3A_43 = vector.broadcast %get3A_42 : vector<1x32xf32> to vector<10016x32xf32>
    %add3A_44 = arith.addf %dot_general3A_39, %add3A_43 : vector<10016x32xf32>
    %swap3A = arith.constant 0 : index
    %swap3A_45 = arith.constant 0 : index
    %swap3A_46 = vector.load %arg7[%swap3A, %swap3A_45] : memref<10016x32xf32, #tpu.memory_space<vmem>>, vector<10016x32xf32>
    tpu.vector_store %arg7[%swap3A, %swap3A_45], %add3A_44 {strides = array<i32>} : memref<10016x32xf32, #tpu.memory_space<vmem>>, vector<10016x32xf32>,
    return
  }
}

</mosaic_0001>

<sc_bundles>
// kernel: kernel.12.cloned.1.call-start
scs
__scs_entry_jumppad:
0x0: {  	(pc) =	sbr.rel $0x88, $3  }
0x1: {  	(tag) =	ssettag $0x0;
	lr =	simm.s32 $0x1  }
0x2: {  	[smem:$0x3F8C] =	sst lr;
	_ =	strace $0xD0000000  }
0x3: {  	_ = 	snop  }
0x4: {  	_ = 	snop  }
0x5: {  	_ = 	snop  }
0x6: {  	_ = 	snop  }
0x7: {  	_ = 	snop  }
__scs_overlays_trampoline_lowered:
0x8: {  	[smem:$0x3F9B] =	sst s0  }
0x9: {  	[smem:$0x3F9C] =	sst s1  }
0xa: {  	[smem:$0x3F9D] =	sst s2  }
0xb: {  	[smem:$0x3F9E] =	sst s3  }
0xc: {  	[smem:$0x3F9F] =	sst s4  }
0xd: {  	[smem:$0x3FA0] =	sst s5  }
0xe: {  	[smem:$0x3FA1] =	sst s6  }
0xf: {  	[smem:$0x3FA2] =	sst s7  }
0x10: {  	[smem:$0x3FA3] =	sst s8  }
0x11: {  	[smem:$0x3FA4] =	sst s9;
	s0 =	simm.s32 @!p0 $0x0  }
0x12: {  	s1 =	sld [smem:$0x3F8A];
	s0 =	simm.s32 @p0 $0x1  }
0x13: {  	[smem:$0x3FA5] =	sst s0;
	s0 =	simm.s32 @!p1 $0x0  }
0x14: {  	s2 =	sld [smem:$0x3F89];
	s0 =	simm.s32 @p1 $0x1  }
0x15: {  	[smem:$0x3FA6] =	sst s0;
	s0 =	simm.s32 @!p2 $0x0  }
0x16: {  	s3 =	sld [smem:$0x3FDB];
	s0 =	simm.s32 @p2 $0x1  }
0x17: {  	s4 =	simm.s32 $0x1BF5;
	[smem:$0x3FA8] =	sst s0  }
0x18: {  	s0 =	sld [smem:$0x3F8B];
	_ =	swait.ge [sflag:s4], $0x0  }
0x19: {  	s7 =	sld [smem:$0x3F8C]  }
0x1a: {  	s8 =	sadd.s32 $0xFFFFE003, lr  }
0x1b: {  	s9 =	sadd.s32 $0xFFFFFEF7, lr;
	s5 =	simm.s32 $0xFFFFFFFF;
	p2 =	slt.u32 s8, $0xFFFFF086  }
0x1c: {  	p1 =	slt.u32 s9, $0xF7A;
	s5 =	simm.s32 @!p2 $0x0  }
0x1d: {  	s5 =	simm.s32 @p1 $0x1;
	p0 =	seq.s32 s7, s2  }
0x1e: {  	s7 =	smul.u32 @!p0 $0xF7A, s2;
	p2 =	seq.s32 @!p0 s5, $0x0  }
0x1f: {  	s9 =	smul.u32 $0xF7A, s1;
	s8 =	simm.s32 @!p0 $0x1BF5;
	p2 =	por !p2, p0  }
0x20: {  	[sflag:s8] =	ssyncset.s32 @!p0 $0xFFFFF086;
	s6 =	sadd.s32 @!p0 s3, s7;
	s7 =	simm.s32 @!p0 $0x108  }
0x21: {  	s3 =	sadd.s32 s3, s9;
	s6 =	sadd.s32 @!p0 $0x88, s6;
	s7 =	simm.s32 @p2 $0x1082  }
0x22: {  	[simem:s7], [sflag:s8] =	dma.local @!p0 [hbm:s6], $0xF7A  }
0x23: {  	s9 =	sor.u32 $0xD0000000, s2;
	s6 =	simm.s32 $0x108;
	_ =	swait.ge @!p0 [sflag:s8], $0x0  }
0x24: {  	s3 =	sadd.s32 $0x88, s3;
	s6 =	simm.s32 @!p1 $0x1082;
	[sflag:s4] =	ssyncset.s32 $0xFFFFF086  }
0x25: {  	[simem:s6], [sflag:s4] =	dma.local [hbm:s3], $0xF7A  }
0x26: {  	[smem:$0x3F8C] =	sst s1;
	(tag) =	ssettag s2;
	_ =	strace s9  }
0x27: {  	s1 =	sld [smem:$0x3F9C]  }
0x28: {  	s2 =	sld [smem:$0x3F9D]  }
0x29: {  	s4 =	sld [smem:$0x3F9F]  }
0x2a: {  	p0 =	seq.s32 s5, $0x0;
	s5 =	sld [smem:$0x3FA0]  }
0x2b: {  	s6 =	sld [smem:$0x3FA1]  }
0x2c: {  	s7 =	sld [smem:$0x3FA2]  }
0x2d: {  	s3 =	simm.s32 $0x108;
	s8 =	sld [smem:$0x3FA3]  }
0x2e: {  	s3 =	simm.s32 @!p0 $0x1082;
	s9 =	sld [smem:$0x3FA4]  }
0x2f: {  	lr =	sadd.s32 s0, s3;
	s0 =	sld [smem:$0x3F9B]  }
0x30: {  	s3 =	sld [smem:$0x3F9E]  }
0x31: {  	[smem:$0x3FA7] =	sst s10  }
0x32: {  	s10 =	sld [smem:$0x3FA5];
	_ =	sdelay $0x3  }
0x33: {  	p0 =	seq.s32 s10, $0x1;
	s10 =	sld [smem:$0x3FA7];
	_ =	sdelay $0x3  }
0x34: {  	[smem:$0x3FA7] =	sst s10  }
0x35: {  	s10 =	sld [smem:$0x3FA6];
	_ =	sdelay $0x3  }
0x36: {  	p1 =	seq.s32 s10, $0x1;
	s10 =	sld [smem:$0x3FA7];
	_ =	sdelay $0x3  }
0x37: {  	[smem:$0x3FA7] =	sst s10  }
0x38: {  	s10 =	sld [smem:$0x3FA8]  }
0x39: {  	_ = 	snop;
	(pc) =	sbr.ind lr, $3  }
0x3a: {  	_ = 	snop  }
0x3b: {  	_ = 	snop  }
0x3c: {  	p2 =	seq.s32 s10, $0x1;
	s10 =	sld [smem:$0x3FA7]  }
0x3d: {  	_ =	shalt  }
0x3e: {  	_ =	shalt  }
0x3f: {  	_ =	shalt  }
0x40: {  	_ =	shalt  }
0x41: {  	_ =	shalt  }
0x42: {  	_ =	shalt  }
0x43: {  	_ =	shalt  }
0x44: {  	_ =	shalt  }
0x45: {  	_ =	shalt  }
0x46: {  	_ =	shalt  }
0x47: {  	_ =	shalt  }
0x48: {  	_ =	shalt  }
0x49: {  	_ =	shalt  }
0x4a: {  	_ =	shalt  }
0x4b: {  	_ =	shalt  }
0x4c: {  	_ =	shalt  }
0x4d: {  	_ =	shalt  }
0x4e: {  	_ =	shalt  }
0x4f: {  	_ =	shalt  }
0x50: {  	_ =	shalt  }
0x51: {  	_ =	shalt  }
0x52: {  	_ =	shalt  }
0x53: {  	_ =	shalt  }
0x54: {  	_ =	shalt  }
0x55: {  	_ =	shalt  }
0x56: {  	_ =	shalt  }
0x57: {  	_ =	shalt  }
0x58: {  	_ =	shalt  }
0x59: {  	_ =	shalt  }
0x5a: {  	_ =	shalt  }
0x5b: {  	_ =	shalt  }
0x5c: {  	_ =	shalt  }
0x5d: {  	_ =	shalt  }
0x5e: {  	_ =	shalt  }
0x5f: {  	_ =	shalt  }
0x60: {  	_ =	shalt  }
0x61: {  	_ =	shalt  }
0x62: {  	_ =	shalt  }
0x63: {  	_ =	shalt  }
0x64: {  	_ =	shalt  }
0x65: {  	_ =	shalt  }
0x66: {  	_ =	shalt  }
0x67: {  	_ =	shalt  }
0x68: {  	_ =	shalt  }
0x69: {  	_ =	shalt  }
0x6a: {  	_ =	shalt  }
0x6b: {  	_ =	shalt  }
0x6c: {  	_ =	shalt  }
0x6d: {  	_ =	shalt  }
0x6e: {  	_ =	shalt  }
0x6f: {  	_ =	shalt  }
0x70: {  	_ =	shalt  }
0x71: {  	_ =	shalt  }
0x72: {  	_ =	shalt  }
0x73: {  	_ =	shalt  }
0x74: {  	_ =	shalt  }
0x75: {  	_ =	shalt  }
0x76: {  	_ =	shalt  }
0x77: {  	_ =	shalt  }
0x78: {  	_ =	shalt  }
0x79: {  	_ =	shalt  }
0x7a: {  	_ =	shalt  }
0x7b: {  	_ =	shalt  }
0x7c: {  	_ =	shalt  }
0x7d: {  	_ =	shalt  }
0x7e: {  	_ =	shalt  }
0x7f: {  	_ =	shalt  }
0x80: {  	_ =	shalt  }
0x81: {  	_ =	shalt  }
0x82: {  	_ =	shalt  }
0x83: {  	_ =	shalt  }
0x84: {  	_ =	shalt  }
0x85: {  	_ =	shalt  }
0x86: {  	_ =	shalt  }
0x87: {  	_ =	shalt  }
.Lfunc_end0:
.L_simem_size_0:
called_computation_lowered:
.L_overlay_start_0:
0x88: {  	s2 =	sld [smem:$0x3FD9]  }
0x89: {  	s3 =	sld [smem:$0x3FFE];
	_ =	sdelay $0x1  }
0x8a: {  	s1 =	srdreg.scid  }
0x8b: {  	s0 =	sand.u32 $0x1, s1  }
0x8c: {  	s17 =	sshll.u32 s0, $0xA;
	s2 =	sadd.s32 s3, s2  }
0x8d: {  	s2 =	sadd.s32 s2, s17  }
0x8e: {  	[smem:$0x3FB3] =	sst s2  }
0x8f: {  	_ = 	snop  }
0x90: {  	s2 =	sld [smem:$0x3FD0];
	(tm) =	ssettm $0x1  }
0x91: {  	s18 =	sld [smem:$0x3FFB];
	_ =	sdelay $0x3  }
0x92: {  	_ =	strace s18  }
0x93: {  	s3 =	sld [smem:$0x3FFC];
	_ =	sdelay $0x3  }
0x94: {  	_ =	strace s3  }
0x95: {  	s3 =	sld [smem:$0x3FFD];
	_ =	sdelay $0x3  }
0x96: {  	_ =	strace s3  }
0x97: {  	_ =	strace $0x8FFFFFFF  }
0x98: {  	s19 =	sld [smem:$0x3FDB];
	_ =	sdelay $0x1  }
0x99: {  	s4 =	simm.s32 $_scs_section_size  }
0x9a: {  	s5 =	simm.s32 $_size__tile_overlayer_lowered;
	s6 =	simm.s32 $_tile_overlayer_lowered  }
0x9b: {  	s22 =	simm.s32 $0x1BFF;
	s21 =	sshll.u32 s6, $0x1;
	s3 =	sadd.s32 s4, s19  }
0x9c: {  	s7 =	simm.s32 $0x0;
	s20 =	sshll.u32 s5, $0x1;
	s5 =	sadd.s32 s21, s3  }
0x9d: {  	[timem:s7], [sflag:s22] =	dma.local [hbm:s5], s20  }
0x9e: {  	_ =	swait.ge [sflag:s22], s20  }
0x9f: {  	s4 =	ssub.s32 $0x0, s20;
	[sflag:s22] =	ssyncset.done $0x0  }
0xa0: {  	[sflag:s22] =	ssyncadd.s32 s4;
	_ =	sdelay $0x1  }
0xa1: {  	s23 =	simm.s32 $0x1B8B  }
0xa2: {  	_ =	swait.ge [sflag:s23], $0x1  }
0xa3: {  	[sflag:s23] =	ssyncset.done $0x0  }
0xa4: {  	s25 =	simm.s32 $0x1B8E;
	s24 =	sld [smem:$0x3FFE];
	[sflag:s23] =	ssyncadd.s32 $0xFFFFFFFF  }
0xa5: {  	s26 =	simm.s32 $execute0_lowered;
	[smem:$0x3FD2] =	sst s25  }
0xa6: {  	s5 =	sshll.u32 s26, $0x1;
	_ =	strace $0x80000046;
	[dreg:$0x1] =	wrdreg $0xFFFFFFFF  }
0xa7: {  	s28 =	simm.s32 $_size_execute0_lowered;
	s3 =	sadd.s32 s3, s5;
	[dreg:$0x0] =	wrdreg $0x0  }
0xa8: {  	s5 =	sshll.u32 s28, $0x1;
	[dreg:$0x2] =	wrdreg s3  }
0xa9: {  	[dreg:$0x3] =	wrdreg s5  }
0xaa: {  	[dreg:$0x4] =	wrdreg $0xC0  }
0xab: {  	_ =	task [dreg:s7], $0x5FFFF  }
0xac: {  	[dreg:$0x1] =	wrdreg $0xFFFFFFFF  }
0xad: {  	[dreg:$0x0] =	wrdreg $0x60  }
0xae: {  	[dreg:$0x2] =	wrdreg s24  }
0xaf: {  	[dreg:$0x3] =	wrdreg s2  }
0xb0: {  	[dreg:$0x4] =	wrdreg $0x9  }
0xb1: {  	_ =	task.clear_ibuf [dreg:s7], $0x5FFFF;
	_ =	strace $0x90000046  }
0xb2: {  	s29 =	simm.s32 $0x9;
	_ =	strace $0x80000048  }
0xb3: {  	_ =	swait.ge [sflag:s29], $0x1  }
0xb4: {  	[sflag:s29] =	ssyncadd.s32 $0xFFFFFFFF  }
0xb5: {  	_ =	strace $0x90000048  }
0xb6: {  	_ =	sfence  }
0xb7: {  	s30 =	sld [smem:$0x0];
	_ =	sdelay $0x2  }
0xb8: {  	s31 =	sshll.u32 s1, $0xD;
	s1 =	sshrl.u32 s1, $0x2  }
0xb9: {  	s3 =	sand.u32 $0x4000, s31;
	s1 =	sadd.s32 s1, s30  }
0xba: {  	s0 =	sor.u32 s3, s0;
	s1 =	sshll.u32 s1, $0x11  }
0xbb: {  	s0 =	sor.u32 s1, s0  }
0xbc: {  	s0 =	sadd.s32 $0x8F2B, s0  }
0xbd: {  	[sflag:s0] =	ssyncadd.remote.s32 $0x1  }
0xbe: {  	_ =	sfence.sel $0xFFFF  }
0xbf: {  	[dreg:$0x0] =	wrdreg $0xFFFFFFFF;
	(pc) =	sbr.abs _section_cstart, $3  }
0xc0: {  	[dreg:$0x1] =	wrdreg $0xFFFFFFFF  }
0xc1: {  	_ =	task.clear_ibuf [dreg:s7], $0x2FFFF;
	_ =	strace $0x9FFFFFFF  }
0xc2: {  	(tm) =	ssettm $0x7FFFFFFF  }
0xc3: {  	_ =	shalt  }
tec
execute0_lowered:
.L_overlay_start_1:
0x0: {  	(tag) =	ssettag $0x1  }
0x1: {  	s0 =	rddreg [dreg:$0x0];
	s3 =	simm.s32 $0x0  }
0x2: {  	s1 =	srdreg.scid;
	s2 =	stileid.u32;
	s9 =	simm.s32 $0x2  }
0x3: {  	s10 =	simm.s32 $0x80;
	s11 =	simm.s32 $0xA00;
	s23 =	simm.s32 $0x500  }
0x4: {  	s24 =	simm.s32 $0x5A00;
	s25 =	simm.s32 $0x580;
	s30 =	simm.s32 $0x6200  }
0x5: {  	s31 =	simm.s32 $0x600;
	s29 =	simm.s32 $0x680;
	s8 =	simm.s32 $0x700  }
0x6: {  	s12 =	simm.s32 $0x780;
	s13 =	simm.s32 $0x8200;
	s14 =	simm.s32 $0x800  }
0x7: {  	s15 =	simm.s32 $0x8A00;
	s16 =	simm.s32 $0x880;
	s17 =	simm.s32 $0x9200  }
0x8: {  	s18 =	simm.s32 $0x900;
	s19 =	simm.s32 $0x9A00;
	s20 =	simm.s32 $0x980  }
0x9: {  	s21 =	simm.s32 $0xA200;
	[smem:$0x7FF] =	sst s3;
	s1 =	sand.u32 $0x1, s1  }
0xa: {  	s2 =	sshll.u32 s2, $0x1;
	s4 =	sadd.s32 $0x29000, s0;
	s7 =	ssub.s32 $0x2, s1  }
0xb: {  	s6 =	sadd.s32 $0x2E000, s0;
	s1 =	sor.u32 s1, s2;
	s26 =	sshrl.u32 s7, $0x1  }
0xc: {  	_ =	strace $0x80000047;
	s5 =	smul.u32 $0x1400, s1;
	s28 =	ssub.s32 s7, s26  }
0xd: {  	s2 =	simm.s32 $0x7A00;
	s7 =	smul.u32 $0x28, s1;
	s0 =	smax.u32 s28, $0x1  }
0xe: {  	s1 =	simm.s32 $0x7200;
	[dreg:$0x3] =	wrdreg s0;
	s0 =	simm.s32 $0x0  }
.LBB2_1:
0xf: {  	[dreg:$0x4] =	wrdreg s0  }
0x10: {  	p0 =	por $0x1, $0x1;
	s26 =	simm.s32 $0x0;
	s0 =	simm.s32 $0x6A00  }
.LBB2_2:
0x11: {  	s28 =	smul.u32 $0x14, s26;
	_ =	sdelay $0x1  }
0x12: {  	s28 =	sadd.s32 s7, s28  }
0x13: {  	s22 =	rddreg [dreg:$0x1];
	s28 =	sshll.u32 s28, $0x4  }
0x14: {  	s28 =	sadd.s32 s22, s28  }
0x15: {  	[tilespmem:s3], [sflag:$0x2] =	stream.linear.gather [hbm4b:s28+s3], $0xA00, $0x38;
	[tilespmem:$0xAA00] =	vst v63  }
0x16: {  	_ =	swait.ge [sflag:s9], $0xA00  }
0x17: {  	[sflag:s9] =	ssyncset.done $0x0  }
0x18: {  	[sflag:s9] =	ssyncadd.s32 $0xFFFFF600  }
0x19: {  	[tilespmem:s11], [sflag:$0x1] =	stream.indirect.gather [hbm4b:s4+s10], $0x10, s3, s10, $0xb8;
	[tilespmem:$0xAA00] =	vst v63  }
0x1a: {  	s28 =	simm.s32 $0x1200  }
0x1b: {  	[tilespmem:s28], [sflag:$0x1] =	stream.indirect.gather [hbm4b:s4+s10], $0x10, s10, s10, $0xb8;
	[tilespmem:$0xAA00] =	vst v63  }
0x1c: {  	s22 =	simm.s32 $0x100;
	s28 =	simm.s32 $0x1A00  }
0x1d: {  	[tilespmem:s28], [sflag:$0x1] =	stream.indirect.gather [hbm4b:s4+s10], $0x10, s22, s10, $0xb8;
	[tilespmem:$0xAA00] =	vst v63  }
0x1e: {  	s22 =	simm.s32 $0x180;
	s28 =	simm.s32 $0x2200  }
0x1f: {  	[tilespmem:s28], [sflag:$0x1] =	stream.indirect.gather [hbm4b:s4+s10], $0x10, s22, s10, $0xb8;
	[tilespmem:$0xAA00] =	vst v63  }
0x20: {  	s22 =	simm.s32 $0x200;
	s28 =	simm.s32 $0x2A00  }
0x21: {  	[tilespmem:s28], [sflag:$0x1] =	stream.indirect.gather [hbm4b:s4+s10], $0x10, s22, s10, $0xb8;
	[tilespmem:$0xAA00] =	vst v63  }
0x22: {  	s22 =	simm.s32 $0x280;
	s28 =	simm.s32 $0x3200  }
0x23: {  	[tilespmem:s28], [sflag:$0x1] =	stream.indirect.gather [hbm4b:s4+s10], $0x10, s22, s10, $0xb8;
	[tilespmem:$0xAA00] =	vst v63  }
0x24: {  	s22 =	simm.s32 $0x300;
	s28 =	simm.s32 $0x3A00  }
0x25: {  	[tilespmem:s28], [sflag:$0x1] =	stream.indirect.gather [hbm4b:s4+s10], $0x10, s22, s10, $0xb8;
	[tilespmem:$0xAA00] =	vst v63  }
0x26: {  	s22 =	simm.s32 $0x380;
	s28 =	simm.s32 $0x4200  }
0x27: {  	[tilespmem:s28], [sflag:$0x1] =	stream.indirect.gather [hbm4b:s4+s10], $0x10, s22, s10, $0xb8;
	[tilespmem:$0xAA00] =	vst v63  }
0x28: {  	s22 =	simm.s32 $0x400;
	s28 =	simm.s32 $0x4A00  }
0x29: {  	[tilespmem:s28], [sflag:$0x1] =	stream.indirect.gather [hbm4b:s4+s10], $0x10, s22, s10, $0xb8;
	[tilespmem:$0xAA00] =	vst v63  }
0x2a: {  	s22 =	simm.s32 $0x480;
	s28 =	simm.s32 $0x5200  }
0x2b: {  	[tilespmem:s28], [sflag:$0x1] =	stream.indirect.gather [hbm4b:s4+s10], $0x10, s22, s10, $0xb8;
	[tilespmem:$0xAA00] =	vst v63  }
0x2c: {  	_ = 	snop  }
0x2d: {  	[tilespmem:s24], [sflag:$0x1] =	stream.indirect.gather [hbm4b:s4+s10], $0x10, s23, s10, $0xb8;
	[tilespmem:$0xAA00] =	vst v63  }
0x2e: {  	_ = 	snop  }
0x2f: {  	[tilespmem:s30], [sflag:$0x1] =	stream.indirect.gather [hbm4b:s4+s10], $0x10, s25, s10, $0xb8;
	[tilespmem:$0xAA00] =	vst v63  }
0x30: {  	_ = 	snop  }
0x31: {  	[tilespmem:s0], [sflag:$0x1] =	stream.indirect.gather [hbm4b:s4+s10], $0x10, s31, s10, $0xb8;
	[tilespmem:$0xAA00] =	vst v63  }
0x32: {  	_ = 	snop  }
0x33: {  	[tilespmem:s1], [sflag:$0x1] =	stream.indirect.gather [hbm4b:s4+s10], $0x10, s29, s10, $0xb8;
	[tilespmem:$0xAA00] =	vst v63  }
0x34: {  	_ = 	snop  }
0x35: {  	[tilespmem:s2], [sflag:$0x1] =	stream.indirect.gather [hbm4b:s4+s10], $0x10, s8, s10, $0xb8;
	[tilespmem:$0xAA00] =	vst v63  }
0x36: {  	_ = 	snop  }
0x37: {  	[tilespmem:s13], [sflag:$0x1] =	stream.indirect.gather [hbm4b:s4+s10], $0x10, s12, s10, $0xb8;
	[tilespmem:$0xAA00] =	vst v63  }
0x38: {  	_ = 	snop  }
0x39: {  	[tilespmem:s15], [sflag:$0x1] =	stream.indirect.gather [hbm4b:s4+s10], $0x10, s14, s10, $0xb8;
	[tilespmem:$0xAA00] =	vst v63  }
0x3a: {  	_ = 	snop  }
0x3b: {  	[tilespmem:s17], [sflag:$0x1] =	stream.indirect.gather [hbm4b:s4+s10], $0x10, s16, s10, $0xb8;
	[tilespmem:$0xAA00] =	vst v63  }
0x3c: {  	_ = 	snop  }
0x3d: {  	[tilespmem:s19], [sflag:$0x1] =	stream.indirect.gather [hbm4b:s4+s10], $0x10, s18, s10, $0xb8;
	[tilespmem:$0xAA00] =	vst v63  }
0x3e: {  	s22 =	smul.u32 $0xA00, s26;
	s26 =	simm.s32 $0x1  }
0x3f: {  	[tilespmem:s21], [sflag:$0x1] =	stream.indirect.gather [hbm4b:s4+s10], $0x10, s20, s10, $0xb8;
	[tilespmem:$0xAA00] =	vst v63  }
0x40: {  	_ =	swait.ge [sflag:s26], $0x800  }
0x41: {  	[sflag:s26] =	ssyncset.done $0x0  }
0x42: {  	[sflag:s26] =	ssyncadd.s32 $0xFFFFF800  }
0x43: {  	_ =	swait.ge [sflag:s26], $0x800  }
0x44: {  	[sflag:s26] =	ssyncset.done $0x0  }
0x45: {  	[sflag:s26] =	ssyncadd.s32 $0xFFFFF800  }
0x46: {  	_ =	swait.ge [sflag:s26], $0x800  }
0x47: {  	[sflag:s26] =	ssyncset.done $0x0  }
0x48: {  	[sflag:s26] =	ssyncadd.s32 $0xFFFFF800  }
0x49: {  	_ =	swait.ge [sflag:s26], $0x800  }
0x4a: {  	[sflag:s26] =	ssyncset.done $0x0  }
0x4b: {  	[sflag:s26] =	ssyncadd.s32 $0xFFFFF800  }
0x4c: {  	_ =	swait.ge [sflag:s26], $0x800  }
0x4d: {  	[sflag:s26] =	ssyncset.done $0x0  }
0x4e: {  	[sflag:s26] =	ssyncadd.s32 $0xFFFFF800  }
0x4f: {  	_ =	swait.ge [sflag:s26], $0x800  }
0x50: {  	[sflag:s26] =	ssyncset.done $0x0  }
0x51: {  	[sflag:s26] =	ssyncadd.s32 $0xFFFFF800  }
0x52: {  	_ =	swait.ge [sflag:s26], $0x800  }
0x53: {  	[sflag:s26] =	ssyncset.done $0x0  }
0x54: {  	[sflag:s26] =	ssyncadd.s32 $0xFFFFF800  }
0x55: {  	_ =	swait.ge [sflag:s26], $0x800  }
0x56: {  	[sflag:s26] =	ssyncset.done $0x0  }
0x57: {  	[sflag:s26] =	ssyncadd.s32 $0xFFFFF800  }
0x58: {  	_ =	swait.ge [sflag:s26], $0x800  }
0x59: {  	[sflag:s26] =	ssyncset.done $0x0  }
0x5a: {  	[sflag:s26] =	ssyncadd.s32 $0xFFFFF800  }
0x5b: {  	_ =	swait.ge [sflag:s26], $0x800  }
0x5c: {  	[sflag:s26] =	ssyncset.done $0x0  }
0x5d: {  	[sflag:s26] =	ssyncadd.s32 $0xFFFFF800  }
0x5e: {  	_ =	swait.ge [sflag:s26], $0x800  }
0x5f: {  	[sflag:s26] =	ssyncset.done $0x0  }
0x60: {  	[sflag:s26] =	ssyncadd.s32 $0xFFFFF800  }
0x61: {  	_ =	swait.ge [sflag:s26], $0x800  }
0x62: {  	[sflag:s26] =	ssyncset.done $0x0  }
0x63: {  	[sflag:s26] =	ssyncadd.s32 $0xFFFFF800  }
0x64: {  	_ =	swait.ge [sflag:s26], $0x800  }
0x65: {  	[sflag:s26] =	ssyncset.done $0x0  }
0x66: {  	[sflag:s26] =	ssyncadd.s32 $0xFFFFF800  }
0x67: {  	_ =	swait.ge [sflag:s26], $0x800  }
0x68: {  	[sflag:s26] =	ssyncset.done $0x0  }
0x69: {  	[sflag:s26] =	ssyncadd.s32 $0xFFFFF800  }
0x6a: {  	_ =	swait.ge [sflag:s26], $0x800  }
0x6b: {  	[sflag:s26] =	ssyncset.done $0x0  }
0x6c: {  	[sflag:s26] =	ssyncadd.s32 $0xFFFFF800  }
0x6d: {  	_ =	swait.ge [sflag:s26], $0x800  }
0x6e: {  	[sflag:s26] =	ssyncset.done $0x0  }
0x6f: {  	[sflag:s26] =	ssyncadd.s32 $0xFFFFF800  }
0x70: {  	_ =	swait.ge [sflag:s26], $0x800  }
0x71: {  	[sflag:s26] =	ssyncset.done $0x0  }
0x72: {  	[sflag:s26] =	ssyncadd.s32 $0xFFFFF800  }
0x73: {  	_ =	swait.ge [sflag:s26], $0x800  }
0x74: {  	[sflag:s26] =	ssyncset.done $0x0  }
0x75: {  	[sflag:s26] =	ssyncadd.s32 $0xFFFFF800  }
0x76: {  	_ =	swait.ge [sflag:s26], $0x800  }
0x77: {  	[sflag:s26] =	ssyncset.done $0x0  }
0x78: {  	[sflag:s26] =	ssyncadd.s32 $0xFFFFF800  }
0x79: {  	s28 =	sadd.s32 s5, s22;
	_ =	swait.ge [sflag:s26], $0x800  }
0x7a: {  	p1 =	por p0, p0;
	s28 =	sshll.u32 s28, $0x1;
	[sflag:s26] =	ssyncset.done $0x0  }
.Ltmp0:
0x7b: {  	s28 =	sadd.s32 s6, s28;
	[sflag:s26] =	ssyncadd.s32 $0xFFFFF800;
	(pc) =	sbr.rel @p1 .LBB2_2-.Ltmp0, $4  }
0x7c: {  	[hbm4b:s28+s3] =	stream.linear.scatter [tilespmem:s11], [sflag:$0x2], $0xA000, $0x38;
	[tilespmem:$0xAA00] =	vst v63  }
0x7d: {  	_ =	swait.ge [sflag:s9], $0xA000  }
0x7e: {  	[sflag:s9] =	ssyncset.done $0x0  }
0x7f: {  	p0 =	por $0x0, $0x0;
	[sflag:s9] =	ssyncadd.s32 $0xFFFF6000  }
0x80: {  	s0 =	rddreg [dreg:$0x4]  }
0x81: {  	s26 =	rddreg [dreg:$0x3];
	s0 =	sadd.s32 $0x1, s0  }
0x82: {  	p0 =	sne.s32 s0, s26  }
.Ltmp1:
0x83: {  	_ = 	snop;
	(pc) =	sbr.rel @p0 .LBB2_1-.Ltmp1, $1  }
0x84: {  	_ =	sdelay $0x3  }
0x85: {  	_ =	sfence.sel $0x180000  }
0x86: {  	[bflag:$0x0] =	sbarrier.arrive $0xFFFF  }
0x87: {  	_ =	strace $0x90000047  }
0x88: {  	s0 =	stileid.u32;
	[bflag:$0x2] =	sbarrier.arrive $0xFFFF  }
0x89: {  	p0 =	sne.s32 s0, $0x0;
	s0 =	rddreg [dreg:$0x2]  }
0x8a: {  	s0 =	sadd.s32 @!p0 $0x100000, s0  }
0x8b: {  	[sflag:s0] =	ssyncadd.tile.s32 @!p0 $0x1;
	_ =	shalt  }
.Lfunc_end2:
_tile_overlayer_lowered:
.L_overlay_start_2:
0x8c: {  	(tag) =	ssettag $0x2  }
0x8d: {  	s0 =	rddreg [dreg:$0x0];
	s2 =	stileid.u32  }
0x8e: {  	s1 =	rddreg [dreg:$0x1];
	p0 =	sne.s32 s2, $0x0  }
0x8f: {  	s3 =	rddreg [dreg:$0x2];
	[bflag:$0x3] =	sbarrier.arrive $0xFFFF;
	s2 =	simm.s32 @!p0 $0x1C02  }
0x90: {  	[timem:s3], [sflag:s2] =	dma.local @!p0 [hbm:s0], s1  }
0x91: {  	s0 =	simm.s32 @!p0 $0x2  }
0x92: {  	_ =	swait.ge @!p0 [sflag:s0], s1  }
0x93: {  	s1 =	ssub.s32 @!p0 $0x0, s1;
	[sflag:s0] =	ssyncset.done @!p0 $0x0  }
0x94: {  	[sflag:s0] =	ssyncadd.s32 @!p0 s1  }
0x95: {  	[bflag:$0x3] =	sbarrier.arrive $0xFFFF  }
0x96: {  	_ =	shalt  }

// kernel: kernel.15.cloned.1.call-start
scs
__scs_entry_jumppad:
0x0: {  	(pc) =	sbr.rel $0x88, $3  }
0x1: {  	(tag) =	ssettag $0x0;
	lr =	simm.s32 $0x1  }
0x2: {  	[smem:$0x3F8C] =	sst lr;
	_ =	strace $0xD0000000  }
0x3: {  	_ = 	snop  }
0x4: {  	_ = 	snop  }
0x5: {  	_ = 	snop  }
0x6: {  	_ = 	snop  }
0x7: {  	_ = 	snop  }
__scs_overlays_trampoline_lowered:
0x8: {  	[smem:$0x3F9B] =	sst s0  }
0x9: {  	[smem:$0x3F9C] =	sst s1  }
0xa: {  	[smem:$0x3F9D] =	sst s2  }
0xb: {  	[smem:$0x3F9E] =	sst s3  }
0xc: {  	[smem:$0x3F9F] =	sst s4  }
0xd: {  	[smem:$0x3FA0] =	sst s5  }
0xe: {  	[smem:$0x3FA1] =	sst s6  }
0xf: {  	[smem:$0x3FA2] =	sst s7  }
0x10: {  	[smem:$0x3FA3] =	sst s8  }
0x11: {  	[smem:$0x3FA4] =	sst s9;
	s0 =	simm.s32 @!p0 $0x0  }
0x12: {  	s1 =	sld [smem:$0x3F8A];
	s0 =	simm.s32 @p0 $0x1  }
0x13: {  	[smem:$0x3FA5] =	sst s0;
	s0 =	simm.s32 @!p1 $0x0  }
0x14: {  	s2 =	sld [smem:$0x3F89];
	s0 =	simm.s32 @p1 $0x1  }
0x15: {  	[smem:$0x3FA6] =	sst s0;
	s0 =	simm.s32 @!p2 $0x0  }
0x16: {  	s3 =	sld [smem:$0x3FDB];
	s0 =	simm.s32 @p2 $0x1  }
0x17: {  	s4 =	simm.s32 $0x1BF5;
	[smem:$0x3FA8] =	sst s0  }
0x18: {  	s0 =	sld [smem:$0x3F8B];
	_ =	swait.ge [sflag:s4], $0x0  }
0x19: {  	s7 =	sld [smem:$0x3F8C]  }
0x1a: {  	s8 =	sadd.s32 $0xFFFFE003, lr  }
0x1b: {  	s9 =	sadd.s32 $0xFFFFFEF7, lr;
	s5 =	simm.s32 $0xFFFFFFFF;
	p2 =	slt.u32 s8, $0xFFFFF086  }
0x1c: {  	p1 =	slt.u32 s9, $0xF7A;
	s5 =	simm.s32 @!p2 $0x0  }
0x1d: {  	s5 =	simm.s32 @p1 $0x1;
	p0 =	seq.s32 s7, s2  }
0x1e: {  	s7 =	smul.u32 @!p0 $0xF7A, s2;
	p2 =	seq.s32 @!p0 s5, $0x0  }
0x1f: {  	s9 =	smul.u32 $0xF7A, s1;
	s8 =	simm.s32 @!p0 $0x1BF5;
	p2 =	por !p2, p0  }
0x20: {  	[sflag:s8] =	ssyncset.s32 @!p0 $0xFFFFF086;
	s6 =	sadd.s32 @!p0 s3, s7;
	s7 =	simm.s32 @!p0 $0x108  }
0x21: {  	s3 =	sadd.s32 s3, s9;
	s6 =	sadd.s32 @!p0 $0x88, s6;
	s7 =	simm.s32 @p2 $0x1082  }
0x22: {  	[simem:s7], [sflag:s8] =	dma.local @!p0 [hbm:s6], $0xF7A  }
0x23: {  	s9 =	sor.u32 $0xD0000000, s2;
	s6 =	simm.s32 $0x108;
	_ =	swait.ge @!p0 [sflag:s8], $0x0  }
0x24: {  	s3 =	sadd.s32 $0x88, s3;
	s6 =	simm.s32 @!p1 $0x1082;
	[sflag:s4] =	ssyncset.s32 $0xFFFFF086  }
0x25: {  	[simem:s6], [sflag:s4] =	dma.local [hbm:s3], $0xF7A  }
0x26: {  	[smem:$0x3F8C] =	sst s1;
	(tag) =	ssettag s2;
	_ =	strace s9  }
0x27: {  	s1 =	sld [smem:$0x3F9C]  }
0x28: {  	s2 =	sld [smem:$0x3F9D]  }
0x29: {  	s4 =	sld [smem:$0x3F9F]  }
0x2a: {  	p0 =	seq.s32 s5, $0x0;
	s5 =	sld [smem:$0x3FA0]  }
0x2b: {  	s6 =	sld [smem:$0x3FA1]  }
0x2c: {  	s7 =	sld [smem:$0x3FA2]  }
0x2d: {  	s3 =	simm.s32 $0x108;
	s8 =	sld [smem:$0x3FA3]  }
0x2e: {  	s3 =	simm.s32 @!p0 $0x1082;
	s9 =	sld [smem:$0x3FA4]  }
0x2f: {  	lr =	sadd.s32 s0, s3;
	s0 =	sld [smem:$0x3F9B]  }
0x30: {  	s3 =	sld [smem:$0x3F9E]  }
0x31: {  	[smem:$0x3FA7] =	sst s10  }
0x32: {  	s10 =	sld [smem:$0x3FA5];
	_ =	sdelay $0x3  }
0x33: {  	p0 =	seq.s32 s10, $0x1;
	s10 =	sld [smem:$0x3FA7];
	_ =	sdelay $0x3  }
0x34: {  	[smem:$0x3FA7] =	sst s10  }
0x35: {  	s10 =	sld [smem:$0x3FA6];
	_ =	sdelay $0x3  }
0x36: {  	p1 =	seq.s32 s10, $0x1;
	s10 =	sld [smem:$0x3FA7];
	_ =	sdelay $0x3  }
0x37: {  	[smem:$0x3FA7] =	sst s10  }
0x38: {  	s10 =	sld [smem:$0x3FA8]  }
0x39: {  	_ = 	snop;
	(pc) =	sbr.ind lr, $3  }
0x3a: {  	_ = 	snop  }
0x3b: {  	_ = 	snop  }
0x3c: {  	p2 =	seq.s32 s10, $0x1;
	s10 =	sld [smem:$0x3FA7]  }
0x3d: {  	_ =	shalt  }
0x3e: {  	_ =	shalt  }
0x3f: {  	_ =	shalt  }
0x40: {  	_ =	shalt  }
0x41: {  	_ =	shalt  }
0x42: {  	_ =	shalt  }
0x43: {  	_ =	shalt  }
0x44: {  	_ =	shalt  }
0x45: {  	_ =	shalt  }
0x46: {  	_ =	shalt  }
0x47: {  	_ =	shalt  }
0x48: {  	_ =	shalt  }
0x49: {  	_ =	shalt  }
0x4a: {  	_ =	shalt  }
0x4b: {  	_ =	shalt  }
0x4c: {  	_ =	shalt  }
0x4d: {  	_ =	shalt  }
0x4e: {  	_ =	shalt  }
0x4f: {  	_ =	shalt  }
0x50: {  	_ =	shalt  }
0x51: {  	_ =	shalt  }
0x52: {  	_ =	shalt  }
0x53: {  	_ =	shalt  }
0x54: {  	_ =	shalt  }
0x55: {  	_ =	shalt  }
0x56: {  	_ =	shalt  }
0x57: {  	_ =	shalt  }
0x58: {  	_ =	shalt  }
0x59: {  	_ =	shalt  }
0x5a: {  	_ =	shalt  }
0x5b: {  	_ =	shalt  }
0x5c: {  	_ =	shalt  }
0x5d: {  	_ =	shalt  }
0x5e: {  	_ =	shalt  }
0x5f: {  	_ =	shalt  }
0x60: {  	_ =	shalt  }
0x61: {  	_ =	shalt  }
0x62: {  	_ =	shalt  }
0x63: {  	_ =	shalt  }
0x64: {  	_ =	shalt  }
0x65: {  	_ =	shalt  }
0x66: {  	_ =	shalt  }
0x67: {  	_ =	shalt  }
0x68: {  	_ =	shalt  }
0x69: {  	_ =	shalt  }
0x6a: {  	_ =	shalt  }
0x6b: {  	_ =	shalt  }
0x6c: {  	_ =	shalt  }
0x6d: {  	_ =	shalt  }
0x6e: {  	_ =	shalt  }
0x6f: {  	_ =	shalt  }
0x70: {  	_ =	shalt  }
0x71: {  	_ =	shalt  }
0x72: {  	_ =	shalt  }
0x73: {  	_ =	shalt  }
0x74: {  	_ =	shalt  }
0x75: {  	_ =	shalt  }
0x76: {  	_ =	shalt  }
0x77: {  	_ =	shalt  }
0x78: {  	_ =	shalt  }
0x79: {  	_ =	shalt  }
0x7a: {  	_ =	shalt  }
0x7b: {  	_ =	shalt  }
0x7c: {  	_ =	shalt  }
0x7d: {  	_ =	shalt  }
0x7e: {  	_ =	shalt  }
0x7f: {  	_ =	shalt  }
0x80: {  	_ =	shalt  }
0x81: {  	_ =	shalt  }
0x82: {  	_ =	shalt  }
0x83: {  	_ =	shalt  }
0x84: {  	_ =	shalt  }
0x85: {  	_ =	shalt  }
0x86: {  	_ =	shalt  }
0x87: {  	_ =	shalt  }
.Lfunc_end0:
.L_simem_size_0:
called_computation.1_lowered:
.L_overlay_start_0:
0x88: {  	s2 =	sld [smem:$0x3FD9]  }
0x89: {  	s3 =	sld [smem:$0x3FFE];
	_ =	sdelay $0x1  }
0x8a: {  	s1 =	srdreg.scid  }
0x8b: {  	s0 =	sand.u32 $0x1, s1  }
0x8c: {  	s16 =	sshll.u32 s0, $0xA;
	s2 =	sadd.s32 s3, s2  }
0x8d: {  	s2 =	sadd.s32 s2, s16  }
0x8e: {  	[smem:$0x3FB3] =	sst s2  }
0x8f: {  	_ = 	snop  }
0x90: {  	(tm) =	ssettm $0x1  }
0x91: {  	s17 =	sld [smem:$0x3FFB];
	_ =	sdelay $0x3  }
0x92: {  	_ =	strace s17  }
0x93: {  	s2 =	sld [smem:$0x3FFC];
	_ =	sdelay $0x3  }
0x94: {  	_ =	strace s2  }
0x95: {  	s2 =	sld [smem:$0x3FFD];
	_ =	sdelay $0x3  }
0x96: {  	_ =	strace s2  }
0x97: {  	_ =	strace $0x8FFFFFFF  }
0x98: {  	s18 =	sld [smem:$0x3FDB];
	_ =	sdelay $0x1  }
0x99: {  	s19 =	simm.s32 $_scs_section_size  }
0x9a: {  	s4 =	simm.s32 $_size__tile_overlayer_lowered;
	s5 =	simm.s32 $_tile_overlayer_lowered  }
0x9b: {  	s22 =	simm.s32 $0x1BFF;
	s21 =	sshll.u32 s5, $0x1;
	s2 =	sadd.s32 s19, s18  }
0x9c: {  	s6 =	simm.s32 $0x0;
	s20 =	sshll.u32 s4, $0x1;
	s4 =	sadd.s32 s21, s2  }
0x9d: {  	[timem:s6], [sflag:s22] =	dma.local [hbm:s4], s20  }
0x9e: {  	_ =	swait.ge [sflag:s22], s20  }
0x9f: {  	s3 =	ssub.s32 $0x0, s20;
	[sflag:s22] =	ssyncset.done $0x0  }
0xa0: {  	[sflag:s22] =	ssyncadd.s32 s3;
	_ =	sdelay $0x1  }
0xa1: {  	s23 =	simm.s32 $0x1B8B  }
0xa2: {  	_ =	swait.ge [sflag:s23], $0x1  }
0xa3: {  	[sflag:s23] =	ssyncset.done $0x0  }
0xa4: {  	s25 =	simm.s32 $0x1B8E;
	s24 =	sld [smem:$0x3FFE];
	[sflag:s23] =	ssyncadd.s32 $0xFFFFFFFF  }
0xa5: {  	s26 =	simm.s32 $execute0_lowered;
	[smem:$0x3FD2] =	sst s25  }
0xa6: {  	s4 =	sshll.u32 s26, $0x1;
	_ =	strace $0x80000049;
	[dreg:$0x1] =	wrdreg $0xFFFFFFFF  }
0xa7: {  	s28 =	simm.s32 $_size_execute0_lowered;
	s2 =	sadd.s32 s2, s4;
	[dreg:$0x0] =	wrdreg $0x0  }
0xa8: {  	s4 =	sshll.u32 s28, $0x1;
	[dreg:$0x2] =	wrdreg s2  }
0xa9: {  	[dreg:$0x3] =	wrdreg s4  }
0xaa: {  	[dreg:$0x4] =	wrdreg $0xC0  }
0xab: {  	_ =	task [dreg:s6], $0x5FFFF  }
0xac: {  	[dreg:$0x1] =	wrdreg $0xFFFFFFFF  }
0xad: {  	[dreg:$0x0] =	wrdreg $0x60  }
0xae: {  	[dreg:$0x2] =	wrdreg s24  }
0xaf: {  	[dreg:$0x3] =	wrdreg $0x198400  }
0xb0: {  	[dreg:$0x4] =	wrdreg $0x9  }
0xb1: {  	_ =	task.clear_ibuf [dreg:s6], $0x5FFFF;
	_ =	strace $0x90000049  }
0xb2: {  	s29 =	simm.s32 $0x9;
	_ =	strace $0x8000004B  }
0xb3: {  	_ =	swait.ge [sflag:s29], $0x1  }
0xb4: {  	[sflag:s29] =	ssyncadd.s32 $0xFFFFFFFF  }
0xb5: {  	_ =	strace $0x9000004B  }
0xb6: {  	_ =	sfence  }
0xb7: {  	s30 =	sld [smem:$0x0];
	_ =	sdelay $0x2  }
0xb8: {  	s31 =	sshll.u32 s1, $0xD;
	s1 =	sshrl.u32 s1, $0x2  }
0xb9: {  	s3 =	sand.u32 $0x4000, s31;
	s1 =	sadd.s32 s1, s30  }
0xba: {  	s0 =	sor.u32 s3, s0;
	s1 =	sshll.u32 s1, $0x11  }
0xbb: {  	s0 =	sor.u32 s1, s0  }
0xbc: {  	s0 =	sadd.s32 $0x8F2B, s0  }
0xbd: {  	[sflag:s0] =	ssyncadd.remote.s32 $0x1  }
0xbe: {  	_ =	sfence.sel $0xFFFF  }
0xbf: {  	[dreg:$0x0] =	wrdreg $0xFFFFFFFF;
	(pc) =	sbr.abs _section_cstart, $3  }
0xc0: {  	[dreg:$0x1] =	wrdreg $0xFFFFFFFF  }
0xc1: {  	_ =	task.clear_ibuf [dreg:s6], $0x2FFFF;
	_ =	strace $0x9FFFFFFF  }
0xc2: {  	(tm) =	ssettm $0x7FFFFFFF  }
0xc3: {  	_ =	shalt  }
tec
execute0_lowered:
.L_overlay_start_1:
0x0: {  	(tag) =	ssettag $0x1  }
0x1: {  	s0 =	rddreg [dreg:$0x0]  }
0x2: {  	s2 =	rddreg [dreg:$0x1]  }
0x3: {  	s1 =	srdreg.scid;
	s9 =	stileid.u32;
	s3 =	simm.s32 $0x0  }
0x4: {  	s13 =	simm.s32 $0x2;
	s14 =	simm.s32 $0xA00;
	s15 =	simm.s32 $0x80  }
0x5: {  	s29 =	simm.s32 $0x500;
	s30 =	simm.s32 $0xAA00;
	s31 =	simm.s32 $0x580  }
0x6: {  	s11 =	simm.s32 $0xCA00;
	s12 =	simm.s32 $0xDA00;
	s16 =	simm.s32 $0x700  }
0x7: {  	s17 =	simm.s32 $0xEA00;
	s18 =	simm.s32 $0x780;
	s19 =	simm.s32 $0xFA00  }
0x8: {  	s20 =	simm.s32 $0x800;
	s21 =	simm.s32 $0x10A00;
	s22 =	simm.s32 $0x880  }
0x9: {  	s23 =	simm.s32 $0x11A00;
	s28 =	simm.s32 $0x13A00;
	s1 =	sand.u32 $0x1, s1  }
0xa: {  	s6 =	smul.u32 $0x4E40, s9;
	[smem:$0x7FF] =	sst s3;
	s4 =	sadd.s32 $0x83000, s0  }
0xb: {  	s5 =	sadd.s32 $0x7E000, s0;
	s8 =	sadd.s32 $0x29000, s0;
	s9 =	sshll.u32 s9, $0x1  }
0xc: {  	s7 =	smul.u32 $0x4E400, s1;
	_ =	strace $0x8000004A;
	s24 =	ssub.s32 $0x2, s1  }
0xd: {  	[dreg:$0x3] =	wrdreg s8;
	s1 =	sor.u32 s1, s9;
	s25 =	sshrl.u32 s24, $0x1  }
0xe: {  	s10 =	sadd.s32 s6, s2;
	s8 =	smul.u32 $0x1400, s1;
	s7 =	sadd.s32 s6, s7  }
0xf: {  	s9 =	smul.u32 $0x28, s1;
	s1 =	simm.s32 $0x14A00;
	s7 =	sshrl.u32 s7, $0x3  }
0x10: {  	s6 =	simm.s32 $0x0;
	[dreg:$0x4] =	wrdreg s10;
	s0 =	sadd.s32 s7, s0  }
0x11: {  	s7 =	ssub.s32 s24, s25;
	s24 =	simm.s32 $0x900;
	s0 =	sadd.s32 $0x29A00, s0  }
0x12: {  	s25 =	simm.s32 $0x12A00;
	s26 =	smax.u32 s7, $0x1;
	[dreg:$0x5] =	wrdreg s0  }
0x13: {  	s7 =	simm.s32 $0x680;
	[dreg:$0x6] =	wrdreg s26;
	s26 =	simm.s32 $0x980  }
.LBB2_1:
0x14: {  	[dreg:$0x7] =	wrdreg s6  }
0x15: {  	s0 =	rddreg [dreg:$0x3]  }
0x16: {  	[tilespmem:s1], [sflag:$0x2] =	stream.linear.gather [hbm4b:s0+s3], $0x4E40, $0x38;
	[tilespmem:$0x1E680] =	vst v63  }
0x17: {  	_ =	swait.ge [sflag:s13], $0x4E40  }
0x18: {  	[sflag:s13] =	ssyncset.done $0x0  }
0x19: {  	[sflag:s13] =	ssyncadd.s32 $0xFFFFB1C0  }
0x1a: {  	[spmem:s10] =	stream.linear.scatter [tilespmem:s1], [sflag:$0x2], $0x4E40, $0x38;
	[tilespmem:$0x1E680] =	vst v63  }
0x1b: {  	_ =	swait.ge [sflag:s13], $0x4E40  }
0x1c: {  	[sflag:s13] =	ssyncset.done $0x0  }
0x1d: {  	p0 =	por $0x1, $0x1;
	s6 =	simm.s32 $0xBA00;
	[sflag:s13] =	ssyncadd.s32 $0xFFFFB1C0  }
0x1e: {  	s0 =	simm.s32 $0x0;
	s10 =	simm.s32 $0x600;
	[bflag:$0x0] =	sbarrier.arrive $0xFFFF  }
.LBB2_2:
0x1f: {  	s1 =	smul.u32 $0x14, s0;
	_ =	sdelay $0x1  }
0x20: {  	s1 =	sadd.s32 s9, s1  }
0x21: {  	s1 =	sshll.u32 s1, $0x4  }
0x22: {  	s0 =	smul.u32 $0xA00, s0;
	s1 =	sadd.s32 s5, s1  }
0x23: {  	[tilespmem:s3], [sflag:$0x2] =	stream.linear.gather [hbm4b:s1+s3], $0xA00, $0x38;
	[tilespmem:$0x1E680] =	vst v63  }
0x24: {  	s0 =	sadd.s32 s8, s0;
	_ =	swait.ge [sflag:s13], $0xA00  }
0x25: {  	s0 =	sshll.u32 s0, $0x2;
	[sflag:s13] =	ssyncset.done $0x0  }
0x26: {  	s0 =	sadd.s32 s4, s0;
	[sflag:s13] =	ssyncadd.s32 $0xFFFFF600  }
0x27: {  	[tilespmem:s14], [sflag:$0x2] =	stream.linear.gather [hbm4b:s0+s3], $0x14000, $0x38;
	[tilespmem:$0x1E680] =	vst v63  }
0x28: {  	_ =	swait.ge [sflag:s13], $0x14000  }
0x29: {  	[sflag:s13] =	ssyncset.done $0x0  }
0x2a: {  	[sflag:s13] =	ssyncadd.s32 $0xFFFEC000  }
0x2b: {  	[spmem:s2] =	stream.indirect.scatter.add.f32 [tilespmem:s14], [sflag:$0x1], $0x20, s3, s15, $0xb8;
	[tilespmem:$0x1E680] =	vst v63  }
0x2c: {  	s1 =	simm.s32 $0x1A00  }
0x2d: {  	[spmem:s2] =	stream.indirect.scatter.add.f32 [tilespmem:s1], [sflag:$0x1], $0x20, s15, s15, $0xb8;
	[tilespmem:$0x1E680] =	vst v63  }
0x2e: {  	s0 =	simm.s32 $0x100;
	s1 =	simm.s32 $0x2A00  }
0x2f: {  	[spmem:s2] =	stream.indirect.scatter.add.f32 [tilespmem:s1], [sflag:$0x1], $0x20, s0, s15, $0xb8;
	[tilespmem:$0x1E680] =	vst v63  }
0x30: {  	s0 =	simm.s32 $0x180;
	s1 =	simm.s32 $0x3A00  }
0x31: {  	[spmem:s2] =	stream.indirect.scatter.add.f32 [tilespmem:s1], [sflag:$0x1], $0x20, s0, s15, $0xb8;
	[tilespmem:$0x1E680] =	vst v63  }
0x32: {  	s0 =	simm.s32 $0x200;
	s1 =	simm.s32 $0x4A00  }
0x33: {  	[spmem:s2] =	stream.indirect.scatter.add.f32 [tilespmem:s1], [sflag:$0x1], $0x20, s0, s15, $0xb8;
	[tilespmem:$0x1E680] =	vst v63  }
0x34: {  	s0 =	simm.s32 $0x280;
	s1 =	simm.s32 $0x5A00  }
0x35: {  	[spmem:s2] =	stream.indirect.scatter.add.f32 [tilespmem:s1], [sflag:$0x1], $0x20, s0, s15, $0xb8;
	[tilespmem:$0x1E680] =	vst v63  }
0x36: {  	s0 =	simm.s32 $0x300;
	s1 =	simm.s32 $0x6A00  }
0x37: {  	[spmem:s2] =	stream.indirect.scatter.add.f32 [tilespmem:s1], [sflag:$0x1], $0x20, s0, s15, $0xb8;
	[tilespmem:$0x1E680] =	vst v63  }
0x38: {  	s0 =	simm.s32 $0x380;
	s1 =	simm.s32 $0x7A00  }
0x39: {  	[spmem:s2] =	stream.indirect.scatter.add.f32 [tilespmem:s1], [sflag:$0x1], $0x20, s0, s15, $0xb8;
	[tilespmem:$0x1E680] =	vst v63  }
0x3a: {  	s0 =	simm.s32 $0x400;
	s1 =	simm.s32 $0x8A00  }
0x3b: {  	[spmem:s2] =	stream.indirect.scatter.add.f32 [tilespmem:s1], [sflag:$0x1], $0x20, s0, s15, $0xb8;
	[tilespmem:$0x1E680] =	vst v63  }
0x3c: {  	s0 =	simm.s32 $0x480;
	s1 =	simm.s32 $0x9A00  }
0x3d: {  	[spmem:s2] =	stream.indirect.scatter.add.f32 [tilespmem:s1], [sflag:$0x1], $0x20, s0, s15, $0xb8;
	[tilespmem:$0x1E680] =	vst v63  }
0x3e: {  	_ = 	snop  }
0x3f: {  	[spmem:s2] =	stream.indirect.scatter.add.f32 [tilespmem:s30], [sflag:$0x1], $0x20, s29, s15, $0xb8;
	[tilespmem:$0x1E680] =	vst v63  }
0x40: {  	_ = 	snop  }
0x41: {  	[spmem:s2] =	stream.indirect.scatter.add.f32 [tilespmem:s6], [sflag:$0x1], $0x20, s31, s15, $0xb8;
	[tilespmem:$0x1E680] =	vst v63  }
0x42: {  	_ = 	snop  }
0x43: {  	[spmem:s2] =	stream.indirect.scatter.add.f32 [tilespmem:s11], [sflag:$0x1], $0x20, s10, s15, $0xb8;
	[tilespmem:$0x1E680] =	vst v63  }
0x44: {  	_ = 	snop  }
0x45: {  	[spmem:s2] =	stream.indirect.scatter.add.f32 [tilespmem:s12], [sflag:$0x1], $0x20, s7, s15, $0xb8;
	[tilespmem:$0x1E680] =	vst v63  }
0x46: {  	_ = 	snop  }
0x47: {  	[spmem:s2] =	stream.indirect.scatter.add.f32 [tilespmem:s17], [sflag:$0x1], $0x20, s16, s15, $0xb8;
	[tilespmem:$0x1E680] =	vst v63  }
0x48: {  	_ = 	snop  }
0x49: {  	[spmem:s2] =	stream.indirect.scatter.add.f32 [tilespmem:s19], [sflag:$0x1], $0x20, s18, s15, $0xb8;
	[tilespmem:$0x1E680] =	vst v63  }
0x4a: {  	_ = 	snop  }
0x4b: {  	[spmem:s2] =	stream.indirect.scatter.add.f32 [tilespmem:s21], [sflag:$0x1], $0x20, s20, s15, $0xb8;
	[tilespmem:$0x1E680] =	vst v63  }
0x4c: {  	_ = 	snop  }
0x4d: {  	[spmem:s2] =	stream.indirect.scatter.add.f32 [tilespmem:s23], [sflag:$0x1], $0x20, s22, s15, $0xb8;
	[tilespmem:$0x1E680] =	vst v63  }
0x4e: {  	_ = 	snop  }
0x4f: {  	[spmem:s2] =	stream.indirect.scatter.add.f32 [tilespmem:s25], [sflag:$0x1], $0x20, s24, s15, $0xb8;
	[tilespmem:$0x1E680] =	vst v63  }
0x50: {  	s0 =	simm.s32 $0x1  }
0x51: {  	[spmem:s2] =	stream.indirect.scatter.add.f32 [tilespmem:s28], [sflag:$0x1], $0x20, s26, s15, $0xb8;
	[tilespmem:$0x1E680] =	vst v63  }
0x52: {  	_ =	swait.ge [sflag:s0], $0x1000  }
0x53: {  	[sflag:s0] =	ssyncset.done $0x0  }
0x54: {  	[sflag:s0] =	ssyncadd.s32 $0xFFFFF000  }
0x55: {  	_ =	swait.ge [sflag:s0], $0x1000  }
0x56: {  	[sflag:s0] =	ssyncset.done $0x0  }
0x57: {  	[sflag:s0] =	ssyncadd.s32 $0xFFFFF000  }
0x58: {  	_ =	swait.ge [sflag:s0], $0x1000  }
0x59: {  	[sflag:s0] =	ssyncset.done $0x0  }
0x5a: {  	[sflag:s0] =	ssyncadd.s32 $0xFFFFF000  }
0x5b: {  	_ =	swait.ge [sflag:s0], $0x1000  }
0x5c: {  	[sflag:s0] =	ssyncset.done $0x0  }
0x5d: {  	[sflag:s0] =	ssyncadd.s32 $0xFFFFF000  }
0x5e: {  	_ =	swait.ge [sflag:s0], $0x1000  }
0x5f: {  	[sflag:s0] =	ssyncset.done $0x0  }
0x60: {  	[sflag:s0] =	ssyncadd.s32 $0xFFFFF000  }
0x61: {  	_ =	swait.ge [sflag:s0], $0x1000  }
0x62: {  	[sflag:s0] =	ssyncset.done $0x0  }
0x63: {  	[sflag:s0] =	ssyncadd.s32 $0xFFFFF000  }
0x64: {  	_ =	swait.ge [sflag:s0], $0x1000  }
0x65: {  	[sflag:s0] =	ssyncset.done $0x0  }
0x66: {  	[sflag:s0] =	ssyncadd.s32 $0xFFFFF000  }
0x67: {  	_ =	swait.ge [sflag:s0], $0x1000  }
0x68: {  	[sflag:s0] =	ssyncset.done $0x0  }
0x69: {  	[sflag:s0] =	ssyncadd.s32 $0xFFFFF000  }
0x6a: {  	_ =	swait.ge [sflag:s0], $0x1000  }
0x6b: {  	[sflag:s0] =	ssyncset.done $0x0  }
0x6c: {  	[sflag:s0] =	ssyncadd.s32 $0xFFFFF000  }
0x6d: {  	_ =	swait.ge [sflag:s0], $0x1000  }
0x6e: {  	[sflag:s0] =	ssyncset.done $0x0  }
0x6f: {  	[sflag:s0] =	ssyncadd.s32 $0xFFFFF000  }
0x70: {  	_ =	swait.ge [sflag:s0], $0x1000  }
0x71: {  	[sflag:s0] =	ssyncset.done $0x0  }
0x72: {  	[sflag:s0] =	ssyncadd.s32 $0xFFFFF000  }
0x73: {  	_ =	swait.ge [sflag:s0], $0x1000  }
0x74: {  	[sflag:s0] =	ssyncset.done $0x0  }
0x75: {  	[sflag:s0] =	ssyncadd.s32 $0xFFFFF000  }
0x76: {  	_ =	swait.ge [sflag:s0], $0x1000  }
0x77: {  	[sflag:s0] =	ssyncset.done $0x0  }
0x78: {  	[sflag:s0] =	ssyncadd.s32 $0xFFFFF000  }
0x79: {  	_ =	swait.ge [sflag:s0], $0x1000  }
0x7a: {  	[sflag:s0] =	ssyncset.done $0x0  }
0x7b: {  	[sflag:s0] =	ssyncadd.s32 $0xFFFFF000  }
0x7c: {  	_ =	swait.ge [sflag:s0], $0x1000  }
0x7d: {  	[sflag:s0] =	ssyncset.done $0x0  }
0x7e: {  	[sflag:s0] =	ssyncadd.s32 $0xFFFFF000  }
0x7f: {  	_ =	swait.ge [sflag:s0], $0x1000  }
0x80: {  	[sflag:s0] =	ssyncset.done $0x0  }
0x81: {  	[sflag:s0] =	ssyncadd.s32 $0xFFFFF000  }
0x82: {  	_ =	swait.ge [sflag:s0], $0x1000  }
0x83: {  	[sflag:s0] =	ssyncset.done $0x0  }
0x84: {  	[sflag:s0] =	ssyncadd.s32 $0xFFFFF000  }
0x85: {  	_ =	swait.ge [sflag:s0], $0x1000  }
0x86: {  	[sflag:s0] =	ssyncset.done $0x0  }
0x87: {  	[sflag:s0] =	ssyncadd.s32 $0xFFFFF000  }
0x88: {  	p1 =	por p0, p0;
	_ =	swait.ge [sflag:s0], $0x1000  }
.Ltmp0:
0x89: {  	[sflag:s0] =	ssyncset.done $0x0;
	(pc) =	sbr.rel @p1 .LBB2_2-.Ltmp0, $4  }
0x8a: {  	[sflag:s0] =	ssyncadd.s32 $0xFFFFF000  }
0x8b: {  	_ =	swait.ge [sflag:s0], $0x1000  }
0x8c: {  	[sflag:s0] =	ssyncset.done $0x0  }
0x8d: {  	p0 =	por $0x0, $0x0;
	[sflag:s0] =	ssyncadd.s32 $0xFFFFF000  }
0x8e: {  	[bflag:$0x0] =	sbarrier.arrive $0xFFFF  }
0x8f: {  	s1 =	simm.s32 $0x14A00;
	s10 =	rddreg [dreg:$0x4]  }
0x90: {  	[tilespmem:s1], [sflag:$0x2] =	stream.linear.gather [spmem:s10], $0x4E40, $0x38;
	[tilespmem:$0x1E680] =	vst v63  }
0x91: {  	_ =	swait.ge [sflag:s13], $0x4E40  }
0x92: {  	[sflag:s13] =	ssyncset.done $0x0  }
0x93: {  	s0 =	rddreg [dreg:$0x5];
	[sflag:s13] =	ssyncadd.s32 $0xFFFFB1C0  }
0x94: {  	[hbm4b:s0+s3] =	stream.linear.scatter [tilespmem:s1], [sflag:$0x2], $0x4E40, $0x38;
	[tilespmem:$0x1E680] =	vst v63  }
0x95: {  	_ =	swait.ge [sflag:s13], $0x4E40  }
0x96: {  	s6 =	rddreg [dreg:$0x7]  }
0x97: {  	s0 =	rddreg [dreg:$0x6];
	s6 =	sadd.s32 $0x1, s6  }
0x98: {  	p0 =	sne.s32 s6, s0  }
.Ltmp1:
0x99: {  	_ = 	snop;
	(pc) =	sbr.rel @p0 .LBB2_1-.Ltmp1, $3  }
0x9a: {  	_ =	sdelay $0x1  }
0x9b: {  	[sflag:s13] =	ssyncset.done $0x0  }
0x9c: {  	[sflag:s13] =	ssyncadd.s32 $0xFFFFB1C0  }
0x9d: {  	_ =	sfence.sel $0x180000  }
0x9e: {  	[bflag:$0x0] =	sbarrier.arrive $0xFFFF  }
0x9f: {  	_ =	strace $0x9000004A  }
0xa0: {  	s0 =	stileid.u32;
	[bflag:$0x2] =	sbarrier.arrive $0xFFFF  }
0xa1: {  	p0 =	sne.s32 s0, $0x0;
	s0 =	rddreg [dreg:$0x2]  }
0xa2: {  	s0 =	sadd.s32 @!p0 $0x100000, s0  }
0xa3: {  	[sflag:s0] =	ssyncadd.tile.s32 @!p0 $0x1;
	_ =	shalt  }
.Lfunc_end2:
_tile_overlayer_lowered:
.L_overlay_start_2:
0xa4: {  	(tag) =	ssettag $0x2  }
0xa5: {  	s0 =	rddreg [dreg:$0x0];
	s2 =	stileid.u32  }
0xa6: {  	s1 =	rddreg [dreg:$0x1];
	p0 =	sne.s32 s2, $0x0  }
0xa7: {  	s3 =	rddreg [dreg:$0x2];
	[bflag:$0x3] =	sbarrier.arrive $0xFFFF;
	s2 =	simm.s32 @!p0 $0x1C02  }
0xa8: {  	[timem:s3], [sflag:s2] =	dma.local @!p0 [hbm:s0], s1  }
0xa9: {  	s0 =	simm.s32 @!p0 $0x2  }
0xaa: {  	_ =	swait.ge @!p0 [sflag:s0], s1  }
0xab: {  	s1 =	ssub.s32 @!p0 $0x0, s1;
	[sflag:s0] =	ssyncset.done @!p0 $0x0  }
0xac: {  	[sflag:s0] =	ssyncadd.s32 @!p0 s1  }
0xad: {  	[bflag:$0x3] =	sbarrier.arrive $0xFFFF  }
0xae: {  	_ =	shalt  }

// kernel: kernel.18.cloned.1.call-start
scs
__scs_entry_jumppad:
0x0: {  	(pc) =	sbr.rel $0x88, $3  }
0x1: {  	(tag) =	ssettag $0x0;
	lr =	simm.s32 $0x1  }
0x2: {  	[smem:$0x3F8C] =	sst lr;
	_ =	strace $0xD0000000  }
0x3: {  	_ = 	snop  }
0x4: {  	_ = 	snop  }
0x5: {  	_ = 	snop  }
0x6: {  	_ = 	snop  }
0x7: {  	_ = 	snop  }
__scs_overlays_trampoline_lowered:
0x8: {  	[smem:$0x3F9B] =	sst s0  }
0x9: {  	[smem:$0x3F9C] =	sst s1  }
0xa: {  	[smem:$0x3F9D] =	sst s2  }
0xb: {  	[smem:$0x3F9E] =	sst s3  }
0xc: {  	[smem:$0x3F9F] =	sst s4  }
0xd: {  	[smem:$0x3FA0] =	sst s5  }
0xe: {  	[smem:$0x3FA1] =	sst s6  }
0xf: {  	[smem:$0x3FA2] =	sst s7  }
0x10: {  	[smem:$0x3FA3] =	sst s8  }
0x11: {  	[smem:$0x3FA4] =	sst s9;
	s0 =	simm.s32 @!p0 $0x0  }
0x12: {  	s1 =	sld [smem:$0x3F8A];
	s0 =	simm.s32 @p0 $0x1  }
0x13: {  	[smem:$0x3FA5] =	sst s0;
	s0 =	simm.s32 @!p1 $0x0  }
0x14: {  	s2 =	sld [smem:$0x3F89];
	s0 =	simm.s32 @p1 $0x1  }
0x15: {  	[smem:$0x3FA6] =	sst s0;
	s0 =	simm.s32 @!p2 $0x0  }
0x16: {  	s3 =	sld [smem:$0x3FDB];
	s0 =	simm.s32 @p2 $0x1  }
0x17: {  	s4 =	simm.s32 $0x1BF5;
	[smem:$0x3FA8] =	sst s0  }
0x18: {  	s0 =	sld [smem:$0x3F8B];
	_ =	swait.ge [sflag:s4], $0x0  }
0x19: {  	s7 =	sld [smem:$0x3F8C]  }
0x1a: {  	s8 =	sadd.s32 $0xFFFFE003, lr  }
0x1b: {  	s9 =	sadd.s32 $0xFFFFFEF7, lr;
	s5 =	simm.s32 $0xFFFFFFFF;
	p2 =	slt.u32 s8, $0xFFFFF086  }
0x1c: {  	p1 =	slt.u32 s9, $0xF7A;
	s5 =	simm.s32 @!p2 $0x0  }
0x1d: {  	s5 =	simm.s32 @p1 $0x1;
	p0 =	seq.s32 s7, s2  }
0x1e: {  	s7 =	smul.u32 @!p0 $0xF7A, s2;
	p2 =	seq.s32 @!p0 s5, $0x0  }
0x1f: {  	s9 =	smul.u32 $0xF7A, s1;
	s8 =	simm.s32 @!p0 $0x1BF5;
	p2 =	por !p2, p0  }
0x20: {  	[sflag:s8] =	ssyncset.s32 @!p0 $0xFFFFF086;
	s6 =	sadd.s32 @!p0 s3, s7;
	s7 =	simm.s32 @!p0 $0x108  }
0x21: {  	s3 =	sadd.s32 s3, s9;
	s6 =	sadd.s32 @!p0 $0x88, s6;
	s7 =	simm.s32 @p2 $0x1082  }
0x22: {  	[simem:s7], [sflag:s8] =	dma.local @!p0 [hbm:s6], $0xF7A  }
0x23: {  	s9 =	sor.u32 $0xD0000000, s2;
	s6 =	simm.s32 $0x108;
	_ =	swait.ge @!p0 [sflag:s8], $0x0  }
0x24: {  	s3 =	sadd.s32 $0x88, s3;
	s6 =	simm.s32 @!p1 $0x1082;
	[sflag:s4] =	ssyncset.s32 $0xFFFFF086  }
0x25: {  	[simem:s6], [sflag:s4] =	dma.local [hbm:s3], $0xF7A  }
0x26: {  	[smem:$0x3F8C] =	sst s1;
	(tag) =	ssettag s2;
	_ =	strace s9  }
0x27: {  	s1 =	sld [smem:$0x3F9C]  }
0x28: {  	s2 =	sld [smem:$0x3F9D]  }
0x29: {  	s4 =	sld [smem:$0x3F9F]  }
0x2a: {  	p0 =	seq.s32 s5, $0x0;
	s5 =	sld [smem:$0x3FA0]  }
0x2b: {  	s6 =	sld [smem:$0x3FA1]  }
0x2c: {  	s7 =	sld [smem:$0x3FA2]  }
0x2d: {  	s3 =	simm.s32 $0x108;
	s8 =	sld [smem:$0x3FA3]  }
0x2e: {  	s3 =	simm.s32 @!p0 $0x1082;
	s9 =	sld [smem:$0x3FA4]  }
0x2f: {  	lr =	sadd.s32 s0, s3;
	s0 =	sld [smem:$0x3F9B]  }
0x30: {  	s3 =	sld [smem:$0x3F9E]  }
0x31: {  	[smem:$0x3FA7] =	sst s10  }
0x32: {  	s10 =	sld [smem:$0x3FA5];
	_ =	sdelay $0x3  }
0x33: {  	p0 =	seq.s32 s10, $0x1;
	s10 =	sld [smem:$0x3FA7];
	_ =	sdelay $0x3  }
0x34: {  	[smem:$0x3FA7] =	sst s10  }
0x35: {  	s10 =	sld [smem:$0x3FA6];
	_ =	sdelay $0x3  }
0x36: {  	p1 =	seq.s32 s10, $0x1;
	s10 =	sld [smem:$0x3FA7];
	_ =	sdelay $0x3  }
0x37: {  	[smem:$0x3FA7] =	sst s10  }
0x38: {  	s10 =	sld [smem:$0x3FA8]  }
0x39: {  	_ = 	snop;
	(pc) =	sbr.ind lr, $3  }
0x3a: {  	_ = 	snop  }
0x3b: {  	_ = 	snop  }
0x3c: {  	p2 =	seq.s32 s10, $0x1;
	s10 =	sld [smem:$0x3FA7]  }
0x3d: {  	_ =	shalt  }
0x3e: {  	_ =	shalt  }
0x3f: {  	_ =	shalt  }
0x40: {  	_ =	shalt  }
0x41: {  	_ =	shalt  }
0x42: {  	_ =	shalt  }
0x43: {  	_ =	shalt  }
0x44: {  	_ =	shalt  }
0x45: {  	_ =	shalt  }
0x46: {  	_ =	shalt  }
0x47: {  	_ =	shalt  }
0x48: {  	_ =	shalt  }
0x49: {  	_ =	shalt  }
0x4a: {  	_ =	shalt  }
0x4b: {  	_ =	shalt  }
0x4c: {  	_ =	shalt  }
0x4d: {  	_ =	shalt  }
0x4e: {  	_ =	shalt  }
0x4f: {  	_ =	shalt  }
0x50: {  	_ =	shalt  }
0x51: {  	_ =	shalt  }
0x52: {  	_ =	shalt  }
0x53: {  	_ =	shalt  }
0x54: {  	_ =	shalt  }
0x55: {  	_ =	shalt  }
0x56: {  	_ =	shalt  }
0x57: {  	_ =	shalt  }
0x58: {  	_ =	shalt  }
0x59: {  	_ =	shalt  }
0x5a: {  	_ =	shalt  }
0x5b: {  	_ =	shalt  }
0x5c: {  	_ =	shalt  }
0x5d: {  	_ =	shalt  }
0x5e: {  	_ =	shalt  }
0x5f: {  	_ =	shalt  }
0x60: {  	_ =	shalt  }
0x61: {  	_ =	shalt  }
0x62: {  	_ =	shalt  }
0x63: {  	_ =	shalt  }
0x64: {  	_ =	shalt  }
0x65: {  	_ =	shalt  }
0x66: {  	_ =	shalt  }
0x67: {  	_ =	shalt  }
0x68: {  	_ =	shalt  }
0x69: {  	_ =	shalt  }
0x6a: {  	_ =	shalt  }
0x6b: {  	_ =	shalt  }
0x6c: {  	_ =	shalt  }
0x6d: {  	_ =	shalt  }
0x6e: {  	_ =	shalt  }
0x6f: {  	_ =	shalt  }
0x70: {  	_ =	shalt  }
0x71: {  	_ =	shalt  }
0x72: {  	_ =	shalt  }
0x73: {  	_ =	shalt  }
0x74: {  	_ =	shalt  }
0x75: {  	_ =	shalt  }
0x76: {  	_ =	shalt  }
0x77: {  	_ =	shalt  }
0x78: {  	_ =	shalt  }
0x79: {  	_ =	shalt  }
0x7a: {  	_ =	shalt  }
0x7b: {  	_ =	shalt  }
0x7c: {  	_ =	shalt  }
0x7d: {  	_ =	shalt  }
0x7e: {  	_ =	shalt  }
0x7f: {  	_ =	shalt  }
0x80: {  	_ =	shalt  }
0x81: {  	_ =	shalt  }
0x82: {  	_ =	shalt  }
0x83: {  	_ =	shalt  }
0x84: {  	_ =	shalt  }
0x85: {  	_ =	shalt  }
0x86: {  	_ =	shalt  }
0x87: {  	_ =	shalt  }
.Lfunc_end0:
.L_simem_size_0:
called_computation.2_lowered:
.L_overlay_start_0:
0x88: {  	s2 =	sld [smem:$0x3FD9]  }
0x89: {  	s3 =	sld [smem:$0x3FFE];
	_ =	sdelay $0x1  }
0x8a: {  	s1 =	srdreg.scid  }
0x8b: {  	s0 =	sand.u32 $0x1, s1  }
0x8c: {  	s17 =	sshll.u32 s0, $0xA;
	s2 =	sadd.s32 s3, s2  }
0x8d: {  	s2 =	sadd.s32 s2, s17  }
0x8e: {  	[smem:$0x3FB3] =	sst s2  }
0x8f: {  	_ = 	snop  }
0x90: {  	s2 =	sld [smem:$0x3FD0];
	(tm) =	ssettm $0x1  }
0x91: {  	s18 =	sld [smem:$0x3FFB];
	_ =	sdelay $0x3  }
0x92: {  	_ =	strace s18  }
0x93: {  	s3 =	sld [smem:$0x3FFC];
	_ =	sdelay $0x3  }
0x94: {  	_ =	strace s3  }
0x95: {  	s3 =	sld [smem:$0x3FFD];
	_ =	sdelay $0x3  }
0x96: {  	_ =	strace s3  }
0x97: {  	_ =	strace $0x8FFFFFFF  }
0x98: {  	s19 =	sld [smem:$0x3FDB];
	_ =	sdelay $0x1  }
0x99: {  	s4 =	simm.s32 $_scs_section_size  }
0x9a: {  	s5 =	simm.s32 $_size__tile_overlayer_lowered;
	s6 =	simm.s32 $_tile_overlayer_lowered  }
0x9b: {  	s22 =	simm.s32 $0x1BFF;
	s21 =	sshll.u32 s6, $0x1;
	s3 =	sadd.s32 s4, s19  }
0x9c: {  	s7 =	simm.s32 $0x0;
	s20 =	sshll.u32 s5, $0x1;
	s5 =	sadd.s32 s21, s3  }
0x9d: {  	[timem:s7], [sflag:s22] =	dma.local [hbm:s5], s20  }
0x9e: {  	_ =	swait.ge [sflag:s22], s20  }
0x9f: {  	s4 =	ssub.s32 $0x0, s20;
	[sflag:s22] =	ssyncset.done $0x0  }
0xa0: {  	[sflag:s22] =	ssyncadd.s32 s4;
	_ =	sdelay $0x1  }
0xa1: {  	s23 =	simm.s32 $0x1B8B  }
0xa2: {  	_ =	swait.ge [sflag:s23], $0x1  }
0xa3: {  	[sflag:s23] =	ssyncset.done $0x0  }
0xa4: {  	s25 =	simm.s32 $0x1B8E;
	s24 =	sld [smem:$0x3FFE];
	[sflag:s23] =	ssyncadd.s32 $0xFFFFFFFF  }
0xa5: {  	s26 =	simm.s32 $execute0_lowered;
	[smem:$0x3FD2] =	sst s25  }
0xa6: {  	s5 =	sshll.u32 s26, $0x1;
	_ =	strace $0x8000004C;
	[dreg:$0x1] =	wrdreg $0xFFFFFFFF  }
0xa7: {  	s28 =	simm.s32 $_size_execute0_lowered;
	s3 =	sadd.s32 s3, s5;
	[dreg:$0x0] =	wrdreg $0x0  }
0xa8: {  	s5 =	sshll.u32 s28, $0x1;
	[dreg:$0x2] =	wrdreg s3  }
0xa9: {  	[dreg:$0x3] =	wrdreg s5  }
0xaa: {  	[dreg:$0x4] =	wrdreg $0xC0  }
0xab: {  	_ =	task [dreg:s7], $0x5FFFF  }
0xac: {  	[dreg:$0x1] =	wrdreg $0xFFFFFFFF  }
0xad: {  	[dreg:$0x0] =	wrdreg $0x60  }
0xae: {  	[dreg:$0x2] =	wrdreg s24  }
0xaf: {  	[dreg:$0x3] =	wrdreg s2  }
0xb0: {  	[dreg:$0x4] =	wrdreg $0x9  }
0xb1: {  	_ =	task.clear_ibuf [dreg:s7], $0x5FFFF;
	_ =	strace $0x9000004C  }
0xb2: {  	s29 =	simm.s32 $0x9;
	_ =	strace $0x8000004E  }
0xb3: {  	_ =	swait.ge [sflag:s29], $0x1  }
0xb4: {  	[sflag:s29] =	ssyncadd.s32 $0xFFFFFFFF  }
0xb5: {  	_ =	strace $0x9000004E  }
0xb6: {  	_ =	sfence  }
0xb7: {  	s30 =	sld [smem:$0x0];
	_ =	sdelay $0x2  }
0xb8: {  	s31 =	sshll.u32 s1, $0xD;
	s1 =	sshrl.u32 s1, $0x2  }
0xb9: {  	s3 =	sand.u32 $0x4000, s31;
	s1 =	sadd.s32 s1, s30  }
0xba: {  	s0 =	sor.u32 s3, s0;
	s1 =	sshll.u32 s1, $0x11  }
0xbb: {  	s0 =	sor.u32 s1, s0  }
0xbc: {  	s0 =	sadd.s32 $0x8F2B, s0  }
0xbd: {  	[sflag:s0] =	ssyncadd.remote.s32 $0x1  }
0xbe: {  	_ =	sfence.sel $0xFFFF  }
0xbf: {  	[dreg:$0x0] =	wrdreg $0xFFFFFFFF;
	(pc) =	sbr.abs _section_cstart, $3  }
0xc0: {  	[dreg:$0x1] =	wrdreg $0xFFFFFFFF  }
0xc1: {  	_ =	task.clear_ibuf [dreg:s7], $0x2FFFF;
	_ =	strace $0x9FFFFFFF  }
0xc2: {  	(tm) =	ssettm $0x7FFFFFFF  }
0xc3: {  	_ =	shalt  }
tec
execute0_lowered:
.L_overlay_start_1:
0x0: {  	(tag) =	ssettag $0x1  }
0x1: {  	s0 =	rddreg [dreg:$0x0];
	s3 =	simm.s32 $0x0  }
0x2: {  	s1 =	srdreg.scid;
	s2 =	stileid.u32;
	s9 =	simm.s32 $0x2  }
0x3: {  	s10 =	simm.s32 $0x80;
	s11 =	simm.s32 $0xA00;
	s23 =	simm.s32 $0x500  }
0x4: {  	s24 =	simm.s32 $0x5A00;
	s25 =	simm.s32 $0x580;
	s30 =	simm.s32 $0x6200  }
0x5: {  	s31 =	simm.s32 $0x600;
	s29 =	simm.s32 $0x680;
	s8 =	simm.s32 $0x700  }
0x6: {  	s12 =	simm.s32 $0x780;
	s13 =	simm.s32 $0x8200;
	s14 =	simm.s32 $0x800  }
0x7: {  	s15 =	simm.s32 $0x8A00;
	s16 =	simm.s32 $0x880;
	s17 =	simm.s32 $0x9200  }
0x8: {  	s18 =	simm.s32 $0x900;
	s19 =	simm.s32 $0x9A00;
	s20 =	simm.s32 $0x980  }
0x9: {  	s21 =	simm.s32 $0xA200;
	[smem:$0x7FF] =	sst s3;
	s1 =	sand.u32 $0x1, s1  }
0xa: {  	s2 =	sshll.u32 s2, $0x1;
	s4 =	sadd.s32 $0x1E00, s0;
	s7 =	ssub.s32 $0x2, s1  }
0xb: {  	s6 =	sadd.s32 $0x83000, s0;
	s1 =	sor.u32 s1, s2;
	s26 =	sshrl.u32 s7, $0x1  }
0xc: {  	_ =	strace $0x8000004D;
	s5 =	smul.u32 $0x1400, s1;
	s28 =	ssub.s32 s7, s26  }
0xd: {  	s2 =	simm.s32 $0x7A00;
	s7 =	smul.u32 $0x28, s1;
	s0 =	smax.u32 s28, $0x1  }
0xe: {  	s1 =	simm.s32 $0x7200;
	[dreg:$0x3] =	wrdreg s0;
	s0 =	simm.s32 $0x0  }
.LBB2_1:
0xf: {  	[dreg:$0x4] =	wrdreg s0  }
0x10: {  	p0 =	por $0x1, $0x1;
	s26 =	simm.s32 $0x0;
	s0 =	simm.s32 $0x6A00  }
.LBB2_2:
0x11: {  	s28 =	smul.u32 $0x14, s26;
	_ =	sdelay $0x1  }
0x12: {  	s28 =	sadd.s32 s7, s28  }
0x13: {  	s22 =	rddreg [dreg:$0x1];
	s28 =	sshll.u32 s28, $0x4  }
0x14: {  	s28 =	sadd.s32 s22, s28  }
0x15: {  	[tilespmem:s3], [sflag:$0x2] =	stream.linear.gather [hbm4b:s28+s3], $0xA00, $0x38;
	[tilespmem:$0xAA00] =	vst v63  }
0x16: {  	_ =	swait.ge [sflag:s9], $0xA00  }
0x17: {  	[sflag:s9] =	ssyncset.done $0x0  }
0x18: {  	[sflag:s9] =	ssyncadd.s32 $0xFFFFF600  }
0x19: {  	[tilespmem:s11], [sflag:$0x1] =	stream.indirect.gather [hbm4b:s4+s10], $0x10, s3, s10, $0xb8;
	[tilespmem:$0xAA00] =	vst v63  }
0x1a: {  	s28 =	simm.s32 $0x1200  }
0x1b: {  	[tilespmem:s28], [sflag:$0x1] =	stream.indirect.gather [hbm4b:s4+s10], $0x10, s10, s10, $0xb8;
	[tilespmem:$0xAA00] =	vst v63  }
0x1c: {  	s22 =	simm.s32 $0x100;
	s28 =	simm.s32 $0x1A00  }
0x1d: {  	[tilespmem:s28], [sflag:$0x1] =	stream.indirect.gather [hbm4b:s4+s10], $0x10, s22, s10, $0xb8;
	[tilespmem:$0xAA00] =	vst v63  }
0x1e: {  	s22 =	simm.s32 $0x180;
	s28 =	simm.s32 $0x2200  }
0x1f: {  	[tilespmem:s28], [sflag:$0x1] =	stream.indirect.gather [hbm4b:s4+s10], $0x10, s22, s10, $0xb8;
	[tilespmem:$0xAA00] =	vst v63  }
0x20: {  	s22 =	simm.s32 $0x200;
	s28 =	simm.s32 $0x2A00  }
0x21: {  	[tilespmem:s28], [sflag:$0x1] =	stream.indirect.gather [hbm4b:s4+s10], $0x10, s22, s10, $0xb8;
	[tilespmem:$0xAA00] =	vst v63  }
0x22: {  	s22 =	simm.s32 $0x280;
	s28 =	simm.s32 $0x3200  }
0x23: {  	[tilespmem:s28], [sflag:$0x1] =	stream.indirect.gather [hbm4b:s4+s10], $0x10, s22, s10, $0xb8;
	[tilespmem:$0xAA00] =	vst v63  }
0x24: {  	s22 =	simm.s32 $0x300;
	s28 =	simm.s32 $0x3A00  }
0x25: {  	[tilespmem:s28], [sflag:$0x1] =	stream.indirect.gather [hbm4b:s4+s10], $0x10, s22, s10, $0xb8;
	[tilespmem:$0xAA00] =	vst v63  }
0x26: {  	s22 =	simm.s32 $0x380;
	s28 =	simm.s32 $0x4200  }
0x27: {  	[tilespmem:s28], [sflag:$0x1] =	stream.indirect.gather [hbm4b:s4+s10], $0x10, s22, s10, $0xb8;
	[tilespmem:$0xAA00] =	vst v63  }
0x28: {  	s22 =	simm.s32 $0x400;
	s28 =	simm.s32 $0x4A00  }
0x29: {  	[tilespmem:s28], [sflag:$0x1] =	stream.indirect.gather [hbm4b:s4+s10], $0x10, s22, s10, $0xb8;
	[tilespmem:$0xAA00] =	vst v63  }
0x2a: {  	s22 =	simm.s32 $0x480;
	s28 =	simm.s32 $0x5200  }
0x2b: {  	[tilespmem:s28], [sflag:$0x1] =	stream.indirect.gather [hbm4b:s4+s10], $0x10, s22, s10, $0xb8;
	[tilespmem:$0xAA00] =	vst v63  }
0x2c: {  	_ = 	snop  }
0x2d: {  	[tilespmem:s24], [sflag:$0x1] =	stream.indirect.gather [hbm4b:s4+s10], $0x10, s23, s10, $0xb8;
	[tilespmem:$0xAA00] =	vst v63  }
0x2e: {  	_ = 	snop  }
0x2f: {  	[tilespmem:s30], [sflag:$0x1] =	stream.indirect.gather [hbm4b:s4+s10], $0x10, s25, s10, $0xb8;
	[tilespmem:$0xAA00] =	vst v63  }
0x30: {  	_ = 	snop  }
0x31: {  	[tilespmem:s0], [sflag:$0x1] =	stream.indirect.gather [hbm4b:s4+s10], $0x10, s31, s10, $0xb8;
	[tilespmem:$0xAA00] =	vst v63  }
0x32: {  	_ = 	snop  }
0x33: {  	[tilespmem:s1], [sflag:$0x1] =	stream.indirect.gather [hbm4b:s4+s10], $0x10, s29, s10, $0xb8;
	[tilespmem:$0xAA00] =	vst v63  }
0x34: {  	_ = 	snop  }
0x35: {  	[tilespmem:s2], [sflag:$0x1] =	stream.indirect.gather [hbm4b:s4+s10], $0x10, s8, s10, $0xb8;
	[tilespmem:$0xAA00] =	vst v63  }
0x36: {  	_ = 	snop  }
0x37: {  	[tilespmem:s13], [sflag:$0x1] =	stream.indirect.gather [hbm4b:s4+s10], $0x10, s12, s10, $0xb8;
	[tilespmem:$0xAA00] =	vst v63  }
0x38: {  	_ = 	snop  }
0x39: {  	[tilespmem:s15], [sflag:$0x1] =	stream.indirect.gather [hbm4b:s4+s10], $0x10, s14, s10, $0xb8;
	[tilespmem:$0xAA00] =	vst v63  }
0x3a: {  	_ = 	snop  }
0x3b: {  	[tilespmem:s17], [sflag:$0x1] =	stream.indirect.gather [hbm4b:s4+s10], $0x10, s16, s10, $0xb8;
	[tilespmem:$0xAA00] =	vst v63  }
0x3c: {  	_ = 	snop  }
0x3d: {  	[tilespmem:s19], [sflag:$0x1] =	stream.indirect.gather [hbm4b:s4+s10], $0x10, s18, s10, $0xb8;
	[tilespmem:$0xAA00] =	vst v63  }
0x3e: {  	s22 =	smul.u32 $0xA00, s26;
	s26 =	simm.s32 $0x1  }
0x3f: {  	[tilespmem:s21], [sflag:$0x1] =	stream.indirect.gather [hbm4b:s4+s10], $0x10, s20, s10, $0xb8;
	[tilespmem:$0xAA00] =	vst v63  }
0x40: {  	_ =	swait.ge [sflag:s26], $0x800  }
0x41: {  	[sflag:s26] =	ssyncset.done $0x0  }
0x42: {  	[sflag:s26] =	ssyncadd.s32 $0xFFFFF800  }
0x43: {  	_ =	swait.ge [sflag:s26], $0x800  }
0x44: {  	[sflag:s26] =	ssyncset.done $0x0  }
0x45: {  	[sflag:s26] =	ssyncadd.s32 $0xFFFFF800  }
0x46: {  	_ =	swait.ge [sflag:s26], $0x800  }
0x47: {  	[sflag:s26] =	ssyncset.done $0x0  }
0x48: {  	[sflag:s26] =	ssyncadd.s32 $0xFFFFF800  }
0x49: {  	_ =	swait.ge [sflag:s26], $0x800  }
0x4a: {  	[sflag:s26] =	ssyncset.done $0x0  }
0x4b: {  	[sflag:s26] =	ssyncadd.s32 $0xFFFFF800  }
0x4c: {  	_ =	swait.ge [sflag:s26], $0x800  }
0x4d: {  	[sflag:s26] =	ssyncset.done $0x0  }
0x4e: {  	[sflag:s26] =	ssyncadd.s32 $0xFFFFF800  }
0x4f: {  	_ =	swait.ge [sflag:s26], $0x800  }
0x50: {  	[sflag:s26] =	ssyncset.done $0x0  }
0x51: {  	[sflag:s26] =	ssyncadd.s32 $0xFFFFF800  }
0x52: {  	_ =	swait.ge [sflag:s26], $0x800  }
0x53: {  	[sflag:s26] =	ssyncset.done $0x0  }
0x54: {  	[sflag:s26] =	ssyncadd.s32 $0xFFFFF800  }
0x55: {  	_ =	swait.ge [sflag:s26], $0x800  }
0x56: {  	[sflag:s26] =	ssyncset.done $0x0  }
0x57: {  	[sflag:s26] =	ssyncadd.s32 $0xFFFFF800  }
0x58: {  	_ =	swait.ge [sflag:s26], $0x800  }
0x59: {  	[sflag:s26] =	ssyncset.done $0x0  }
0x5a: {  	[sflag:s26] =	ssyncadd.s32 $0xFFFFF800  }
0x5b: {  	_ =	swait.ge [sflag:s26], $0x800  }
0x5c: {  	[sflag:s26] =	ssyncset.done $0x0  }
0x5d: {  	[sflag:s26] =	ssyncadd.s32 $0xFFFFF800  }
0x5e: {  	_ =	swait.ge [sflag:s26], $0x800  }
0x5f: {  	[sflag:s26] =	ssyncset.done $0x0  }
0x60: {  	[sflag:s26] =	ssyncadd.s32 $0xFFFFF800  }
0x61: {  	_ =	swait.ge [sflag:s26], $0x800  }
0x62: {  	[sflag:s26] =	ssyncset.done $0x0  }
0x63: {  	[sflag:s26] =	ssyncadd.s32 $0xFFFFF800  }
0x64: {  	_ =	swait.ge [sflag:s26], $0x800  }
0x65: {  	[sflag:s26] =	ssyncset.done $0x0  }
0x66: {  	[sflag:s26] =	ssyncadd.s32 $0xFFFFF800  }
0x67: {  	_ =	swait.ge [sflag:s26], $0x800  }
0x68: {  	[sflag:s26] =	ssyncset.done $0x0  }
0x69: {  	[sflag:s26] =	ssyncadd.s32 $0xFFFFF800  }
0x6a: {  	_ =	swait.ge [sflag:s26], $0x800  }
0x6b: {  	[sflag:s26] =	ssyncset.done $0x0  }
0x6c: {  	[sflag:s26] =	ssyncadd.s32 $0xFFFFF800  }
0x6d: {  	_ =	swait.ge [sflag:s26], $0x800  }
0x6e: {  	[sflag:s26] =	ssyncset.done $0x0  }
0x6f: {  	[sflag:s26] =	ssyncadd.s32 $0xFFFFF800  }
0x70: {  	_ =	swait.ge [sflag:s26], $0x800  }
0x71: {  	[sflag:s26] =	ssyncset.done $0x0  }
0x72: {  	[sflag:s26] =	ssyncadd.s32 $0xFFFFF800  }
0x73: {  	_ =	swait.ge [sflag:s26], $0x800  }
0x74: {  	[sflag:s26] =	ssyncset.done $0x0  }
0x75: {  	[sflag:s26] =	ssyncadd.s32 $0xFFFFF800  }
0x76: {  	_ =	swait.ge [sflag:s26], $0x800  }
0x77: {  	[sflag:s26] =	ssyncset.done $0x0  }
0x78: {  	[sflag:s26] =	ssyncadd.s32 $0xFFFFF800  }
0x79: {  	s28 =	sadd.s32 s5, s22;
	_ =	swait.ge [sflag:s26], $0x800  }
0x7a: {  	p1 =	por p0, p0;
	s28 =	sshll.u32 s28, $0x1;
	[sflag:s26] =	ssyncset.done $0x0  }
.Ltmp0:
0x7b: {  	s28 =	sadd.s32 s6, s28;
	[sflag:s26] =	ssyncadd.s32 $0xFFFFF800;
	(pc) =	sbr.rel @p1 .LBB2_2-.Ltmp0, $4  }
0x7c: {  	[hbm4b:s28+s3] =	stream.linear.scatter [tilespmem:s11], [sflag:$0x2], $0xA000, $0x38;
	[tilespmem:$0xAA00] =	vst v63  }
0x7d: {  	_ =	swait.ge [sflag:s9], $0xA000  }
0x7e: {  	[sflag:s9] =	ssyncset.done $0x0  }
0x7f: {  	p0 =	por $0x0, $0x0;
	[sflag:s9] =	ssyncadd.s32 $0xFFFF6000  }
0x80: {  	s0 =	rddreg [dreg:$0x4]  }
0x81: {  	s26 =	rddreg [dreg:$0x3];
	s0 =	sadd.s32 $0x1, s0  }
0x82: {  	p0 =	sne.s32 s0, s26  }
.Ltmp1:
0x83: {  	_ = 	snop;
	(pc) =	sbr.rel @p0 .LBB2_1-.Ltmp1, $1  }
0x84: {  	_ =	sdelay $0x3  }
0x85: {  	_ =	sfence.sel $0x180000  }
0x86: {  	[bflag:$0x0] =	sbarrier.arrive $0xFFFF  }
0x87: {  	_ =	strace $0x9000004D  }
0x88: {  	s0 =	stileid.u32;
	[bflag:$0x2] =	sbarrier.arrive $0xFFFF  }
0x89: {  	p0 =	sne.s32 s0, $0x0;
	s0 =	rddreg [dreg:$0x2]  }
0x8a: {  	s0 =	sadd.s32 @!p0 $0x100000, s0  }
0x8b: {  	[sflag:s0] =	ssyncadd.tile.s32 @!p0 $0x1;
	_ =	shalt  }
.Lfunc_end2:
_tile_overlayer_lowered:
.L_overlay_start_2:
0x8c: {  	(tag) =	ssettag $0x2  }
0x8d: {  	s0 =	rddreg [dreg:$0x0];
	s2 =	stileid.u32  }
0x8e: {  	s1 =	rddreg [dreg:$0x1];
	p0 =	sne.s32 s2, $0x0  }
0x8f: {  	s3 =	rddreg [dreg:$0x2];
	[bflag:$0x3] =	sbarrier.arrive $0xFFFF;
	s2 =	simm.s32 @!p0 $0x1C02  }
0x90: {  	[timem:s3], [sflag:s2] =	dma.local @!p0 [hbm:s0], s1  }
0x91: {  	s0 =	simm.s32 @!p0 $0x2  }
0x92: {  	_ =	swait.ge @!p0 [sflag:s0], s1  }
0x93: {  	s1 =	ssub.s32 @!p0 $0x0, s1;
	[sflag:s0] =	ssyncset.done @!p0 $0x0  }
0x94: {  	[sflag:s0] =	ssyncadd.s32 @!p0 s1  }
0x95: {  	[bflag:$0x3] =	sbarrier.arrive $0xFFFF  }
0x96: {  	_ =	shalt  }

// kernel: kernel.21.cloned.1.call-start
scs
__scs_entry_jumppad:
0x0: {  	(pc) =	sbr.rel $0x88, $3  }
0x1: {  	(tag) =	ssettag $0x0;
	lr =	simm.s32 $0x1  }
0x2: {  	[smem:$0x3F8C] =	sst lr;
	_ =	strace $0xD0000000  }
0x3: {  	_ = 	snop  }
0x4: {  	_ = 	snop  }
0x5: {  	_ = 	snop  }
0x6: {  	_ = 	snop  }
0x7: {  	_ = 	snop  }
__scs_overlays_trampoline_lowered:
0x8: {  	[smem:$0x3F9B] =	sst s0  }
0x9: {  	[smem:$0x3F9C] =	sst s1  }
0xa: {  	[smem:$0x3F9D] =	sst s2  }
0xb: {  	[smem:$0x3F9E] =	sst s3  }
0xc: {  	[smem:$0x3F9F] =	sst s4  }
0xd: {  	[smem:$0x3FA0] =	sst s5  }
0xe: {  	[smem:$0x3FA1] =	sst s6  }
0xf: {  	[smem:$0x3FA2] =	sst s7  }
0x10: {  	[smem:$0x3FA3] =	sst s8  }
0x11: {  	[smem:$0x3FA4] =	sst s9;
	s0 =	simm.s32 @!p0 $0x0  }
0x12: {  	s1 =	sld [smem:$0x3F8A];
	s0 =	simm.s32 @p0 $0x1  }
0x13: {  	[smem:$0x3FA5] =	sst s0;
	s0 =	simm.s32 @!p1 $0x0  }
0x14: {  	s2 =	sld [smem:$0x3F89];
	s0 =	simm.s32 @p1 $0x1  }
0x15: {  	[smem:$0x3FA6] =	sst s0;
	s0 =	simm.s32 @!p2 $0x0  }
0x16: {  	s3 =	sld [smem:$0x3FDB];
	s0 =	simm.s32 @p2 $0x1  }
0x17: {  	s4 =	simm.s32 $0x1BF5;
	[smem:$0x3FA8] =	sst s0  }
0x18: {  	s0 =	sld [smem:$0x3F8B];
	_ =	swait.ge [sflag:s4], $0x0  }
0x19: {  	s7 =	sld [smem:$0x3F8C]  }
0x1a: {  	s8 =	sadd.s32 $0xFFFFE003, lr  }
0x1b: {  	s9 =	sadd.s32 $0xFFFFFEF7, lr;
	s5 =	simm.s32 $0xFFFFFFFF;
	p2 =	slt.u32 s8, $0xFFFFF086  }
0x1c: {  	p1 =	slt.u32 s9, $0xF7A;
	s5 =	simm.s32 @!p2 $0x0  }
0x1d: {  	s5 =	simm.s32 @p1 $0x1;
	p0 =	seq.s32 s7, s2  }
0x1e: {  	s7 =	smul.u32 @!p0 $0xF7A, s2;
	p2 =	seq.s32 @!p0 s5, $0x0  }
0x1f: {  	s9 =	smul.u32 $0xF7A, s1;
	s8 =	simm.s32 @!p0 $0x1BF5;
	p2 =	por !p2, p0  }
0x20: {  	[sflag:s8] =	ssyncset.s32 @!p0 $0xFFFFF086;
	s6 =	sadd.s32 @!p0 s3, s7;
	s7 =	simm.s32 @!p0 $0x108  }
0x21: {  	s3 =	sadd.s32 s3, s9;
	s6 =	sadd.s32 @!p0 $0x88, s6;
	s7 =	simm.s32 @p2 $0x1082  }
0x22: {  	[simem:s7], [sflag:s8] =	dma.local @!p0 [hbm:s6], $0xF7A  }
0x23: {  	s9 =	sor.u32 $0xD0000000, s2;
	s6 =	simm.s32 $0x108;
	_ =	swait.ge @!p0 [sflag:s8], $0x0  }
0x24: {  	s3 =	sadd.s32 $0x88, s3;
	s6 =	simm.s32 @!p1 $0x1082;
	[sflag:s4] =	ssyncset.s32 $0xFFFFF086  }
0x25: {  	[simem:s6], [sflag:s4] =	dma.local [hbm:s3], $0xF7A  }
0x26: {  	[smem:$0x3F8C] =	sst s1;
	(tag) =	ssettag s2;
	_ =	strace s9  }
0x27: {  	s1 =	sld [smem:$0x3F9C]  }
0x28: {  	s2 =	sld [smem:$0x3F9D]  }
0x29: {  	s4 =	sld [smem:$0x3F9F]  }
0x2a: {  	p0 =	seq.s32 s5, $0x0;
	s5 =	sld [smem:$0x3FA0]  }
0x2b: {  	s6 =	sld [smem:$0x3FA1]  }
0x2c: {  	s7 =	sld [smem:$0x3FA2]  }
0x2d: {  	s3 =	simm.s32 $0x108;
	s8 =	sld [smem:$0x3FA3]  }
0x2e: {  	s3 =	simm.s32 @!p0 $0x1082;
	s9 =	sld [smem:$0x3FA4]  }
0x2f: {  	lr =	sadd.s32 s0, s3;
	s0 =	sld [smem:$0x3F9B]  }
0x30: {  	s3 =	sld [smem:$0x3F9E]  }
0x31: {  	[smem:$0x3FA7] =	sst s10  }
0x32: {  	s10 =	sld [smem:$0x3FA5];
	_ =	sdelay $0x3  }
0x33: {  	p0 =	seq.s32 s10, $0x1;
	s10 =	sld [smem:$0x3FA7];
	_ =	sdelay $0x3  }
0x34: {  	[smem:$0x3FA7] =	sst s10  }
0x35: {  	s10 =	sld [smem:$0x3FA6];
	_ =	sdelay $0x3  }
0x36: {  	p1 =	seq.s32 s10, $0x1;
	s10 =	sld [smem:$0x3FA7];
	_ =	sdelay $0x3  }
0x37: {  	[smem:$0x3FA7] =	sst s10  }
0x38: {  	s10 =	sld [smem:$0x3FA8]  }
0x39: {  	_ = 	snop;
	(pc) =	sbr.ind lr, $3  }
0x3a: {  	_ = 	snop  }
0x3b: {  	_ = 	snop  }
0x3c: {  	p2 =	seq.s32 s10, $0x1;
	s10 =	sld [smem:$0x3FA7]  }
0x3d: {  	_ =	shalt  }
0x3e: {  	_ =	shalt  }
0x3f: {  	_ =	shalt  }
0x40: {  	_ =	shalt  }
0x41: {  	_ =	shalt  }
0x42: {  	_ =	shalt  }
0x43: {  	_ =	shalt  }
0x44: {  	_ =	shalt  }
0x45: {  	_ =	shalt  }
0x46: {  	_ =	shalt  }
0x47: {  	_ =	shalt  }
0x48: {  	_ =	shalt  }
0x49: {  	_ =	shalt  }
0x4a: {  	_ =	shalt  }
0x4b: {  	_ =	shalt  }
0x4c: {  	_ =	shalt  }
0x4d: {  	_ =	shalt  }
0x4e: {  	_ =	shalt  }
0x4f: {  	_ =	shalt  }
0x50: {  	_ =	shalt  }
0x51: {  	_ =	shalt  }
0x52: {  	_ =	shalt  }
0x53: {  	_ =	shalt  }
0x54: {  	_ =	shalt  }
0x55: {  	_ =	shalt  }
0x56: {  	_ =	shalt  }
0x57: {  	_ =	shalt  }
0x58: {  	_ =	shalt  }
0x59: {  	_ =	shalt  }
0x5a: {  	_ =	shalt  }
0x5b: {  	_ =	shalt  }
0x5c: {  	_ =	shalt  }
0x5d: {  	_ =	shalt  }
0x5e: {  	_ =	shalt  }
0x5f: {  	_ =	shalt  }
0x60: {  	_ =	shalt  }
0x61: {  	_ =	shalt  }
0x62: {  	_ =	shalt  }
0x63: {  	_ =	shalt  }
0x64: {  	_ =	shalt  }
0x65: {  	_ =	shalt  }
0x66: {  	_ =	shalt  }
0x67: {  	_ =	shalt  }
0x68: {  	_ =	shalt  }
0x69: {  	_ =	shalt  }
0x6a: {  	_ =	shalt  }
0x6b: {  	_ =	shalt  }
0x6c: {  	_ =	shalt  }
0x6d: {  	_ =	shalt  }
0x6e: {  	_ =	shalt  }
0x6f: {  	_ =	shalt  }
0x70: {  	_ =	shalt  }
0x71: {  	_ =	shalt  }
0x72: {  	_ =	shalt  }
0x73: {  	_ =	shalt  }
0x74: {  	_ =	shalt  }
0x75: {  	_ =	shalt  }
0x76: {  	_ =	shalt  }
0x77: {  	_ =	shalt  }
0x78: {  	_ =	shalt  }
0x79: {  	_ =	shalt  }
0x7a: {  	_ =	shalt  }
0x7b: {  	_ =	shalt  }
0x7c: {  	_ =	shalt  }
0x7d: {  	_ =	shalt  }
0x7e: {  	_ =	shalt  }
0x7f: {  	_ =	shalt  }
0x80: {  	_ =	shalt  }
0x81: {  	_ =	shalt  }
0x82: {  	_ =	shalt  }
0x83: {  	_ =	shalt  }
0x84: {  	_ =	shalt  }
0x85: {  	_ =	shalt  }
0x86: {  	_ =	shalt  }
0x87: {  	_ =	shalt  }
.Lfunc_end0:
.L_simem_size_0:
called_computation.3_lowered:
.L_overlay_start_0:
0x88: {  	s2 =	sld [smem:$0x3FD9]  }
0x89: {  	s3 =	sld [smem:$0x3FFE];
	_ =	sdelay $0x1  }
0x8a: {  	s1 =	srdreg.scid  }
0x8b: {  	s0 =	sand.u32 $0x1, s1  }
0x8c: {  	s16 =	sshll.u32 s0, $0xA;
	s2 =	sadd.s32 s3, s2  }
0x8d: {  	s2 =	sadd.s32 s2, s16  }
0x8e: {  	[smem:$0x3FB3] =	sst s2  }
0x8f: {  	_ = 	snop  }
0x90: {  	(tm) =	ssettm $0x1  }
0x91: {  	s17 =	sld [smem:$0x3FFB];
	_ =	sdelay $0x3  }
0x92: {  	_ =	strace s17  }
0x93: {  	s2 =	sld [smem:$0x3FFC];
	_ =	sdelay $0x3  }
0x94: {  	_ =	strace s2  }
0x95: {  	s2 =	sld [smem:$0x3FFD];
	_ =	sdelay $0x3  }
0x96: {  	_ =	strace s2  }
0x97: {  	_ =	strace $0x8FFFFFFF  }
0x98: {  	s18 =	sld [smem:$0x3FDB];
	_ =	sdelay $0x1  }
0x99: {  	s19 =	simm.s32 $_scs_section_size  }
0x9a: {  	s4 =	simm.s32 $_size__tile_overlayer_lowered;
	s5 =	simm.s32 $_tile_overlayer_lowered  }
0x9b: {  	s22 =	simm.s32 $0x1BFF;
	s21 =	sshll.u32 s5, $0x1;
	s2 =	sadd.s32 s19, s18  }
0x9c: {  	s6 =	simm.s32 $0x0;
	s20 =	sshll.u32 s4, $0x1;
	s4 =	sadd.s32 s21, s2  }
0x9d: {  	[timem:s6], [sflag:s22] =	dma.local [hbm:s4], s20  }
0x9e: {  	_ =	swait.ge [sflag:s22], s20  }
0x9f: {  	s3 =	ssub.s32 $0x0, s20;
	[sflag:s22] =	ssyncset.done $0x0  }
0xa0: {  	[sflag:s22] =	ssyncadd.s32 s3;
	_ =	sdelay $0x1  }
0xa1: {  	s23 =	simm.s32 $0x1B8B  }
0xa2: {  	_ =	swait.ge [sflag:s23], $0x1  }
0xa3: {  	[sflag:s23] =	ssyncset.done $0x0  }
0xa4: {  	s25 =	simm.s32 $0x1B8E;
	s24 =	sld [smem:$0x3FFE];
	[sflag:s23] =	ssyncadd.s32 $0xFFFFFFFF  }
0xa5: {  	s26 =	simm.s32 $execute0_lowered;
	[smem:$0x3FD2] =	sst s25  }
0xa6: {  	s4 =	sshll.u32 s26, $0x1;
	_ =	strace $0x8000004F;
	[dreg:$0x1] =	wrdreg $0xFFFFFFFF  }
0xa7: {  	s28 =	simm.s32 $_size_execute0_lowered;
	s2 =	sadd.s32 s2, s4;
	[dreg:$0x0] =	wrdreg $0x0  }
0xa8: {  	s4 =	sshll.u32 s28, $0x1;
	[dreg:$0x2] =	wrdreg s2  }
0xa9: {  	[dreg:$0x3] =	wrdreg s4  }
0xaa: {  	[dreg:$0x4] =	wrdreg $0xC0  }
0xab: {  	_ =	task [dreg:s6], $0x5FFFF  }
0xac: {  	[dreg:$0x1] =	wrdreg $0xFFFFFFFF  }
0xad: {  	[dreg:$0x0] =	wrdreg $0x60  }
0xae: {  	[dreg:$0x2] =	wrdreg s24  }
0xaf: {  	[dreg:$0x3] =	wrdreg $0x198400  }
0xb0: {  	[dreg:$0x4] =	wrdreg $0x9  }
0xb1: {  	_ =	task.clear_ibuf [dreg:s6], $0x5FFFF;
	_ =	strace $0x9000004F  }
0xb2: {  	s29 =	simm.s32 $0x9;
	_ =	strace $0x80000051  }
0xb3: {  	_ =	swait.ge [sflag:s29], $0x1  }
0xb4: {  	[sflag:s29] =	ssyncadd.s32 $0xFFFFFFFF  }
0xb5: {  	_ =	strace $0x90000051  }
0xb6: {  	_ =	sfence  }
0xb7: {  	s30 =	sld [smem:$0x0];
	_ =	sdelay $0x2  }
0xb8: {  	s31 =	sshll.u32 s1, $0xD;
	s1 =	sshrl.u32 s1, $0x2  }
0xb9: {  	s3 =	sand.u32 $0x4000, s31;
	s1 =	sadd.s32 s1, s30  }
0xba: {  	s0 =	sor.u32 s3, s0;
	s1 =	sshll.u32 s1, $0x11  }
0xbb: {  	s0 =	sor.u32 s1, s0  }
0xbc: {  	s0 =	sadd.s32 $0x8F2B, s0  }
0xbd: {  	[sflag:s0] =	ssyncadd.remote.s32 $0x1  }
0xbe: {  	_ =	sfence.sel $0xFFFF  }
0xbf: {  	[dreg:$0x0] =	wrdreg $0xFFFFFFFF;
	(pc) =	sbr.abs _section_cstart, $3  }
0xc0: {  	[dreg:$0x1] =	wrdreg $0xFFFFFFFF  }
0xc1: {  	_ =	task.clear_ibuf [dreg:s6], $0x2FFFF;
	_ =	strace $0x9FFFFFFF  }
0xc2: {  	(tm) =	ssettm $0x7FFFFFFF  }
0xc3: {  	_ =	shalt  }
tec
execute0_lowered:
.L_overlay_start_1:
0x0: {  	(tag) =	ssettag $0x1  }
0x1: {  	s0 =	rddreg [dreg:$0x0]  }
0x2: {  	s2 =	rddreg [dreg:$0x1]  }
0x3: {  	s1 =	srdreg.scid;
	s9 =	stileid.u32;
	s3 =	simm.s32 $0x0  }
0x4: {  	s13 =	simm.s32 $0x2;
	s14 =	simm.s32 $0xA00;
	s15 =	simm.s32 $0x80  }
0x5: {  	s29 =	simm.s32 $0x500;
	s30 =	simm.s32 $0xAA00;
	s31 =	simm.s32 $0x580  }
0x6: {  	s11 =	simm.s32 $0xCA00;
	s12 =	simm.s32 $0xDA00;
	s16 =	simm.s32 $0x700  }
0x7: {  	s17 =	simm.s32 $0xEA00;
	s18 =	simm.s32 $0x780;
	s19 =	simm.s32 $0xFA00  }
0x8: {  	s20 =	simm.s32 $0x800;
	s21 =	simm.s32 $0x10A00;
	s22 =	simm.s32 $0x880  }
0x9: {  	s23 =	simm.s32 $0x11A00;
	s28 =	simm.s32 $0x13A00;
	s1 =	sand.u32 $0x1, s1  }
0xa: {  	s6 =	smul.u32 $0x4E40, s9;
	[smem:$0x7FF] =	sst s3;
	s4 =	sadd.s32 $0x83000, s0  }
0xb: {  	s5 =	sadd.s32 $0x7E000, s0;
	s8 =	sadd.s32 $0x29000, s0;
	s9 =	sshll.u32 s9, $0x1  }
0xc: {  	s7 =	smul.u32 $0x4E400, s1;
	_ =	strace $0x80000050;
	s24 =	ssub.s32 $0x2, s1  }
0xd: {  	[dreg:$0x3] =	wrdreg s8;
	s1 =	sor.u32 s1, s9;
	s25 =	sshrl.u32 s24, $0x1  }
0xe: {  	s10 =	sadd.s32 s6, s2;
	s8 =	smul.u32 $0x1400, s1;
	s7 =	sadd.s32 s6, s7  }
0xf: {  	s9 =	smul.u32 $0x28, s1;
	s1 =	simm.s32 $0x14A00;
	s7 =	sshrl.u32 s7, $0x3  }
0x10: {  	s6 =	simm.s32 $0x0;
	[dreg:$0x4] =	wrdreg s10;
	s0 =	sadd.s32 s7, s0  }
0x11: {  	s7 =	ssub.s32 s24, s25;
	s24 =	simm.s32 $0x900;
	s0 =	sadd.s32 $0x1E00, s0  }
0x12: {  	s25 =	simm.s32 $0x12A00;
	s26 =	smax.u32 s7, $0x1;
	[dreg:$0x5] =	wrdreg s0  }
0x13: {  	s7 =	simm.s32 $0x680;
	[dreg:$0x6] =	wrdreg s26;
	s26 =	simm.s32 $0x980  }
.LBB2_1:
0x14: {  	[dreg:$0x7] =	wrdreg s6  }
0x15: {  	s0 =	rddreg [dreg:$0x3]  }
0x16: {  	[tilespmem:s1], [sflag:$0x2] =	stream.linear.gather [hbm4b:s0+s3], $0x4E40, $0x38;
	[tilespmem:$0x1E680] =	vst v63  }
0x17: {  	_ =	swait.ge [sflag:s13], $0x4E40  }
0x18: {  	[sflag:s13] =	ssyncset.done $0x0  }
0x19: {  	[sflag:s13] =	ssyncadd.s32 $0xFFFFB1C0  }
0x1a: {  	[spmem:s10] =	stream.linear.scatter [tilespmem:s1], [sflag:$0x2], $0x4E40, $0x38;
	[tilespmem:$0x1E680] =	vst v63  }
0x1b: {  	_ =	swait.ge [sflag:s13], $0x4E40  }
0x1c: {  	[sflag:s13] =	ssyncset.done $0x0  }
0x1d: {  	p0 =	por $0x1, $0x1;
	s6 =	simm.s32 $0xBA00;
	[sflag:s13] =	ssyncadd.s32 $0xFFFFB1C0  }
0x1e: {  	s0 =	simm.s32 $0x0;
	s10 =	simm.s32 $0x600;
	[bflag:$0x0] =	sbarrier.arrive $0xFFFF  }
.LBB2_2:
0x1f: {  	s1 =	smul.u32 $0x14, s0;
	_ =	sdelay $0x1  }
0x20: {  	s1 =	sadd.s32 s9, s1  }
0x21: {  	s1 =	sshll.u32 s1, $0x4  }
0x22: {  	s0 =	smul.u32 $0xA00, s0;
	s1 =	sadd.s32 s5, s1  }
0x23: {  	[tilespmem:s3], [sflag:$0x2] =	stream.linear.gather [hbm4b:s1+s3], $0xA00, $0x38;
	[tilespmem:$0x1E680] =	vst v63  }
0x24: {  	s0 =	sadd.s32 s8, s0;
	_ =	swait.ge [sflag:s13], $0xA00  }
0x25: {  	s0 =	sshll.u32 s0, $0x2;
	[sflag:s13] =	ssyncset.done $0x0  }
0x26: {  	s0 =	sadd.s32 s4, s0;
	[sflag:s13] =	ssyncadd.s32 $0xFFFFF600  }
0x27: {  	[tilespmem:s14], [sflag:$0x2] =	stream.linear.gather [hbm4b:s0+s3], $0x14000, $0x38;
	[tilespmem:$0x1E680] =	vst v63  }
0x28: {  	_ =	swait.ge [sflag:s13], $0x14000  }
0x29: {  	[sflag:s13] =	ssyncset.done $0x0  }
0x2a: {  	[sflag:s13] =	ssyncadd.s32 $0xFFFEC000  }
0x2b: {  	[spmem:s2] =	stream.indirect.scatter.add.f32 [tilespmem:s14], [sflag:$0x1], $0x20, s3, s15, $0xb8;
	[tilespmem:$0x1E680] =	vst v63  }
0x2c: {  	s1 =	simm.s32 $0x1A00  }
0x2d: {  	[spmem:s2] =	stream.indirect.scatter.add.f32 [tilespmem:s1], [sflag:$0x1], $0x20, s15, s15, $0xb8;
	[tilespmem:$0x1E680] =	vst v63  }
0x2e: {  	s0 =	simm.s32 $0x100;
	s1 =	simm.s32 $0x2A00  }
0x2f: {  	[spmem:s2] =	stream.indirect.scatter.add.f32 [tilespmem:s1], [sflag:$0x1], $0x20, s0, s15, $0xb8;
	[tilespmem:$0x1E680] =	vst v63  }
0x30: {  	s0 =	simm.s32 $0x180;
	s1 =	simm.s32 $0x3A00  }
0x31: {  	[spmem:s2] =	stream.indirect.scatter.add.f32 [tilespmem:s1], [sflag:$0x1], $0x20, s0, s15, $0xb8;
	[tilespmem:$0x1E680] =	vst v63  }
0x32: {  	s0 =	simm.s32 $0x200;
	s1 =	simm.s32 $0x4A00  }
0x33: {  	[spmem:s2] =	stream.indirect.scatter.add.f32 [tilespmem:s1], [sflag:$0x1], $0x20, s0, s15, $0xb8;
	[tilespmem:$0x1E680] =	vst v63  }
0x34: {  	s0 =	simm.s32 $0x280;
	s1 =	simm.s32 $0x5A00  }
0x35: {  	[spmem:s2] =	stream.indirect.scatter.add.f32 [tilespmem:s1], [sflag:$0x1], $0x20, s0, s15, $0xb8;
	[tilespmem:$0x1E680] =	vst v63  }
0x36: {  	s0 =	simm.s32 $0x300;
	s1 =	simm.s32 $0x6A00  }
0x37: {  	[spmem:s2] =	stream.indirect.scatter.add.f32 [tilespmem:s1], [sflag:$0x1], $0x20, s0, s15, $0xb8;
	[tilespmem:$0x1E680] =	vst v63  }
0x38: {  	s0 =	simm.s32 $0x380;
	s1 =	simm.s32 $0x7A00  }
0x39: {  	[spmem:s2] =	stream.indirect.scatter.add.f32 [tilespmem:s1], [sflag:$0x1], $0x20, s0, s15, $0xb8;
	[tilespmem:$0x1E680] =	vst v63  }
0x3a: {  	s0 =	simm.s32 $0x400;
	s1 =	simm.s32 $0x8A00  }
0x3b: {  	[spmem:s2] =	stream.indirect.scatter.add.f32 [tilespmem:s1], [sflag:$0x1], $0x20, s0, s15, $0xb8;
	[tilespmem:$0x1E680] =	vst v63  }
0x3c: {  	s0 =	simm.s32 $0x480;
	s1 =	simm.s32 $0x9A00  }
0x3d: {  	[spmem:s2] =	stream.indirect.scatter.add.f32 [tilespmem:s1], [sflag:$0x1], $0x20, s0, s15, $0xb8;
	[tilespmem:$0x1E680] =	vst v63  }
0x3e: {  	_ = 	snop  }
0x3f: {  	[spmem:s2] =	stream.indirect.scatter.add.f32 [tilespmem:s30], [sflag:$0x1], $0x20, s29, s15, $0xb8;
	[tilespmem:$0x1E680] =	vst v63  }
0x40: {  	_ = 	snop  }
0x41: {  	[spmem:s2] =	stream.indirect.scatter.add.f32 [tilespmem:s6], [sflag:$0x1], $0x20, s31, s15, $0xb8;
	[tilespmem:$0x1E680] =	vst v63  }
0x42: {  	_ = 	snop  }
0x43: {  	[spmem:s2] =	stream.indirect.scatter.add.f32 [tilespmem:s11], [sflag:$0x1], $0x20, s10, s15, $0xb8;
	[tilespmem:$0x1E680] =	vst v63  }
0x44: {  	_ = 	snop  }
0x45: {  	[spmem:s2] =	stream.indirect.scatter.add.f32 [tilespmem:s12], [sflag:$0x1], $0x20, s7, s15, $0xb8;
	[tilespmem:$0x1E680] =	vst v63  }
0x46: {  	_ = 	snop  }
0x47: {  	[spmem:s2] =	stream.indirect.scatter.add.f32 [tilespmem:s17], [sflag:$0x1], $0x20, s16, s15, $0xb8;
	[tilespmem:$0x1E680] =	vst v63  }
0x48: {  	_ = 	snop  }
0x49: {  	[spmem:s2] =	stream.indirect.scatter.add.f32 [tilespmem:s19], [sflag:$0x1], $0x20, s18, s15, $0xb8;
	[tilespmem:$0x1E680] =	vst v63  }
0x4a: {  	_ = 	snop  }
0x4b: {  	[spmem:s2] =	stream.indirect.scatter.add.f32 [tilespmem:s21], [sflag:$0x1], $0x20, s20, s15, $0xb8;
	[tilespmem:$0x1E680] =	vst v63  }
0x4c: {  	_ = 	snop  }
0x4d: {  	[spmem:s2] =	stream.indirect.scatter.add.f32 [tilespmem:s23], [sflag:$0x1], $0x20, s22, s15, $0xb8;
	[tilespmem:$0x1E680] =	vst v63  }
0x4e: {  	_ = 	snop  }
0x4f: {  	[spmem:s2] =	stream.indirect.scatter.add.f32 [tilespmem:s25], [sflag:$0x1], $0x20, s24, s15, $0xb8;
	[tilespmem:$0x1E680] =	vst v63  }
0x50: {  	s0 =	simm.s32 $0x1  }
0x51: {  	[spmem:s2] =	stream.indirect.scatter.add.f32 [tilespmem:s28], [sflag:$0x1], $0x20, s26, s15, $0xb8;
	[tilespmem:$0x1E680] =	vst v63  }
0x52: {  	_ =	swait.ge [sflag:s0], $0x1000  }
0x53: {  	[sflag:s0] =	ssyncset.done $0x0  }
0x54: {  	[sflag:s0] =	ssyncadd.s32 $0xFFFFF000  }
0x55: {  	_ =	swait.ge [sflag:s0], $0x1000  }
0x56: {  	[sflag:s0] =	ssyncset.done $0x0  }
0x57: {  	[sflag:s0] =	ssyncadd.s32 $0xFFFFF000  }
0x58: {  	_ =	swait.ge [sflag:s0], $0x1000  }
0x59: {  	[sflag:s0] =	ssyncset.done $0x0  }
0x5a: {  	[sflag:s0] =	ssyncadd.s32 $0xFFFFF000  }
0x5b: {  	_ =	swait.ge [sflag:s0], $0x1000  }
0x5c: {  	[sflag:s0] =	ssyncset.done $0x0  }
0x5d: {  	[sflag:s0] =	ssyncadd.s32 $0xFFFFF000  }
0x5e: {  	_ =	swait.ge [sflag:s0], $0x1000  }
0x5f: {  	[sflag:s0] =	ssyncset.done $0x0  }
0x60: {  	[sflag:s0] =	ssyncadd.s32 $0xFFFFF000  }
0x61: {  	_ =	swait.ge [sflag:s0], $0x1000  }
0x62: {  	[sflag:s0] =	ssyncset.done $0x0  }
0x63: {  	[sflag:s0] =	ssyncadd.s32 $0xFFFFF000  }
0x64: {  	_ =	swait.ge [sflag:s0], $0x1000  }
0x65: {  	[sflag:s0] =	ssyncset.done $0x0  }
0x66: {  	[sflag:s0] =	ssyncadd.s32 $0xFFFFF000  }
0x67: {  	_ =	swait.ge [sflag:s0], $0x1000  }
0x68: {  	[sflag:s0] =	ssyncset.done $0x0  }
0x69: {  	[sflag:s0] =	ssyncadd.s32 $0xFFFFF000  }
0x6a: {  	_ =	swait.ge [sflag:s0], $0x1000  }
0x6b: {  	[sflag:s0] =	ssyncset.done $0x0  }
0x6c: {  	[sflag:s0] =	ssyncadd.s32 $0xFFFFF000  }
0x6d: {  	_ =	swait.ge [sflag:s0], $0x1000  }
0x6e: {  	[sflag:s0] =	ssyncset.done $0x0  }
0x6f: {  	[sflag:s0] =	ssyncadd.s32 $0xFFFFF000  }
0x70: {  	_ =	swait.ge [sflag:s0], $0x1000  }
0x71: {  	[sflag:s0] =	ssyncset.done $0x0  }
0x72: {  	[sflag:s0] =	ssyncadd.s32 $0xFFFFF000  }
0x73: {  	_ =	swait.ge [sflag:s0], $0x1000  }
0x74: {  	[sflag:s0] =	ssyncset.done $0x0  }
0x75: {  	[sflag:s0] =	ssyncadd.s32 $0xFFFFF000  }
0x76: {  	_ =	swait.ge [sflag:s0], $0x1000  }
0x77: {  	[sflag:s0] =	ssyncset.done $0x0  }
0x78: {  	[sflag:s0] =	ssyncadd.s32 $0xFFFFF000  }
0x79: {  	_ =	swait.ge [sflag:s0], $0x1000  }
0x7a: {  	[sflag:s0] =	ssyncset.done $0x0  }
0x7b: {  	[sflag:s0] =	ssyncadd.s32 $0xFFFFF000  }
0x7c: {  	_ =	swait.ge [sflag:s0], $0x1000  }
0x7d: {  	[sflag:s0] =	ssyncset.done $0x0  }
0x7e: {  	[sflag:s0] =	ssyncadd.s32 $0xFFFFF000  }
0x7f: {  	_ =	swait.ge [sflag:s0], $0x1000  }
0x80: {  	[sflag:s0] =	ssyncset.done $0x0  }
0x81: {  	[sflag:s0] =	ssyncadd.s32 $0xFFFFF000  }
0x82: {  	_ =	swait.ge [sflag:s0], $0x1000  }
0x83: {  	[sflag:s0] =	ssyncset.done $0x0  }
0x84: {  	[sflag:s0] =	ssyncadd.s32 $0xFFFFF000  }
0x85: {  	_ =	swait.ge [sflag:s0], $0x1000  }
0x86: {  	[sflag:s0] =	ssyncset.done $0x0  }
0x87: {  	[sflag:s0] =	ssyncadd.s32 $0xFFFFF000  }
0x88: {  	p1 =	por p0, p0;
	_ =	swait.ge [sflag:s0], $0x1000  }
.Ltmp0:
0x89: {  	[sflag:s0] =	ssyncset.done $0x0;
	(pc) =	sbr.rel @p1 .LBB2_2-.Ltmp0, $4  }
0x8a: {  	[sflag:s0] =	ssyncadd.s32 $0xFFFFF000  }
0x8b: {  	_ =	swait.ge [sflag:s0], $0x1000  }
0x8c: {  	[sflag:s0] =	ssyncset.done $0x0  }
0x8d: {  	p0 =	por $0x0, $0x0;
	[sflag:s0] =	ssyncadd.s32 $0xFFFFF000  }
0x8e: {  	[bflag:$0x0] =	sbarrier.arrive $0xFFFF  }
0x8f: {  	s1 =	simm.s32 $0x14A00;
	s10 =	rddreg [dreg:$0x4]  }
0x90: {  	[tilespmem:s1], [sflag:$0x2] =	stream.linear.gather [spmem:s10], $0x4E40, $0x38;
	[tilespmem:$0x1E680] =	vst v63  }
0x91: {  	_ =	swait.ge [sflag:s13], $0x4E40  }
0x92: {  	[sflag:s13] =	ssyncset.done $0x0  }
0x93: {  	s0 =	rddreg [dreg:$0x5];
	[sflag:s13] =	ssyncadd.s32 $0xFFFFB1C0  }
0x94: {  	[hbm4b:s0+s3] =	stream.linear.scatter [tilespmem:s1], [sflag:$0x2], $0x4E40, $0x38;
	[tilespmem:$0x1E680] =	vst v63  }
0x95: {  	_ =	swait.ge [sflag:s13], $0x4E40  }
0x96: {  	s6 =	rddreg [dreg:$0x7]  }
0x97: {  	s0 =	rddreg [dreg:$0x6];
	s6 =	sadd.s32 $0x1, s6  }
0x98: {  	p0 =	sne.s32 s6, s0  }
.Ltmp1:
0x99: {  	_ = 	snop;
	(pc) =	sbr.rel @p0 .LBB2_1-.Ltmp1, $3  }
0x9a: {  	_ =	sdelay $0x1  }
0x9b: {  	[sflag:s13] =	ssyncset.done $0x0  }
0x9c: {  	[sflag:s13] =	ssyncadd.s32 $0xFFFFB1C0  }
0x9d: {  	_ =	sfence.sel $0x180000  }
0x9e: {  	[bflag:$0x0] =	sbarrier.arrive $0xFFFF  }
0x9f: {  	_ =	strace $0x90000050  }
0xa0: {  	s0 =	stileid.u32;
	[bflag:$0x2] =	sbarrier.arrive $0xFFFF  }
0xa1: {  	p0 =	sne.s32 s0, $0x0;
	s0 =	rddreg [dreg:$0x2]  }
0xa2: {  	s0 =	sadd.s32 @!p0 $0x100000, s0  }
0xa3: {  	[sflag:s0] =	ssyncadd.tile.s32 @!p0 $0x1;
	_ =	shalt  }
.Lfunc_end2:
_tile_overlayer_lowered:
.L_overlay_start_2:
0xa4: {  	(tag) =	ssettag $0x2  }
0xa5: {  	s0 =	rddreg [dreg:$0x0];
	s2 =	stileid.u32  }
0xa6: {  	s1 =	rddreg [dreg:$0x1];
	p0 =	sne.s32 s2, $0x0  }
0xa7: {  	s3 =	rddreg [dreg:$0x2];
	[bflag:$0x3] =	sbarrier.arrive $0xFFFF;
	s2 =	simm.s32 @!p0 $0x1C02  }
0xa8: {  	[timem:s3], [sflag:s2] =	dma.local @!p0 [hbm:s0], s1  }
0xa9: {  	s0 =	simm.s32 @!p0 $0x2  }
0xaa: {  	_ =	swait.ge @!p0 [sflag:s0], s1  }
0xab: {  	s1 =	ssub.s32 @!p0 $0x0, s1;
	[sflag:s0] =	ssyncset.done @!p0 $0x0  }
0xac: {  	[sflag:s0] =	ssyncadd.s32 @!p0 s1  }
0xad: {  	[bflag:$0x3] =	sbarrier.arrive $0xFFFF  }
0xae: {  	_ =	shalt  }

</sc_bundles>
